<compile_context>
chip_gen: v7x
topology: tpu7x:2x2x1
jax: 0.10.2.dev20260603
libtpu: 0.0.44.dev20260713+nightly
codegen_flags: <defaults>
</compile_context>

<pallas_src>
import functools

import jax
import jax.numpy as jnp
from jax import lax
from jax.experimental import pallas as pl
from jax.experimental.pallas import tpu as pltpu
from jax.experimental.pallas import tpu_sc as plsc

_NEG_INF = float("-inf")
_BIG = 1 << 30
_SUB = 8


def _dlr_body(xt_ref, y_ref, o_ref):
    xt = xt_ref[...]
    yv = y_ref[...][None, :]
    C, B = xt.shape
    n_chunks = C // _SUB

    subl = jax.lax.broadcasted_iota(jnp.int32, (_SUB, B), 0)
    neg = jnp.full((_SUB, B), _NEG_INF, dtype=jnp.float32)

    ch = xt[:_SUB, :]
    m0, m1, m2 = ch, neg, neg
    cacc = jnp.where(subl == yv, ch, _NEG_INF)

    for k in range(1, n_chunks):
        ch = xt[k * _SUB:(k + 1) * _SUB, :]
        cacc = jnp.where(subl == yv - (k * _SUB), ch, cacc)
        t1 = jnp.minimum(m0, ch)
        m0 = jnp.maximum(m0, ch)
        t2 = jnp.minimum(m1, t1)
        m1 = jnp.maximum(m1, t1)
        m2 = jnp.maximum(m2, t2)

    c = jnp.max(cacc, axis=0, keepdims=True)

    u = jnp.concatenate([m0, m1, m2], axis=0)
    urow = jax.lax.broadcasted_iota(jnp.int32, u.shape, 0)
    p0 = jnp.max(u, axis=0, keepdims=True)
    a0 = jnp.min(jnp.where(u == p0, urow, _BIG), axis=0, keepdims=True)
    u1 = jnp.where(urow == a0, _NEG_INF, u)
    p1 = jnp.max(u1, axis=0, keepdims=True)
    a1 = jnp.min(jnp.where(u1 == p1, urow, _BIG), axis=0, keepdims=True)
    u2 = jnp.where(urow == a1, _NEG_INF, u1)
    p2 = jnp.max(u2, axis=0, keepdims=True)

    target = jnp.where(c == p0, p1, p0)
    o_ref[...] = ((target - c) / (p0 - p2))[0]


@functools.partial(jax.jit, static_argnames=("block_cols",))
def _dlr_tc(prediction, y, block_cols=2048):
    n, c = prediction.shape
    xt = prediction.T
    return pl.pallas_call(
        _dlr_body,
        grid=(n // block_cols,),
        in_specs=[
            pl.BlockSpec((c, block_cols), lambda i: (0, i)),
            pl.BlockSpec((block_cols,), lambda i: (i,)),
        ],
        out_specs=pl.BlockSpec((block_cols,), lambda i: (i,)),
        out_shape=jax.ShapeDtypeStruct((n,), jnp.float32),
    )(xt, y)



_N = 16384
_C = 1000
_NW = 32
_T = 12288
_NSC = _N - _T
_W = _NSC // _NW
_S = 128
_CB = _W // _S
_RCH = 200
_NRB = _C // _RCH


def _sc_body(xt_hbm, y_hbm, out_hbm,
             b0, b1, b2, b3, b4, y_v, out_v, s0, s1, s2, s3, s4):
    wid = lax.axis_index("s") * 2 + lax.axis_index("c")
    base = _T + wid * _W

    bufs = (b0, b1, b2, b3, b4)
    sems = (s0, s1, s2, s3, s4)

    def copy_for(rb):
        return pltpu.make_async_copy(
            xt_hbm.at[pl.ds(rb * _RCH, _RCH), pl.ds(base, _S)],
            bufs[rb], sems[rb])

    for rb in range(_NRB):
        copy_for(rb).start()
    pltpu.sync_copy(y_hbm.at[pl.ds(base, _W)], y_v)

    neg = jnp.full((16,), _NEG_INF, dtype=jnp.float32)
    carry = [(neg, neg, neg, neg)] * (_S // 16)
    yvs = [y_v[pl.ds(g * 16, 16)] for g in range(_S // 16)]
    for rb in range(_NRB):
        copy_for(rb).wait()
        buf = bufs[rb]
        r0 = rb * _RCH
        _IL = 4
        for g in range(0, _S // 16, _IL):

            def step(r, cN, buf=buf, g=g, r0=r0):
                out = []
                for j in range(_IL):
                    m0, m1, m2, cacc = cN[j]
                    v = buf[r, pl.ds((g + j) * 16, 16)]
                    cacc = jnp.where(yvs[g + j] == r0 + r, v, cacc)
                    t1 = jnp.minimum(m0, v)
                    m0 = jnp.maximum(m0, v)
                    t2 = jnp.minimum(m1, t1)
                    m1 = jnp.maximum(m1, t1)
                    m2 = jnp.maximum(m2, t2)
                    out.append((m0, m1, m2, cacc))
                return tuple(out)

            res = lax.fori_loop(
                0, _RCH, step, tuple(carry[g + j] for j in range(_IL)),
                unroll=2)
            for j in range(_IL):
                carry[g + j] = res[j]
    for g in range(_S // 16):
        m0, m1, m2, cacc = carry[g]
        target = jnp.where(cacc == m0, m1, m0)
        out_v[pl.ds(g * 16, 16)] = (target - cacc) / (m0 - m2)

    pltpu.sync_copy(out_v, out_hbm.at[pl.ds(wid * _W, _W)])


def _dlr_sc_call(xt, y):
    mesh = plsc.VectorSubcoreMesh(core_axis_name="c", subcore_axis_name="s")
    k = functools.partial(
        pl.kernel,
        mesh=mesh,
        out_type=jax.ShapeDtypeStruct((_NSC,), jnp.float32),
        scratch_types=(
            [pltpu.VMEM((_RCH, _S), jnp.float32)] * _NRB
            + [pltpu.VMEM((_W,), jnp.int32), pltpu.VMEM((_W,), jnp.float32)]
            + [pltpu.SemaphoreType.DMA] * _NRB
        ),
    )(_sc_body)
    return k(xt, y)


@jax.jit
def _dlr_hybrid(prediction, y):
    n, c = prediction.shape
    xt = prediction.T
    loss_sc = _dlr_sc_call(xt, y)
    block_cols = 2048
    loss_tc = pl.pallas_call(
        _dlr_body,
        grid=(_T // block_cols,),
        in_specs=[
            pl.BlockSpec((c, block_cols), lambda i: (0, i)),
            pl.BlockSpec((block_cols,), lambda i: (i,)),
        ],
        out_specs=pl.BlockSpec((block_cols,), lambda i: (i,)),
        out_shape=jax.ShapeDtypeStruct((_T,), jnp.float32),
    )(xt, y)
    return jnp.concatenate([loss_tc, loss_sc])


def kernel(prediction, y):
    return _dlr_hybrid(prediction, y)

# --- scband reference (transcript-rebuilt; emitter-appended) ---
"""Pipeline reference for scband-dlrloss-1821066133874 (READ-ONLY COPY).

The authoritative reference and input builder live on the scoring server;
editing this copy changes nothing except your own understanding.
"""

import jax, jax.numpy as jnp
import numpy as np


def setup_inputs(seed: int = 0) -> dict:
    key = jax.random.key(seed)
    k1, k2 = jax.random.split(key)
    prediction = jax.random.normal(k1, (16384, 1000), dtype=jnp.float32)
    y = jax.random.randint(k2, (16384,), 0, 1000, dtype=jnp.int32)
    return {"prediction": prediction, "y": y}


def reference(prediction, y):
    # prediction.sort(dim=1, descending=True)
    prediction_sorted = jnp.sort(prediction, axis=1)[:, ::-1]
    idx_sorted = jnp.argsort(prediction, axis=1)[:, ::-1]
    class_prediction = prediction[jnp.arange(prediction.shape[0]), y]
    target_prediction = jnp.where(idx_sorted[:, 0] == y,
                                  prediction_sorted[:, 1],
                                  prediction_sorted[:, 0])
    loss = (target_prediction - class_prediction) / (prediction_sorted[:, 0] - prediction_sorted[:, 2])
    return loss

if __name__ == "__main__":
    import jax
    _d = setup_inputs()
    print(jax.jit(kernel)(*tuple(_d.values())))

</pallas_src>

<mosaic_0001>
#map = affine_map<(d0, d1) -> (0, 0)>
#map1 = affine_map<(d0, d1) -> (0)>
module attributes {stable_mosaic.version = 14 : i64} {
  func.func @_sc_body(%arg0: i32, %arg1: i32, %arg2: memref<1000x16384xf32, #tpu.memory_space<hbm>>, %arg3: memref<16384xi32, #tpu.memory_space<hbm>>, %arg4: memref<4096xf32, #tpu.memory_space<hbm>>, %arg5: memref<200x128xf32, #tpu.memory_space<vmem>>, %arg6: memref<200x128xf32, #tpu.memory_space<vmem>>, %arg7: memref<200x128xf32, #tpu.memory_space<vmem>>, %arg8: memref<200x128xf32, #tpu.memory_space<vmem>>, %arg9: memref<200x128xf32, #tpu.memory_space<vmem>>, %arg10: memref<128xi32, #tpu.memory_space<vmem>>, %arg11: memref<128xf32, #tpu.memory_space<vmem>>, %arg12: memref<!tpu.dma_semaphore, #tpu.memory_space<semaphore_mem>>, %arg13: memref<!tpu.dma_semaphore, #tpu.memory_space<semaphore_mem>>, %arg14: memref<!tpu.dma_semaphore, #tpu.memory_space<semaphore_mem>>, %arg15: memref<!tpu.dma_semaphore, #tpu.memory_space<semaphore_mem>>, %arg16: memref<!tpu.dma_semaphore, #tpu.memory_space<semaphore_mem>>) attributes {dimension_semantics = [#tpu.dimension_semantics<core_parallel>, #tpu.dimension_semantics<subcore_parallel>], iteration_bounds = array<i64: 2, 16>, scalar_prefetch = 0 : i64, scratch_operands = 12 : i64, tpu.core_type = #tpu.core_type<sc_vector_subcore>, window_params = [{transform_indices = #map}, {transform_indices = #map1}, {transform_indices = #map1}]} {
    %mul3A = arith.constant 2 : i32
    %mul3A_0 = arith.muli %arg1, %mul3A : i32
    %add3A = arith.addi %mul3A_0, %arg0 : i32
    %mul3A_1 = arith.constant 128 : i32
    %mul3A_2 = arith.muli %add3A, %mul3A_1 : i32
    %add3A_3 = arith.constant 12288 : i32
    %add3A_4 = arith.addi %add3A_3, %mul3A_2 : i32
    %dma_start3A = arith.constant 0 : i32
    %dma_start3A_5 = tpu.memref_slice %arg2[%dma_start3A, %add3A_4] : memref<1000x16384xf32, #tpu.memory_space<hbm>> -> memref<200x128xf32, #tpu.memory_space<hbm>>
    %dma_start3A_6 = arith.constant 0 : i32
    %dma_start3A_7 = tpu.memref_slice %arg2[%dma_start3A_6, %add3A_4] : memref<1000x16384xf32, #tpu.memory_space<hbm>> -> memref<200x128xf32, #tpu.memory_space<hbm>>
    tpu.enqueue_dma source(%dma_start3A_7 : memref<200x128xf32, #tpu.memory_space<hbm>>) target(%arg5 : memref<200x128xf32, #tpu.memory_space<vmem>>) target_semaphore(%arg12 : memref<!tpu.dma_semaphore, #tpu.memory_space<semaphore_mem>>)
    %dma_start3A_8 = arith.constant 200 : i32
    %dma_start3A_9 = tpu.memref_slice %arg2[%dma_start3A_8, %add3A_4] : memref<1000x16384xf32, #tpu.memory_space<hbm>> -> memref<200x128xf32, #tpu.memory_space<hbm>>
    %dma_start3A_10 = arith.constant 200 : i32
    %dma_start3A_11 = tpu.memref_slice %arg2[%dma_start3A_10, %add3A_4] : memref<1000x16384xf32, #tpu.memory_space<hbm>> -> memref<200x128xf32, #tpu.memory_space<hbm>>
    tpu.enqueue_dma source(%dma_start3A_11 : memref<200x128xf32, #tpu.memory_space<hbm>>) target(%arg6 : memref<200x128xf32, #tpu.memory_space<vmem>>) target_semaphore(%arg13 : memref<!tpu.dma_semaphore, #tpu.memory_space<semaphore_mem>>)
    %dma_start3A_12 = arith.constant 400 : i32
    %dma_start3A_13 = tpu.memref_slice %arg2[%dma_start3A_12, %add3A_4] : memref<1000x16384xf32, #tpu.memory_space<hbm>> -> memref<200x128xf32, #tpu.memory_space<hbm>>
    %dma_start3A_14 = arith.constant 400 : i32
    %dma_start3A_15 = tpu.memref_slice %arg2[%dma_start3A_14, %add3A_4] : memref<1000x16384xf32, #tpu.memory_space<hbm>> -> memref<200x128xf32, #tpu.memory_space<hbm>>
    tpu.enqueue_dma source(%dma_start3A_15 : memref<200x128xf32, #tpu.memory_space<hbm>>) target(%arg7 : memref<200x128xf32, #tpu.memory_space<vmem>>) target_semaphore(%arg14 : memref<!tpu.dma_semaphore, #tpu.memory_space<semaphore_mem>>)
    %dma_start3A_16 = arith.constant 600 : i32
    %dma_start3A_17 = tpu.memref_slice %arg2[%dma_start3A_16, %add3A_4] : memref<1000x16384xf32, #tpu.memory_space<hbm>> -> memref<200x128xf32, #tpu.memory_space<hbm>>
    %dma_start3A_18 = arith.constant 600 : i32
    %dma_start3A_19 = tpu.memref_slice %arg2[%dma_start3A_18, %add3A_4] : memref<1000x16384xf32, #tpu.memory_space<hbm>> -> memref<200x128xf32, #tpu.memory_space<hbm>>
    tpu.enqueue_dma source(%dma_start3A_19 : memref<200x128xf32, #tpu.memory_space<hbm>>) target(%arg8 : memref<200x128xf32, #tpu.memory_space<vmem>>) target_semaphore(%arg15 : memref<!tpu.dma_semaphore, #tpu.memory_space<semaphore_mem>>)
    %dma_start3A_20 = arith.constant 800 : i32
    %dma_start3A_21 = tpu.memref_slice %arg2[%dma_start3A_20, %add3A_4] : memref<1000x16384xf32, #tpu.memory_space<hbm>> -> memref<200x128xf32, #tpu.memory_space<hbm>>
    %dma_start3A_22 = arith.constant 800 : i32
    %dma_start3A_23 = tpu.memref_slice %arg2[%dma_start3A_22, %add3A_4] : memref<1000x16384xf32, #tpu.memory_space<hbm>> -> memref<200x128xf32, #tpu.memory_space<hbm>>
    tpu.enqueue_dma source(%dma_start3A_23 : memref<200x128xf32, #tpu.memory_space<hbm>>) target(%arg9 : memref<200x128xf32, #tpu.memory_space<vmem>>) target_semaphore(%arg16 : memref<!tpu.dma_semaphore, #tpu.memory_space<semaphore_mem>>)
    "tpu.region"() ({
      %run_scoped3A = tpu.sem_alloc : memref<!tpu.dma_semaphore, #tpu.memory_space<semaphore_mem>>
      %dma_start3A_195 = tpu.memref_slice %arg3[%add3A_4] : memref<16384xi32, #tpu.memory_space<hbm>> -> memref<128xi32, #tpu.memory_space<hbm>>
      %dma_start3A_196 = tpu.memref_slice %arg3[%add3A_4] : memref<16384xi32, #tpu.memory_space<hbm>> -> memref<128xi32, #tpu.memory_space<hbm>>
      tpu.enqueue_dma source(%dma_start3A_196 : memref<128xi32, #tpu.memory_space<hbm>>) target(%arg10 : memref<128xi32, #tpu.memory_space<vmem>>) target_semaphore(%run_scoped3A : memref<!tpu.dma_semaphore, #tpu.memory_space<semaphore_mem>>)
      %dma_wait3A_197 = tpu.memref_slice %arg3[%add3A_4] : memref<16384xi32, #tpu.memory_space<hbm>> -> memref<128xi32, #tpu.memory_space<hbm>>
      %dma_wait3A_198 = tpu.memref_slice %arg3[%add3A_4] : memref<16384xi32, #tpu.memory_space<hbm>> -> memref<128xi32, #tpu.memory_space<hbm>>
      tpu.wait_dma2 semaphore(%run_scoped3A : memref<!tpu.dma_semaphore, #tpu.memory_space<semaphore_mem>>) src(%dma_wait3A_198 : memref<128xi32, #tpu.memory_space<hbm>>) dst(%arg10 : memref<128xi32, #tpu.memory_space<vmem>>)
      tpu.yield
    }) : () -> ()
    %broadcast_in_dim3A = arith.constant 0xFF800000 : f32
    %broadcast_in_dim3A_24 = vector.broadcast %broadcast_in_dim3A : f32 to vector<16xf32>
    %get3A = arith.constant 0 : index
    %get3A_25 = tpu.vector_load %arg10[%get3A] {strides = array<i32>} : memref<128xi32, #tpu.memory_space<vmem>>, vector<16xi32>,
    %get3A_26 = vector.shape_cast %get3A_25 : vector<16xi32> to vector<16xi32>
    %get3A_27 = arith.constant 16 : index
    %get3A_28 = tpu.vector_load %arg10[%get3A_27] {strides = array<i32>} : memref<128xi32, #tpu.memory_space<vmem>>, vector<16xi32>,
    %get3A_29 = vector.shape_cast %get3A_28 : vector<16xi32> to vector<16xi32>
    %get3A_30 = arith.constant 32 : index
    %get3A_31 = tpu.vector_load %arg10[%get3A_30] {strides = array<i32>} : memref<128xi32, #tpu.memory_space<vmem>>, vector<16xi32>,
    %get3A_32 = vector.shape_cast %get3A_31 : vector<16xi32> to vector<16xi32>
    %get3A_33 = arith.constant 48 : index
    %get3A_34 = tpu.vector_load %arg10[%get3A_33] {strides = array<i32>} : memref<128xi32, #tpu.memory_space<vmem>>, vector<16xi32>,
    %get3A_35 = vector.shape_cast %get3A_34 : vector<16xi32> to vector<16xi32>
    %get3A_36 = arith.constant 64 : index
    %get3A_37 = tpu.vector_load %arg10[%get3A_36] {strides = array<i32>} : memref<128xi32, #tpu.memory_space<vmem>>, vector<16xi32>,
    %get3A_38 = vector.shape_cast %get3A_37 : vector<16xi32> to vector<16xi32>
    %get3A_39 = arith.constant 80 : index
    %get3A_40 = tpu.vector_load %arg10[%get3A_39] {strides = array<i32>} : memref<128xi32, #tpu.memory_space<vmem>>, vector<16xi32>,
    %get3A_41 = vector.shape_cast %get3A_40 : vector<16xi32> to vector<16xi32>
    %get3A_42 = arith.constant 96 : index
    %get3A_43 = tpu.vector_load %arg10[%get3A_42] {strides = array<i32>} : memref<128xi32, #tpu.memory_space<vmem>>, vector<16xi32>,
    %get3A_44 = vector.shape_cast %get3A_43 : vector<16xi32> to vector<16xi32>
    %get3A_45 = arith.constant 112 : index
    %get3A_46 = tpu.vector_load %arg10[%get3A_45] {strides = array<i32>} : memref<128xi32, #tpu.memory_space<vmem>>, vector<16xi32>,
    %get3A_47 = vector.shape_cast %get3A_46 : vector<16xi32> to vector<16xi32>
    %dma_wait3A = arith.constant 0 : i32
    %dma_wait3A_48 = tpu.memref_slice %arg2[%dma_wait3A, %add3A_4] : memref<1000x16384xf32, #tpu.memory_space<hbm>> -> memref<200x128xf32, #tpu.memory_space<hbm>>
    %dma_wait3A_49 = arith.constant 0 : i32
    %dma_wait3A_50 = tpu.memref_slice %arg2[%dma_wait3A_49, %add3A_4] : memref<1000x16384xf32, #tpu.memory_space<hbm>> -> memref<200x128xf32, #tpu.memory_space<hbm>>
    tpu.wait_dma2 semaphore(%arg12 : memref<!tpu.dma_semaphore, #tpu.memory_space<semaphore_mem>>) src(%dma_wait3A_50 : memref<200x128xf32, #tpu.memory_space<hbm>>) dst(%arg5 : memref<200x128xf32, #tpu.memory_space<vmem>>)
    %scan3A = arith.constant 0 : i32
    %scan3A_51 = arith.constant 200 : i32
    %scan3A_52 = arith.addi %scan3A, %scan3A_51 : i32
    %scan3A_53 = arith.constant 2 : i32
    %scan3A_54:16 = scf.for %scan3A_195 = %scan3A to %scan3A_52 step %scan3A_53 iter_args(%scan3A_196 = %broadcast_in_dim3A_24, %scan3A_197 = %broadcast_in_dim3A_24, %scan3A_198 = %broadcast_in_dim3A_24, %scan3A_199 = %broadcast_in_dim3A_24, %scan3A_200 = %broadcast_in_dim3A_24, %scan3A_201 = %broadcast_in_dim3A_24, %scan3A_202 = %broadcast_in_dim3A_24, %scan3A_203 = %broadcast_in_dim3A_24, %scan3A_204 = %broadcast_in_dim3A_24, %scan3A_205 = %broadcast_in_dim3A_24, %scan3A_206 = %broadcast_in_dim3A_24, %scan3A_207 = %broadcast_in_dim3A_24, %scan3A_208 = %broadcast_in_dim3A_24, %scan3A_209 = %broadcast_in_dim3A_24, %scan3A_210 = %broadcast_in_dim3A_24, %scan3A_211 = %broadcast_in_dim3A_24) -> (vector<16xf32>, vector<16xf32>, vector<16xf32>, vector<16xf32>, vector<16xf32>, vector<16xf32>, vector<16xf32>, vector<16xf32>, vector<16xf32>, vector<16xf32>, vector<16xf32>, vector<16xf32>, vector<16xf32>, vector<16xf32>, vector<16xf32>, vector<16xf32>)  : i32 {
      %get3A_212 = arith.index_cast %scan3A_195 : i32 to index
      %get3A_213 = arith.constant 0 : index
      %get3A_214 = tpu.vector_load %arg5[%get3A_212, %get3A_213] {strides = array<i32>} : memref<200x128xf32, #tpu.memory_space<vmem>>, vector<1x16xf32>,
      %get3A_215 = vector.shape_cast %get3A_214 : vector<1x16xf32> to vector<16xf32>
      %add3A_216 = arith.constant 0 : i32
      %add3A_217 = arith.addi %add3A_216, %scan3A_195 : i32
      %eq3A_218 = vector.broadcast %add3A_217 : i32 to vector<16xi32>
      %eq3A_219 = arith.cmpi eq, %get3A_26, %eq3A_218 : vector<16xi32>
      %select_n3A_220 = arith.select %eq3A_219, %get3A_215, %scan3A_199 : vector<16xi1>, vector<16xf32>
      %min3A = arith.minimumf %scan3A_196, %get3A_215 : vector<16xf32>
      %max3A = arith.maximumf %scan3A_196, %get3A_215 : vector<16xf32>
      %min3A_221 = arith.minimumf %scan3A_197, %min3A : vector<16xf32>
      %max3A_222 = arith.maximumf %scan3A_197, %min3A : vector<16xf32>
      %max3A_223 = arith.maximumf %scan3A_198, %min3A_221 : vector<16xf32>
      %get3A_224 = arith.index_cast %scan3A_195 : i32 to index
      %get3A_225 = arith.constant 16 : index
      %get3A_226 = tpu.vector_load %arg5[%get3A_224, %get3A_225] {strides = array<i32>} : memref<200x128xf32, #tpu.memory_space<vmem>>, vector<1x16xf32>,
      %get3A_227 = vector.shape_cast %get3A_226 : vector<1x16xf32> to vector<16xf32>
      %add3A_228 = arith.constant 0 : i32
      %add3A_229 = arith.addi %add3A_228, %scan3A_195 : i32
      %eq3A_230 = vector.broadcast %add3A_229 : i32 to vector<16xi32>
      %eq3A_231 = arith.cmpi eq, %get3A_29, %eq3A_230 : vector<16xi32>
      %select_n3A_232 = arith.select %eq3A_231, %get3A_227, %scan3A_203 : vector<16xi1>, vector<16xf32>
      %min3A_233 = arith.minimumf %scan3A_200, %get3A_227 : vector<16xf32>
      %max3A_234 = arith.maximumf %scan3A_200, %get3A_227 : vector<16xf32>
      %min3A_235 = arith.minimumf %scan3A_201, %min3A_233 : vector<16xf32>
      %max3A_236 = arith.maximumf %scan3A_201, %min3A_233 : vector<16xf32>
      %max3A_237 = arith.maximumf %scan3A_202, %min3A_235 : vector<16xf32>
      %get3A_238 = arith.index_cast %scan3A_195 : i32 to index
      %get3A_239 = arith.constant 32 : index
      %get3A_240 = tpu.vector_load %arg5[%get3A_238, %get3A_239] {strides = array<i32>} : memref<200x128xf32, #tpu.memory_space<vmem>>, vector<1x16xf32>,
      %get3A_241 = vector.shape_cast %get3A_240 : vector<1x16xf32> to vector<16xf32>
      %add3A_242 = arith.constant 0 : i32
      %add3A_243 = arith.addi %add3A_242, %scan3A_195 : i32
      %eq3A_244 = vector.broadcast %add3A_243 : i32 to vector<16xi32>
      %eq3A_245 = arith.cmpi eq, %get3A_32, %eq3A_244 : vector<16xi32>
      %select_n3A_246 = arith.select %eq3A_245, %get3A_241, %scan3A_207 : vector<16xi1>, vector<16xf32>
      %min3A_247 = arith.minimumf %scan3A_204, %get3A_241 : vector<16xf32>
      %max3A_248 = arith.maximumf %scan3A_204, %get3A_241 : vector<16xf32>
      %min3A_249 = arith.minimumf %scan3A_205, %min3A_247 : vector<16xf32>
      %max3A_250 = arith.maximumf %scan3A_205, %min3A_247 : vector<16xf32>
      %max3A_251 = arith.maximumf %scan3A_206, %min3A_249 : vector<16xf32>
      %get3A_252 = arith.index_cast %scan3A_195 : i32 to index
      %get3A_253 = arith.constant 48 : index
      %get3A_254 = tpu.vector_load %arg5[%get3A_252, %get3A_253] {strides = array<i32>} : memref<200x128xf32, #tpu.memory_space<vmem>>, vector<1x16xf32>,
      %get3A_255 = vector.shape_cast %get3A_254 : vector<1x16xf32> to vector<16xf32>
      %add3A_256 = arith.constant 0 : i32
      %add3A_257 = arith.addi %add3A_256, %scan3A_195 : i32
      %eq3A_258 = vector.broadcast %add3A_257 : i32 to vector<16xi32>
      %eq3A_259 = arith.cmpi eq, %get3A_35, %eq3A_258 : vector<16xi32>
      %select_n3A_260 = arith.select %eq3A_259, %get3A_255, %scan3A_211 : vector<16xi1>, vector<16xf32>
      %min3A_261 = arith.minimumf %scan3A_208, %get3A_255 : vector<16xf32>
      %max3A_262 = arith.maximumf %scan3A_208, %get3A_255 : vector<16xf32>
      %min3A_263 = arith.minimumf %scan3A_209, %min3A_261 : vector<16xf32>
      %max3A_264 = arith.maximumf %scan3A_209, %min3A_261 : vector<16xf32>
      %max3A_265 = arith.maximumf %scan3A_210, %min3A_263 : vector<16xf32>
      %scan3A_266 = arith.constant 1 : i32
      %scan3A_267 = arith.addi %scan3A_195, %scan3A_266 : i32
      %get3A_268 = arith.index_cast %scan3A_267 : i32 to index
      %get3A_269 = arith.constant 0 : index
      %get3A_270 = tpu.vector_load %arg5[%get3A_268, %get3A_269] {strides = array<i32>} : memref<200x128xf32, #tpu.memory_space<vmem>>, vector<1x16xf32>,
      %get3A_271 = vector.shape_cast %get3A_270 : vector<1x16xf32> to vector<16xf32>
      %add3A_272 = arith.constant 0 : i32
      %add3A_273 = arith.addi %add3A_272, %scan3A_267 : i32
      %eq3A_274 = vector.broadcast %add3A_273 : i32 to vector<16xi32>
      %eq3A_275 = arith.cmpi eq, %get3A_26, %eq3A_274 : vector<16xi32>
      %select_n3A_276 = arith.select %eq3A_275, %get3A_271, %select_n3A_220 : vector<16xi1>, vector<16xf32>
      %min3A_277 = arith.minimumf %max3A, %get3A_271 : vector<16xf32>
      %max3A_278 = arith.maximumf %max3A, %get3A_271 : vector<16xf32>
      %min3A_279 = arith.minimumf %max3A_222, %min3A_277 : vector<16xf32>
      %max3A_280 = arith.maximumf %max3A_222, %min3A_277 : vector<16xf32>
      %max3A_281 = arith.maximumf %max3A_223, %min3A_279 : vector<16xf32>
      %get3A_282 = arith.index_cast %scan3A_267 : i32 to index
      %get3A_283 = arith.constant 16 : index
      %get3A_284 = tpu.vector_load %arg5[%get3A_282, %get3A_283] {strides = array<i32>} : memref<200x128xf32, #tpu.memory_space<vmem>>, vector<1x16xf32>,
      %get3A_285 = vector.shape_cast %get3A_284 : vector<1x16xf32> to vector<16xf32>
      %add3A_286 = arith.constant 0 : i32
      %add3A_287 = arith.addi %add3A_286, %scan3A_267 : i32
      %eq3A_288 = vector.broadcast %add3A_287 : i32 to vector<16xi32>
      %eq3A_289 = arith.cmpi eq, %get3A_29, %eq3A_288 : vector<16xi32>
      %select_n3A_290 = arith.select %eq3A_289, %get3A_285, %select_n3A_232 : vector<16xi1>, vector<16xf32>
      %min3A_291 = arith.minimumf %max3A_234, %get3A_285 : vector<16xf32>
      %max3A_292 = arith.maximumf %max3A_234, %get3A_285 : vector<16xf32>
      %min3A_293 = arith.minimumf %max3A_236, %min3A_291 : vector<16xf32>
      %max3A_294 = arith.maximumf %max3A_236, %min3A_291 : vector<16xf32>
      %max3A_295 = arith.maximumf %max3A_237, %min3A_293 : vector<16xf32>
      %get3A_296 = arith.index_cast %scan3A_267 : i32 to index
      %get3A_297 = arith.constant 32 : index
      %get3A_298 = tpu.vector_load %arg5[%get3A_296, %get3A_297] {strides = array<i32>} : memref<200x128xf32, #tpu.memory_space<vmem>>, vector<1x16xf32>,
      %get3A_299 = vector.shape_cast %get3A_298 : vector<1x16xf32> to vector<16xf32>
      %add3A_300 = arith.constant 0 : i32
      %add3A_301 = arith.addi %add3A_300, %scan3A_267 : i32
      %eq3A_302 = vector.broadcast %add3A_301 : i32 to vector<16xi32>
      %eq3A_303 = arith.cmpi eq, %get3A_32, %eq3A_302 : vector<16xi32>
      %select_n3A_304 = arith.select %eq3A_303, %get3A_299, %select_n3A_246 : vector<16xi1>, vector<16xf32>
      %min3A_305 = arith.minimumf %max3A_248, %get3A_299 : vector<16xf32>
      %max3A_306 = arith.maximumf %max3A_248, %get3A_299 : vector<16xf32>
      %min3A_307 = arith.minimumf %max3A_250, %min3A_305 : vector<16xf32>
      %max3A_308 = arith.maximumf %max3A_250, %min3A_305 : vector<16xf32>
      %max3A_309 = arith.maximumf %max3A_251, %min3A_307 : vector<16xf32>
      %get3A_310 = arith.index_cast %scan3A_267 : i32 to index
      %get3A_311 = arith.constant 48 : index
      %get3A_312 = tpu.vector_load %arg5[%get3A_310, %get3A_311] {strides = array<i32>} : memref<200x128xf32, #tpu.memory_space<vmem>>, vector<1x16xf32>,
      %get3A_313 = vector.shape_cast %get3A_312 : vector<1x16xf32> to vector<16xf32>
      %add3A_314 = arith.constant 0 : i32
      %add3A_315 = arith.addi %add3A_314, %scan3A_267 : i32
      %eq3A_316 = vector.broadcast %add3A_315 : i32 to vector<16xi32>
      %eq3A_317 = arith.cmpi eq, %get3A_35, %eq3A_316 : vector<16xi32>
      %select_n3A_318 = arith.select %eq3A_317, %get3A_313, %select_n3A_260 : vector<16xi1>, vector<16xf32>
      %min3A_319 = arith.minimumf %max3A_262, %get3A_313 : vector<16xf32>
      %max3A_320 = arith.maximumf %max3A_262, %get3A_313 : vector<16xf32>
      %min3A_321 = arith.minimumf %max3A_264, %min3A_319 : vector<16xf32>
      %max3A_322 = arith.maximumf %max3A_264, %min3A_319 : vector<16xf32>
      %max3A_323 = arith.maximumf %max3A_265, %min3A_321 : vector<16xf32>
      scf.yield %max3A_278, %max3A_280, %max3A_281, %select_n3A_276, %max3A_292, %max3A_294, %max3A_295, %select_n3A_290, %max3A_306, %max3A_308, %max3A_309, %select_n3A_304, %max3A_320, %max3A_322, %max3A_323, %select_n3A_318 : vector<16xf32>, vector<16xf32>, vector<16xf32>, vector<16xf32>, vector<16xf32>, vector<16xf32>, vector<16xf32>, vector<16xf32>, vector<16xf32>, vector<16xf32>, vector<16xf32>, vector<16xf32>, vector<16xf32>, vector<16xf32>, vector<16xf32>, vector<16xf32>
    }
    %scan3A_55 = arith.constant 200 : i32
    %scan3A_56 = arith.constant 0 : i32
    %scan3A_57 = arith.constant 200 : i32
    %scan3A_58 = arith.addi %scan3A_56, %scan3A_57 : i32
    %scan3A_59 = arith.constant 2 : i32
    %scan3A_60:16 = scf.for %scan3A_195 = %scan3A_56 to %scan3A_58 step %scan3A_59 iter_args(%scan3A_196 = %broadcast_in_dim3A_24, %scan3A_197 = %broadcast_in_dim3A_24, %scan3A_198 = %broadcast_in_dim3A_24, %scan3A_199 = %broadcast_in_dim3A_24, %scan3A_200 = %broadcast_in_dim3A_24, %scan3A_201 = %broadcast_in_dim3A_24, %scan3A_202 = %broadcast_in_dim3A_24, %scan3A_203 = %broadcast_in_dim3A_24, %scan3A_204 = %broadcast_in_dim3A_24, %scan3A_205 = %broadcast_in_dim3A_24, %scan3A_206 = %broadcast_in_dim3A_24, %scan3A_207 = %broadcast_in_dim3A_24, %scan3A_208 = %broadcast_in_dim3A_24, %scan3A_209 = %broadcast_in_dim3A_24, %scan3A_210 = %broadcast_in_dim3A_24, %scan3A_211 = %broadcast_in_dim3A_24) -> (vector<16xf32>, vector<16xf32>, vector<16xf32>, vector<16xf32>, vector<16xf32>, vector<16xf32>, vector<16xf32>, vector<16xf32>, vector<16xf32>, vector<16xf32>, vector<16xf32>, vector<16xf32>, vector<16xf32>, vector<16xf32>, vector<16xf32>, vector<16xf32>)  : i32 {
      %get3A_212 = arith.index_cast %scan3A_195 : i32 to index
      %get3A_213 = arith.constant 64 : index
      %get3A_214 = tpu.vector_load %arg5[%get3A_212, %get3A_213] {strides = array<i32>} : memref<200x128xf32, #tpu.memory_space<vmem>>, vector<1x16xf32>,
      %get3A_215 = vector.shape_cast %get3A_214 : vector<1x16xf32> to vector<16xf32>
      %add3A_216 = arith.constant 0 : i32
      %add3A_217 = arith.addi %add3A_216, %scan3A_195 : i32
      %eq3A_218 = vector.broadcast %add3A_217 : i32 to vector<16xi32>
      %eq3A_219 = arith.cmpi eq, %get3A_38, %eq3A_218 : vector<16xi32>
      %select_n3A_220 = arith.select %eq3A_219, %get3A_215, %scan3A_199 : vector<16xi1>, vector<16xf32>
      %min3A = arith.minimumf %scan3A_196, %get3A_215 : vector<16xf32>
      %max3A = arith.maximumf %scan3A_196, %get3A_215 : vector<16xf32>
      %min3A_221 = arith.minimumf %scan3A_197, %min3A : vector<16xf32>
      %max3A_222 = arith.maximumf %scan3A_197, %min3A : vector<16xf32>
      %max3A_223 = arith.maximumf %scan3A_198, %min3A_221 : vector<16xf32>
      %get3A_224 = arith.index_cast %scan3A_195 : i32 to index
      %get3A_225 = arith.constant 80 : index
      %get3A_226 = tpu.vector_load %arg5[%get3A_224, %get3A_225] {strides = array<i32>} : memref<200x128xf32, #tpu.memory_space<vmem>>, vector<1x16xf32>,
      %get3A_227 = vector.shape_cast %get3A_226 : vector<1x16xf32> to vector<16xf32>
      %add3A_228 = arith.constant 0 : i32
      %add3A_229 = arith.addi %add3A_228, %scan3A_195 : i32
      %eq3A_230 = vector.broadcast %add3A_229 : i32 to vector<16xi32>
      %eq3A_231 = arith.cmpi eq, %get3A_41, %eq3A_230 : vector<16xi32>
      %select_n3A_232 = arith.select %eq3A_231, %get3A_227, %scan3A_203 : vector<16xi1>, vector<16xf32>
      %min3A_233 = arith.minimumf %scan3A_200, %get3A_227 : vector<16xf32>
      %max3A_234 = arith.maximumf %scan3A_200, %get3A_227 : vector<16xf32>
      %min3A_235 = arith.minimumf %scan3A_201, %min3A_233 : vector<16xf32>
      %max3A_236 = arith.maximumf %scan3A_201, %min3A_233 : vector<16xf32>
      %max3A_237 = arith.maximumf %scan3A_202, %min3A_235 : vector<16xf32>
      %get3A_238 = arith.index_cast %scan3A_195 : i32 to index
      %get3A_239 = arith.constant 96 : index
      %get3A_240 = tpu.vector_load %arg5[%get3A_238, %get3A_239] {strides = array<i32>} : memref<200x128xf32, #tpu.memory_space<vmem>>, vector<1x16xf32>,
      %get3A_241 = vector.shape_cast %get3A_240 : vector<1x16xf32> to vector<16xf32>
      %add3A_242 = arith.constant 0 : i32
      %add3A_243 = arith.addi %add3A_242, %scan3A_195 : i32
      %eq3A_244 = vector.broadcast %add3A_243 : i32 to vector<16xi32>
      %eq3A_245 = arith.cmpi eq, %get3A_44, %eq3A_244 : vector<16xi32>
      %select_n3A_246 = arith.select %eq3A_245, %get3A_241, %scan3A_207 : vector<16xi1>, vector<16xf32>
      %min3A_247 = arith.minimumf %scan3A_204, %get3A_241 : vector<16xf32>
      %max3A_248 = arith.maximumf %scan3A_204, %get3A_241 : vector<16xf32>
      %min3A_249 = arith.minimumf %scan3A_205, %min3A_247 : vector<16xf32>
      %max3A_250 = arith.maximumf %scan3A_205, %min3A_247 : vector<16xf32>
      %max3A_251 = arith.maximumf %scan3A_206, %min3A_249 : vector<16xf32>
      %get3A_252 = arith.index_cast %scan3A_195 : i32 to index
      %get3A_253 = arith.constant 112 : index
      %get3A_254 = tpu.vector_load %arg5[%get3A_252, %get3A_253] {strides = array<i32>} : memref<200x128xf32, #tpu.memory_space<vmem>>, vector<1x16xf32>,
      %get3A_255 = vector.shape_cast %get3A_254 : vector<1x16xf32> to vector<16xf32>
      %add3A_256 = arith.constant 0 : i32
      %add3A_257 = arith.addi %add3A_256, %scan3A_195 : i32
      %eq3A_258 = vector.broadcast %add3A_257 : i32 to vector<16xi32>
      %eq3A_259 = arith.cmpi eq, %get3A_47, %eq3A_258 : vector<16xi32>
      %select_n3A_260 = arith.select %eq3A_259, %get3A_255, %scan3A_211 : vector<16xi1>, vector<16xf32>
      %min3A_261 = arith.minimumf %scan3A_208, %get3A_255 : vector<16xf32>
      %max3A_262 = arith.maximumf %scan3A_208, %get3A_255 : vector<16xf32>
      %min3A_263 = arith.minimumf %scan3A_209, %min3A_261 : vector<16xf32>
      %max3A_264 = arith.maximumf %scan3A_209, %min3A_261 : vector<16xf32>
      %max3A_265 = arith.maximumf %scan3A_210, %min3A_263 : vector<16xf32>
      %scan3A_266 = arith.constant 1 : i32
      %scan3A_267 = arith.addi %scan3A_195, %scan3A_266 : i32
      %get3A_268 = arith.index_cast %scan3A_267 : i32 to index
      %get3A_269 = arith.constant 64 : index
      %get3A_270 = tpu.vector_load %arg5[%get3A_268, %get3A_269] {strides = array<i32>} : memref<200x128xf32, #tpu.memory_space<vmem>>, vector<1x16xf32>,
      %get3A_271 = vector.shape_cast %get3A_270 : vector<1x16xf32> to vector<16xf32>
      %add3A_272 = arith.constant 0 : i32
      %add3A_273 = arith.addi %add3A_272, %scan3A_267 : i32
      %eq3A_274 = vector.broadcast %add3A_273 : i32 to vector<16xi32>
      %eq3A_275 = arith.cmpi eq, %get3A_38, %eq3A_274 : vector<16xi32>
      %select_n3A_276 = arith.select %eq3A_275, %get3A_271, %select_n3A_220 : vector<16xi1>, vector<16xf32>
      %min3A_277 = arith.minimumf %max3A, %get3A_271 : vector<16xf32>
      %max3A_278 = arith.maximumf %max3A, %get3A_271 : vector<16xf32>
      %min3A_279 = arith.minimumf %max3A_222, %min3A_277 : vector<16xf32>
      %max3A_280 = arith.maximumf %max3A_222, %min3A_277 : vector<16xf32>
      %max3A_281 = arith.maximumf %max3A_223, %min3A_279 : vector<16xf32>
      %get3A_282 = arith.index_cast %scan3A_267 : i32 to index
      %get3A_283 = arith.constant 80 : index
      %get3A_284 = tpu.vector_load %arg5[%get3A_282, %get3A_283] {strides = array<i32>} : memref<200x128xf32, #tpu.memory_space<vmem>>, vector<1x16xf32>,
      %get3A_285 = vector.shape_cast %get3A_284 : vector<1x16xf32> to vector<16xf32>
      %add3A_286 = arith.constant 0 : i32
      %add3A_287 = arith.addi %add3A_286, %scan3A_267 : i32
      %eq3A_288 = vector.broadcast %add3A_287 : i32 to vector<16xi32>
      %eq3A_289 = arith.cmpi eq, %get3A_41, %eq3A_288 : vector<16xi32>
      %select_n3A_290 = arith.select %eq3A_289, %get3A_285, %select_n3A_232 : vector<16xi1>, vector<16xf32>
      %min3A_291 = arith.minimumf %max3A_234, %get3A_285 : vector<16xf32>
      %max3A_292 = arith.maximumf %max3A_234, %get3A_285 : vector<16xf32>
      %min3A_293 = arith.minimumf %max3A_236, %min3A_291 : vector<16xf32>
      %max3A_294 = arith.maximumf %max3A_236, %min3A_291 : vector<16xf32>
      %max3A_295 = arith.maximumf %max3A_237, %min3A_293 : vector<16xf32>
      %get3A_296 = arith.index_cast %scan3A_267 : i32 to index
      %get3A_297 = arith.constant 96 : index
      %get3A_298 = tpu.vector_load %arg5[%get3A_296, %get3A_297] {strides = array<i32>} : memref<200x128xf32, #tpu.memory_space<vmem>>, vector<1x16xf32>,
      %get3A_299 = vector.shape_cast %get3A_298 : vector<1x16xf32> to vector<16xf32>
      %add3A_300 = arith.constant 0 : i32
      %add3A_301 = arith.addi %add3A_300, %scan3A_267 : i32
      %eq3A_302 = vector.broadcast %add3A_301 : i32 to vector<16xi32>
      %eq3A_303 = arith.cmpi eq, %get3A_44, %eq3A_302 : vector<16xi32>
      %select_n3A_304 = arith.select %eq3A_303, %get3A_299, %select_n3A_246 : vector<16xi1>, vector<16xf32>
      %min3A_305 = arith.minimumf %max3A_248, %get3A_299 : vector<16xf32>
      %max3A_306 = arith.maximumf %max3A_248, %get3A_299 : vector<16xf32>
      %min3A_307 = arith.minimumf %max3A_250, %min3A_305 : vector<16xf32>
      %max3A_308 = arith.maximumf %max3A_250, %min3A_305 : vector<16xf32>
      %max3A_309 = arith.maximumf %max3A_251, %min3A_307 : vector<16xf32>
      %get3A_310 = arith.index_cast %scan3A_267 : i32 to index
      %get3A_311 = arith.constant 112 : index
      %get3A_312 = tpu.vector_load %arg5[%get3A_310, %get3A_311] {strides = array<i32>} : memref<200x128xf32, #tpu.memory_space<vmem>>, vector<1x16xf32>,
      %get3A_313 = vector.shape_cast %get3A_312 : vector<1x16xf32> to vector<16xf32>
      %add3A_314 = arith.constant 0 : i32
      %add3A_315 = arith.addi %add3A_314, %scan3A_267 : i32
      %eq3A_316 = vector.broadcast %add3A_315 : i32 to vector<16xi32>
      %eq3A_317 = arith.cmpi eq, %get3A_47, %eq3A_316 : vector<16xi32>
      %select_n3A_318 = arith.select %eq3A_317, %get3A_313, %select_n3A_260 : vector<16xi1>, vector<16xf32>
      %min3A_319 = arith.minimumf %max3A_262, %get3A_313 : vector<16xf32>
      %max3A_320 = arith.maximumf %max3A_262, %get3A_313 : vector<16xf32>
      %min3A_321 = arith.minimumf %max3A_264, %min3A_319 : vector<16xf32>
      %max3A_322 = arith.maximumf %max3A_264, %min3A_319 : vector<16xf32>
      %max3A_323 = arith.maximumf %max3A_265, %min3A_321 : vector<16xf32>
      scf.yield %max3A_278, %max3A_280, %max3A_281, %select_n3A_276, %max3A_292, %max3A_294, %max3A_295, %select_n3A_290, %max3A_306, %max3A_308, %max3A_309, %select_n3A_304, %max3A_320, %max3A_322, %max3A_323, %select_n3A_318 : vector<16xf32>, vector<16xf32>, vector<16xf32>, vector<16xf32>, vector<16xf32>, vector<16xf32>, vector<16xf32>, vector<16xf32>, vector<16xf32>, vector<16xf32>, vector<16xf32>, vector<16xf32>, vector<16xf32>, vector<16xf32>, vector<16xf32>, vector<16xf32>
    }
    %scan3A_61 = arith.constant 200 : i32
    %dma_wait3A_62 = arith.constant 200 : i32
    %dma_wait3A_63 = tpu.memref_slice %arg2[%dma_wait3A_62, %add3A_4] : memref<1000x16384xf32, #tpu.memory_space<hbm>> -> memref<200x128xf32, #tpu.memory_space<hbm>>
    %dma_wait3A_64 = arith.constant 200 : i32
    %dma_wait3A_65 = tpu.memref_slice %arg2[%dma_wait3A_64, %add3A_4] : memref<1000x16384xf32, #tpu.memory_space<hbm>> -> memref<200x128xf32, #tpu.memory_space<hbm>>
    tpu.wait_dma2 semaphore(%arg13 : memref<!tpu.dma_semaphore, #tpu.memory_space<semaphore_mem>>) src(%dma_wait3A_65 : memref<200x128xf32, #tpu.memory_space<hbm>>) dst(%arg6 : memref<200x128xf32, #tpu.memory_space<vmem>>)
    %scan3A_66 = arith.constant 0 : i32
    %scan3A_67 = arith.constant 200 : i32
    %scan3A_68 = arith.addi %scan3A_66, %scan3A_67 : i32
    %scan3A_69 = arith.constant 2 : i32
    %scan3A_70:16 = scf.for %scan3A_195 = %scan3A_66 to %scan3A_68 step %scan3A_69 iter_args(%scan3A_196 = %scan3A_54#0, %scan3A_197 = %scan3A_54#1, %scan3A_198 = %scan3A_54#2, %scan3A_199 = %scan3A_54#3, %scan3A_200 = %scan3A_54#4, %scan3A_201 = %scan3A_54#5, %scan3A_202 = %scan3A_54#6, %scan3A_203 = %scan3A_54#7, %scan3A_204 = %scan3A_54#8, %scan3A_205 = %scan3A_54#9, %scan3A_206 = %scan3A_54#10, %scan3A_207 = %scan3A_54#11, %scan3A_208 = %scan3A_54#12, %scan3A_209 = %scan3A_54#13, %scan3A_210 = %scan3A_54#14, %scan3A_211 = %scan3A_54#15) -> (vector<16xf32>, vector<16xf32>, vector<16xf32>, vector<16xf32>, vector<16xf32>, vector<16xf32>, vector<16xf32>, vector<16xf32>, vector<16xf32>, vector<16xf32>, vector<16xf32>, vector<16xf32>, vector<16xf32>, vector<16xf32>, vector<16xf32>, vector<16xf32>)  : i32 {
      %get3A_212 = arith.index_cast %scan3A_195 : i32 to index
      %get3A_213 = arith.constant 0 : index
      %get3A_214 = tpu.vector_load %arg6[%get3A_212, %get3A_213] {strides = array<i32>} : memref<200x128xf32, #tpu.memory_space<vmem>>, vector<1x16xf32>,
      %get3A_215 = vector.shape_cast %get3A_214 : vector<1x16xf32> to vector<16xf32>
      %add3A_216 = arith.constant 200 : i32
      %add3A_217 = arith.addi %add3A_216, %scan3A_195 : i32
      %eq3A_218 = vector.broadcast %add3A_217 : i32 to vector<16xi32>
      %eq3A_219 = arith.cmpi eq, %get3A_26, %eq3A_218 : vector<16xi32>
      %select_n3A_220 = arith.select %eq3A_219, %get3A_215, %scan3A_199 : vector<16xi1>, vector<16xf32>
      %min3A = arith.minimumf %scan3A_196, %get3A_215 : vector<16xf32>
      %max3A = arith.maximumf %scan3A_196, %get3A_215 : vector<16xf32>
      %min3A_221 = arith.minimumf %scan3A_197, %min3A : vector<16xf32>
      %max3A_222 = arith.maximumf %scan3A_197, %min3A : vector<16xf32>
      %max3A_223 = arith.maximumf %scan3A_198, %min3A_221 : vector<16xf32>
      %get3A_224 = arith.index_cast %scan3A_195 : i32 to index
      %get3A_225 = arith.constant 16 : index
      %get3A_226 = tpu.vector_load %arg6[%get3A_224, %get3A_225] {strides = array<i32>} : memref<200x128xf32, #tpu.memory_space<vmem>>, vector<1x16xf32>,
      %get3A_227 = vector.shape_cast %get3A_226 : vector<1x16xf32> to vector<16xf32>
      %add3A_228 = arith.constant 200 : i32
      %add3A_229 = arith.addi %add3A_228, %scan3A_195 : i32
      %eq3A_230 = vector.broadcast %add3A_229 : i32 to vector<16xi32>
      %eq3A_231 = arith.cmpi eq, %get3A_29, %eq3A_230 : vector<16xi32>
      %select_n3A_232 = arith.select %eq3A_231, %get3A_227, %scan3A_203 : vector<16xi1>, vector<16xf32>
      %min3A_233 = arith.minimumf %scan3A_200, %get3A_227 : vector<16xf32>
      %max3A_234 = arith.maximumf %scan3A_200, %get3A_227 : vector<16xf32>
      %min3A_235 = arith.minimumf %scan3A_201, %min3A_233 : vector<16xf32>
      %max3A_236 = arith.maximumf %scan3A_201, %min3A_233 : vector<16xf32>
      %max3A_237 = arith.maximumf %scan3A_202, %min3A_235 : vector<16xf32>
      %get3A_238 = arith.index_cast %scan3A_195 : i32 to index
      %get3A_239 = arith.constant 32 : index
      %get3A_240 = tpu.vector_load %arg6[%get3A_238, %get3A_239] {strides = array<i32>} : memref<200x128xf32, #tpu.memory_space<vmem>>, vector<1x16xf32>,
      %get3A_241 = vector.shape_cast %get3A_240 : vector<1x16xf32> to vector<16xf32>
      %add3A_242 = arith.constant 200 : i32
      %add3A_243 = arith.addi %add3A_242, %scan3A_195 : i32
      %eq3A_244 = vector.broadcast %add3A_243 : i32 to vector<16xi32>
      %eq3A_245 = arith.cmpi eq, %get3A_32, %eq3A_244 : vector<16xi32>
      %select_n3A_246 = arith.select %eq3A_245, %get3A_241, %scan3A_207 : vector<16xi1>, vector<16xf32>
      %min3A_247 = arith.minimumf %scan3A_204, %get3A_241 : vector<16xf32>
      %max3A_248 = arith.maximumf %scan3A_204, %get3A_241 : vector<16xf32>
      %min3A_249 = arith.minimumf %scan3A_205, %min3A_247 : vector<16xf32>
      %max3A_250 = arith.maximumf %scan3A_205, %min3A_247 : vector<16xf32>
      %max3A_251 = arith.maximumf %scan3A_206, %min3A_249 : vector<16xf32>
      %get3A_252 = arith.index_cast %scan3A_195 : i32 to index
      %get3A_253 = arith.constant 48 : index
      %get3A_254 = tpu.vector_load %arg6[%get3A_252, %get3A_253] {strides = array<i32>} : memref<200x128xf32, #tpu.memory_space<vmem>>, vector<1x16xf32>,
      %get3A_255 = vector.shape_cast %get3A_254 : vector<1x16xf32> to vector<16xf32>
      %add3A_256 = arith.constant 200 : i32
      %add3A_257 = arith.addi %add3A_256, %scan3A_195 : i32
      %eq3A_258 = vector.broadcast %add3A_257 : i32 to vector<16xi32>
      %eq3A_259 = arith.cmpi eq, %get3A_35, %eq3A_258 : vector<16xi32>
      %select_n3A_260 = arith.select %eq3A_259, %get3A_255, %scan3A_211 : vector<16xi1>, vector<16xf32>
      %min3A_261 = arith.minimumf %scan3A_208, %get3A_255 : vector<16xf32>
      %max3A_262 = arith.maximumf %scan3A_208, %get3A_255 : vector<16xf32>
      %min3A_263 = arith.minimumf %scan3A_209, %min3A_261 : vector<16xf32>
      %max3A_264 = arith.maximumf %scan3A_209, %min3A_261 : vector<16xf32>
      %max3A_265 = arith.maximumf %scan3A_210, %min3A_263 : vector<16xf32>
      %scan3A_266 = arith.constant 1 : i32
      %scan3A_267 = arith.addi %scan3A_195, %scan3A_266 : i32
      %get3A_268 = arith.index_cast %scan3A_267 : i32 to index
      %get3A_269 = arith.constant 0 : index
      %get3A_270 = tpu.vector_load %arg6[%get3A_268, %get3A_269] {strides = array<i32>} : memref<200x128xf32, #tpu.memory_space<vmem>>, vector<1x16xf32>,
      %get3A_271 = vector.shape_cast %get3A_270 : vector<1x16xf32> to vector<16xf32>
      %add3A_272 = arith.constant 200 : i32
      %add3A_273 = arith.addi %add3A_272, %scan3A_267 : i32
      %eq3A_274 = vector.broadcast %add3A_273 : i32 to vector<16xi32>
      %eq3A_275 = arith.cmpi eq, %get3A_26, %eq3A_274 : vector<16xi32>
      %select_n3A_276 = arith.select %eq3A_275, %get3A_271, %select_n3A_220 : vector<16xi1>, vector<16xf32>
      %min3A_277 = arith.minimumf %max3A, %get3A_271 : vector<16xf32>
      %max3A_278 = arith.maximumf %max3A, %get3A_271 : vector<16xf32>
      %min3A_279 = arith.minimumf %max3A_222, %min3A_277 : vector<16xf32>
      %max3A_280 = arith.maximumf %max3A_222, %min3A_277 : vector<16xf32>
      %max3A_281 = arith.maximumf %max3A_223, %min3A_279 : vector<16xf32>
      %get3A_282 = arith.index_cast %scan3A_267 : i32 to index
      %get3A_283 = arith.constant 16 : index
      %get3A_284 = tpu.vector_load %arg6[%get3A_282, %get3A_283] {strides = array<i32>} : memref<200x128xf32, #tpu.memory_space<vmem>>, vector<1x16xf32>,
      %get3A_285 = vector.shape_cast %get3A_284 : vector<1x16xf32> to vector<16xf32>
      %add3A_286 = arith.constant 200 : i32
      %add3A_287 = arith.addi %add3A_286, %scan3A_267 : i32
      %eq3A_288 = vector.broadcast %add3A_287 : i32 to vector<16xi32>
      %eq3A_289 = arith.cmpi eq, %get3A_29, %eq3A_288 : vector<16xi32>
      %select_n3A_290 = arith.select %eq3A_289, %get3A_285, %select_n3A_232 : vector<16xi1>, vector<16xf32>
      %min3A_291 = arith.minimumf %max3A_234, %get3A_285 : vector<16xf32>
      %max3A_292 = arith.maximumf %max3A_234, %get3A_285 : vector<16xf32>
      %min3A_293 = arith.minimumf %max3A_236, %min3A_291 : vector<16xf32>
      %max3A_294 = arith.maximumf %max3A_236, %min3A_291 : vector<16xf32>
      %max3A_295 = arith.maximumf %max3A_237, %min3A_293 : vector<16xf32>
      %get3A_296 = arith.index_cast %scan3A_267 : i32 to index
      %get3A_297 = arith.constant 32 : index
      %get3A_298 = tpu.vector_load %arg6[%get3A_296, %get3A_297] {strides = array<i32>} : memref<200x128xf32, #tpu.memory_space<vmem>>, vector<1x16xf32>,
      %get3A_299 = vector.shape_cast %get3A_298 : vector<1x16xf32> to vector<16xf32>
      %add3A_300 = arith.constant 200 : i32
      %add3A_301 = arith.addi %add3A_300, %scan3A_267 : i32
      %eq3A_302 = vector.broadcast %add3A_301 : i32 to vector<16xi32>
      %eq3A_303 = arith.cmpi eq, %get3A_32, %eq3A_302 : vector<16xi32>
      %select_n3A_304 = arith.select %eq3A_303, %get3A_299, %select_n3A_246 : vector<16xi1>, vector<16xf32>
      %min3A_305 = arith.minimumf %max3A_248, %get3A_299 : vector<16xf32>
      %max3A_306 = arith.maximumf %max3A_248, %get3A_299 : vector<16xf32>
      %min3A_307 = arith.minimumf %max3A_250, %min3A_305 : vector<16xf32>
      %max3A_308 = arith.maximumf %max3A_250, %min3A_305 : vector<16xf32>
      %max3A_309 = arith.maximumf %max3A_251, %min3A_307 : vector<16xf32>
      %get3A_310 = arith.index_cast %scan3A_267 : i32 to index
      %get3A_311 = arith.constant 48 : index
      %get3A_312 = tpu.vector_load %arg6[%get3A_310, %get3A_311] {strides = array<i32>} : memref<200x128xf32, #tpu.memory_space<vmem>>, vector<1x16xf32>,
      %get3A_313 = vector.shape_cast %get3A_312 : vector<1x16xf32> to vector<16xf32>
      %add3A_314 = arith.constant 200 : i32
      %add3A_315 = arith.addi %add3A_314, %scan3A_267 : i32
      %eq3A_316 = vector.broadcast %add3A_315 : i32 to vector<16xi32>
      %eq3A_317 = arith.cmpi eq, %get3A_35, %eq3A_316 : vector<16xi32>
      %select_n3A_318 = arith.select %eq3A_317, %get3A_313, %select_n3A_260 : vector<16xi1>, vector<16xf32>
      %min3A_319 = arith.minimumf %max3A_262, %get3A_313 : vector<16xf32>
      %max3A_320 = arith.maximumf %max3A_262, %get3A_313 : vector<16xf32>
      %min3A_321 = arith.minimumf %max3A_264, %min3A_319 : vector<16xf32>
      %max3A_322 = arith.maximumf %max3A_264, %min3A_319 : vector<16xf32>
      %max3A_323 = arith.maximumf %max3A_265, %min3A_321 : vector<16xf32>
      scf.yield %max3A_278, %max3A_280, %max3A_281, %select_n3A_276, %max3A_292, %max3A_294, %max3A_295, %select_n3A_290, %max3A_306, %max3A_308, %max3A_309, %select_n3A_304, %max3A_320, %max3A_322, %max3A_323, %select_n3A_318 : vector<16xf32>, vector<16xf32>, vector<16xf32>, vector<16xf32>, vector<16xf32>, vector<16xf32>, vector<16xf32>, vector<16xf32>, vector<16xf32>, vector<16xf32>, vector<16xf32>, vector<16xf32>, vector<16xf32>, vector<16xf32>, vector<16xf32>, vector<16xf32>
    }
    %scan3A_71 = arith.constant 200 : i32
    %scan3A_72 = arith.constant 0 : i32
    %scan3A_73 = arith.constant 200 : i32
    %scan3A_74 = arith.addi %scan3A_72, %scan3A_73 : i32
    %scan3A_75 = arith.constant 2 : i32
    %scan3A_76:16 = scf.for %scan3A_195 = %scan3A_72 to %scan3A_74 step %scan3A_75 iter_args(%scan3A_196 = %scan3A_60#0, %scan3A_197 = %scan3A_60#1, %scan3A_198 = %scan3A_60#2, %scan3A_199 = %scan3A_60#3, %scan3A_200 = %scan3A_60#4, %scan3A_201 = %scan3A_60#5, %scan3A_202 = %scan3A_60#6, %scan3A_203 = %scan3A_60#7, %scan3A_204 = %scan3A_60#8, %scan3A_205 = %scan3A_60#9, %scan3A_206 = %scan3A_60#10, %scan3A_207 = %scan3A_60#11, %scan3A_208 = %scan3A_60#12, %scan3A_209 = %scan3A_60#13, %scan3A_210 = %scan3A_60#14, %scan3A_211 = %scan3A_60#15) -> (vector<16xf32>, vector<16xf32>, vector<16xf32>, vector<16xf32>, vector<16xf32>, vector<16xf32>, vector<16xf32>, vector<16xf32>, vector<16xf32>, vector<16xf32>, vector<16xf32>, vector<16xf32>, vector<16xf32>, vector<16xf32>, vector<16xf32>, vector<16xf32>)  : i32 {
      %get3A_212 = arith.index_cast %scan3A_195 : i32 to index
      %get3A_213 = arith.constant 64 : index
      %get3A_214 = tpu.vector_load %arg6[%get3A_212, %get3A_213] {strides = array<i32>} : memref<200x128xf32, #tpu.memory_space<vmem>>, vector<1x16xf32>,
      %get3A_215 = vector.shape_cast %get3A_214 : vector<1x16xf32> to vector<16xf32>
      %add3A_216 = arith.constant 200 : i32
      %add3A_217 = arith.addi %add3A_216, %scan3A_195 : i32
      %eq3A_218 = vector.broadcast %add3A_217 : i32 to vector<16xi32>
      %eq3A_219 = arith.cmpi eq, %get3A_38, %eq3A_218 : vector<16xi32>
      %select_n3A_220 = arith.select %eq3A_219, %get3A_215, %scan3A_199 : vector<16xi1>, vector<16xf32>
      %min3A = arith.minimumf %scan3A_196, %get3A_215 : vector<16xf32>
      %max3A = arith.maximumf %scan3A_196, %get3A_215 : vector<16xf32>
      %min3A_221 = arith.minimumf %scan3A_197, %min3A : vector<16xf32>
      %max3A_222 = arith.maximumf %scan3A_197, %min3A : vector<16xf32>
      %max3A_223 = arith.maximumf %scan3A_198, %min3A_221 : vector<16xf32>
      %get3A_224 = arith.index_cast %scan3A_195 : i32 to index
      %get3A_225 = arith.constant 80 : index
      %get3A_226 = tpu.vector_load %arg6[%get3A_224, %get3A_225] {strides = array<i32>} : memref<200x128xf32, #tpu.memory_space<vmem>>, vector<1x16xf32>,
      %get3A_227 = vector.shape_cast %get3A_226 : vector<1x16xf32> to vector<16xf32>
      %add3A_228 = arith.constant 200 : i32
      %add3A_229 = arith.addi %add3A_228, %scan3A_195 : i32
      %eq3A_230 = vector.broadcast %add3A_229 : i32 to vector<16xi32>
      %eq3A_231 = arith.cmpi eq, %get3A_41, %eq3A_230 : vector<16xi32>
      %select_n3A_232 = arith.select %eq3A_231, %get3A_227, %scan3A_203 : vector<16xi1>, vector<16xf32>
      %min3A_233 = arith.minimumf %scan3A_200, %get3A_227 : vector<16xf32>
      %max3A_234 = arith.maximumf %scan3A_200, %get3A_227 : vector<16xf32>
      %min3A_235 = arith.minimumf %scan3A_201, %min3A_233 : vector<16xf32>
      %max3A_236 = arith.maximumf %scan3A_201, %min3A_233 : vector<16xf32>
      %max3A_237 = arith.maximumf %scan3A_202, %min3A_235 : vector<16xf32>
      %get3A_238 = arith.index_cast %scan3A_195 : i32 to index
      %get3A_239 = arith.constant 96 : index
      %get3A_240 = tpu.vector_load %arg6[%get3A_238, %get3A_239] {strides = array<i32>} : memref<200x128xf32, #tpu.memory_space<vmem>>, vector<1x16xf32>,
      %get3A_241 = vector.shape_cast %get3A_240 : vector<1x16xf32> to vector<16xf32>
      %add3A_242 = arith.constant 200 : i32
      %add3A_243 = arith.addi %add3A_242, %scan3A_195 : i32
      %eq3A_244 = vector.broadcast %add3A_243 : i32 to vector<16xi32>
      %eq3A_245 = arith.cmpi eq, %get3A_44, %eq3A_244 : vector<16xi32>
      %select_n3A_246 = arith.select %eq3A_245, %get3A_241, %scan3A_207 : vector<16xi1>, vector<16xf32>
      %min3A_247 = arith.minimumf %scan3A_204, %get3A_241 : vector<16xf32>
      %max3A_248 = arith.maximumf %scan3A_204, %get3A_241 : vector<16xf32>
      %min3A_249 = arith.minimumf %scan3A_205, %min3A_247 : vector<16xf32>
      %max3A_250 = arith.maximumf %scan3A_205, %min3A_247 : vector<16xf32>
      %max3A_251 = arith.maximumf %scan3A_206, %min3A_249 : vector<16xf32>
      %get3A_252 = arith.index_cast %scan3A_195 : i32 to index
      %get3A_253 = arith.constant 112 : index
      %get3A_254 = tpu.vector_load %arg6[%get3A_252, %get3A_253] {strides = array<i32>} : memref<200x128xf32, #tpu.memory_space<vmem>>, vector<1x16xf32>,
      %get3A_255 = vector.shape_cast %get3A_254 : vector<1x16xf32> to vector<16xf32>
      %add3A_256 = arith.constant 200 : i32
      %add3A_257 = arith.addi %add3A_256, %scan3A_195 : i32
      %eq3A_258 = vector.broadcast %add3A_257 : i32 to vector<16xi32>
      %eq3A_259 = arith.cmpi eq, %get3A_47, %eq3A_258 : vector<16xi32>
      %select_n3A_260 = arith.select %eq3A_259, %get3A_255, %scan3A_211 : vector<16xi1>, vector<16xf32>
      %min3A_261 = arith.minimumf %scan3A_208, %get3A_255 : vector<16xf32>
      %max3A_262 = arith.maximumf %scan3A_208, %get3A_255 : vector<16xf32>
      %min3A_263 = arith.minimumf %scan3A_209, %min3A_261 : vector<16xf32>
      %max3A_264 = arith.maximumf %scan3A_209, %min3A_261 : vector<16xf32>
      %max3A_265 = arith.maximumf %scan3A_210, %min3A_263 : vector<16xf32>
      %scan3A_266 = arith.constant 1 : i32
      %scan3A_267 = arith.addi %scan3A_195, %scan3A_266 : i32
      %get3A_268 = arith.index_cast %scan3A_267 : i32 to index
      %get3A_269 = arith.constant 64 : index
      %get3A_270 = tpu.vector_load %arg6[%get3A_268, %get3A_269] {strides = array<i32>} : memref<200x128xf32, #tpu.memory_space<vmem>>, vector<1x16xf32>,
      %get3A_271 = vector.shape_cast %get3A_270 : vector<1x16xf32> to vector<16xf32>
      %add3A_272 = arith.constant 200 : i32
      %add3A_273 = arith.addi %add3A_272, %scan3A_267 : i32
      %eq3A_274 = vector.broadcast %add3A_273 : i32 to vector<16xi32>
      %eq3A_275 = arith.cmpi eq, %get3A_38, %eq3A_274 : vector<16xi32>
      %select_n3A_276 = arith.select %eq3A_275, %get3A_271, %select_n3A_220 : vector<16xi1>, vector<16xf32>
      %min3A_277 = arith.minimumf %max3A, %get3A_271 : vector<16xf32>
      %max3A_278 = arith.maximumf %max3A, %get3A_271 : vector<16xf32>
      %min3A_279 = arith.minimumf %max3A_222, %min3A_277 : vector<16xf32>
      %max3A_280 = arith.maximumf %max3A_222, %min3A_277 : vector<16xf32>
      %max3A_281 = arith.maximumf %max3A_223, %min3A_279 : vector<16xf32>
      %get3A_282 = arith.index_cast %scan3A_267 : i32 to index
      %get3A_283 = arith.constant 80 : index
      %get3A_284 = tpu.vector_load %arg6[%get3A_282, %get3A_283] {strides = array<i32>} : memref<200x128xf32, #tpu.memory_space<vmem>>, vector<1x16xf32>,
      %get3A_285 = vector.shape_cast %get3A_284 : vector<1x16xf32> to vector<16xf32>
      %add3A_286 = arith.constant 200 : i32
      %add3A_287 = arith.addi %add3A_286, %scan3A_267 : i32
      %eq3A_288 = vector.broadcast %add3A_287 : i32 to vector<16xi32>
      %eq3A_289 = arith.cmpi eq, %get3A_41, %eq3A_288 : vector<16xi32>
      %select_n3A_290 = arith.select %eq3A_289, %get3A_285, %select_n3A_232 : vector<16xi1>, vector<16xf32>
      %min3A_291 = arith.minimumf %max3A_234, %get3A_285 : vector<16xf32>
      %max3A_292 = arith.maximumf %max3A_234, %get3A_285 : vector<16xf32>
      %min3A_293 = arith.minimumf %max3A_236, %min3A_291 : vector<16xf32>
      %max3A_294 = arith.maximumf %max3A_236, %min3A_291 : vector<16xf32>
      %max3A_295 = arith.maximumf %max3A_237, %min3A_293 : vector<16xf32>
      %get3A_296 = arith.index_cast %scan3A_267 : i32 to index
      %get3A_297 = arith.constant 96 : index
      %get3A_298 = tpu.vector_load %arg6[%get3A_296, %get3A_297] {strides = array<i32>} : memref<200x128xf32, #tpu.memory_space<vmem>>, vector<1x16xf32>,
      %get3A_299 = vector.shape_cast %get3A_298 : vector<1x16xf32> to vector<16xf32>
      %add3A_300 = arith.constant 200 : i32
      %add3A_301 = arith.addi %add3A_300, %scan3A_267 : i32
      %eq3A_302 = vector.broadcast %add3A_301 : i32 to vector<16xi32>
      %eq3A_303 = arith.cmpi eq, %get3A_44, %eq3A_302 : vector<16xi32>
      %select_n3A_304 = arith.select %eq3A_303, %get3A_299, %select_n3A_246 : vector<16xi1>, vector<16xf32>
      %min3A_305 = arith.minimumf %max3A_248, %get3A_299 : vector<16xf32>
      %max3A_306 = arith.maximumf %max3A_248, %get3A_299 : vector<16xf32>
      %min3A_307 = arith.minimumf %max3A_250, %min3A_305 : vector<16xf32>
      %max3A_308 = arith.maximumf %max3A_250, %min3A_305 : vector<16xf32>
      %max3A_309 = arith.maximumf %max3A_251, %min3A_307 : vector<16xf32>
      %get3A_310 = arith.index_cast %scan3A_267 : i32 to index
      %get3A_311 = arith.constant 112 : index
      %get3A_312 = tpu.vector_load %arg6[%get3A_310, %get3A_311] {strides = array<i32>} : memref<200x128xf32, #tpu.memory_space<vmem>>, vector<1x16xf32>,
      %get3A_313 = vector.shape_cast %get3A_312 : vector<1x16xf32> to vector<16xf32>
      %add3A_314 = arith.constant 200 : i32
      %add3A_315 = arith.addi %add3A_314, %scan3A_267 : i32
      %eq3A_316 = vector.broadcast %add3A_315 : i32 to vector<16xi32>
      %eq3A_317 = arith.cmpi eq, %get3A_47, %eq3A_316 : vector<16xi32>
      %select_n3A_318 = arith.select %eq3A_317, %get3A_313, %select_n3A_260 : vector<16xi1>, vector<16xf32>
      %min3A_319 = arith.minimumf %max3A_262, %get3A_313 : vector<16xf32>
      %max3A_320 = arith.maximumf %max3A_262, %get3A_313 : vector<16xf32>
      %min3A_321 = arith.minimumf %max3A_264, %min3A_319 : vector<16xf32>
      %max3A_322 = arith.maximumf %max3A_264, %min3A_319 : vector<16xf32>
      %max3A_323 = arith.maximumf %max3A_265, %min3A_321 : vector<16xf32>
      scf.yield %max3A_278, %max3A_280, %max3A_281, %select_n3A_276, %max3A_292, %max3A_294, %max3A_295, %select_n3A_290, %max3A_306, %max3A_308, %max3A_309, %select_n3A_304, %max3A_320, %max3A_322, %max3A_323, %select_n3A_318 : vector<16xf32>, vector<16xf32>, vector<16xf32>, vector<16xf32>, vector<16xf32>, vector<16xf32>, vector<16xf32>, vector<16xf32>, vector<16xf32>, vector<16xf32>, vector<16xf32>, vector<16xf32>, vector<16xf32>, vector<16xf32>, vector<16xf32>, vector<16xf32>
    }
    %scan3A_77 = arith.constant 200 : i32
    %dma_wait3A_78 = arith.constant 400 : i32
    %dma_wait3A_79 = tpu.memref_slice %arg2[%dma_wait3A_78, %add3A_4] : memref<1000x16384xf32, #tpu.memory_space<hbm>> -> memref<200x128xf32, #tpu.memory_space<hbm>>
    %dma_wait3A_80 = arith.constant 400 : i32
    %dma_wait3A_81 = tpu.memref_slice %arg2[%dma_wait3A_80, %add3A_4] : memref<1000x16384xf32, #tpu.memory_space<hbm>> -> memref<200x128xf32, #tpu.memory_space<hbm>>
    tpu.wait_dma2 semaphore(%arg14 : memref<!tpu.dma_semaphore, #tpu.memory_space<semaphore_mem>>) src(%dma_wait3A_81 : memref<200x128xf32, #tpu.memory_space<hbm>>) dst(%arg7 : memref<200x128xf32, #tpu.memory_space<vmem>>)
    %scan3A_82 = arith.constant 0 : i32
    %scan3A_83 = arith.constant 200 : i32
    %scan3A_84 = arith.addi %scan3A_82, %scan3A_83 : i32
    %scan3A_85 = arith.constant 2 : i32
    %scan3A_86:16 = scf.for %scan3A_195 = %scan3A_82 to %scan3A_84 step %scan3A_85 iter_args(%scan3A_196 = %scan3A_70#0, %scan3A_197 = %scan3A_70#1, %scan3A_198 = %scan3A_70#2, %scan3A_199 = %scan3A_70#3, %scan3A_200 = %scan3A_70#4, %scan3A_201 = %scan3A_70#5, %scan3A_202 = %scan3A_70#6, %scan3A_203 = %scan3A_70#7, %scan3A_204 = %scan3A_70#8, %scan3A_205 = %scan3A_70#9, %scan3A_206 = %scan3A_70#10, %scan3A_207 = %scan3A_70#11, %scan3A_208 = %scan3A_70#12, %scan3A_209 = %scan3A_70#13, %scan3A_210 = %scan3A_70#14, %scan3A_211 = %scan3A_70#15) -> (vector<16xf32>, vector<16xf32>, vector<16xf32>, vector<16xf32>, vector<16xf32>, vector<16xf32>, vector<16xf32>, vector<16xf32>, vector<16xf32>, vector<16xf32>, vector<16xf32>, vector<16xf32>, vector<16xf32>, vector<16xf32>, vector<16xf32>, vector<16xf32>)  : i32 {
      %get3A_212 = arith.index_cast %scan3A_195 : i32 to index
      %get3A_213 = arith.constant 0 : index
      %get3A_214 = tpu.vector_load %arg7[%get3A_212, %get3A_213] {strides = array<i32>} : memref<200x128xf32, #tpu.memory_space<vmem>>, vector<1x16xf32>,
      %get3A_215 = vector.shape_cast %get3A_214 : vector<1x16xf32> to vector<16xf32>
      %add3A_216 = arith.constant 400 : i32
      %add3A_217 = arith.addi %add3A_216, %scan3A_195 : i32
      %eq3A_218 = vector.broadcast %add3A_217 : i32 to vector<16xi32>
      %eq3A_219 = arith.cmpi eq, %get3A_26, %eq3A_218 : vector<16xi32>
      %select_n3A_220 = arith.select %eq3A_219, %get3A_215, %scan3A_199 : vector<16xi1>, vector<16xf32>
      %min3A = arith.minimumf %scan3A_196, %get3A_215 : vector<16xf32>
      %max3A = arith.maximumf %scan3A_196, %get3A_215 : vector<16xf32>
      %min3A_221 = arith.minimumf %scan3A_197, %min3A : vector<16xf32>
      %max3A_222 = arith.maximumf %scan3A_197, %min3A : vector<16xf32>
      %max3A_223 = arith.maximumf %scan3A_198, %min3A_221 : vector<16xf32>
      %get3A_224 = arith.index_cast %scan3A_195 : i32 to index
      %get3A_225 = arith.constant 16 : index
      %get3A_226 = tpu.vector_load %arg7[%get3A_224, %get3A_225] {strides = array<i32>} : memref<200x128xf32, #tpu.memory_space<vmem>>, vector<1x16xf32>,
      %get3A_227 = vector.shape_cast %get3A_226 : vector<1x16xf32> to vector<16xf32>
      %add3A_228 = arith.constant 400 : i32
      %add3A_229 = arith.addi %add3A_228, %scan3A_195 : i32
      %eq3A_230 = vector.broadcast %add3A_229 : i32 to vector<16xi32>
      %eq3A_231 = arith.cmpi eq, %get3A_29, %eq3A_230 : vector<16xi32>
      %select_n3A_232 = arith.select %eq3A_231, %get3A_227, %scan3A_203 : vector<16xi1>, vector<16xf32>
      %min3A_233 = arith.minimumf %scan3A_200, %get3A_227 : vector<16xf32>
      %max3A_234 = arith.maximumf %scan3A_200, %get3A_227 : vector<16xf32>
      %min3A_235 = arith.minimumf %scan3A_201, %min3A_233 : vector<16xf32>
      %max3A_236 = arith.maximumf %scan3A_201, %min3A_233 : vector<16xf32>
      %max3A_237 = arith.maximumf %scan3A_202, %min3A_235 : vector<16xf32>
      %get3A_238 = arith.index_cast %scan3A_195 : i32 to index
      %get3A_239 = arith.constant 32 : index
      %get3A_240 = tpu.vector_load %arg7[%get3A_238, %get3A_239] {strides = array<i32>} : memref<200x128xf32, #tpu.memory_space<vmem>>, vector<1x16xf32>,
      %get3A_241 = vector.shape_cast %get3A_240 : vector<1x16xf32> to vector<16xf32>
      %add3A_242 = arith.constant 400 : i32
      %add3A_243 = arith.addi %add3A_242, %scan3A_195 : i32
      %eq3A_244 = vector.broadcast %add3A_243 : i32 to vector<16xi32>
      %eq3A_245 = arith.cmpi eq, %get3A_32, %eq3A_244 : vector<16xi32>
      %select_n3A_246 = arith.select %eq3A_245, %get3A_241, %scan3A_207 : vector<16xi1>, vector<16xf32>
      %min3A_247 = arith.minimumf %scan3A_204, %get3A_241 : vector<16xf32>
      %max3A_248 = arith.maximumf %scan3A_204, %get3A_241 : vector<16xf32>
      %min3A_249 = arith.minimumf %scan3A_205, %min3A_247 : vector<16xf32>
      %max3A_250 = arith.maximumf %scan3A_205, %min3A_247 : vector<16xf32>
      %max3A_251 = arith.maximumf %scan3A_206, %min3A_249 : vector<16xf32>
      %get3A_252 = arith.index_cast %scan3A_195 : i32 to index
      %get3A_253 = arith.constant 48 : index
      %get3A_254 = tpu.vector_load %arg7[%get3A_252, %get3A_253] {strides = array<i32>} : memref<200x128xf32, #tpu.memory_space<vmem>>, vector<1x16xf32>,
      %get3A_255 = vector.shape_cast %get3A_254 : vector<1x16xf32> to vector<16xf32>
      %add3A_256 = arith.constant 400 : i32
      %add3A_257 = arith.addi %add3A_256, %scan3A_195 : i32
      %eq3A_258 = vector.broadcast %add3A_257 : i32 to vector<16xi32>
      %eq3A_259 = arith.cmpi eq, %get3A_35, %eq3A_258 : vector<16xi32>
      %select_n3A_260 = arith.select %eq3A_259, %get3A_255, %scan3A_211 : vector<16xi1>, vector<16xf32>
      %min3A_261 = arith.minimumf %scan3A_208, %get3A_255 : vector<16xf32>
      %max3A_262 = arith.maximumf %scan3A_208, %get3A_255 : vector<16xf32>
      %min3A_263 = arith.minimumf %scan3A_209, %min3A_261 : vector<16xf32>
      %max3A_264 = arith.maximumf %scan3A_209, %min3A_261 : vector<16xf32>
      %max3A_265 = arith.maximumf %scan3A_210, %min3A_263 : vector<16xf32>
      %scan3A_266 = arith.constant 1 : i32
      %scan3A_267 = arith.addi %scan3A_195, %scan3A_266 : i32
      %get3A_268 = arith.index_cast %scan3A_267 : i32 to index
      %get3A_269 = arith.constant 0 : index
      %get3A_270 = tpu.vector_load %arg7[%get3A_268, %get3A_269] {strides = array<i32>} : memref<200x128xf32, #tpu.memory_space<vmem>>, vector<1x16xf32>,
      %get3A_271 = vector.shape_cast %get3A_270 : vector<1x16xf32> to vector<16xf32>
      %add3A_272 = arith.constant 400 : i32
      %add3A_273 = arith.addi %add3A_272, %scan3A_267 : i32
      %eq3A_274 = vector.broadcast %add3A_273 : i32 to vector<16xi32>
      %eq3A_275 = arith.cmpi eq, %get3A_26, %eq3A_274 : vector<16xi32>
      %select_n3A_276 = arith.select %eq3A_275, %get3A_271, %select_n3A_220 : vector<16xi1>, vector<16xf32>
      %min3A_277 = arith.minimumf %max3A, %get3A_271 : vector<16xf32>
      %max3A_278 = arith.maximumf %max3A, %get3A_271 : vector<16xf32>
      %min3A_279 = arith.minimumf %max3A_222, %min3A_277 : vector<16xf32>
      %max3A_280 = arith.maximumf %max3A_222, %min3A_277 : vector<16xf32>
      %max3A_281 = arith.maximumf %max3A_223, %min3A_279 : vector<16xf32>
      %get3A_282 = arith.index_cast %scan3A_267 : i32 to index
      %get3A_283 = arith.constant 16 : index
      %get3A_284 = tpu.vector_load %arg7[%get3A_282, %get3A_283] {strides = array<i32>} : memref<200x128xf32, #tpu.memory_space<vmem>>, vector<1x16xf32>,
      %get3A_285 = vector.shape_cast %get3A_284 : vector<1x16xf32> to vector<16xf32>
      %add3A_286 = arith.constant 400 : i32
      %add3A_287 = arith.addi %add3A_286, %scan3A_267 : i32
      %eq3A_288 = vector.broadcast %add3A_287 : i32 to vector<16xi32>
      %eq3A_289 = arith.cmpi eq, %get3A_29, %eq3A_288 : vector<16xi32>
      %select_n3A_290 = arith.select %eq3A_289, %get3A_285, %select_n3A_232 : vector<16xi1>, vector<16xf32>
      %min3A_291 = arith.minimumf %max3A_234, %get3A_285 : vector<16xf32>
      %max3A_292 = arith.maximumf %max3A_234, %get3A_285 : vector<16xf32>
      %min3A_293 = arith.minimumf %max3A_236, %min3A_291 : vector<16xf32>
      %max3A_294 = arith.maximumf %max3A_236, %min3A_291 : vector<16xf32>
      %max3A_295 = arith.maximumf %max3A_237, %min3A_293 : vector<16xf32>
      %get3A_296 = arith.index_cast %scan3A_267 : i32 to index
      %get3A_297 = arith.constant 32 : index
      %get3A_298 = tpu.vector_load %arg7[%get3A_296, %get3A_297] {strides = array<i32>} : memref<200x128xf32, #tpu.memory_space<vmem>>, vector<1x16xf32>,
      %get3A_299 = vector.shape_cast %get3A_298 : vector<1x16xf32> to vector<16xf32>
      %add3A_300 = arith.constant 400 : i32
      %add3A_301 = arith.addi %add3A_300, %scan3A_267 : i32
      %eq3A_302 = vector.broadcast %add3A_301 : i32 to vector<16xi32>
      %eq3A_303 = arith.cmpi eq, %get3A_32, %eq3A_302 : vector<16xi32>
      %select_n3A_304 = arith.select %eq3A_303, %get3A_299, %select_n3A_246 : vector<16xi1>, vector<16xf32>
      %min3A_305 = arith.minimumf %max3A_248, %get3A_299 : vector<16xf32>
      %max3A_306 = arith.maximumf %max3A_248, %get3A_299 : vector<16xf32>
      %min3A_307 = arith.minimumf %max3A_250, %min3A_305 : vector<16xf32>
      %max3A_308 = arith.maximumf %max3A_250, %min3A_305 : vector<16xf32>
      %max3A_309 = arith.maximumf %max3A_251, %min3A_307 : vector<16xf32>
      %get3A_310 = arith.index_cast %scan3A_267 : i32 to index
      %get3A_311 = arith.constant 48 : index
      %get3A_312 = tpu.vector_load %arg7[%get3A_310, %get3A_311] {strides = array<i32>} : memref<200x128xf32, #tpu.memory_space<vmem>>, vector<1x16xf32>,
      %get3A_313 = vector.shape_cast %get3A_312 : vector<1x16xf32> to vector<16xf32>
      %add3A_314 = arith.constant 400 : i32
      %add3A_315 = arith.addi %add3A_314, %scan3A_267 : i32
      %eq3A_316 = vector.broadcast %add3A_315 : i32 to vector<16xi32>
      %eq3A_317 = arith.cmpi eq, %get3A_35, %eq3A_316 : vector<16xi32>
      %select_n3A_318 = arith.select %eq3A_317, %get3A_313, %select_n3A_260 : vector<16xi1>, vector<16xf32>
      %min3A_319 = arith.minimumf %max3A_262, %get3A_313 : vector<16xf32>
      %max3A_320 = arith.maximumf %max3A_262, %get3A_313 : vector<16xf32>
      %min3A_321 = arith.minimumf %max3A_264, %min3A_319 : vector<16xf32>
      %max3A_322 = arith.maximumf %max3A_264, %min3A_319 : vector<16xf32>
      %max3A_323 = arith.maximumf %max3A_265, %min3A_321 : vector<16xf32>
      scf.yield %max3A_278, %max3A_280, %max3A_281, %select_n3A_276, %max3A_292, %max3A_294, %max3A_295, %select_n3A_290, %max3A_306, %max3A_308, %max3A_309, %select_n3A_304, %max3A_320, %max3A_322, %max3A_323, %select_n3A_318 : vector<16xf32>, vector<16xf32>, vector<16xf32>, vector<16xf32>, vector<16xf32>, vector<16xf32>, vector<16xf32>, vector<16xf32>, vector<16xf32>, vector<16xf32>, vector<16xf32>, vector<16xf32>, vector<16xf32>, vector<16xf32>, vector<16xf32>, vector<16xf32>
    }
    %scan3A_87 = arith.constant 200 : i32
    %scan3A_88 = arith.constant 0 : i32
    %scan3A_89 = arith.constant 200 : i32
    %scan3A_90 = arith.addi %scan3A_88, %scan3A_89 : i32
    %scan3A_91 = arith.constant 2 : i32
    %scan3A_92:16 = scf.for %scan3A_195 = %scan3A_88 to %scan3A_90 step %scan3A_91 iter_args(%scan3A_196 = %scan3A_76#0, %scan3A_197 = %scan3A_76#1, %scan3A_198 = %scan3A_76#2, %scan3A_199 = %scan3A_76#3, %scan3A_200 = %scan3A_76#4, %scan3A_201 = %scan3A_76#5, %scan3A_202 = %scan3A_76#6, %scan3A_203 = %scan3A_76#7, %scan3A_204 = %scan3A_76#8, %scan3A_205 = %scan3A_76#9, %scan3A_206 = %scan3A_76#10, %scan3A_207 = %scan3A_76#11, %scan3A_208 = %scan3A_76#12, %scan3A_209 = %scan3A_76#13, %scan3A_210 = %scan3A_76#14, %scan3A_211 = %scan3A_76#15) -> (vector<16xf32>, vector<16xf32>, vector<16xf32>, vector<16xf32>, vector<16xf32>, vector<16xf32>, vector<16xf32>, vector<16xf32>, vector<16xf32>, vector<16xf32>, vector<16xf32>, vector<16xf32>, vector<16xf32>, vector<16xf32>, vector<16xf32>, vector<16xf32>)  : i32 {
      %get3A_212 = arith.index_cast %scan3A_195 : i32 to index
      %get3A_213 = arith.constant 64 : index
      %get3A_214 = tpu.vector_load %arg7[%get3A_212, %get3A_213] {strides = array<i32>} : memref<200x128xf32, #tpu.memory_space<vmem>>, vector<1x16xf32>,
      %get3A_215 = vector.shape_cast %get3A_214 : vector<1x16xf32> to vector<16xf32>
      %add3A_216 = arith.constant 400 : i32
      %add3A_217 = arith.addi %add3A_216, %scan3A_195 : i32
      %eq3A_218 = vector.broadcast %add3A_217 : i32 to vector<16xi32>
      %eq3A_219 = arith.cmpi eq, %get3A_38, %eq3A_218 : vector<16xi32>
      %select_n3A_220 = arith.select %eq3A_219, %get3A_215, %scan3A_199 : vector<16xi1>, vector<16xf32>
      %min3A = arith.minimumf %scan3A_196, %get3A_215 : vector<16xf32>
      %max3A = arith.maximumf %scan3A_196, %get3A_215 : vector<16xf32>
      %min3A_221 = arith.minimumf %scan3A_197, %min3A : vector<16xf32>
      %max3A_222 = arith.maximumf %scan3A_197, %min3A : vector<16xf32>
      %max3A_223 = arith.maximumf %scan3A_198, %min3A_221 : vector<16xf32>
      %get3A_224 = arith.index_cast %scan3A_195 : i32 to index
      %get3A_225 = arith.constant 80 : index
      %get3A_226 = tpu.vector_load %arg7[%get3A_224, %get3A_225] {strides = array<i32>} : memref<200x128xf32, #tpu.memory_space<vmem>>, vector<1x16xf32>,
      %get3A_227 = vector.shape_cast %get3A_226 : vector<1x16xf32> to vector<16xf32>
      %add3A_228 = arith.constant 400 : i32
      %add3A_229 = arith.addi %add3A_228, %scan3A_195 : i32
      %eq3A_230 = vector.broadcast %add3A_229 : i32 to vector<16xi32>
      %eq3A_231 = arith.cmpi eq, %get3A_41, %eq3A_230 : vector<16xi32>
      %select_n3A_232 = arith.select %eq3A_231, %get3A_227, %scan3A_203 : vector<16xi1>, vector<16xf32>
      %min3A_233 = arith.minimumf %scan3A_200, %get3A_227 : vector<16xf32>
      %max3A_234 = arith.maximumf %scan3A_200, %get3A_227 : vector<16xf32>
      %min3A_235 = arith.minimumf %scan3A_201, %min3A_233 : vector<16xf32>
      %max3A_236 = arith.maximumf %scan3A_201, %min3A_233 : vector<16xf32>
      %max3A_237 = arith.maximumf %scan3A_202, %min3A_235 : vector<16xf32>
      %get3A_238 = arith.index_cast %scan3A_195 : i32 to index
      %get3A_239 = arith.constant 96 : index
      %get3A_240 = tpu.vector_load %arg7[%get3A_238, %get3A_239] {strides = array<i32>} : memref<200x128xf32, #tpu.memory_space<vmem>>, vector<1x16xf32>,
      %get3A_241 = vector.shape_cast %get3A_240 : vector<1x16xf32> to vector<16xf32>
      %add3A_242 = arith.constant 400 : i32
      %add3A_243 = arith.addi %add3A_242, %scan3A_195 : i32
      %eq3A_244 = vector.broadcast %add3A_243 : i32 to vector<16xi32>
      %eq3A_245 = arith.cmpi eq, %get3A_44, %eq3A_244 : vector<16xi32>
      %select_n3A_246 = arith.select %eq3A_245, %get3A_241, %scan3A_207 : vector<16xi1>, vector<16xf32>
      %min3A_247 = arith.minimumf %scan3A_204, %get3A_241 : vector<16xf32>
      %max3A_248 = arith.maximumf %scan3A_204, %get3A_241 : vector<16xf32>
      %min3A_249 = arith.minimumf %scan3A_205, %min3A_247 : vector<16xf32>
      %max3A_250 = arith.maximumf %scan3A_205, %min3A_247 : vector<16xf32>
      %max3A_251 = arith.maximumf %scan3A_206, %min3A_249 : vector<16xf32>
      %get3A_252 = arith.index_cast %scan3A_195 : i32 to index
      %get3A_253 = arith.constant 112 : index
      %get3A_254 = tpu.vector_load %arg7[%get3A_252, %get3A_253] {strides = array<i32>} : memref<200x128xf32, #tpu.memory_space<vmem>>, vector<1x16xf32>,
      %get3A_255 = vector.shape_cast %get3A_254 : vector<1x16xf32> to vector<16xf32>
      %add3A_256 = arith.constant 400 : i32
      %add3A_257 = arith.addi %add3A_256, %scan3A_195 : i32
      %eq3A_258 = vector.broadcast %add3A_257 : i32 to vector<16xi32>
      %eq3A_259 = arith.cmpi eq, %get3A_47, %eq3A_258 : vector<16xi32>
      %select_n3A_260 = arith.select %eq3A_259, %get3A_255, %scan3A_211 : vector<16xi1>, vector<16xf32>
      %min3A_261 = arith.minimumf %scan3A_208, %get3A_255 : vector<16xf32>
      %max3A_262 = arith.maximumf %scan3A_208, %get3A_255 : vector<16xf32>
      %min3A_263 = arith.minimumf %scan3A_209, %min3A_261 : vector<16xf32>
      %max3A_264 = arith.maximumf %scan3A_209, %min3A_261 : vector<16xf32>
      %max3A_265 = arith.maximumf %scan3A_210, %min3A_263 : vector<16xf32>
      %scan3A_266 = arith.constant 1 : i32
      %scan3A_267 = arith.addi %scan3A_195, %scan3A_266 : i32
      %get3A_268 = arith.index_cast %scan3A_267 : i32 to index
      %get3A_269 = arith.constant 64 : index
      %get3A_270 = tpu.vector_load %arg7[%get3A_268, %get3A_269] {strides = array<i32>} : memref<200x128xf32, #tpu.memory_space<vmem>>, vector<1x16xf32>,
      %get3A_271 = vector.shape_cast %get3A_270 : vector<1x16xf32> to vector<16xf32>
      %add3A_272 = arith.constant 400 : i32
      %add3A_273 = arith.addi %add3A_272, %scan3A_267 : i32
      %eq3A_274 = vector.broadcast %add3A_273 : i32 to vector<16xi32>
      %eq3A_275 = arith.cmpi eq, %get3A_38, %eq3A_274 : vector<16xi32>
      %select_n3A_276 = arith.select %eq3A_275, %get3A_271, %select_n3A_220 : vector<16xi1>, vector<16xf32>
      %min3A_277 = arith.minimumf %max3A, %get3A_271 : vector<16xf32>
      %max3A_278 = arith.maximumf %max3A, %get3A_271 : vector<16xf32>
      %min3A_279 = arith.minimumf %max3A_222, %min3A_277 : vector<16xf32>
      %max3A_280 = arith.maximumf %max3A_222, %min3A_277 : vector<16xf32>
      %max3A_281 = arith.maximumf %max3A_223, %min3A_279 : vector<16xf32>
      %get3A_282 = arith.index_cast %scan3A_267 : i32 to index
      %get3A_283 = arith.constant 80 : index
      %get3A_284 = tpu.vector_load %arg7[%get3A_282, %get3A_283] {strides = array<i32>} : memref<200x128xf32, #tpu.memory_space<vmem>>, vector<1x16xf32>,
      %get3A_285 = vector.shape_cast %get3A_284 : vector<1x16xf32> to vector<16xf32>
      %add3A_286 = arith.constant 400 : i32
      %add3A_287 = arith.addi %add3A_286, %scan3A_267 : i32
      %eq3A_288 = vector.broadcast %add3A_287 : i32 to vector<16xi32>
      %eq3A_289 = arith.cmpi eq, %get3A_41, %eq3A_288 : vector<16xi32>
      %select_n3A_290 = arith.select %eq3A_289, %get3A_285, %select_n3A_232 : vector<16xi1>, vector<16xf32>
      %min3A_291 = arith.minimumf %max3A_234, %get3A_285 : vector<16xf32>
      %max3A_292 = arith.maximumf %max3A_234, %get3A_285 : vector<16xf32>
      %min3A_293 = arith.minimumf %max3A_236, %min3A_291 : vector<16xf32>
      %max3A_294 = arith.maximumf %max3A_236, %min3A_291 : vector<16xf32>
      %max3A_295 = arith.maximumf %max3A_237, %min3A_293 : vector<16xf32>
      %get3A_296 = arith.index_cast %scan3A_267 : i32 to index
      %get3A_297 = arith.constant 96 : index
      %get3A_298 = tpu.vector_load %arg7[%get3A_296, %get3A_297] {strides = array<i32>} : memref<200x128xf32, #tpu.memory_space<vmem>>, vector<1x16xf32>,
      %get3A_299 = vector.shape_cast %get3A_298 : vector<1x16xf32> to vector<16xf32>
      %add3A_300 = arith.constant 400 : i32
      %add3A_301 = arith.addi %add3A_300, %scan3A_267 : i32
      %eq3A_302 = vector.broadcast %add3A_301 : i32 to vector<16xi32>
      %eq3A_303 = arith.cmpi eq, %get3A_44, %eq3A_302 : vector<16xi32>
      %select_n3A_304 = arith.select %eq3A_303, %get3A_299, %select_n3A_246 : vector<16xi1>, vector<16xf32>
      %min3A_305 = arith.minimumf %max3A_248, %get3A_299 : vector<16xf32>
      %max3A_306 = arith.maximumf %max3A_248, %get3A_299 : vector<16xf32>
      %min3A_307 = arith.minimumf %max3A_250, %min3A_305 : vector<16xf32>
      %max3A_308 = arith.maximumf %max3A_250, %min3A_305 : vector<16xf32>
      %max3A_309 = arith.maximumf %max3A_251, %min3A_307 : vector<16xf32>
      %get3A_310 = arith.index_cast %scan3A_267 : i32 to index
      %get3A_311 = arith.constant 112 : index
      %get3A_312 = tpu.vector_load %arg7[%get3A_310, %get3A_311] {strides = array<i32>} : memref<200x128xf32, #tpu.memory_space<vmem>>, vector<1x16xf32>,
      %get3A_313 = vector.shape_cast %get3A_312 : vector<1x16xf32> to vector<16xf32>
      %add3A_314 = arith.constant 400 : i32
      %add3A_315 = arith.addi %add3A_314, %scan3A_267 : i32
      %eq3A_316 = vector.broadcast %add3A_315 : i32 to vector<16xi32>
      %eq3A_317 = arith.cmpi eq, %get3A_47, %eq3A_316 : vector<16xi32>
      %select_n3A_318 = arith.select %eq3A_317, %get3A_313, %select_n3A_260 : vector<16xi1>, vector<16xf32>
      %min3A_319 = arith.minimumf %max3A_262, %get3A_313 : vector<16xf32>
      %max3A_320 = arith.maximumf %max3A_262, %get3A_313 : vector<16xf32>
      %min3A_321 = arith.minimumf %max3A_264, %min3A_319 : vector<16xf32>
      %max3A_322 = arith.maximumf %max3A_264, %min3A_319 : vector<16xf32>
      %max3A_323 = arith.maximumf %max3A_265, %min3A_321 : vector<16xf32>
      scf.yield %max3A_278, %max3A_280, %max3A_281, %select_n3A_276, %max3A_292, %max3A_294, %max3A_295, %select_n3A_290, %max3A_306, %max3A_308, %max3A_309, %select_n3A_304, %max3A_320, %max3A_322, %max3A_323, %select_n3A_318 : vector<16xf32>, vector<16xf32>, vector<16xf32>, vector<16xf32>, vector<16xf32>, vector<16xf32>, vector<16xf32>, vector<16xf32>, vector<16xf32>, vector<16xf32>, vector<16xf32>, vector<16xf32>, vector<16xf32>, vector<16xf32>, vector<16xf32>, vector<16xf32>
    }
    %scan3A_93 = arith.constant 200 : i32
    %dma_wait3A_94 = arith.constant 600 : i32
    %dma_wait3A_95 = tpu.memref_slice %arg2[%dma_wait3A_94, %add3A_4] : memref<1000x16384xf32, #tpu.memory_space<hbm>> -> memref<200x128xf32, #tpu.memory_space<hbm>>
    %dma_wait3A_96 = arith.constant 600 : i32
    %dma_wait3A_97 = tpu.memref_slice %arg2[%dma_wait3A_96, %add3A_4] : memref<1000x16384xf32, #tpu.memory_space<hbm>> -> memref<200x128xf32, #tpu.memory_space<hbm>>
    tpu.wait_dma2 semaphore(%arg15 : memref<!tpu.dma_semaphore, #tpu.memory_space<semaphore_mem>>) src(%dma_wait3A_97 : memref<200x128xf32, #tpu.memory_space<hbm>>) dst(%arg8 : memref<200x128xf32, #tpu.memory_space<vmem>>)
    %scan3A_98 = arith.constant 0 : i32
    %scan3A_99 = arith.constant 200 : i32
    %scan3A_100 = arith.addi %scan3A_98, %scan3A_99 : i32
    %scan3A_101 = arith.constant 2 : i32
    %scan3A_102:16 = scf.for %scan3A_195 = %scan3A_98 to %scan3A_100 step %scan3A_101 iter_args(%scan3A_196 = %scan3A_86#0, %scan3A_197 = %scan3A_86#1, %scan3A_198 = %scan3A_86#2, %scan3A_199 = %scan3A_86#3, %scan3A_200 = %scan3A_86#4, %scan3A_201 = %scan3A_86#5, %scan3A_202 = %scan3A_86#6, %scan3A_203 = %scan3A_86#7, %scan3A_204 = %scan3A_86#8, %scan3A_205 = %scan3A_86#9, %scan3A_206 = %scan3A_86#10, %scan3A_207 = %scan3A_86#11, %scan3A_208 = %scan3A_86#12, %scan3A_209 = %scan3A_86#13, %scan3A_210 = %scan3A_86#14, %scan3A_211 = %scan3A_86#15) -> (vector<16xf32>, vector<16xf32>, vector<16xf32>, vector<16xf32>, vector<16xf32>, vector<16xf32>, vector<16xf32>, vector<16xf32>, vector<16xf32>, vector<16xf32>, vector<16xf32>, vector<16xf32>, vector<16xf32>, vector<16xf32>, vector<16xf32>, vector<16xf32>)  : i32 {
      %get3A_212 = arith.index_cast %scan3A_195 : i32 to index
      %get3A_213 = arith.constant 0 : index
      %get3A_214 = tpu.vector_load %arg8[%get3A_212, %get3A_213] {strides = array<i32>} : memref<200x128xf32, #tpu.memory_space<vmem>>, vector<1x16xf32>,
      %get3A_215 = vector.shape_cast %get3A_214 : vector<1x16xf32> to vector<16xf32>
      %add3A_216 = arith.constant 600 : i32
      %add3A_217 = arith.addi %add3A_216, %scan3A_195 : i32
      %eq3A_218 = vector.broadcast %add3A_217 : i32 to vector<16xi32>
      %eq3A_219 = arith.cmpi eq, %get3A_26, %eq3A_218 : vector<16xi32>
      %select_n3A_220 = arith.select %eq3A_219, %get3A_215, %scan3A_199 : vector<16xi1>, vector<16xf32>
      %min3A = arith.minimumf %scan3A_196, %get3A_215 : vector<16xf32>
      %max3A = arith.maximumf %scan3A_196, %get3A_215 : vector<16xf32>
      %min3A_221 = arith.minimumf %scan3A_197, %min3A : vector<16xf32>
      %max3A_222 = arith.maximumf %scan3A_197, %min3A : vector<16xf32>
      %max3A_223 = arith.maximumf %scan3A_198, %min3A_221 : vector<16xf32>
      %get3A_224 = arith.index_cast %scan3A_195 : i32 to index
      %get3A_225 = arith.constant 16 : index
      %get3A_226 = tpu.vector_load %arg8[%get3A_224, %get3A_225] {strides = array<i32>} : memref<200x128xf32, #tpu.memory_space<vmem>>, vector<1x16xf32>,
      %get3A_227 = vector.shape_cast %get3A_226 : vector<1x16xf32> to vector<16xf32>
      %add3A_228 = arith.constant 600 : i32
      %add3A_229 = arith.addi %add3A_228, %scan3A_195 : i32
      %eq3A_230 = vector.broadcast %add3A_229 : i32 to vector<16xi32>
      %eq3A_231 = arith.cmpi eq, %get3A_29, %eq3A_230 : vector<16xi32>
      %select_n3A_232 = arith.select %eq3A_231, %get3A_227, %scan3A_203 : vector<16xi1>, vector<16xf32>
      %min3A_233 = arith.minimumf %scan3A_200, %get3A_227 : vector<16xf32>
      %max3A_234 = arith.maximumf %scan3A_200, %get3A_227 : vector<16xf32>
      %min3A_235 = arith.minimumf %scan3A_201, %min3A_233 : vector<16xf32>
      %max3A_236 = arith.maximumf %scan3A_201, %min3A_233 : vector<16xf32>
      %max3A_237 = arith.maximumf %scan3A_202, %min3A_235 : vector<16xf32>
      %get3A_238 = arith.index_cast %scan3A_195 : i32 to index
      %get3A_239 = arith.constant 32 : index
      %get3A_240 = tpu.vector_load %arg8[%get3A_238, %get3A_239] {strides = array<i32>} : memref<200x128xf32, #tpu.memory_space<vmem>>, vector<1x16xf32>,
      %get3A_241 = vector.shape_cast %get3A_240 : vector<1x16xf32> to vector<16xf32>
      %add3A_242 = arith.constant 600 : i32
      %add3A_243 = arith.addi %add3A_242, %scan3A_195 : i32
      %eq3A_244 = vector.broadcast %add3A_243 : i32 to vector<16xi32>
      %eq3A_245 = arith.cmpi eq, %get3A_32, %eq3A_244 : vector<16xi32>
      %select_n3A_246 = arith.select %eq3A_245, %get3A_241, %scan3A_207 : vector<16xi1>, vector<16xf32>
      %min3A_247 = arith.minimumf %scan3A_204, %get3A_241 : vector<16xf32>
      %max3A_248 = arith.maximumf %scan3A_204, %get3A_241 : vector<16xf32>
      %min3A_249 = arith.minimumf %scan3A_205, %min3A_247 : vector<16xf32>
      %max3A_250 = arith.maximumf %scan3A_205, %min3A_247 : vector<16xf32>
      %max3A_251 = arith.maximumf %scan3A_206, %min3A_249 : vector<16xf32>
      %get3A_252 = arith.index_cast %scan3A_195 : i32 to index
      %get3A_253 = arith.constant 48 : index
      %get3A_254 = tpu.vector_load %arg8[%get3A_252, %get3A_253] {strides = array<i32>} : memref<200x128xf32, #tpu.memory_space<vmem>>, vector<1x16xf32>,
      %get3A_255 = vector.shape_cast %get3A_254 : vector<1x16xf32> to vector<16xf32>
      %add3A_256 = arith.constant 600 : i32
      %add3A_257 = arith.addi %add3A_256, %scan3A_195 : i32
      %eq3A_258 = vector.broadcast %add3A_257 : i32 to vector<16xi32>
      %eq3A_259 = arith.cmpi eq, %get3A_35, %eq3A_258 : vector<16xi32>
      %select_n3A_260 = arith.select %eq3A_259, %get3A_255, %scan3A_211 : vector<16xi1>, vector<16xf32>
      %min3A_261 = arith.minimumf %scan3A_208, %get3A_255 : vector<16xf32>
      %max3A_262 = arith.maximumf %scan3A_208, %get3A_255 : vector<16xf32>
      %min3A_263 = arith.minimumf %scan3A_209, %min3A_261 : vector<16xf32>
      %max3A_264 = arith.maximumf %scan3A_209, %min3A_261 : vector<16xf32>
      %max3A_265 = arith.maximumf %scan3A_210, %min3A_263 : vector<16xf32>
      %scan3A_266 = arith.constant 1 : i32
      %scan3A_267 = arith.addi %scan3A_195, %scan3A_266 : i32
      %get3A_268 = arith.index_cast %scan3A_267 : i32 to index
      %get3A_269 = arith.constant 0 : index
      %get3A_270 = tpu.vector_load %arg8[%get3A_268, %get3A_269] {strides = array<i32>} : memref<200x128xf32, #tpu.memory_space<vmem>>, vector<1x16xf32>,
      %get3A_271 = vector.shape_cast %get3A_270 : vector<1x16xf32> to vector<16xf32>
      %add3A_272 = arith.constant 600 : i32
      %add3A_273 = arith.addi %add3A_272, %scan3A_267 : i32
      %eq3A_274 = vector.broadcast %add3A_273 : i32 to vector<16xi32>
      %eq3A_275 = arith.cmpi eq, %get3A_26, %eq3A_274 : vector<16xi32>
      %select_n3A_276 = arith.select %eq3A_275, %get3A_271, %select_n3A_220 : vector<16xi1>, vector<16xf32>
      %min3A_277 = arith.minimumf %max3A, %get3A_271 : vector<16xf32>
      %max3A_278 = arith.maximumf %max3A, %get3A_271 : vector<16xf32>
      %min3A_279 = arith.minimumf %max3A_222, %min3A_277 : vector<16xf32>
      %max3A_280 = arith.maximumf %max3A_222, %min3A_277 : vector<16xf32>
      %max3A_281 = arith.maximumf %max3A_223, %min3A_279 : vector<16xf32>
      %get3A_282 = arith.index_cast %scan3A_267 : i32 to index
      %get3A_283 = arith.constant 16 : index
      %get3A_284 = tpu.vector_load %arg8[%get3A_282, %get3A_283] {strides = array<i32>} : memref<200x128xf32, #tpu.memory_space<vmem>>, vector<1x16xf32>,
      %get3A_285 = vector.shape_cast %get3A_284 : vector<1x16xf32> to vector<16xf32>
      %add3A_286 = arith.constant 600 : i32
      %add3A_287 = arith.addi %add3A_286, %scan3A_267 : i32
      %eq3A_288 = vector.broadcast %add3A_287 : i32 to vector<16xi32>
      %eq3A_289 = arith.cmpi eq, %get3A_29, %eq3A_288 : vector<16xi32>
      %select_n3A_290 = arith.select %eq3A_289, %get3A_285, %select_n3A_232 : vector<16xi1>, vector<16xf32>
      %min3A_291 = arith.minimumf %max3A_234, %get3A_285 : vector<16xf32>
      %max3A_292 = arith.maximumf %max3A_234, %get3A_285 : vector<16xf32>
      %min3A_293 = arith.minimumf %max3A_236, %min3A_291 : vector<16xf32>
      %max3A_294 = arith.maximumf %max3A_236, %min3A_291 : vector<16xf32>
      %max3A_295 = arith.maximumf %max3A_237, %min3A_293 : vector<16xf32>
      %get3A_296 = arith.index_cast %scan3A_267 : i32 to index
      %get3A_297 = arith.constant 32 : index
      %get3A_298 = tpu.vector_load %arg8[%get3A_296, %get3A_297] {strides = array<i32>} : memref<200x128xf32, #tpu.memory_space<vmem>>, vector<1x16xf32>,
      %get3A_299 = vector.shape_cast %get3A_298 : vector<1x16xf32> to vector<16xf32>
      %add3A_300 = arith.constant 600 : i32
      %add3A_301 = arith.addi %add3A_300, %scan3A_267 : i32
      %eq3A_302 = vector.broadcast %add3A_301 : i32 to vector<16xi32>
      %eq3A_303 = arith.cmpi eq, %get3A_32, %eq3A_302 : vector<16xi32>
      %select_n3A_304 = arith.select %eq3A_303, %get3A_299, %select_n3A_246 : vector<16xi1>, vector<16xf32>
      %min3A_305 = arith.minimumf %max3A_248, %get3A_299 : vector<16xf32>
      %max3A_306 = arith.maximumf %max3A_248, %get3A_299 : vector<16xf32>
      %min3A_307 = arith.minimumf %max3A_250, %min3A_305 : vector<16xf32>
      %max3A_308 = arith.maximumf %max3A_250, %min3A_305 : vector<16xf32>
      %max3A_309 = arith.maximumf %max3A_251, %min3A_307 : vector<16xf32>
      %get3A_310 = arith.index_cast %scan3A_267 : i32 to index
      %get3A_311 = arith.constant 48 : index
      %get3A_312 = tpu.vector_load %arg8[%get3A_310, %get3A_311] {strides = array<i32>} : memref<200x128xf32, #tpu.memory_space<vmem>>, vector<1x16xf32>,
      %get3A_313 = vector.shape_cast %get3A_312 : vector<1x16xf32> to vector<16xf32>
      %add3A_314 = arith.constant 600 : i32
      %add3A_315 = arith.addi %add3A_314, %scan3A_267 : i32
      %eq3A_316 = vector.broadcast %add3A_315 : i32 to vector<16xi32>
      %eq3A_317 = arith.cmpi eq, %get3A_35, %eq3A_316 : vector<16xi32>
      %select_n3A_318 = arith.select %eq3A_317, %get3A_313, %select_n3A_260 : vector<16xi1>, vector<16xf32>
      %min3A_319 = arith.minimumf %max3A_262, %get3A_313 : vector<16xf32>
      %max3A_320 = arith.maximumf %max3A_262, %get3A_313 : vector<16xf32>
      %min3A_321 = arith.minimumf %max3A_264, %min3A_319 : vector<16xf32>
      %max3A_322 = arith.maximumf %max3A_264, %min3A_319 : vector<16xf32>
      %max3A_323 = arith.maximumf %max3A_265, %min3A_321 : vector<16xf32>
      scf.yield %max3A_278, %max3A_280, %max3A_281, %select_n3A_276, %max3A_292, %max3A_294, %max3A_295, %select_n3A_290, %max3A_306, %max3A_308, %max3A_309, %select_n3A_304, %max3A_320, %max3A_322, %max3A_323, %select_n3A_318 : vector<16xf32>, vector<16xf32>, vector<16xf32>, vector<16xf32>, vector<16xf32>, vector<16xf32>, vector<16xf32>, vector<16xf32>, vector<16xf32>, vector<16xf32>, vector<16xf32>, vector<16xf32>, vector<16xf32>, vector<16xf32>, vector<16xf32>, vector<16xf32>
    }
    %scan3A_103 = arith.constant 200 : i32
    %scan3A_104 = arith.constant 0 : i32
    %scan3A_105 = arith.constant 200 : i32
    %scan3A_106 = arith.addi %scan3A_104, %scan3A_105 : i32
    %scan3A_107 = arith.constant 2 : i32
    %scan3A_108:16 = scf.for %scan3A_195 = %scan3A_104 to %scan3A_106 step %scan3A_107 iter_args(%scan3A_196 = %scan3A_92#0, %scan3A_197 = %scan3A_92#1, %scan3A_198 = %scan3A_92#2, %scan3A_199 = %scan3A_92#3, %scan3A_200 = %scan3A_92#4, %scan3A_201 = %scan3A_92#5, %scan3A_202 = %scan3A_92#6, %scan3A_203 = %scan3A_92#7, %scan3A_204 = %scan3A_92#8, %scan3A_205 = %scan3A_92#9, %scan3A_206 = %scan3A_92#10, %scan3A_207 = %scan3A_92#11, %scan3A_208 = %scan3A_92#12, %scan3A_209 = %scan3A_92#13, %scan3A_210 = %scan3A_92#14, %scan3A_211 = %scan3A_92#15) -> (vector<16xf32>, vector<16xf32>, vector<16xf32>, vector<16xf32>, vector<16xf32>, vector<16xf32>, vector<16xf32>, vector<16xf32>, vector<16xf32>, vector<16xf32>, vector<16xf32>, vector<16xf32>, vector<16xf32>, vector<16xf32>, vector<16xf32>, vector<16xf32>)  : i32 {
      %get3A_212 = arith.index_cast %scan3A_195 : i32 to index
      %get3A_213 = arith.constant 64 : index
      %get3A_214 = tpu.vector_load %arg8[%get3A_212, %get3A_213] {strides = array<i32>} : memref<200x128xf32, #tpu.memory_space<vmem>>, vector<1x16xf32>,
      %get3A_215 = vector.shape_cast %get3A_214 : vector<1x16xf32> to vector<16xf32>
      %add3A_216 = arith.constant 600 : i32
      %add3A_217 = arith.addi %add3A_216, %scan3A_195 : i32
      %eq3A_218 = vector.broadcast %add3A_217 : i32 to vector<16xi32>
      %eq3A_219 = arith.cmpi eq, %get3A_38, %eq3A_218 : vector<16xi32>
      %select_n3A_220 = arith.select %eq3A_219, %get3A_215, %scan3A_199 : vector<16xi1>, vector<16xf32>
      %min3A = arith.minimumf %scan3A_196, %get3A_215 : vector<16xf32>
      %max3A = arith.maximumf %scan3A_196, %get3A_215 : vector<16xf32>
      %min3A_221 = arith.minimumf %scan3A_197, %min3A : vector<16xf32>
      %max3A_222 = arith.maximumf %scan3A_197, %min3A : vector<16xf32>
      %max3A_223 = arith.maximumf %scan3A_198, %min3A_221 : vector<16xf32>
      %get3A_224 = arith.index_cast %scan3A_195 : i32 to index
      %get3A_225 = arith.constant 80 : index
      %get3A_226 = tpu.vector_load %arg8[%get3A_224, %get3A_225] {strides = array<i32>} : memref<200x128xf32, #tpu.memory_space<vmem>>, vector<1x16xf32>,
      %get3A_227 = vector.shape_cast %get3A_226 : vector<1x16xf32> to vector<16xf32>
      %add3A_228 = arith.constant 600 : i32
      %add3A_229 = arith.addi %add3A_228, %scan3A_195 : i32
      %eq3A_230 = vector.broadcast %add3A_229 : i32 to vector<16xi32>
      %eq3A_231 = arith.cmpi eq, %get3A_41, %eq3A_230 : vector<16xi32>
      %select_n3A_232 = arith.select %eq3A_231, %get3A_227, %scan3A_203 : vector<16xi1>, vector<16xf32>
      %min3A_233 = arith.minimumf %scan3A_200, %get3A_227 : vector<16xf32>
      %max3A_234 = arith.maximumf %scan3A_200, %get3A_227 : vector<16xf32>
      %min3A_235 = arith.minimumf %scan3A_201, %min3A_233 : vector<16xf32>
      %max3A_236 = arith.maximumf %scan3A_201, %min3A_233 : vector<16xf32>
      %max3A_237 = arith.maximumf %scan3A_202, %min3A_235 : vector<16xf32>
      %get3A_238 = arith.index_cast %scan3A_195 : i32 to index
      %get3A_239 = arith.constant 96 : index
      %get3A_240 = tpu.vector_load %arg8[%get3A_238, %get3A_239] {strides = array<i32>} : memref<200x128xf32, #tpu.memory_space<vmem>>, vector<1x16xf32>,
      %get3A_241 = vector.shape_cast %get3A_240 : vector<1x16xf32> to vector<16xf32>
      %add3A_242 = arith.constant 600 : i32
      %add3A_243 = arith.addi %add3A_242, %scan3A_195 : i32
      %eq3A_244 = vector.broadcast %add3A_243 : i32 to vector<16xi32>
      %eq3A_245 = arith.cmpi eq, %get3A_44, %eq3A_244 : vector<16xi32>
      %select_n3A_246 = arith.select %eq3A_245, %get3A_241, %scan3A_207 : vector<16xi1>, vector<16xf32>
      %min3A_247 = arith.minimumf %scan3A_204, %get3A_241 : vector<16xf32>
      %max3A_248 = arith.maximumf %scan3A_204, %get3A_241 : vector<16xf32>
      %min3A_249 = arith.minimumf %scan3A_205, %min3A_247 : vector<16xf32>
      %max3A_250 = arith.maximumf %scan3A_205, %min3A_247 : vector<16xf32>
      %max3A_251 = arith.maximumf %scan3A_206, %min3A_249 : vector<16xf32>
      %get3A_252 = arith.index_cast %scan3A_195 : i32 to index
      %get3A_253 = arith.constant 112 : index
      %get3A_254 = tpu.vector_load %arg8[%get3A_252, %get3A_253] {strides = array<i32>} : memref<200x128xf32, #tpu.memory_space<vmem>>, vector<1x16xf32>,
      %get3A_255 = vector.shape_cast %get3A_254 : vector<1x16xf32> to vector<16xf32>
      %add3A_256 = arith.constant 600 : i32
      %add3A_257 = arith.addi %add3A_256, %scan3A_195 : i32
      %eq3A_258 = vector.broadcast %add3A_257 : i32 to vector<16xi32>
      %eq3A_259 = arith.cmpi eq, %get3A_47, %eq3A_258 : vector<16xi32>
      %select_n3A_260 = arith.select %eq3A_259, %get3A_255, %scan3A_211 : vector<16xi1>, vector<16xf32>
      %min3A_261 = arith.minimumf %scan3A_208, %get3A_255 : vector<16xf32>
      %max3A_262 = arith.maximumf %scan3A_208, %get3A_255 : vector<16xf32>
      %min3A_263 = arith.minimumf %scan3A_209, %min3A_261 : vector<16xf32>
      %max3A_264 = arith.maximumf %scan3A_209, %min3A_261 : vector<16xf32>
      %max3A_265 = arith.maximumf %scan3A_210, %min3A_263 : vector<16xf32>
      %scan3A_266 = arith.constant 1 : i32
      %scan3A_267 = arith.addi %scan3A_195, %scan3A_266 : i32
      %get3A_268 = arith.index_cast %scan3A_267 : i32 to index
      %get3A_269 = arith.constant 64 : index
      %get3A_270 = tpu.vector_load %arg8[%get3A_268, %get3A_269] {strides = array<i32>} : memref<200x128xf32, #tpu.memory_space<vmem>>, vector<1x16xf32>,
      %get3A_271 = vector.shape_cast %get3A_270 : vector<1x16xf32> to vector<16xf32>
      %add3A_272 = arith.constant 600 : i32
      %add3A_273 = arith.addi %add3A_272, %scan3A_267 : i32
      %eq3A_274 = vector.broadcast %add3A_273 : i32 to vector<16xi32>
      %eq3A_275 = arith.cmpi eq, %get3A_38, %eq3A_274 : vector<16xi32>
      %select_n3A_276 = arith.select %eq3A_275, %get3A_271, %select_n3A_220 : vector<16xi1>, vector<16xf32>
      %min3A_277 = arith.minimumf %max3A, %get3A_271 : vector<16xf32>
      %max3A_278 = arith.maximumf %max3A, %get3A_271 : vector<16xf32>
      %min3A_279 = arith.minimumf %max3A_222, %min3A_277 : vector<16xf32>
      %max3A_280 = arith.maximumf %max3A_222, %min3A_277 : vector<16xf32>
      %max3A_281 = arith.maximumf %max3A_223, %min3A_279 : vector<16xf32>
      %get3A_282 = arith.index_cast %scan3A_267 : i32 to index
      %get3A_283 = arith.constant 80 : index
      %get3A_284 = tpu.vector_load %arg8[%get3A_282, %get3A_283] {strides = array<i32>} : memref<200x128xf32, #tpu.memory_space<vmem>>, vector<1x16xf32>,
      %get3A_285 = vector.shape_cast %get3A_284 : vector<1x16xf32> to vector<16xf32>
      %add3A_286 = arith.constant 600 : i32
      %add3A_287 = arith.addi %add3A_286, %scan3A_267 : i32
      %eq3A_288 = vector.broadcast %add3A_287 : i32 to vector<16xi32>
      %eq3A_289 = arith.cmpi eq, %get3A_41, %eq3A_288 : vector<16xi32>
      %select_n3A_290 = arith.select %eq3A_289, %get3A_285, %select_n3A_232 : vector<16xi1>, vector<16xf32>
      %min3A_291 = arith.minimumf %max3A_234, %get3A_285 : vector<16xf32>
      %max3A_292 = arith.maximumf %max3A_234, %get3A_285 : vector<16xf32>
      %min3A_293 = arith.minimumf %max3A_236, %min3A_291 : vector<16xf32>
      %max3A_294 = arith.maximumf %max3A_236, %min3A_291 : vector<16xf32>
      %max3A_295 = arith.maximumf %max3A_237, %min3A_293 : vector<16xf32>
      %get3A_296 = arith.index_cast %scan3A_267 : i32 to index
      %get3A_297 = arith.constant 96 : index
      %get3A_298 = tpu.vector_load %arg8[%get3A_296, %get3A_297] {strides = array<i32>} : memref<200x128xf32, #tpu.memory_space<vmem>>, vector<1x16xf32>,
      %get3A_299 = vector.shape_cast %get3A_298 : vector<1x16xf32> to vector<16xf32>
      %add3A_300 = arith.constant 600 : i32
      %add3A_301 = arith.addi %add3A_300, %scan3A_267 : i32
      %eq3A_302 = vector.broadcast %add3A_301 : i32 to vector<16xi32>
      %eq3A_303 = arith.cmpi eq, %get3A_44, %eq3A_302 : vector<16xi32>
      %select_n3A_304 = arith.select %eq3A_303, %get3A_299, %select_n3A_246 : vector<16xi1>, vector<16xf32>
      %min3A_305 = arith.minimumf %max3A_248, %get3A_299 : vector<16xf32>
      %max3A_306 = arith.maximumf %max3A_248, %get3A_299 : vector<16xf32>
      %min3A_307 = arith.minimumf %max3A_250, %min3A_305 : vector<16xf32>
      %max3A_308 = arith.maximumf %max3A_250, %min3A_305 : vector<16xf32>
      %max3A_309 = arith.maximumf %max3A_251, %min3A_307 : vector<16xf32>
      %get3A_310 = arith.index_cast %scan3A_267 : i32 to index
      %get3A_311 = arith.constant 112 : index
      %get3A_312 = tpu.vector_load %arg8[%get3A_310, %get3A_311] {strides = array<i32>} : memref<200x128xf32, #tpu.memory_space<vmem>>, vector<1x16xf32>,
      %get3A_313 = vector.shape_cast %get3A_312 : vector<1x16xf32> to vector<16xf32>
      %add3A_314 = arith.constant 600 : i32
      %add3A_315 = arith.addi %add3A_314, %scan3A_267 : i32
      %eq3A_316 = vector.broadcast %add3A_315 : i32 to vector<16xi32>
      %eq3A_317 = arith.cmpi eq, %get3A_47, %eq3A_316 : vector<16xi32>
      %select_n3A_318 = arith.select %eq3A_317, %get3A_313, %select_n3A_260 : vector<16xi1>, vector<16xf32>
      %min3A_319 = arith.minimumf %max3A_262, %get3A_313 : vector<16xf32>
      %max3A_320 = arith.maximumf %max3A_262, %get3A_313 : vector<16xf32>
      %min3A_321 = arith.minimumf %max3A_264, %min3A_319 : vector<16xf32>
      %max3A_322 = arith.maximumf %max3A_264, %min3A_319 : vector<16xf32>
      %max3A_323 = arith.maximumf %max3A_265, %min3A_321 : vector<16xf32>
      scf.yield %max3A_278, %max3A_280, %max3A_281, %select_n3A_276, %max3A_292, %max3A_294, %max3A_295, %select_n3A_290, %max3A_306, %max3A_308, %max3A_309, %select_n3A_304, %max3A_320, %max3A_322, %max3A_323, %select_n3A_318 : vector<16xf32>, vector<16xf32>, vector<16xf32>, vector<16xf32>, vector<16xf32>, vector<16xf32>, vector<16xf32>, vector<16xf32>, vector<16xf32>, vector<16xf32>, vector<16xf32>, vector<16xf32>, vector<16xf32>, vector<16xf32>, vector<16xf32>, vector<16xf32>
    }
    %scan3A_109 = arith.constant 200 : i32
    %dma_wait3A_110 = arith.constant 800 : i32
    %dma_wait3A_111 = tpu.memref_slice %arg2[%dma_wait3A_110, %add3A_4] : memref<1000x16384xf32, #tpu.memory_space<hbm>> -> memref<200x128xf32, #tpu.memory_space<hbm>>
    %dma_wait3A_112 = arith.constant 800 : i32
    %dma_wait3A_113 = tpu.memref_slice %arg2[%dma_wait3A_112, %add3A_4] : memref<1000x16384xf32, #tpu.memory_space<hbm>> -> memref<200x128xf32, #tpu.memory_space<hbm>>
    tpu.wait_dma2 semaphore(%arg16 : memref<!tpu.dma_semaphore, #tpu.memory_space<semaphore_mem>>) src(%dma_wait3A_113 : memref<200x128xf32, #tpu.memory_space<hbm>>) dst(%arg9 : memref<200x128xf32, #tpu.memory_space<vmem>>)
    %scan3A_114 = arith.constant 0 : i32
    %scan3A_115 = arith.constant 200 : i32
    %scan3A_116 = arith.addi %scan3A_114, %scan3A_115 : i32
    %scan3A_117 = arith.constant 2 : i32
    %scan3A_118:16 = scf.for %scan3A_195 = %scan3A_114 to %scan3A_116 step %scan3A_117 iter_args(%scan3A_196 = %scan3A_102#0, %scan3A_197 = %scan3A_102#1, %scan3A_198 = %scan3A_102#2, %scan3A_199 = %scan3A_102#3, %scan3A_200 = %scan3A_102#4, %scan3A_201 = %scan3A_102#5, %scan3A_202 = %scan3A_102#6, %scan3A_203 = %scan3A_102#7, %scan3A_204 = %scan3A_102#8, %scan3A_205 = %scan3A_102#9, %scan3A_206 = %scan3A_102#10, %scan3A_207 = %scan3A_102#11, %scan3A_208 = %scan3A_102#12, %scan3A_209 = %scan3A_102#13, %scan3A_210 = %scan3A_102#14, %scan3A_211 = %scan3A_102#15) -> (vector<16xf32>, vector<16xf32>, vector<16xf32>, vector<16xf32>, vector<16xf32>, vector<16xf32>, vector<16xf32>, vector<16xf32>, vector<16xf32>, vector<16xf32>, vector<16xf32>, vector<16xf32>, vector<16xf32>, vector<16xf32>, vector<16xf32>, vector<16xf32>)  : i32 {
      %get3A_212 = arith.index_cast %scan3A_195 : i32 to index
      %get3A_213 = arith.constant 0 : index
      %get3A_214 = tpu.vector_load %arg9[%get3A_212, %get3A_213] {strides = array<i32>} : memref<200x128xf32, #tpu.memory_space<vmem>>, vector<1x16xf32>,
      %get3A_215 = vector.shape_cast %get3A_214 : vector<1x16xf32> to vector<16xf32>
      %add3A_216 = arith.constant 800 : i32
      %add3A_217 = arith.addi %add3A_216, %scan3A_195 : i32
      %eq3A_218 = vector.broadcast %add3A_217 : i32 to vector<16xi32>
      %eq3A_219 = arith.cmpi eq, %get3A_26, %eq3A_218 : vector<16xi32>
      %select_n3A_220 = arith.select %eq3A_219, %get3A_215, %scan3A_199 : vector<16xi1>, vector<16xf32>
      %min3A = arith.minimumf %scan3A_196, %get3A_215 : vector<16xf32>
      %max3A = arith.maximumf %scan3A_196, %get3A_215 : vector<16xf32>
      %min3A_221 = arith.minimumf %scan3A_197, %min3A : vector<16xf32>
      %max3A_222 = arith.maximumf %scan3A_197, %min3A : vector<16xf32>
      %max3A_223 = arith.maximumf %scan3A_198, %min3A_221 : vector<16xf32>
      %get3A_224 = arith.index_cast %scan3A_195 : i32 to index
      %get3A_225 = arith.constant 16 : index
      %get3A_226 = tpu.vector_load %arg9[%get3A_224, %get3A_225] {strides = array<i32>} : memref<200x128xf32, #tpu.memory_space<vmem>>, vector<1x16xf32>,
      %get3A_227 = vector.shape_cast %get3A_226 : vector<1x16xf32> to vector<16xf32>
      %add3A_228 = arith.constant 800 : i32
      %add3A_229 = arith.addi %add3A_228, %scan3A_195 : i32
      %eq3A_230 = vector.broadcast %add3A_229 : i32 to vector<16xi32>
      %eq3A_231 = arith.cmpi eq, %get3A_29, %eq3A_230 : vector<16xi32>
      %select_n3A_232 = arith.select %eq3A_231, %get3A_227, %scan3A_203 : vector<16xi1>, vector<16xf32>
      %min3A_233 = arith.minimumf %scan3A_200, %get3A_227 : vector<16xf32>
      %max3A_234 = arith.maximumf %scan3A_200, %get3A_227 : vector<16xf32>
      %min3A_235 = arith.minimumf %scan3A_201, %min3A_233 : vector<16xf32>
      %max3A_236 = arith.maximumf %scan3A_201, %min3A_233 : vector<16xf32>
      %max3A_237 = arith.maximumf %scan3A_202, %min3A_235 : vector<16xf32>
      %get3A_238 = arith.index_cast %scan3A_195 : i32 to index
      %get3A_239 = arith.constant 32 : index
      %get3A_240 = tpu.vector_load %arg9[%get3A_238, %get3A_239] {strides = array<i32>} : memref<200x128xf32, #tpu.memory_space<vmem>>, vector<1x16xf32>,
      %get3A_241 = vector.shape_cast %get3A_240 : vector<1x16xf32> to vector<16xf32>
      %add3A_242 = arith.constant 800 : i32
      %add3A_243 = arith.addi %add3A_242, %scan3A_195 : i32
      %eq3A_244 = vector.broadcast %add3A_243 : i32 to vector<16xi32>
      %eq3A_245 = arith.cmpi eq, %get3A_32, %eq3A_244 : vector<16xi32>
      %select_n3A_246 = arith.select %eq3A_245, %get3A_241, %scan3A_207 : vector<16xi1>, vector<16xf32>
      %min3A_247 = arith.minimumf %scan3A_204, %get3A_241 : vector<16xf32>
      %max3A_248 = arith.maximumf %scan3A_204, %get3A_241 : vector<16xf32>
      %min3A_249 = arith.minimumf %scan3A_205, %min3A_247 : vector<16xf32>
      %max3A_250 = arith.maximumf %scan3A_205, %min3A_247 : vector<16xf32>
      %max3A_251 = arith.maximumf %scan3A_206, %min3A_249 : vector<16xf32>
      %get3A_252 = arith.index_cast %scan3A_195 : i32 to index
      %get3A_253 = arith.constant 48 : index
      %get3A_254 = tpu.vector_load %arg9[%get3A_252, %get3A_253] {strides = array<i32>} : memref<200x128xf32, #tpu.memory_space<vmem>>, vector<1x16xf32>,
      %get3A_255 = vector.shape_cast %get3A_254 : vector<1x16xf32> to vector<16xf32>
      %add3A_256 = arith.constant 800 : i32
      %add3A_257 = arith.addi %add3A_256, %scan3A_195 : i32
      %eq3A_258 = vector.broadcast %add3A_257 : i32 to vector<16xi32>
      %eq3A_259 = arith.cmpi eq, %get3A_35, %eq3A_258 : vector<16xi32>
      %select_n3A_260 = arith.select %eq3A_259, %get3A_255, %scan3A_211 : vector<16xi1>, vector<16xf32>
      %min3A_261 = arith.minimumf %scan3A_208, %get3A_255 : vector<16xf32>
      %max3A_262 = arith.maximumf %scan3A_208, %get3A_255 : vector<16xf32>
      %min3A_263 = arith.minimumf %scan3A_209, %min3A_261 : vector<16xf32>
      %max3A_264 = arith.maximumf %scan3A_209, %min3A_261 : vector<16xf32>
      %max3A_265 = arith.maximumf %scan3A_210, %min3A_263 : vector<16xf32>
      %scan3A_266 = arith.constant 1 : i32
      %scan3A_267 = arith.addi %scan3A_195, %scan3A_266 : i32
      %get3A_268 = arith.index_cast %scan3A_267 : i32 to index
      %get3A_269 = arith.constant 0 : index
      %get3A_270 = tpu.vector_load %arg9[%get3A_268, %get3A_269] {strides = array<i32>} : memref<200x128xf32, #tpu.memory_space<vmem>>, vector<1x16xf32>,
      %get3A_271 = vector.shape_cast %get3A_270 : vector<1x16xf32> to vector<16xf32>
      %add3A_272 = arith.constant 800 : i32
      %add3A_273 = arith.addi %add3A_272, %scan3A_267 : i32
      %eq3A_274 = vector.broadcast %add3A_273 : i32 to vector<16xi32>
      %eq3A_275 = arith.cmpi eq, %get3A_26, %eq3A_274 : vector<16xi32>
      %select_n3A_276 = arith.select %eq3A_275, %get3A_271, %select_n3A_220 : vector<16xi1>, vector<16xf32>
      %min3A_277 = arith.minimumf %max3A, %get3A_271 : vector<16xf32>
      %max3A_278 = arith.maximumf %max3A, %get3A_271 : vector<16xf32>
      %min3A_279 = arith.minimumf %max3A_222, %min3A_277 : vector<16xf32>
      %max3A_280 = arith.maximumf %max3A_222, %min3A_277 : vector<16xf32>
      %max3A_281 = arith.maximumf %max3A_223, %min3A_279 : vector<16xf32>
      %get3A_282 = arith.index_cast %scan3A_267 : i32 to index
      %get3A_283 = arith.constant 16 : index
      %get3A_284 = tpu.vector_load %arg9[%get3A_282, %get3A_283] {strides = array<i32>} : memref<200x128xf32, #tpu.memory_space<vmem>>, vector<1x16xf32>,
      %get3A_285 = vector.shape_cast %get3A_284 : vector<1x16xf32> to vector<16xf32>
      %add3A_286 = arith.constant 800 : i32
      %add3A_287 = arith.addi %add3A_286, %scan3A_267 : i32
      %eq3A_288 = vector.broadcast %add3A_287 : i32 to vector<16xi32>
      %eq3A_289 = arith.cmpi eq, %get3A_29, %eq3A_288 : vector<16xi32>
      %select_n3A_290 = arith.select %eq3A_289, %get3A_285, %select_n3A_232 : vector<16xi1>, vector<16xf32>
      %min3A_291 = arith.minimumf %max3A_234, %get3A_285 : vector<16xf32>
      %max3A_292 = arith.maximumf %max3A_234, %get3A_285 : vector<16xf32>
      %min3A_293 = arith.minimumf %max3A_236, %min3A_291 : vector<16xf32>
      %max3A_294 = arith.maximumf %max3A_236, %min3A_291 : vector<16xf32>
      %max3A_295 = arith.maximumf %max3A_237, %min3A_293 : vector<16xf32>
      %get3A_296 = arith.index_cast %scan3A_267 : i32 to index
      %get3A_297 = arith.constant 32 : index
      %get3A_298 = tpu.vector_load %arg9[%get3A_296, %get3A_297] {strides = array<i32>} : memref<200x128xf32, #tpu.memory_space<vmem>>, vector<1x16xf32>,
      %get3A_299 = vector.shape_cast %get3A_298 : vector<1x16xf32> to vector<16xf32>
      %add3A_300 = arith.constant 800 : i32
      %add3A_301 = arith.addi %add3A_300, %scan3A_267 : i32
      %eq3A_302 = vector.broadcast %add3A_301 : i32 to vector<16xi32>
      %eq3A_303 = arith.cmpi eq, %get3A_32, %eq3A_302 : vector<16xi32>
      %select_n3A_304 = arith.select %eq3A_303, %get3A_299, %select_n3A_246 : vector<16xi1>, vector<16xf32>
      %min3A_305 = arith.minimumf %max3A_248, %get3A_299 : vector<16xf32>
      %max3A_306 = arith.maximumf %max3A_248, %get3A_299 : vector<16xf32>
      %min3A_307 = arith.minimumf %max3A_250, %min3A_305 : vector<16xf32>
      %max3A_308 = arith.maximumf %max3A_250, %min3A_305 : vector<16xf32>
      %max3A_309 = arith.maximumf %max3A_251, %min3A_307 : vector<16xf32>
      %get3A_310 = arith.index_cast %scan3A_267 : i32 to index
      %get3A_311 = arith.constant 48 : index
      %get3A_312 = tpu.vector_load %arg9[%get3A_310, %get3A_311] {strides = array<i32>} : memref<200x128xf32, #tpu.memory_space<vmem>>, vector<1x16xf32>,
      %get3A_313 = vector.shape_cast %get3A_312 : vector<1x16xf32> to vector<16xf32>
      %add3A_314 = arith.constant 800 : i32
      %add3A_315 = arith.addi %add3A_314, %scan3A_267 : i32
      %eq3A_316 = vector.broadcast %add3A_315 : i32 to vector<16xi32>
      %eq3A_317 = arith.cmpi eq, %get3A_35, %eq3A_316 : vector<16xi32>
      %select_n3A_318 = arith.select %eq3A_317, %get3A_313, %select_n3A_260 : vector<16xi1>, vector<16xf32>
      %min3A_319 = arith.minimumf %max3A_262, %get3A_313 : vector<16xf32>
      %max3A_320 = arith.maximumf %max3A_262, %get3A_313 : vector<16xf32>
      %min3A_321 = arith.minimumf %max3A_264, %min3A_319 : vector<16xf32>
      %max3A_322 = arith.maximumf %max3A_264, %min3A_319 : vector<16xf32>
      %max3A_323 = arith.maximumf %max3A_265, %min3A_321 : vector<16xf32>
      scf.yield %max3A_278, %max3A_280, %max3A_281, %select_n3A_276, %max3A_292, %max3A_294, %max3A_295, %select_n3A_290, %max3A_306, %max3A_308, %max3A_309, %select_n3A_304, %max3A_320, %max3A_322, %max3A_323, %select_n3A_318 : vector<16xf32>, vector<16xf32>, vector<16xf32>, vector<16xf32>, vector<16xf32>, vector<16xf32>, vector<16xf32>, vector<16xf32>, vector<16xf32>, vector<16xf32>, vector<16xf32>, vector<16xf32>, vector<16xf32>, vector<16xf32>, vector<16xf32>, vector<16xf32>
    }
    %scan3A_119 = arith.constant 200 : i32
    %scan3A_120 = arith.constant 0 : i32
    %scan3A_121 = arith.constant 200 : i32
    %scan3A_122 = arith.addi %scan3A_120, %scan3A_121 : i32
    %scan3A_123 = arith.constant 2 : i32
    %scan3A_124:16 = scf.for %scan3A_195 = %scan3A_120 to %scan3A_122 step %scan3A_123 iter_args(%scan3A_196 = %scan3A_108#0, %scan3A_197 = %scan3A_108#1, %scan3A_198 = %scan3A_108#2, %scan3A_199 = %scan3A_108#3, %scan3A_200 = %scan3A_108#4, %scan3A_201 = %scan3A_108#5, %scan3A_202 = %scan3A_108#6, %scan3A_203 = %scan3A_108#7, %scan3A_204 = %scan3A_108#8, %scan3A_205 = %scan3A_108#9, %scan3A_206 = %scan3A_108#10, %scan3A_207 = %scan3A_108#11, %scan3A_208 = %scan3A_108#12, %scan3A_209 = %scan3A_108#13, %scan3A_210 = %scan3A_108#14, %scan3A_211 = %scan3A_108#15) -> (vector<16xf32>, vector<16xf32>, vector<16xf32>, vector<16xf32>, vector<16xf32>, vector<16xf32>, vector<16xf32>, vector<16xf32>, vector<16xf32>, vector<16xf32>, vector<16xf32>, vector<16xf32>, vector<16xf32>, vector<16xf32>, vector<16xf32>, vector<16xf32>)  : i32 {
      %get3A_212 = arith.index_cast %scan3A_195 : i32 to index
      %get3A_213 = arith.constant 64 : index
      %get3A_214 = tpu.vector_load %arg9[%get3A_212, %get3A_213] {strides = array<i32>} : memref<200x128xf32, #tpu.memory_space<vmem>>, vector<1x16xf32>,
      %get3A_215 = vector.shape_cast %get3A_214 : vector<1x16xf32> to vector<16xf32>
      %add3A_216 = arith.constant 800 : i32
      %add3A_217 = arith.addi %add3A_216, %scan3A_195 : i32
      %eq3A_218 = vector.broadcast %add3A_217 : i32 to vector<16xi32>
      %eq3A_219 = arith.cmpi eq, %get3A_38, %eq3A_218 : vector<16xi32>
      %select_n3A_220 = arith.select %eq3A_219, %get3A_215, %scan3A_199 : vector<16xi1>, vector<16xf32>
      %min3A = arith.minimumf %scan3A_196, %get3A_215 : vector<16xf32>
      %max3A = arith.maximumf %scan3A_196, %get3A_215 : vector<16xf32>
      %min3A_221 = arith.minimumf %scan3A_197, %min3A : vector<16xf32>
      %max3A_222 = arith.maximumf %scan3A_197, %min3A : vector<16xf32>
      %max3A_223 = arith.maximumf %scan3A_198, %min3A_221 : vector<16xf32>
      %get3A_224 = arith.index_cast %scan3A_195 : i32 to index
      %get3A_225 = arith.constant 80 : index
      %get3A_226 = tpu.vector_load %arg9[%get3A_224, %get3A_225] {strides = array<i32>} : memref<200x128xf32, #tpu.memory_space<vmem>>, vector<1x16xf32>,
      %get3A_227 = vector.shape_cast %get3A_226 : vector<1x16xf32> to vector<16xf32>
      %add3A_228 = arith.constant 800 : i32
      %add3A_229 = arith.addi %add3A_228, %scan3A_195 : i32
      %eq3A_230 = vector.broadcast %add3A_229 : i32 to vector<16xi32>
      %eq3A_231 = arith.cmpi eq, %get3A_41, %eq3A_230 : vector<16xi32>
      %select_n3A_232 = arith.select %eq3A_231, %get3A_227, %scan3A_203 : vector<16xi1>, vector<16xf32>
      %min3A_233 = arith.minimumf %scan3A_200, %get3A_227 : vector<16xf32>
      %max3A_234 = arith.maximumf %scan3A_200, %get3A_227 : vector<16xf32>
      %min3A_235 = arith.minimumf %scan3A_201, %min3A_233 : vector<16xf32>
      %max3A_236 = arith.maximumf %scan3A_201, %min3A_233 : vector<16xf32>
      %max3A_237 = arith.maximumf %scan3A_202, %min3A_235 : vector<16xf32>
      %get3A_238 = arith.index_cast %scan3A_195 : i32 to index
      %get3A_239 = arith.constant 96 : index
      %get3A_240 = tpu.vector_load %arg9[%get3A_238, %get3A_239] {strides = array<i32>} : memref<200x128xf32, #tpu.memory_space<vmem>>, vector<1x16xf32>,
      %get3A_241 = vector.shape_cast %get3A_240 : vector<1x16xf32> to vector<16xf32>
      %add3A_242 = arith.constant 800 : i32
      %add3A_243 = arith.addi %add3A_242, %scan3A_195 : i32
      %eq3A_244 = vector.broadcast %add3A_243 : i32 to vector<16xi32>
      %eq3A_245 = arith.cmpi eq, %get3A_44, %eq3A_244 : vector<16xi32>
      %select_n3A_246 = arith.select %eq3A_245, %get3A_241, %scan3A_207 : vector<16xi1>, vector<16xf32>
      %min3A_247 = arith.minimumf %scan3A_204, %get3A_241 : vector<16xf32>
      %max3A_248 = arith.maximumf %scan3A_204, %get3A_241 : vector<16xf32>
      %min3A_249 = arith.minimumf %scan3A_205, %min3A_247 : vector<16xf32>
      %max3A_250 = arith.maximumf %scan3A_205, %min3A_247 : vector<16xf32>
      %max3A_251 = arith.maximumf %scan3A_206, %min3A_249 : vector<16xf32>
      %get3A_252 = arith.index_cast %scan3A_195 : i32 to index
      %get3A_253 = arith.constant 112 : index
      %get3A_254 = tpu.vector_load %arg9[%get3A_252, %get3A_253] {strides = array<i32>} : memref<200x128xf32, #tpu.memory_space<vmem>>, vector<1x16xf32>,
      %get3A_255 = vector.shape_cast %get3A_254 : vector<1x16xf32> to vector<16xf32>
      %add3A_256 = arith.constant 800 : i32
      %add3A_257 = arith.addi %add3A_256, %scan3A_195 : i32
      %eq3A_258 = vector.broadcast %add3A_257 : i32 to vector<16xi32>
      %eq3A_259 = arith.cmpi eq, %get3A_47, %eq3A_258 : vector<16xi32>
      %select_n3A_260 = arith.select %eq3A_259, %get3A_255, %scan3A_211 : vector<16xi1>, vector<16xf32>
      %min3A_261 = arith.minimumf %scan3A_208, %get3A_255 : vector<16xf32>
      %max3A_262 = arith.maximumf %scan3A_208, %get3A_255 : vector<16xf32>
      %min3A_263 = arith.minimumf %scan3A_209, %min3A_261 : vector<16xf32>
      %max3A_264 = arith.maximumf %scan3A_209, %min3A_261 : vector<16xf32>
      %max3A_265 = arith.maximumf %scan3A_210, %min3A_263 : vector<16xf32>
      %scan3A_266 = arith.constant 1 : i32
      %scan3A_267 = arith.addi %scan3A_195, %scan3A_266 : i32
      %get3A_268 = arith.index_cast %scan3A_267 : i32 to index
      %get3A_269 = arith.constant 64 : index
      %get3A_270 = tpu.vector_load %arg9[%get3A_268, %get3A_269] {strides = array<i32>} : memref<200x128xf32, #tpu.memory_space<vmem>>, vector<1x16xf32>,
      %get3A_271 = vector.shape_cast %get3A_270 : vector<1x16xf32> to vector<16xf32>
      %add3A_272 = arith.constant 800 : i32
      %add3A_273 = arith.addi %add3A_272, %scan3A_267 : i32
      %eq3A_274 = vector.broadcast %add3A_273 : i32 to vector<16xi32>
      %eq3A_275 = arith.cmpi eq, %get3A_38, %eq3A_274 : vector<16xi32>
      %select_n3A_276 = arith.select %eq3A_275, %get3A_271, %select_n3A_220 : vector<16xi1>, vector<16xf32>
      %min3A_277 = arith.minimumf %max3A, %get3A_271 : vector<16xf32>
      %max3A_278 = arith.maximumf %max3A, %get3A_271 : vector<16xf32>
      %min3A_279 = arith.minimumf %max3A_222, %min3A_277 : vector<16xf32>
      %max3A_280 = arith.maximumf %max3A_222, %min3A_277 : vector<16xf32>
      %max3A_281 = arith.maximumf %max3A_223, %min3A_279 : vector<16xf32>
      %get3A_282 = arith.index_cast %scan3A_267 : i32 to index
      %get3A_283 = arith.constant 80 : index
      %get3A_284 = tpu.vector_load %arg9[%get3A_282, %get3A_283] {strides = array<i32>} : memref<200x128xf32, #tpu.memory_space<vmem>>, vector<1x16xf32>,
      %get3A_285 = vector.shape_cast %get3A_284 : vector<1x16xf32> to vector<16xf32>
      %add3A_286 = arith.constant 800 : i32
      %add3A_287 = arith.addi %add3A_286, %scan3A_267 : i32
      %eq3A_288 = vector.broadcast %add3A_287 : i32 to vector<16xi32>
      %eq3A_289 = arith.cmpi eq, %get3A_41, %eq3A_288 : vector<16xi32>
      %select_n3A_290 = arith.select %eq3A_289, %get3A_285, %select_n3A_232 : vector<16xi1>, vector<16xf32>
      %min3A_291 = arith.minimumf %max3A_234, %get3A_285 : vector<16xf32>
      %max3A_292 = arith.maximumf %max3A_234, %get3A_285 : vector<16xf32>
      %min3A_293 = arith.minimumf %max3A_236, %min3A_291 : vector<16xf32>
      %max3A_294 = arith.maximumf %max3A_236, %min3A_291 : vector<16xf32>
      %max3A_295 = arith.maximumf %max3A_237, %min3A_293 : vector<16xf32>
      %get3A_296 = arith.index_cast %scan3A_267 : i32 to index
      %get3A_297 = arith.constant 96 : index
      %get3A_298 = tpu.vector_load %arg9[%get3A_296, %get3A_297] {strides = array<i32>} : memref<200x128xf32, #tpu.memory_space<vmem>>, vector<1x16xf32>,
      %get3A_299 = vector.shape_cast %get3A_298 : vector<1x16xf32> to vector<16xf32>
      %add3A_300 = arith.constant 800 : i32
      %add3A_301 = arith.addi %add3A_300, %scan3A_267 : i32
      %eq3A_302 = vector.broadcast %add3A_301 : i32 to vector<16xi32>
      %eq3A_303 = arith.cmpi eq, %get3A_44, %eq3A_302 : vector<16xi32>
      %select_n3A_304 = arith.select %eq3A_303, %get3A_299, %select_n3A_246 : vector<16xi1>, vector<16xf32>
      %min3A_305 = arith.minimumf %max3A_248, %get3A_299 : vector<16xf32>
      %max3A_306 = arith.maximumf %max3A_248, %get3A_299 : vector<16xf32>
      %min3A_307 = arith.minimumf %max3A_250, %min3A_305 : vector<16xf32>
      %max3A_308 = arith.maximumf %max3A_250, %min3A_305 : vector<16xf32>
      %max3A_309 = arith.maximumf %max3A_251, %min3A_307 : vector<16xf32>
      %get3A_310 = arith.index_cast %scan3A_267 : i32 to index
      %get3A_311 = arith.constant 112 : index
      %get3A_312 = tpu.vector_load %arg9[%get3A_310, %get3A_311] {strides = array<i32>} : memref<200x128xf32, #tpu.memory_space<vmem>>, vector<1x16xf32>,
      %get3A_313 = vector.shape_cast %get3A_312 : vector<1x16xf32> to vector<16xf32>
      %add3A_314 = arith.constant 800 : i32
      %add3A_315 = arith.addi %add3A_314, %scan3A_267 : i32
      %eq3A_316 = vector.broadcast %add3A_315 : i32 to vector<16xi32>
      %eq3A_317 = arith.cmpi eq, %get3A_47, %eq3A_316 : vector<16xi32>
      %select_n3A_318 = arith.select %eq3A_317, %get3A_313, %select_n3A_260 : vector<16xi1>, vector<16xf32>
      %min3A_319 = arith.minimumf %max3A_262, %get3A_313 : vector<16xf32>
      %max3A_320 = arith.maximumf %max3A_262, %get3A_313 : vector<16xf32>
      %min3A_321 = arith.minimumf %max3A_264, %min3A_319 : vector<16xf32>
      %max3A_322 = arith.maximumf %max3A_264, %min3A_319 : vector<16xf32>
      %max3A_323 = arith.maximumf %max3A_265, %min3A_321 : vector<16xf32>
      scf.yield %max3A_278, %max3A_280, %max3A_281, %select_n3A_276, %max3A_292, %max3A_294, %max3A_295, %select_n3A_290, %max3A_306, %max3A_308, %max3A_309, %select_n3A_304, %max3A_320, %max3A_322, %max3A_323, %select_n3A_318 : vector<16xf32>, vector<16xf32>, vector<16xf32>, vector<16xf32>, vector<16xf32>, vector<16xf32>, vector<16xf32>, vector<16xf32>, vector<16xf32>, vector<16xf32>, vector<16xf32>, vector<16xf32>, vector<16xf32>, vector<16xf32>, vector<16xf32>, vector<16xf32>
    }
    %scan3A_125 = arith.constant 200 : i32
    %eq3A = arith.cmpf oeq, %scan3A_118#3, %scan3A_118#0 : vector<16xf32>
    %select_n3A = arith.select %eq3A, %scan3A_118#1, %scan3A_118#0 : vector<16xi1>, vector<16xf32>
    %sub3A = arith.subf %select_n3A, %scan3A_118#3 : vector<16xf32>
    %sub3A_126 = arith.subf %scan3A_118#0, %scan3A_118#2 : vector<16xf32>
    %div3A = arith.divf %sub3A, %sub3A_126 : vector<16xf32>
    %swap3A = arith.constant 0 : index
    %swap3A_127 = tpu.vector_load %arg11[%swap3A] {strides = array<i32>} : memref<128xf32, #tpu.memory_space<vmem>>, vector<16xf32>,
    %swap3A_128 = vector.shape_cast %swap3A_127 : vector<16xf32> to vector<16xf32>
    %swap3A_129 = vector.shape_cast %div3A : vector<16xf32> to vector<16xf32>
    tpu.vector_store %arg11[%swap3A], %swap3A_129 {strides = array<i32>} : memref<128xf32, #tpu.memory_space<vmem>>, vector<16xf32>,
    %eq3A_130 = arith.cmpf oeq, %scan3A_118#7, %scan3A_118#4 : vector<16xf32>
    %select_n3A_131 = arith.select %eq3A_130, %scan3A_118#5, %scan3A_118#4 : vector<16xi1>, vector<16xf32>
    %sub3A_132 = arith.subf %select_n3A_131, %scan3A_118#7 : vector<16xf32>
    %sub3A_133 = arith.subf %scan3A_118#4, %scan3A_118#6 : vector<16xf32>
    %div3A_134 = arith.divf %sub3A_132, %sub3A_133 : vector<16xf32>
    %swap3A_135 = arith.constant 16 : index
    %swap3A_136 = tpu.vector_load %arg11[%swap3A_135] {strides = array<i32>} : memref<128xf32, #tpu.memory_space<vmem>>, vector<16xf32>,
    %swap3A_137 = vector.shape_cast %swap3A_136 : vector<16xf32> to vector<16xf32>
    %swap3A_138 = vector.shape_cast %div3A_134 : vector<16xf32> to vector<16xf32>
    tpu.vector_store %arg11[%swap3A_135], %swap3A_138 {strides = array<i32>} : memref<128xf32, #tpu.memory_space<vmem>>, vector<16xf32>,
    %eq3A_139 = arith.cmpf oeq, %scan3A_118#11, %scan3A_118#8 : vector<16xf32>
    %select_n3A_140 = arith.select %eq3A_139, %scan3A_118#9, %scan3A_118#8 : vector<16xi1>, vector<16xf32>
    %sub3A_141 = arith.subf %select_n3A_140, %scan3A_118#11 : vector<16xf32>
    %sub3A_142 = arith.subf %scan3A_118#8, %scan3A_118#10 : vector<16xf32>
    %div3A_143 = arith.divf %sub3A_141, %sub3A_142 : vector<16xf32>
    %swap3A_144 = arith.constant 32 : index
    %swap3A_145 = tpu.vector_load %arg11[%swap3A_144] {strides = array<i32>} : memref<128xf32, #tpu.memory_space<vmem>>, vector<16xf32>,
    %swap3A_146 = vector.shape_cast %swap3A_145 : vector<16xf32> to vector<16xf32>
    %swap3A_147 = vector.shape_cast %div3A_143 : vector<16xf32> to vector<16xf32>
    tpu.vector_store %arg11[%swap3A_144], %swap3A_147 {strides = array<i32>} : memref<128xf32, #tpu.memory_space<vmem>>, vector<16xf32>,
    %eq3A_148 = arith.cmpf oeq, %scan3A_118#15, %scan3A_118#12 : vector<16xf32>
    %select_n3A_149 = arith.select %eq3A_148, %scan3A_118#13, %scan3A_118#12 : vector<16xi1>, vector<16xf32>
    %sub3A_150 = arith.subf %select_n3A_149, %scan3A_118#15 : vector<16xf32>
    %sub3A_151 = arith.subf %scan3A_118#12, %scan3A_118#14 : vector<16xf32>
    %div3A_152 = arith.divf %sub3A_150, %sub3A_151 : vector<16xf32>
    %swap3A_153 = arith.constant 48 : index
    %swap3A_154 = tpu.vector_load %arg11[%swap3A_153] {strides = array<i32>} : memref<128xf32, #tpu.memory_space<vmem>>, vector<16xf32>,
    %swap3A_155 = vector.shape_cast %swap3A_154 : vector<16xf32> to vector<16xf32>
    %swap3A_156 = vector.shape_cast %div3A_152 : vector<16xf32> to vector<16xf32>
    tpu.vector_store %arg11[%swap3A_153], %swap3A_156 {strides = array<i32>} : memref<128xf32, #tpu.memory_space<vmem>>, vector<16xf32>,
    %eq3A_157 = arith.cmpf oeq, %scan3A_124#3, %scan3A_124#0 : vector<16xf32>
    %select_n3A_158 = arith.select %eq3A_157, %scan3A_124#1, %scan3A_124#0 : vector<16xi1>, vector<16xf32>
    %sub3A_159 = arith.subf %select_n3A_158, %scan3A_124#3 : vector<16xf32>
    %sub3A_160 = arith.subf %scan3A_124#0, %scan3A_124#2 : vector<16xf32>
    %div3A_161 = arith.divf %sub3A_159, %sub3A_160 : vector<16xf32>
    %swap3A_162 = arith.constant 64 : index
    %swap3A_163 = tpu.vector_load %arg11[%swap3A_162] {strides = array<i32>} : memref<128xf32, #tpu.memory_space<vmem>>, vector<16xf32>,
    %swap3A_164 = vector.shape_cast %swap3A_163 : vector<16xf32> to vector<16xf32>
    %swap3A_165 = vector.shape_cast %div3A_161 : vector<16xf32> to vector<16xf32>
    tpu.vector_store %arg11[%swap3A_162], %swap3A_165 {strides = array<i32>} : memref<128xf32, #tpu.memory_space<vmem>>, vector<16xf32>,
    %eq3A_166 = arith.cmpf oeq, %scan3A_124#7, %scan3A_124#4 : vector<16xf32>
    %select_n3A_167 = arith.select %eq3A_166, %scan3A_124#5, %scan3A_124#4 : vector<16xi1>, vector<16xf32>
    %sub3A_168 = arith.subf %select_n3A_167, %scan3A_124#7 : vector<16xf32>
    %sub3A_169 = arith.subf %scan3A_124#4, %scan3A_124#6 : vector<16xf32>
    %div3A_170 = arith.divf %sub3A_168, %sub3A_169 : vector<16xf32>
    %swap3A_171 = arith.constant 80 : index
    %swap3A_172 = tpu.vector_load %arg11[%swap3A_171] {strides = array<i32>} : memref<128xf32, #tpu.memory_space<vmem>>, vector<16xf32>,
    %swap3A_173 = vector.shape_cast %swap3A_172 : vector<16xf32> to vector<16xf32>
    %swap3A_174 = vector.shape_cast %div3A_170 : vector<16xf32> to vector<16xf32>
    tpu.vector_store %arg11[%swap3A_171], %swap3A_174 {strides = array<i32>} : memref<128xf32, #tpu.memory_space<vmem>>, vector<16xf32>,
    %eq3A_175 = arith.cmpf oeq, %scan3A_124#11, %scan3A_124#8 : vector<16xf32>
    %select_n3A_176 = arith.select %eq3A_175, %scan3A_124#9, %scan3A_124#8 : vector<16xi1>, vector<16xf32>
    %sub3A_177 = arith.subf %select_n3A_176, %scan3A_124#11 : vector<16xf32>
    %sub3A_178 = arith.subf %scan3A_124#8, %scan3A_124#10 : vector<16xf32>
    %div3A_179 = arith.divf %sub3A_177, %sub3A_178 : vector<16xf32>
    %swap3A_180 = arith.constant 96 : index
    %swap3A_181 = tpu.vector_load %arg11[%swap3A_180] {strides = array<i32>} : memref<128xf32, #tpu.memory_space<vmem>>, vector<16xf32>,
    %swap3A_182 = vector.shape_cast %swap3A_181 : vector<16xf32> to vector<16xf32>
    %swap3A_183 = vector.shape_cast %div3A_179 : vector<16xf32> to vector<16xf32>
    tpu.vector_store %arg11[%swap3A_180], %swap3A_183 {strides = array<i32>} : memref<128xf32, #tpu.memory_space<vmem>>, vector<16xf32>,
    %eq3A_184 = arith.cmpf oeq, %scan3A_124#15, %scan3A_124#12 : vector<16xf32>
    %select_n3A_185 = arith.select %eq3A_184, %scan3A_124#13, %scan3A_124#12 : vector<16xi1>, vector<16xf32>
    %sub3A_186 = arith.subf %select_n3A_185, %scan3A_124#15 : vector<16xf32>
    %sub3A_187 = arith.subf %scan3A_124#12, %scan3A_124#14 : vector<16xf32>
    %div3A_188 = arith.divf %sub3A_186, %sub3A_187 : vector<16xf32>
    %swap3A_189 = arith.constant 112 : index
    %swap3A_190 = tpu.vector_load %arg11[%swap3A_189] {strides = array<i32>} : memref<128xf32, #tpu.memory_space<vmem>>, vector<16xf32>,
    %swap3A_191 = vector.shape_cast %swap3A_190 : vector<16xf32> to vector<16xf32>
    %swap3A_192 = vector.shape_cast %div3A_188 : vector<16xf32> to vector<16xf32>
    tpu.vector_store %arg11[%swap3A_189], %swap3A_192 {strides = array<i32>} : memref<128xf32, #tpu.memory_space<vmem>>, vector<16xf32>,
    %mul3A_193 = arith.constant 128 : i32
    %mul3A_194 = arith.muli %add3A, %mul3A_193 : i32
    "tpu.region"() ({
      %run_scoped3A = tpu.sem_alloc : memref<!tpu.dma_semaphore, #tpu.memory_space<semaphore_mem>>
      %dma_start3A_195 = tpu.memref_slice %arg4[%mul3A_194] : memref<4096xf32, #tpu.memory_space<hbm>> -> memref<128xf32, #tpu.memory_space<hbm>>
      %dma_start3A_196 = tpu.memref_slice %arg4[%mul3A_194] : memref<4096xf32, #tpu.memory_space<hbm>> -> memref<128xf32, #tpu.memory_space<hbm>>
      tpu.enqueue_dma source(%arg11 : memref<128xf32, #tpu.memory_space<vmem>>) target(%dma_start3A_196 : memref<128xf32, #tpu.memory_space<hbm>>) target_semaphore(%run_scoped3A : memref<!tpu.dma_semaphore, #tpu.memory_space<semaphore_mem>>)
      %dma_wait3A_197 = tpu.memref_slice %arg4[%mul3A_194] : memref<4096xf32, #tpu.memory_space<hbm>> -> memref<128xf32, #tpu.memory_space<hbm>>
      %dma_wait3A_198 = tpu.memref_slice %arg4[%mul3A_194] : memref<4096xf32, #tpu.memory_space<hbm>> -> memref<128xf32, #tpu.memory_space<hbm>>
      tpu.wait_dma2 semaphore(%run_scoped3A : memref<!tpu.dma_semaphore, #tpu.memory_space<semaphore_mem>>) src(%arg11 : memref<128xf32, #tpu.memory_space<vmem>>) dst(%dma_wait3A_198 : memref<128xf32, #tpu.memory_space<hbm>>)
      tpu.yield
    }) : () -> ()
    return
  }
}

module attributes {stable_mosaic.version = 14 : i64} {
  func.func @_dlr_body(%arg0: i32, %arg1: memref<1000x2048xf32, #tpu.memory_space<vmem>>, %arg2: memref<2048xi32, #tpu.memory_space<vmem>>, %arg3: memref<2048xf32, #tpu.memory_space<vmem>>) attributes {dimension_semantics = [#tpu.dimension_semantics<arbitrary>], iteration_bounds = array<i64: 6>, scalar_prefetch = 0 : i64, scratch_operands = 0 : i64, tpu.core_type = #tpu.core_type<tc>, window_params = [{transform_indices = @transform_0, window_bounds = array<i64: 1000, 2048>}, {transform_indices = @transform_1, window_bounds = array<i64: 2048>}, {transform_indices = @transform_2, window_bounds = array<i64: 2048>}]} {
    %get3A = arith.constant 0 : index
    %get3A_0 = arith.constant 0 : index
    %get3A_1 = vector.load %arg1[%get3A, %get3A_0] : memref<1000x2048xf32, #tpu.memory_space<vmem>>, vector<1000x2048xf32>
    %get3A_2 = arith.constant 0 : index
    %get3A_3 = vector.load %arg2[%get3A_2] : memref<2048xi32, #tpu.memory_space<vmem>>, vector<2048xi32>
    %broadcast_in_dim3A = vector.shape_cast %get3A_3 : vector<2048xi32> to vector<1x2048xi32>
    %iota3A = tpu.iota {dimensions = array<i32: 0>} : vector<8x2048xi32>
    %broadcast_in_dim3A_4 = arith.constant 0xFF800000 : f32
    %broadcast_in_dim3A_5 = vector.broadcast %broadcast_in_dim3A_4 : f32 to vector<8x2048xf32>
    %slice3A = vector.extract_strided_slice %get3A_1 {offsets = [0, 0], sizes = [8, 2048], strides = [1, 1]} : vector<1000x2048xf32> to vector<8x2048xf32>
    %eq3A = vector.broadcast %broadcast_in_dim3A : vector<1x2048xi32> to vector<8x2048xi32>
    %eq3A_6 = arith.cmpi eq, %iota3A, %eq3A : vector<8x2048xi32>
    %jit3A = arith.constant 0xFF800000 : f32
    %broadcast_in_dim3A_7 = vector.broadcast %jit3A : f32 to vector<8x2048xf32>
    %select_n3A = arith.select %eq3A_6, %slice3A, %broadcast_in_dim3A_7 : vector<8x2048xi1>, vector<8x2048xf32>
    %slice3A_8 = vector.extract_strided_slice %get3A_1 {offsets = [8, 0], sizes = [8, 2048], strides = [1, 1]} : vector<1000x2048xf32> to vector<8x2048xf32>
    %sub3A = arith.constant 8 : i32
    %sub3A_9 = vector.broadcast %sub3A : i32 to vector<1x2048xi32>
    %sub3A_10 = arith.subi %broadcast_in_dim3A, %sub3A_9 : vector<1x2048xi32>
    %eq3A_11 = vector.broadcast %sub3A_10 : vector<1x2048xi32> to vector<8x2048xi32>
    %eq3A_12 = arith.cmpi eq, %iota3A, %eq3A_11 : vector<8x2048xi32>
    %select_n3A_13 = arith.select %eq3A_12, %slice3A_8, %select_n3A : vector<8x2048xi1>, vector<8x2048xf32>
    %min3A = arith.minimumf %slice3A, %slice3A_8 : vector<8x2048xf32>
    %max3A = arith.maximumf %slice3A, %slice3A_8 : vector<8x2048xf32>
    %min3A_14 = arith.minimumf %broadcast_in_dim3A_5, %min3A : vector<8x2048xf32>
    %max3A_15 = arith.maximumf %broadcast_in_dim3A_5, %min3A : vector<8x2048xf32>
    %max3A_16 = arith.maximumf %broadcast_in_dim3A_5, %min3A_14 : vector<8x2048xf32>
    %slice3A_17 = vector.extract_strided_slice %get3A_1 {offsets = [16, 0], sizes = [8, 2048], strides = [1, 1]} : vector<1000x2048xf32> to vector<8x2048xf32>
    %sub3A_18 = arith.constant 16 : i32
    %sub3A_19 = vector.broadcast %sub3A_18 : i32 to vector<1x2048xi32>
    %sub3A_20 = arith.subi %broadcast_in_dim3A, %sub3A_19 : vector<1x2048xi32>
    %eq3A_21 = vector.broadcast %sub3A_20 : vector<1x2048xi32> to vector<8x2048xi32>
    %eq3A_22 = arith.cmpi eq, %iota3A, %eq3A_21 : vector<8x2048xi32>
    %select_n3A_23 = arith.select %eq3A_22, %slice3A_17, %select_n3A_13 : vector<8x2048xi1>, vector<8x2048xf32>
    %min3A_24 = arith.minimumf %max3A, %slice3A_17 : vector<8x2048xf32>
    %max3A_25 = arith.maximumf %max3A, %slice3A_17 : vector<8x2048xf32>
    %min3A_26 = arith.minimumf %max3A_15, %min3A_24 : vector<8x2048xf32>
    %max3A_27 = arith.maximumf %max3A_15, %min3A_24 : vector<8x2048xf32>
    %max3A_28 = arith.maximumf %max3A_16, %min3A_26 : vector<8x2048xf32>
    %slice3A_29 = vector.extract_strided_slice %get3A_1 {offsets = [24, 0], sizes = [8, 2048], strides = [1, 1]} : vector<1000x2048xf32> to vector<8x2048xf32>
    %sub3A_30 = arith.constant 24 : i32
    %sub3A_31 = vector.broadcast %sub3A_30 : i32 to vector<1x2048xi32>
    %sub3A_32 = arith.subi %broadcast_in_dim3A, %sub3A_31 : vector<1x2048xi32>
    %eq3A_33 = vector.broadcast %sub3A_32 : vector<1x2048xi32> to vector<8x2048xi32>
    %eq3A_34 = arith.cmpi eq, %iota3A, %eq3A_33 : vector<8x2048xi32>
    %select_n3A_35 = arith.select %eq3A_34, %slice3A_29, %select_n3A_23 : vector<8x2048xi1>, vector<8x2048xf32>
    %min3A_36 = arith.minimumf %max3A_25, %slice3A_29 : vector<8x2048xf32>
    %max3A_37 = arith.maximumf %max3A_25, %slice3A_29 : vector<8x2048xf32>
    %min3A_38 = arith.minimumf %max3A_27, %min3A_36 : vector<8x2048xf32>
    %max3A_39 = arith.maximumf %max3A_27, %min3A_36 : vector<8x2048xf32>
    %max3A_40 = arith.maximumf %max3A_28, %min3A_38 : vector<8x2048xf32>
    %slice3A_41 = vector.extract_strided_slice %get3A_1 {offsets = [32, 0], sizes = [8, 2048], strides = [1, 1]} : vector<1000x2048xf32> to vector<8x2048xf32>
    %sub3A_42 = arith.constant 32 : i32
    %sub3A_43 = vector.broadcast %sub3A_42 : i32 to vector<1x2048xi32>
    %sub3A_44 = arith.subi %broadcast_in_dim3A, %sub3A_43 : vector<1x2048xi32>
    %eq3A_45 = vector.broadcast %sub3A_44 : vector<1x2048xi32> to vector<8x2048xi32>
    %eq3A_46 = arith.cmpi eq, %iota3A, %eq3A_45 : vector<8x2048xi32>
    %select_n3A_47 = arith.select %eq3A_46, %slice3A_41, %select_n3A_35 : vector<8x2048xi1>, vector<8x2048xf32>
    %min3A_48 = arith.minimumf %max3A_37, %slice3A_41 : vector<8x2048xf32>
    %max3A_49 = arith.maximumf %max3A_37, %slice3A_41 : vector<8x2048xf32>
    %min3A_50 = arith.minimumf %max3A_39, %min3A_48 : vector<8x2048xf32>
    %max3A_51 = arith.maximumf %max3A_39, %min3A_48 : vector<8x2048xf32>
    %max3A_52 = arith.maximumf %max3A_40, %min3A_50 : vector<8x2048xf32>
    %slice3A_53 = vector.extract_strided_slice %get3A_1 {offsets = [40, 0], sizes = [8, 2048], strides = [1, 1]} : vector<1000x2048xf32> to vector<8x2048xf32>
    %sub3A_54 = arith.constant 40 : i32
    %sub3A_55 = vector.broadcast %sub3A_54 : i32 to vector<1x2048xi32>
    %sub3A_56 = arith.subi %broadcast_in_dim3A, %sub3A_55 : vector<1x2048xi32>
    %eq3A_57 = vector.broadcast %sub3A_56 : vector<1x2048xi32> to vector<8x2048xi32>
    %eq3A_58 = arith.cmpi eq, %iota3A, %eq3A_57 : vector<8x2048xi32>
    %select_n3A_59 = arith.select %eq3A_58, %slice3A_53, %select_n3A_47 : vector<8x2048xi1>, vector<8x2048xf32>
    %min3A_60 = arith.minimumf %max3A_49, %slice3A_53 : vector<8x2048xf32>
    %max3A_61 = arith.maximumf %max3A_49, %slice3A_53 : vector<8x2048xf32>
    %min3A_62 = arith.minimumf %max3A_51, %min3A_60 : vector<8x2048xf32>
    %max3A_63 = arith.maximumf %max3A_51, %min3A_60 : vector<8x2048xf32>
    %max3A_64 = arith.maximumf %max3A_52, %min3A_62 : vector<8x2048xf32>
    %slice3A_65 = vector.extract_strided_slice %get3A_1 {offsets = [48, 0], sizes = [8, 2048], strides = [1, 1]} : vector<1000x2048xf32> to vector<8x2048xf32>
    %sub3A_66 = arith.constant 48 : i32
    %sub3A_67 = vector.broadcast %sub3A_66 : i32 to vector<1x2048xi32>
    %sub3A_68 = arith.subi %broadcast_in_dim3A, %sub3A_67 : vector<1x2048xi32>
    %eq3A_69 = vector.broadcast %sub3A_68 : vector<1x2048xi32> to vector<8x2048xi32>
    %eq3A_70 = arith.cmpi eq, %iota3A, %eq3A_69 : vector<8x2048xi32>
    %select_n3A_71 = arith.select %eq3A_70, %slice3A_65, %select_n3A_59 : vector<8x2048xi1>, vector<8x2048xf32>
    %min3A_72 = arith.minimumf %max3A_61, %slice3A_65 : vector<8x2048xf32>
    %max3A_73 = arith.maximumf %max3A_61, %slice3A_65 : vector<8x2048xf32>
    %min3A_74 = arith.minimumf %max3A_63, %min3A_72 : vector<8x2048xf32>
    %max3A_75 = arith.maximumf %max3A_63, %min3A_72 : vector<8x2048xf32>
    %max3A_76 = arith.maximumf %max3A_64, %min3A_74 : vector<8x2048xf32>
    %slice3A_77 = vector.extract_strided_slice %get3A_1 {offsets = [56, 0], sizes = [8, 2048], strides = [1, 1]} : vector<1000x2048xf32> to vector<8x2048xf32>
    %sub3A_78 = arith.constant 56 : i32
    %sub3A_79 = vector.broadcast %sub3A_78 : i32 to vector<1x2048xi32>
    %sub3A_80 = arith.subi %broadcast_in_dim3A, %sub3A_79 : vector<1x2048xi32>
    %eq3A_81 = vector.broadcast %sub3A_80 : vector<1x2048xi32> to vector<8x2048xi32>
    %eq3A_82 = arith.cmpi eq, %iota3A, %eq3A_81 : vector<8x2048xi32>
    %select_n3A_83 = arith.select %eq3A_82, %slice3A_77, %select_n3A_71 : vector<8x2048xi1>, vector<8x2048xf32>
    %min3A_84 = arith.minimumf %max3A_73, %slice3A_77 : vector<8x2048xf32>
    %max3A_85 = arith.maximumf %max3A_73, %slice3A_77 : vector<8x2048xf32>
    %min3A_86 = arith.minimumf %max3A_75, %min3A_84 : vector<8x2048xf32>
    %max3A_87 = arith.maximumf %max3A_75, %min3A_84 : vector<8x2048xf32>
    %max3A_88 = arith.maximumf %max3A_76, %min3A_86 : vector<8x2048xf32>
    %slice3A_89 = vector.extract_strided_slice %get3A_1 {offsets = [64, 0], sizes = [8, 2048], strides = [1, 1]} : vector<1000x2048xf32> to vector<8x2048xf32>
    %sub3A_90 = arith.constant 64 : i32
    %sub3A_91 = vector.broadcast %sub3A_90 : i32 to vector<1x2048xi32>
    %sub3A_92 = arith.subi %broadcast_in_dim3A, %sub3A_91 : vector<1x2048xi32>
    %eq3A_93 = vector.broadcast %sub3A_92 : vector<1x2048xi32> to vector<8x2048xi32>
    %eq3A_94 = arith.cmpi eq, %iota3A, %eq3A_93 : vector<8x2048xi32>
    %select_n3A_95 = arith.select %eq3A_94, %slice3A_89, %select_n3A_83 : vector<8x2048xi1>, vector<8x2048xf32>
    %min3A_96 = arith.minimumf %max3A_85, %slice3A_89 : vector<8x2048xf32>
    %max3A_97 = arith.maximumf %max3A_85, %slice3A_89 : vector<8x2048xf32>
    %min3A_98 = arith.minimumf %max3A_87, %min3A_96 : vector<8x2048xf32>
    %max3A_99 = arith.maximumf %max3A_87, %min3A_96 : vector<8x2048xf32>
    %max3A_100 = arith.maximumf %max3A_88, %min3A_98 : vector<8x2048xf32>
    %slice3A_101 = vector.extract_strided_slice %get3A_1 {offsets = [72, 0], sizes = [8, 2048], strides = [1, 1]} : vector<1000x2048xf32> to vector<8x2048xf32>
    %sub3A_102 = arith.constant 72 : i32
    %sub3A_103 = vector.broadcast %sub3A_102 : i32 to vector<1x2048xi32>
    %sub3A_104 = arith.subi %broadcast_in_dim3A, %sub3A_103 : vector<1x2048xi32>
    %eq3A_105 = vector.broadcast %sub3A_104 : vector<1x2048xi32> to vector<8x2048xi32>
    %eq3A_106 = arith.cmpi eq, %iota3A, %eq3A_105 : vector<8x2048xi32>
    %select_n3A_107 = arith.select %eq3A_106, %slice3A_101, %select_n3A_95 : vector<8x2048xi1>, vector<8x2048xf32>
    %min3A_108 = arith.minimumf %max3A_97, %slice3A_101 : vector<8x2048xf32>
    %max3A_109 = arith.maximumf %max3A_97, %slice3A_101 : vector<8x2048xf32>
    %min3A_110 = arith.minimumf %max3A_99, %min3A_108 : vector<8x2048xf32>
    %max3A_111 = arith.maximumf %max3A_99, %min3A_108 : vector<8x2048xf32>
    %max3A_112 = arith.maximumf %max3A_100, %min3A_110 : vector<8x2048xf32>
    %slice3A_113 = vector.extract_strided_slice %get3A_1 {offsets = [80, 0], sizes = [8, 2048], strides = [1, 1]} : vector<1000x2048xf32> to vector<8x2048xf32>
    %sub3A_114 = arith.constant 80 : i32
    %sub3A_115 = vector.broadcast %sub3A_114 : i32 to vector<1x2048xi32>
    %sub3A_116 = arith.subi %broadcast_in_dim3A, %sub3A_115 : vector<1x2048xi32>
    %eq3A_117 = vector.broadcast %sub3A_116 : vector<1x2048xi32> to vector<8x2048xi32>
    %eq3A_118 = arith.cmpi eq, %iota3A, %eq3A_117 : vector<8x2048xi32>
    %select_n3A_119 = arith.select %eq3A_118, %slice3A_113, %select_n3A_107 : vector<8x2048xi1>, vector<8x2048xf32>
    %min3A_120 = arith.minimumf %max3A_109, %slice3A_113 : vector<8x2048xf32>
    %max3A_121 = arith.maximumf %max3A_109, %slice3A_113 : vector<8x2048xf32>
    %min3A_122 = arith.minimumf %max3A_111, %min3A_120 : vector<8x2048xf32>
    %max3A_123 = arith.maximumf %max3A_111, %min3A_120 : vector<8x2048xf32>
    %max3A_124 = arith.maximumf %max3A_112, %min3A_122 : vector<8x2048xf32>
    %slice3A_125 = vector.extract_strided_slice %get3A_1 {offsets = [88, 0], sizes = [8, 2048], strides = [1, 1]} : vector<1000x2048xf32> to vector<8x2048xf32>
    %sub3A_126 = arith.constant 88 : i32
    %sub3A_127 = vector.broadcast %sub3A_126 : i32 to vector<1x2048xi32>
    %sub3A_128 = arith.subi %broadcast_in_dim3A, %sub3A_127 : vector<1x2048xi32>
    %eq3A_129 = vector.broadcast %sub3A_128 : vector<1x2048xi32> to vector<8x2048xi32>
    %eq3A_130 = arith.cmpi eq, %iota3A, %eq3A_129 : vector<8x2048xi32>
    %select_n3A_131 = arith.select %eq3A_130, %slice3A_125, %select_n3A_119 : vector<8x2048xi1>, vector<8x2048xf32>
    %min3A_132 = arith.minimumf %max3A_121, %slice3A_125 : vector<8x2048xf32>
    %max3A_133 = arith.maximumf %max3A_121, %slice3A_125 : vector<8x2048xf32>
    %min3A_134 = arith.minimumf %max3A_123, %min3A_132 : vector<8x2048xf32>
    %max3A_135 = arith.maximumf %max3A_123, %min3A_132 : vector<8x2048xf32>
    %max3A_136 = arith.maximumf %max3A_124, %min3A_134 : vector<8x2048xf32>
    %slice3A_137 = vector.extract_strided_slice %get3A_1 {offsets = [96, 0], sizes = [8, 2048], strides = [1, 1]} : vector<1000x2048xf32> to vector<8x2048xf32>
    %sub3A_138 = arith.constant 96 : i32
    %sub3A_139 = vector.broadcast %sub3A_138 : i32 to vector<1x2048xi32>
    %sub3A_140 = arith.subi %broadcast_in_dim3A, %sub3A_139 : vector<1x2048xi32>
    %eq3A_141 = vector.broadcast %sub3A_140 : vector<1x2048xi32> to vector<8x2048xi32>
    %eq3A_142 = arith.cmpi eq, %iota3A, %eq3A_141 : vector<8x2048xi32>
    %select_n3A_143 = arith.select %eq3A_142, %slice3A_137, %select_n3A_131 : vector<8x2048xi1>, vector<8x2048xf32>
    %min3A_144 = arith.minimumf %max3A_133, %slice3A_137 : vector<8x2048xf32>
    %max3A_145 = arith.maximumf %max3A_133, %slice3A_137 : vector<8x2048xf32>
    %min3A_146 = arith.minimumf %max3A_135, %min3A_144 : vector<8x2048xf32>
    %max3A_147 = arith.maximumf %max3A_135, %min3A_144 : vector<8x2048xf32>
    %max3A_148 = arith.maximumf %max3A_136, %min3A_146 : vector<8x2048xf32>
    %slice3A_149 = vector.extract_strided_slice %get3A_1 {offsets = [104, 0], sizes = [8, 2048], strides = [1, 1]} : vector<1000x2048xf32> to vector<8x2048xf32>
    %sub3A_150 = arith.constant 104 : i32
    %sub3A_151 = vector.broadcast %sub3A_150 : i32 to vector<1x2048xi32>
    %sub3A_152 = arith.subi %broadcast_in_dim3A, %sub3A_151 : vector<1x2048xi32>
    %eq3A_153 = vector.broadcast %sub3A_152 : vector<1x2048xi32> to vector<8x2048xi32>
    %eq3A_154 = arith.cmpi eq, %iota3A, %eq3A_153 : vector<8x2048xi32>
    %select_n3A_155 = arith.select %eq3A_154, %slice3A_149, %select_n3A_143 : vector<8x2048xi1>, vector<8x2048xf32>
    %min3A_156 = arith.minimumf %max3A_145, %slice3A_149 : vector<8x2048xf32>
    %max3A_157 = arith.maximumf %max3A_145, %slice3A_149 : vector<8x2048xf32>
    %min3A_158 = arith.minimumf %max3A_147, %min3A_156 : vector<8x2048xf32>
    %max3A_159 = arith.maximumf %max3A_147, %min3A_156 : vector<8x2048xf32>
    %max3A_160 = arith.maximumf %max3A_148, %min3A_158 : vector<8x2048xf32>
    %slice3A_161 = vector.extract_strided_slice %get3A_1 {offsets = [112, 0], sizes = [8, 2048], strides = [1, 1]} : vector<1000x2048xf32> to vector<8x2048xf32>
    %sub3A_162 = arith.constant 112 : i32
    %sub3A_163 = vector.broadcast %sub3A_162 : i32 to vector<1x2048xi32>
    %sub3A_164 = arith.subi %broadcast_in_dim3A, %sub3A_163 : vector<1x2048xi32>
    %eq3A_165 = vector.broadcast %sub3A_164 : vector<1x2048xi32> to vector<8x2048xi32>
    %eq3A_166 = arith.cmpi eq, %iota3A, %eq3A_165 : vector<8x2048xi32>
    %select_n3A_167 = arith.select %eq3A_166, %slice3A_161, %select_n3A_155 : vector<8x2048xi1>, vector<8x2048xf32>
    %min3A_168 = arith.minimumf %max3A_157, %slice3A_161 : vector<8x2048xf32>
    %max3A_169 = arith.maximumf %max3A_157, %slice3A_161 : vector<8x2048xf32>
    %min3A_170 = arith.minimumf %max3A_159, %min3A_168 : vector<8x2048xf32>
    %max3A_171 = arith.maximumf %max3A_159, %min3A_168 : vector<8x2048xf32>
    %max3A_172 = arith.maximumf %max3A_160, %min3A_170 : vector<8x2048xf32>
    %slice3A_173 = vector.extract_strided_slice %get3A_1 {offsets = [120, 0], sizes = [8, 2048], strides = [1, 1]} : vector<1000x2048xf32> to vector<8x2048xf32>
    %sub3A_174 = arith.constant 120 : i32
    %sub3A_175 = vector.broadcast %sub3A_174 : i32 to vector<1x2048xi32>
    %sub3A_176 = arith.subi %broadcast_in_dim3A, %sub3A_175 : vector<1x2048xi32>
    %eq3A_177 = vector.broadcast %sub3A_176 : vector<1x2048xi32> to vector<8x2048xi32>
    %eq3A_178 = arith.cmpi eq, %iota3A, %eq3A_177 : vector<8x2048xi32>
    %select_n3A_179 = arith.select %eq3A_178, %slice3A_173, %select_n3A_167 : vector<8x2048xi1>, vector<8x2048xf32>
    %min3A_180 = arith.minimumf %max3A_169, %slice3A_173 : vector<8x2048xf32>
    %max3A_181 = arith.maximumf %max3A_169, %slice3A_173 : vector<8x2048xf32>
    %min3A_182 = arith.minimumf %max3A_171, %min3A_180 : vector<8x2048xf32>
    %max3A_183 = arith.maximumf %max3A_171, %min3A_180 : vector<8x2048xf32>
    %max3A_184 = arith.maximumf %max3A_172, %min3A_182 : vector<8x2048xf32>
    %slice3A_185 = vector.extract_strided_slice %get3A_1 {offsets = [128, 0], sizes = [8, 2048], strides = [1, 1]} : vector<1000x2048xf32> to vector<8x2048xf32>
    %sub3A_186 = arith.constant 128 : i32
    %sub3A_187 = vector.broadcast %sub3A_186 : i32 to vector<1x2048xi32>
    %sub3A_188 = arith.subi %broadcast_in_dim3A, %sub3A_187 : vector<1x2048xi32>
    %eq3A_189 = vector.broadcast %sub3A_188 : vector<1x2048xi32> to vector<8x2048xi32>
    %eq3A_190 = arith.cmpi eq, %iota3A, %eq3A_189 : vector<8x2048xi32>
    %select_n3A_191 = arith.select %eq3A_190, %slice3A_185, %select_n3A_179 : vector<8x2048xi1>, vector<8x2048xf32>
    %min3A_192 = arith.minimumf %max3A_181, %slice3A_185 : vector<8x2048xf32>
    %max3A_193 = arith.maximumf %max3A_181, %slice3A_185 : vector<8x2048xf32>
    %min3A_194 = arith.minimumf %max3A_183, %min3A_192 : vector<8x2048xf32>
    %max3A_195 = arith.maximumf %max3A_183, %min3A_192 : vector<8x2048xf32>
    %max3A_196 = arith.maximumf %max3A_184, %min3A_194 : vector<8x2048xf32>
    %slice3A_197 = vector.extract_strided_slice %get3A_1 {offsets = [136, 0], sizes = [8, 2048], strides = [1, 1]} : vector<1000x2048xf32> to vector<8x2048xf32>
    %sub3A_198 = arith.constant 136 : i32
    %sub3A_199 = vector.broadcast %sub3A_198 : i32 to vector<1x2048xi32>
    %sub3A_200 = arith.subi %broadcast_in_dim3A, %sub3A_199 : vector<1x2048xi32>
    %eq3A_201 = vector.broadcast %sub3A_200 : vector<1x2048xi32> to vector<8x2048xi32>
    %eq3A_202 = arith.cmpi eq, %iota3A, %eq3A_201 : vector<8x2048xi32>
    %select_n3A_203 = arith.select %eq3A_202, %slice3A_197, %select_n3A_191 : vector<8x2048xi1>, vector<8x2048xf32>
    %min3A_204 = arith.minimumf %max3A_193, %slice3A_197 : vector<8x2048xf32>
    %max3A_205 = arith.maximumf %max3A_193, %slice3A_197 : vector<8x2048xf32>
    %min3A_206 = arith.minimumf %max3A_195, %min3A_204 : vector<8x2048xf32>
    %max3A_207 = arith.maximumf %max3A_195, %min3A_204 : vector<8x2048xf32>
    %max3A_208 = arith.maximumf %max3A_196, %min3A_206 : vector<8x2048xf32>
    %slice3A_209 = vector.extract_strided_slice %get3A_1 {offsets = [144, 0], sizes = [8, 2048], strides = [1, 1]} : vector<1000x2048xf32> to vector<8x2048xf32>
    %sub3A_210 = arith.constant 144 : i32
    %sub3A_211 = vector.broadcast %sub3A_210 : i32 to vector<1x2048xi32>
    %sub3A_212 = arith.subi %broadcast_in_dim3A, %sub3A_211 : vector<1x2048xi32>
    %eq3A_213 = vector.broadcast %sub3A_212 : vector<1x2048xi32> to vector<8x2048xi32>
    %eq3A_214 = arith.cmpi eq, %iota3A, %eq3A_213 : vector<8x2048xi32>
    %select_n3A_215 = arith.select %eq3A_214, %slice3A_209, %select_n3A_203 : vector<8x2048xi1>, vector<8x2048xf32>
    %min3A_216 = arith.minimumf %max3A_205, %slice3A_209 : vector<8x2048xf32>
    %max3A_217 = arith.maximumf %max3A_205, %slice3A_209 : vector<8x2048xf32>
    %min3A_218 = arith.minimumf %max3A_207, %min3A_216 : vector<8x2048xf32>
    %max3A_219 = arith.maximumf %max3A_207, %min3A_216 : vector<8x2048xf32>
    %max3A_220 = arith.maximumf %max3A_208, %min3A_218 : vector<8x2048xf32>
    %slice3A_221 = vector.extract_strided_slice %get3A_1 {offsets = [152, 0], sizes = [8, 2048], strides = [1, 1]} : vector<1000x2048xf32> to vector<8x2048xf32>
    %sub3A_222 = arith.constant 152 : i32
    %sub3A_223 = vector.broadcast %sub3A_222 : i32 to vector<1x2048xi32>
    %sub3A_224 = arith.subi %broadcast_in_dim3A, %sub3A_223 : vector<1x2048xi32>
    %eq3A_225 = vector.broadcast %sub3A_224 : vector<1x2048xi32> to vector<8x2048xi32>
    %eq3A_226 = arith.cmpi eq, %iota3A, %eq3A_225 : vector<8x2048xi32>
    %select_n3A_227 = arith.select %eq3A_226, %slice3A_221, %select_n3A_215 : vector<8x2048xi1>, vector<8x2048xf32>
    %min3A_228 = arith.minimumf %max3A_217, %slice3A_221 : vector<8x2048xf32>
    %max3A_229 = arith.maximumf %max3A_217, %slice3A_221 : vector<8x2048xf32>
    %min3A_230 = arith.minimumf %max3A_219, %min3A_228 : vector<8x2048xf32>
    %max3A_231 = arith.maximumf %max3A_219, %min3A_228 : vector<8x2048xf32>
    %max3A_232 = arith.maximumf %max3A_220, %min3A_230 : vector<8x2048xf32>
    %slice3A_233 = vector.extract_strided_slice %get3A_1 {offsets = [160, 0], sizes = [8, 2048], strides = [1, 1]} : vector<1000x2048xf32> to vector<8x2048xf32>
    %sub3A_234 = arith.constant 160 : i32
    %sub3A_235 = vector.broadcast %sub3A_234 : i32 to vector<1x2048xi32>
    %sub3A_236 = arith.subi %broadcast_in_dim3A, %sub3A_235 : vector<1x2048xi32>
    %eq3A_237 = vector.broadcast %sub3A_236 : vector<1x2048xi32> to vector<8x2048xi32>
    %eq3A_238 = arith.cmpi eq, %iota3A, %eq3A_237 : vector<8x2048xi32>
    %select_n3A_239 = arith.select %eq3A_238, %slice3A_233, %select_n3A_227 : vector<8x2048xi1>, vector<8x2048xf32>
    %min3A_240 = arith.minimumf %max3A_229, %slice3A_233 : vector<8x2048xf32>
    %max3A_241 = arith.maximumf %max3A_229, %slice3A_233 : vector<8x2048xf32>
    %min3A_242 = arith.minimumf %max3A_231, %min3A_240 : vector<8x2048xf32>
    %max3A_243 = arith.maximumf %max3A_231, %min3A_240 : vector<8x2048xf32>
    %max3A_244 = arith.maximumf %max3A_232, %min3A_242 : vector<8x2048xf32>
    %slice3A_245 = vector.extract_strided_slice %get3A_1 {offsets = [168, 0], sizes = [8, 2048], strides = [1, 1]} : vector<1000x2048xf32> to vector<8x2048xf32>
    %sub3A_246 = arith.constant 168 : i32
    %sub3A_247 = vector.broadcast %sub3A_246 : i32 to vector<1x2048xi32>
    %sub3A_248 = arith.subi %broadcast_in_dim3A, %sub3A_247 : vector<1x2048xi32>
    %eq3A_249 = vector.broadcast %sub3A_248 : vector<1x2048xi32> to vector<8x2048xi32>
    %eq3A_250 = arith.cmpi eq, %iota3A, %eq3A_249 : vector<8x2048xi32>
    %select_n3A_251 = arith.select %eq3A_250, %slice3A_245, %select_n3A_239 : vector<8x2048xi1>, vector<8x2048xf32>
    %min3A_252 = arith.minimumf %max3A_241, %slice3A_245 : vector<8x2048xf32>
    %max3A_253 = arith.maximumf %max3A_241, %slice3A_245 : vector<8x2048xf32>
    %min3A_254 = arith.minimumf %max3A_243, %min3A_252 : vector<8x2048xf32>
    %max3A_255 = arith.maximumf %max3A_243, %min3A_252 : vector<8x2048xf32>
    %max3A_256 = arith.maximumf %max3A_244, %min3A_254 : vector<8x2048xf32>
    %slice3A_257 = vector.extract_strided_slice %get3A_1 {offsets = [176, 0], sizes = [8, 2048], strides = [1, 1]} : vector<1000x2048xf32> to vector<8x2048xf32>
    %sub3A_258 = arith.constant 176 : i32
    %sub3A_259 = vector.broadcast %sub3A_258 : i32 to vector<1x2048xi32>
    %sub3A_260 = arith.subi %broadcast_in_dim3A, %sub3A_259 : vector<1x2048xi32>
    %eq3A_261 = vector.broadcast %sub3A_260 : vector<1x2048xi32> to vector<8x2048xi32>
    %eq3A_262 = arith.cmpi eq, %iota3A, %eq3A_261 : vector<8x2048xi32>
    %select_n3A_263 = arith.select %eq3A_262, %slice3A_257, %select_n3A_251 : vector<8x2048xi1>, vector<8x2048xf32>
    %min3A_264 = arith.minimumf %max3A_253, %slice3A_257 : vector<8x2048xf32>
    %max3A_265 = arith.maximumf %max3A_253, %slice3A_257 : vector<8x2048xf32>
    %min3A_266 = arith.minimumf %max3A_255, %min3A_264 : vector<8x2048xf32>
    %max3A_267 = arith.maximumf %max3A_255, %min3A_264 : vector<8x2048xf32>
    %max3A_268 = arith.maximumf %max3A_256, %min3A_266 : vector<8x2048xf32>
    %slice3A_269 = vector.extract_strided_slice %get3A_1 {offsets = [184, 0], sizes = [8, 2048], strides = [1, 1]} : vector<1000x2048xf32> to vector<8x2048xf32>
    %sub3A_270 = arith.constant 184 : i32
    %sub3A_271 = vector.broadcast %sub3A_270 : i32 to vector<1x2048xi32>
    %sub3A_272 = arith.subi %broadcast_in_dim3A, %sub3A_271 : vector<1x2048xi32>
    %eq3A_273 = vector.broadcast %sub3A_272 : vector<1x2048xi32> to vector<8x2048xi32>
    %eq3A_274 = arith.cmpi eq, %iota3A, %eq3A_273 : vector<8x2048xi32>
    %select_n3A_275 = arith.select %eq3A_274, %slice3A_269, %select_n3A_263 : vector<8x2048xi1>, vector<8x2048xf32>
    %min3A_276 = arith.minimumf %max3A_265, %slice3A_269 : vector<8x2048xf32>
    %max3A_277 = arith.maximumf %max3A_265, %slice3A_269 : vector<8x2048xf32>
    %min3A_278 = arith.minimumf %max3A_267, %min3A_276 : vector<8x2048xf32>
    %max3A_279 = arith.maximumf %max3A_267, %min3A_276 : vector<8x2048xf32>
    %max3A_280 = arith.maximumf %max3A_268, %min3A_278 : vector<8x2048xf32>
    %slice3A_281 = vector.extract_strided_slice %get3A_1 {offsets = [192, 0], sizes = [8, 2048], strides = [1, 1]} : vector<1000x2048xf32> to vector<8x2048xf32>
    %sub3A_282 = arith.constant 192 : i32
    %sub3A_283 = vector.broadcast %sub3A_282 : i32 to vector<1x2048xi32>
    %sub3A_284 = arith.subi %broadcast_in_dim3A, %sub3A_283 : vector<1x2048xi32>
    %eq3A_285 = vector.broadcast %sub3A_284 : vector<1x2048xi32> to vector<8x2048xi32>
    %eq3A_286 = arith.cmpi eq, %iota3A, %eq3A_285 : vector<8x2048xi32>
    %select_n3A_287 = arith.select %eq3A_286, %slice3A_281, %select_n3A_275 : vector<8x2048xi1>, vector<8x2048xf32>
    %min3A_288 = arith.minimumf %max3A_277, %slice3A_281 : vector<8x2048xf32>
    %max3A_289 = arith.maximumf %max3A_277, %slice3A_281 : vector<8x2048xf32>
    %min3A_290 = arith.minimumf %max3A_279, %min3A_288 : vector<8x2048xf32>
    %max3A_291 = arith.maximumf %max3A_279, %min3A_288 : vector<8x2048xf32>
    %max3A_292 = arith.maximumf %max3A_280, %min3A_290 : vector<8x2048xf32>
    %slice3A_293 = vector.extract_strided_slice %get3A_1 {offsets = [200, 0], sizes = [8, 2048], strides = [1, 1]} : vector<1000x2048xf32> to vector<8x2048xf32>
    %sub3A_294 = arith.constant 200 : i32
    %sub3A_295 = vector.broadcast %sub3A_294 : i32 to vector<1x2048xi32>
    %sub3A_296 = arith.subi %broadcast_in_dim3A, %sub3A_295 : vector<1x2048xi32>
    %eq3A_297 = vector.broadcast %sub3A_296 : vector<1x2048xi32> to vector<8x2048xi32>
    %eq3A_298 = arith.cmpi eq, %iota3A, %eq3A_297 : vector<8x2048xi32>
    %select_n3A_299 = arith.select %eq3A_298, %slice3A_293, %select_n3A_287 : vector<8x2048xi1>, vector<8x2048xf32>
    %min3A_300 = arith.minimumf %max3A_289, %slice3A_293 : vector<8x2048xf32>
    %max3A_301 = arith.maximumf %max3A_289, %slice3A_293 : vector<8x2048xf32>
    %min3A_302 = arith.minimumf %max3A_291, %min3A_300 : vector<8x2048xf32>
    %max3A_303 = arith.maximumf %max3A_291, %min3A_300 : vector<8x2048xf32>
    %max3A_304 = arith.maximumf %max3A_292, %min3A_302 : vector<8x2048xf32>
    %slice3A_305 = vector.extract_strided_slice %get3A_1 {offsets = [208, 0], sizes = [8, 2048], strides = [1, 1]} : vector<1000x2048xf32> to vector<8x2048xf32>
    %sub3A_306 = arith.constant 208 : i32
    %sub3A_307 = vector.broadcast %sub3A_306 : i32 to vector<1x2048xi32>
    %sub3A_308 = arith.subi %broadcast_in_dim3A, %sub3A_307 : vector<1x2048xi32>
    %eq3A_309 = vector.broadcast %sub3A_308 : vector<1x2048xi32> to vector<8x2048xi32>
    %eq3A_310 = arith.cmpi eq, %iota3A, %eq3A_309 : vector<8x2048xi32>
    %select_n3A_311 = arith.select %eq3A_310, %slice3A_305, %select_n3A_299 : vector<8x2048xi1>, vector<8x2048xf32>
    %min3A_312 = arith.minimumf %max3A_301, %slice3A_305 : vector<8x2048xf32>
    %max3A_313 = arith.maximumf %max3A_301, %slice3A_305 : vector<8x2048xf32>
    %min3A_314 = arith.minimumf %max3A_303, %min3A_312 : vector<8x2048xf32>
    %max3A_315 = arith.maximumf %max3A_303, %min3A_312 : vector<8x2048xf32>
    %max3A_316 = arith.maximumf %max3A_304, %min3A_314 : vector<8x2048xf32>
    %slice3A_317 = vector.extract_strided_slice %get3A_1 {offsets = [216, 0], sizes = [8, 2048], strides = [1, 1]} : vector<1000x2048xf32> to vector<8x2048xf32>
    %sub3A_318 = arith.constant 216 : i32
    %sub3A_319 = vector.broadcast %sub3A_318 : i32 to vector<1x2048xi32>
    %sub3A_320 = arith.subi %broadcast_in_dim3A, %sub3A_319 : vector<1x2048xi32>
    %eq3A_321 = vector.broadcast %sub3A_320 : vector<1x2048xi32> to vector<8x2048xi32>
    %eq3A_322 = arith.cmpi eq, %iota3A, %eq3A_321 : vector<8x2048xi32>
    %select_n3A_323 = arith.select %eq3A_322, %slice3A_317, %select_n3A_311 : vector<8x2048xi1>, vector<8x2048xf32>
    %min3A_324 = arith.minimumf %max3A_313, %slice3A_317 : vector<8x2048xf32>
    %max3A_325 = arith.maximumf %max3A_313, %slice3A_317 : vector<8x2048xf32>
    %min3A_326 = arith.minimumf %max3A_315, %min3A_324 : vector<8x2048xf32>
    %max3A_327 = arith.maximumf %max3A_315, %min3A_324 : vector<8x2048xf32>
    %max3A_328 = arith.maximumf %max3A_316, %min3A_326 : vector<8x2048xf32>
    %slice3A_329 = vector.extract_strided_slice %get3A_1 {offsets = [224, 0], sizes = [8, 2048], strides = [1, 1]} : vector<1000x2048xf32> to vector<8x2048xf32>
    %sub3A_330 = arith.constant 224 : i32
    %sub3A_331 = vector.broadcast %sub3A_330 : i32 to vector<1x2048xi32>
    %sub3A_332 = arith.subi %broadcast_in_dim3A, %sub3A_331 : vector<1x2048xi32>
    %eq3A_333 = vector.broadcast %sub3A_332 : vector<1x2048xi32> to vector<8x2048xi32>
    %eq3A_334 = arith.cmpi eq, %iota3A, %eq3A_333 : vector<8x2048xi32>
    %select_n3A_335 = arith.select %eq3A_334, %slice3A_329, %select_n3A_323 : vector<8x2048xi1>, vector<8x2048xf32>
    %min3A_336 = arith.minimumf %max3A_325, %slice3A_329 : vector<8x2048xf32>
    %max3A_337 = arith.maximumf %max3A_325, %slice3A_329 : vector<8x2048xf32>
    %min3A_338 = arith.minimumf %max3A_327, %min3A_336 : vector<8x2048xf32>
    %max3A_339 = arith.maximumf %max3A_327, %min3A_336 : vector<8x2048xf32>
    %max3A_340 = arith.maximumf %max3A_328, %min3A_338 : vector<8x2048xf32>
    %slice3A_341 = vector.extract_strided_slice %get3A_1 {offsets = [232, 0], sizes = [8, 2048], strides = [1, 1]} : vector<1000x2048xf32> to vector<8x2048xf32>
    %sub3A_342 = arith.constant 232 : i32
    %sub3A_343 = vector.broadcast %sub3A_342 : i32 to vector<1x2048xi32>
    %sub3A_344 = arith.subi %broadcast_in_dim3A, %sub3A_343 : vector<1x2048xi32>
    %eq3A_345 = vector.broadcast %sub3A_344 : vector<1x2048xi32> to vector<8x2048xi32>
    %eq3A_346 = arith.cmpi eq, %iota3A, %eq3A_345 : vector<8x2048xi32>
    %select_n3A_347 = arith.select %eq3A_346, %slice3A_341, %select_n3A_335 : vector<8x2048xi1>, vector<8x2048xf32>
    %min3A_348 = arith.minimumf %max3A_337, %slice3A_341 : vector<8x2048xf32>
    %max3A_349 = arith.maximumf %max3A_337, %slice3A_341 : vector<8x2048xf32>
    %min3A_350 = arith.minimumf %max3A_339, %min3A_348 : vector<8x2048xf32>
    %max3A_351 = arith.maximumf %max3A_339, %min3A_348 : vector<8x2048xf32>
    %max3A_352 = arith.maximumf %max3A_340, %min3A_350 : vector<8x2048xf32>
    %slice3A_353 = vector.extract_strided_slice %get3A_1 {offsets = [240, 0], sizes = [8, 2048], strides = [1, 1]} : vector<1000x2048xf32> to vector<8x2048xf32>
    %sub3A_354 = arith.constant 240 : i32
    %sub3A_355 = vector.broadcast %sub3A_354 : i32 to vector<1x2048xi32>
    %sub3A_356 = arith.subi %broadcast_in_dim3A, %sub3A_355 : vector<1x2048xi32>
    %eq3A_357 = vector.broadcast %sub3A_356 : vector<1x2048xi32> to vector<8x2048xi32>
    %eq3A_358 = arith.cmpi eq, %iota3A, %eq3A_357 : vector<8x2048xi32>
    %select_n3A_359 = arith.select %eq3A_358, %slice3A_353, %select_n3A_347 : vector<8x2048xi1>, vector<8x2048xf32>
    %min3A_360 = arith.minimumf %max3A_349, %slice3A_353 : vector<8x2048xf32>
    %max3A_361 = arith.maximumf %max3A_349, %slice3A_353 : vector<8x2048xf32>
    %min3A_362 = arith.minimumf %max3A_351, %min3A_360 : vector<8x2048xf32>
    %max3A_363 = arith.maximumf %max3A_351, %min3A_360 : vector<8x2048xf32>
    %max3A_364 = arith.maximumf %max3A_352, %min3A_362 : vector<8x2048xf32>
    %slice3A_365 = vector.extract_strided_slice %get3A_1 {offsets = [248, 0], sizes = [8, 2048], strides = [1, 1]} : vector<1000x2048xf32> to vector<8x2048xf32>
    %sub3A_366 = arith.constant 248 : i32
    %sub3A_367 = vector.broadcast %sub3A_366 : i32 to vector<1x2048xi32>
    %sub3A_368 = arith.subi %broadcast_in_dim3A, %sub3A_367 : vector<1x2048xi32>
    %eq3A_369 = vector.broadcast %sub3A_368 : vector<1x2048xi32> to vector<8x2048xi32>
    %eq3A_370 = arith.cmpi eq, %iota3A, %eq3A_369 : vector<8x2048xi32>
    %select_n3A_371 = arith.select %eq3A_370, %slice3A_365, %select_n3A_359 : vector<8x2048xi1>, vector<8x2048xf32>
    %min3A_372 = arith.minimumf %max3A_361, %slice3A_365 : vector<8x2048xf32>
    %max3A_373 = arith.maximumf %max3A_361, %slice3A_365 : vector<8x2048xf32>
    %min3A_374 = arith.minimumf %max3A_363, %min3A_372 : vector<8x2048xf32>
    %max3A_375 = arith.maximumf %max3A_363, %min3A_372 : vector<8x2048xf32>
    %max3A_376 = arith.maximumf %max3A_364, %min3A_374 : vector<8x2048xf32>
    %slice3A_377 = vector.extract_strided_slice %get3A_1 {offsets = [256, 0], sizes = [8, 2048], strides = [1, 1]} : vector<1000x2048xf32> to vector<8x2048xf32>
    %sub3A_378 = arith.constant 256 : i32
    %sub3A_379 = vector.broadcast %sub3A_378 : i32 to vector<1x2048xi32>
    %sub3A_380 = arith.subi %broadcast_in_dim3A, %sub3A_379 : vector<1x2048xi32>
    %eq3A_381 = vector.broadcast %sub3A_380 : vector<1x2048xi32> to vector<8x2048xi32>
    %eq3A_382 = arith.cmpi eq, %iota3A, %eq3A_381 : vector<8x2048xi32>
    %select_n3A_383 = arith.select %eq3A_382, %slice3A_377, %select_n3A_371 : vector<8x2048xi1>, vector<8x2048xf32>
    %min3A_384 = arith.minimumf %max3A_373, %slice3A_377 : vector<8x2048xf32>
    %max3A_385 = arith.maximumf %max3A_373, %slice3A_377 : vector<8x2048xf32>
    %min3A_386 = arith.minimumf %max3A_375, %min3A_384 : vector<8x2048xf32>
    %max3A_387 = arith.maximumf %max3A_375, %min3A_384 : vector<8x2048xf32>
    %max3A_388 = arith.maximumf %max3A_376, %min3A_386 : vector<8x2048xf32>
    %slice3A_389 = vector.extract_strided_slice %get3A_1 {offsets = [264, 0], sizes = [8, 2048], strides = [1, 1]} : vector<1000x2048xf32> to vector<8x2048xf32>
    %sub3A_390 = arith.constant 264 : i32
    %sub3A_391 = vector.broadcast %sub3A_390 : i32 to vector<1x2048xi32>
    %sub3A_392 = arith.subi %broadcast_in_dim3A, %sub3A_391 : vector<1x2048xi32>
    %eq3A_393 = vector.broadcast %sub3A_392 : vector<1x2048xi32> to vector<8x2048xi32>
    %eq3A_394 = arith.cmpi eq, %iota3A, %eq3A_393 : vector<8x2048xi32>
    %select_n3A_395 = arith.select %eq3A_394, %slice3A_389, %select_n3A_383 : vector<8x2048xi1>, vector<8x2048xf32>
    %min3A_396 = arith.minimumf %max3A_385, %slice3A_389 : vector<8x2048xf32>
    %max3A_397 = arith.maximumf %max3A_385, %slice3A_389 : vector<8x2048xf32>
    %min3A_398 = arith.minimumf %max3A_387, %min3A_396 : vector<8x2048xf32>
    %max3A_399 = arith.maximumf %max3A_387, %min3A_396 : vector<8x2048xf32>
    %max3A_400 = arith.maximumf %max3A_388, %min3A_398 : vector<8x2048xf32>
    %slice3A_401 = vector.extract_strided_slice %get3A_1 {offsets = [272, 0], sizes = [8, 2048], strides = [1, 1]} : vector<1000x2048xf32> to vector<8x2048xf32>
    %sub3A_402 = arith.constant 272 : i32
    %sub3A_403 = vector.broadcast %sub3A_402 : i32 to vector<1x2048xi32>
    %sub3A_404 = arith.subi %broadcast_in_dim3A, %sub3A_403 : vector<1x2048xi32>
    %eq3A_405 = vector.broadcast %sub3A_404 : vector<1x2048xi32> to vector<8x2048xi32>
    %eq3A_406 = arith.cmpi eq, %iota3A, %eq3A_405 : vector<8x2048xi32>
    %select_n3A_407 = arith.select %eq3A_406, %slice3A_401, %select_n3A_395 : vector<8x2048xi1>, vector<8x2048xf32>
    %min3A_408 = arith.minimumf %max3A_397, %slice3A_401 : vector<8x2048xf32>
    %max3A_409 = arith.maximumf %max3A_397, %slice3A_401 : vector<8x2048xf32>
    %min3A_410 = arith.minimumf %max3A_399, %min3A_408 : vector<8x2048xf32>
    %max3A_411 = arith.maximumf %max3A_399, %min3A_408 : vector<8x2048xf32>
    %max3A_412 = arith.maximumf %max3A_400, %min3A_410 : vector<8x2048xf32>
    %slice3A_413 = vector.extract_strided_slice %get3A_1 {offsets = [280, 0], sizes = [8, 2048], strides = [1, 1]} : vector<1000x2048xf32> to vector<8x2048xf32>
    %sub3A_414 = arith.constant 280 : i32
    %sub3A_415 = vector.broadcast %sub3A_414 : i32 to vector<1x2048xi32>
    %sub3A_416 = arith.subi %broadcast_in_dim3A, %sub3A_415 : vector<1x2048xi32>
    %eq3A_417 = vector.broadcast %sub3A_416 : vector<1x2048xi32> to vector<8x2048xi32>
    %eq3A_418 = arith.cmpi eq, %iota3A, %eq3A_417 : vector<8x2048xi32>
    %select_n3A_419 = arith.select %eq3A_418, %slice3A_413, %select_n3A_407 : vector<8x2048xi1>, vector<8x2048xf32>
    %min3A_420 = arith.minimumf %max3A_409, %slice3A_413 : vector<8x2048xf32>
    %max3A_421 = arith.maximumf %max3A_409, %slice3A_413 : vector<8x2048xf32>
    %min3A_422 = arith.minimumf %max3A_411, %min3A_420 : vector<8x2048xf32>
    %max3A_423 = arith.maximumf %max3A_411, %min3A_420 : vector<8x2048xf32>
    %max3A_424 = arith.maximumf %max3A_412, %min3A_422 : vector<8x2048xf32>
    %slice3A_425 = vector.extract_strided_slice %get3A_1 {offsets = [288, 0], sizes = [8, 2048], strides = [1, 1]} : vector<1000x2048xf32> to vector<8x2048xf32>
    %sub3A_426 = arith.constant 288 : i32
    %sub3A_427 = vector.broadcast %sub3A_426 : i32 to vector<1x2048xi32>
    %sub3A_428 = arith.subi %broadcast_in_dim3A, %sub3A_427 : vector<1x2048xi32>
    %eq3A_429 = vector.broadcast %sub3A_428 : vector<1x2048xi32> to vector<8x2048xi32>
    %eq3A_430 = arith.cmpi eq, %iota3A, %eq3A_429 : vector<8x2048xi32>
    %select_n3A_431 = arith.select %eq3A_430, %slice3A_425, %select_n3A_419 : vector<8x2048xi1>, vector<8x2048xf32>
    %min3A_432 = arith.minimumf %max3A_421, %slice3A_425 : vector<8x2048xf32>
    %max3A_433 = arith.maximumf %max3A_421, %slice3A_425 : vector<8x2048xf32>
    %min3A_434 = arith.minimumf %max3A_423, %min3A_432 : vector<8x2048xf32>
    %max3A_435 = arith.maximumf %max3A_423, %min3A_432 : vector<8x2048xf32>
    %max3A_436 = arith.maximumf %max3A_424, %min3A_434 : vector<8x2048xf32>
    %slice3A_437 = vector.extract_strided_slice %get3A_1 {offsets = [296, 0], sizes = [8, 2048], strides = [1, 1]} : vector<1000x2048xf32> to vector<8x2048xf32>
    %sub3A_438 = arith.constant 296 : i32
    %sub3A_439 = vector.broadcast %sub3A_438 : i32 to vector<1x2048xi32>
    %sub3A_440 = arith.subi %broadcast_in_dim3A, %sub3A_439 : vector<1x2048xi32>
    %eq3A_441 = vector.broadcast %sub3A_440 : vector<1x2048xi32> to vector<8x2048xi32>
    %eq3A_442 = arith.cmpi eq, %iota3A, %eq3A_441 : vector<8x2048xi32>
    %select_n3A_443 = arith.select %eq3A_442, %slice3A_437, %select_n3A_431 : vector<8x2048xi1>, vector<8x2048xf32>
    %min3A_444 = arith.minimumf %max3A_433, %slice3A_437 : vector<8x2048xf32>
    %max3A_445 = arith.maximumf %max3A_433, %slice3A_437 : vector<8x2048xf32>
    %min3A_446 = arith.minimumf %max3A_435, %min3A_444 : vector<8x2048xf32>
    %max3A_447 = arith.maximumf %max3A_435, %min3A_444 : vector<8x2048xf32>
    %max3A_448 = arith.maximumf %max3A_436, %min3A_446 : vector<8x2048xf32>
    %slice3A_449 = vector.extract_strided_slice %get3A_1 {offsets = [304, 0], sizes = [8, 2048], strides = [1, 1]} : vector<1000x2048xf32> to vector<8x2048xf32>
    %sub3A_450 = arith.constant 304 : i32
    %sub3A_451 = vector.broadcast %sub3A_450 : i32 to vector<1x2048xi32>
    %sub3A_452 = arith.subi %broadcast_in_dim3A, %sub3A_451 : vector<1x2048xi32>
    %eq3A_453 = vector.broadcast %sub3A_452 : vector<1x2048xi32> to vector<8x2048xi32>
    %eq3A_454 = arith.cmpi eq, %iota3A, %eq3A_453 : vector<8x2048xi32>
    %select_n3A_455 = arith.select %eq3A_454, %slice3A_449, %select_n3A_443 : vector<8x2048xi1>, vector<8x2048xf32>
    %min3A_456 = arith.minimumf %max3A_445, %slice3A_449 : vector<8x2048xf32>
    %max3A_457 = arith.maximumf %max3A_445, %slice3A_449 : vector<8x2048xf32>
    %min3A_458 = arith.minimumf %max3A_447, %min3A_456 : vector<8x2048xf32>
    %max3A_459 = arith.maximumf %max3A_447, %min3A_456 : vector<8x2048xf32>
    %max3A_460 = arith.maximumf %max3A_448, %min3A_458 : vector<8x2048xf32>
    %slice3A_461 = vector.extract_strided_slice %get3A_1 {offsets = [312, 0], sizes = [8, 2048], strides = [1, 1]} : vector<1000x2048xf32> to vector<8x2048xf32>
    %sub3A_462 = arith.constant 312 : i32
    %sub3A_463 = vector.broadcast %sub3A_462 : i32 to vector<1x2048xi32>
    %sub3A_464 = arith.subi %broadcast_in_dim3A, %sub3A_463 : vector<1x2048xi32>
    %eq3A_465 = vector.broadcast %sub3A_464 : vector<1x2048xi32> to vector<8x2048xi32>
    %eq3A_466 = arith.cmpi eq, %iota3A, %eq3A_465 : vector<8x2048xi32>
    %select_n3A_467 = arith.select %eq3A_466, %slice3A_461, %select_n3A_455 : vector<8x2048xi1>, vector<8x2048xf32>
    %min3A_468 = arith.minimumf %max3A_457, %slice3A_461 : vector<8x2048xf32>
    %max3A_469 = arith.maximumf %max3A_457, %slice3A_461 : vector<8x2048xf32>
    %min3A_470 = arith.minimumf %max3A_459, %min3A_468 : vector<8x2048xf32>
    %max3A_471 = arith.maximumf %max3A_459, %min3A_468 : vector<8x2048xf32>
    %max3A_472 = arith.maximumf %max3A_460, %min3A_470 : vector<8x2048xf32>
    %slice3A_473 = vector.extract_strided_slice %get3A_1 {offsets = [320, 0], sizes = [8, 2048], strides = [1, 1]} : vector<1000x2048xf32> to vector<8x2048xf32>
    %sub3A_474 = arith.constant 320 : i32
    %sub3A_475 = vector.broadcast %sub3A_474 : i32 to vector<1x2048xi32>
    %sub3A_476 = arith.subi %broadcast_in_dim3A, %sub3A_475 : vector<1x2048xi32>
    %eq3A_477 = vector.broadcast %sub3A_476 : vector<1x2048xi32> to vector<8x2048xi32>
    %eq3A_478 = arith.cmpi eq, %iota3A, %eq3A_477 : vector<8x2048xi32>
    %select_n3A_479 = arith.select %eq3A_478, %slice3A_473, %select_n3A_467 : vector<8x2048xi1>, vector<8x2048xf32>
    %min3A_480 = arith.minimumf %max3A_469, %slice3A_473 : vector<8x2048xf32>
    %max3A_481 = arith.maximumf %max3A_469, %slice3A_473 : vector<8x2048xf32>
    %min3A_482 = arith.minimumf %max3A_471, %min3A_480 : vector<8x2048xf32>
    %max3A_483 = arith.maximumf %max3A_471, %min3A_480 : vector<8x2048xf32>
    %max3A_484 = arith.maximumf %max3A_472, %min3A_482 : vector<8x2048xf32>
    %slice3A_485 = vector.extract_strided_slice %get3A_1 {offsets = [328, 0], sizes = [8, 2048], strides = [1, 1]} : vector<1000x2048xf32> to vector<8x2048xf32>
    %sub3A_486 = arith.constant 328 : i32
    %sub3A_487 = vector.broadcast %sub3A_486 : i32 to vector<1x2048xi32>
    %sub3A_488 = arith.subi %broadcast_in_dim3A, %sub3A_487 : vector<1x2048xi32>
    %eq3A_489 = vector.broadcast %sub3A_488 : vector<1x2048xi32> to vector<8x2048xi32>
    %eq3A_490 = arith.cmpi eq, %iota3A, %eq3A_489 : vector<8x2048xi32>
    %select_n3A_491 = arith.select %eq3A_490, %slice3A_485, %select_n3A_479 : vector<8x2048xi1>, vector<8x2048xf32>
    %min3A_492 = arith.minimumf %max3A_481, %slice3A_485 : vector<8x2048xf32>
    %max3A_493 = arith.maximumf %max3A_481, %slice3A_485 : vector<8x2048xf32>
    %min3A_494 = arith.minimumf %max3A_483, %min3A_492 : vector<8x2048xf32>
    %max3A_495 = arith.maximumf %max3A_483, %min3A_492 : vector<8x2048xf32>
    %max3A_496 = arith.maximumf %max3A_484, %min3A_494 : vector<8x2048xf32>
    %slice3A_497 = vector.extract_strided_slice %get3A_1 {offsets = [336, 0], sizes = [8, 2048], strides = [1, 1]} : vector<1000x2048xf32> to vector<8x2048xf32>
    %sub3A_498 = arith.constant 336 : i32
    %sub3A_499 = vector.broadcast %sub3A_498 : i32 to vector<1x2048xi32>
    %sub3A_500 = arith.subi %broadcast_in_dim3A, %sub3A_499 : vector<1x2048xi32>
    %eq3A_501 = vector.broadcast %sub3A_500 : vector<1x2048xi32> to vector<8x2048xi32>
    %eq3A_502 = arith.cmpi eq, %iota3A, %eq3A_501 : vector<8x2048xi32>
    %select_n3A_503 = arith.select %eq3A_502, %slice3A_497, %select_n3A_491 : vector<8x2048xi1>, vector<8x2048xf32>
    %min3A_504 = arith.minimumf %max3A_493, %slice3A_497 : vector<8x2048xf32>
    %max3A_505 = arith.maximumf %max3A_493, %slice3A_497 : vector<8x2048xf32>
    %min3A_506 = arith.minimumf %max3A_495, %min3A_504 : vector<8x2048xf32>
    %max3A_507 = arith.maximumf %max3A_495, %min3A_504 : vector<8x2048xf32>
    %max3A_508 = arith.maximumf %max3A_496, %min3A_506 : vector<8x2048xf32>
    %slice3A_509 = vector.extract_strided_slice %get3A_1 {offsets = [344, 0], sizes = [8, 2048], strides = [1, 1]} : vector<1000x2048xf32> to vector<8x2048xf32>
    %sub3A_510 = arith.constant 344 : i32
    %sub3A_511 = vector.broadcast %sub3A_510 : i32 to vector<1x2048xi32>
    %sub3A_512 = arith.subi %broadcast_in_dim3A, %sub3A_511 : vector<1x2048xi32>
    %eq3A_513 = vector.broadcast %sub3A_512 : vector<1x2048xi32> to vector<8x2048xi32>
    %eq3A_514 = arith.cmpi eq, %iota3A, %eq3A_513 : vector<8x2048xi32>
    %select_n3A_515 = arith.select %eq3A_514, %slice3A_509, %select_n3A_503 : vector<8x2048xi1>, vector<8x2048xf32>
    %min3A_516 = arith.minimumf %max3A_505, %slice3A_509 : vector<8x2048xf32>
    %max3A_517 = arith.maximumf %max3A_505, %slice3A_509 : vector<8x2048xf32>
    %min3A_518 = arith.minimumf %max3A_507, %min3A_516 : vector<8x2048xf32>
    %max3A_519 = arith.maximumf %max3A_507, %min3A_516 : vector<8x2048xf32>
    %max3A_520 = arith.maximumf %max3A_508, %min3A_518 : vector<8x2048xf32>
    %slice3A_521 = vector.extract_strided_slice %get3A_1 {offsets = [352, 0], sizes = [8, 2048], strides = [1, 1]} : vector<1000x2048xf32> to vector<8x2048xf32>
    %sub3A_522 = arith.constant 352 : i32
    %sub3A_523 = vector.broadcast %sub3A_522 : i32 to vector<1x2048xi32>
    %sub3A_524 = arith.subi %broadcast_in_dim3A, %sub3A_523 : vector<1x2048xi32>
    %eq3A_525 = vector.broadcast %sub3A_524 : vector<1x2048xi32> to vector<8x2048xi32>
    %eq3A_526 = arith.cmpi eq, %iota3A, %eq3A_525 : vector<8x2048xi32>
    %select_n3A_527 = arith.select %eq3A_526, %slice3A_521, %select_n3A_515 : vector<8x2048xi1>, vector<8x2048xf32>
    %min3A_528 = arith.minimumf %max3A_517, %slice3A_521 : vector<8x2048xf32>
    %max3A_529 = arith.maximumf %max3A_517, %slice3A_521 : vector<8x2048xf32>
    %min3A_530 = arith.minimumf %max3A_519, %min3A_528 : vector<8x2048xf32>
    %max3A_531 = arith.maximumf %max3A_519, %min3A_528 : vector<8x2048xf32>
    %max3A_532 = arith.maximumf %max3A_520, %min3A_530 : vector<8x2048xf32>
    %slice3A_533 = vector.extract_strided_slice %get3A_1 {offsets = [360, 0], sizes = [8, 2048], strides = [1, 1]} : vector<1000x2048xf32> to vector<8x2048xf32>
    %sub3A_534 = arith.constant 360 : i32
    %sub3A_535 = vector.broadcast %sub3A_534 : i32 to vector<1x2048xi32>
    %sub3A_536 = arith.subi %broadcast_in_dim3A, %sub3A_535 : vector<1x2048xi32>
    %eq3A_537 = vector.broadcast %sub3A_536 : vector<1x2048xi32> to vector<8x2048xi32>
    %eq3A_538 = arith.cmpi eq, %iota3A, %eq3A_537 : vector<8x2048xi32>
    %select_n3A_539 = arith.select %eq3A_538, %slice3A_533, %select_n3A_527 : vector<8x2048xi1>, vector<8x2048xf32>
    %min3A_540 = arith.minimumf %max3A_529, %slice3A_533 : vector<8x2048xf32>
    %max3A_541 = arith.maximumf %max3A_529, %slice3A_533 : vector<8x2048xf32>
    %min3A_542 = arith.minimumf %max3A_531, %min3A_540 : vector<8x2048xf32>
    %max3A_543 = arith.maximumf %max3A_531, %min3A_540 : vector<8x2048xf32>
    %max3A_544 = arith.maximumf %max3A_532, %min3A_542 : vector<8x2048xf32>
    %slice3A_545 = vector.extract_strided_slice %get3A_1 {offsets = [368, 0], sizes = [8, 2048], strides = [1, 1]} : vector<1000x2048xf32> to vector<8x2048xf32>
    %sub3A_546 = arith.constant 368 : i32
    %sub3A_547 = vector.broadcast %sub3A_546 : i32 to vector<1x2048xi32>
    %sub3A_548 = arith.subi %broadcast_in_dim3A, %sub3A_547 : vector<1x2048xi32>
    %eq3A_549 = vector.broadcast %sub3A_548 : vector<1x2048xi32> to vector<8x2048xi32>
    %eq3A_550 = arith.cmpi eq, %iota3A, %eq3A_549 : vector<8x2048xi32>
    %select_n3A_551 = arith.select %eq3A_550, %slice3A_545, %select_n3A_539 : vector<8x2048xi1>, vector<8x2048xf32>
    %min3A_552 = arith.minimumf %max3A_541, %slice3A_545 : vector<8x2048xf32>
    %max3A_553 = arith.maximumf %max3A_541, %slice3A_545 : vector<8x2048xf32>
    %min3A_554 = arith.minimumf %max3A_543, %min3A_552 : vector<8x2048xf32>
    %max3A_555 = arith.maximumf %max3A_543, %min3A_552 : vector<8x2048xf32>
    %max3A_556 = arith.maximumf %max3A_544, %min3A_554 : vector<8x2048xf32>
    %slice3A_557 = vector.extract_strided_slice %get3A_1 {offsets = [376, 0], sizes = [8, 2048], strides = [1, 1]} : vector<1000x2048xf32> to vector<8x2048xf32>
    %sub3A_558 = arith.constant 376 : i32
    %sub3A_559 = vector.broadcast %sub3A_558 : i32 to vector<1x2048xi32>
    %sub3A_560 = arith.subi %broadcast_in_dim3A, %sub3A_559 : vector<1x2048xi32>
    %eq3A_561 = vector.broadcast %sub3A_560 : vector<1x2048xi32> to vector<8x2048xi32>
    %eq3A_562 = arith.cmpi eq, %iota3A, %eq3A_561 : vector<8x2048xi32>
    %select_n3A_563 = arith.select %eq3A_562, %slice3A_557, %select_n3A_551 : vector<8x2048xi1>, vector<8x2048xf32>
    %min3A_564 = arith.minimumf %max3A_553, %slice3A_557 : vector<8x2048xf32>
    %max3A_565 = arith.maximumf %max3A_553, %slice3A_557 : vector<8x2048xf32>
    %min3A_566 = arith.minimumf %max3A_555, %min3A_564 : vector<8x2048xf32>
    %max3A_567 = arith.maximumf %max3A_555, %min3A_564 : vector<8x2048xf32>
    %max3A_568 = arith.maximumf %max3A_556, %min3A_566 : vector<8x2048xf32>
    %slice3A_569 = vector.extract_strided_slice %get3A_1 {offsets = [384, 0], sizes = [8, 2048], strides = [1, 1]} : vector<1000x2048xf32> to vector<8x2048xf32>
    %sub3A_570 = arith.constant 384 : i32
    %sub3A_571 = vector.broadcast %sub3A_570 : i32 to vector<1x2048xi32>
    %sub3A_572 = arith.subi %broadcast_in_dim3A, %sub3A_571 : vector<1x2048xi32>
    %eq3A_573 = vector.broadcast %sub3A_572 : vector<1x2048xi32> to vector<8x2048xi32>
    %eq3A_574 = arith.cmpi eq, %iota3A, %eq3A_573 : vector<8x2048xi32>
    %select_n3A_575 = arith.select %eq3A_574, %slice3A_569, %select_n3A_563 : vector<8x2048xi1>, vector<8x2048xf32>
    %min3A_576 = arith.minimumf %max3A_565, %slice3A_569 : vector<8x2048xf32>
    %max3A_577 = arith.maximumf %max3A_565, %slice3A_569 : vector<8x2048xf32>
    %min3A_578 = arith.minimumf %max3A_567, %min3A_576 : vector<8x2048xf32>
    %max3A_579 = arith.maximumf %max3A_567, %min3A_576 : vector<8x2048xf32>
    %max3A_580 = arith.maximumf %max3A_568, %min3A_578 : vector<8x2048xf32>
    %slice3A_581 = vector.extract_strided_slice %get3A_1 {offsets = [392, 0], sizes = [8, 2048], strides = [1, 1]} : vector<1000x2048xf32> to vector<8x2048xf32>
    %sub3A_582 = arith.constant 392 : i32
    %sub3A_583 = vector.broadcast %sub3A_582 : i32 to vector<1x2048xi32>
    %sub3A_584 = arith.subi %broadcast_in_dim3A, %sub3A_583 : vector<1x2048xi32>
    %eq3A_585 = vector.broadcast %sub3A_584 : vector<1x2048xi32> to vector<8x2048xi32>
    %eq3A_586 = arith.cmpi eq, %iota3A, %eq3A_585 : vector<8x2048xi32>
    %select_n3A_587 = arith.select %eq3A_586, %slice3A_581, %select_n3A_575 : vector<8x2048xi1>, vector<8x2048xf32>
    %min3A_588 = arith.minimumf %max3A_577, %slice3A_581 : vector<8x2048xf32>
    %max3A_589 = arith.maximumf %max3A_577, %slice3A_581 : vector<8x2048xf32>
    %min3A_590 = arith.minimumf %max3A_579, %min3A_588 : vector<8x2048xf32>
    %max3A_591 = arith.maximumf %max3A_579, %min3A_588 : vector<8x2048xf32>
    %max3A_592 = arith.maximumf %max3A_580, %min3A_590 : vector<8x2048xf32>
    %slice3A_593 = vector.extract_strided_slice %get3A_1 {offsets = [400, 0], sizes = [8, 2048], strides = [1, 1]} : vector<1000x2048xf32> to vector<8x2048xf32>
    %sub3A_594 = arith.constant 400 : i32
    %sub3A_595 = vector.broadcast %sub3A_594 : i32 to vector<1x2048xi32>
    %sub3A_596 = arith.subi %broadcast_in_dim3A, %sub3A_595 : vector<1x2048xi32>
    %eq3A_597 = vector.broadcast %sub3A_596 : vector<1x2048xi32> to vector<8x2048xi32>
    %eq3A_598 = arith.cmpi eq, %iota3A, %eq3A_597 : vector<8x2048xi32>
    %select_n3A_599 = arith.select %eq3A_598, %slice3A_593, %select_n3A_587 : vector<8x2048xi1>, vector<8x2048xf32>
    %min3A_600 = arith.minimumf %max3A_589, %slice3A_593 : vector<8x2048xf32>
    %max3A_601 = arith.maximumf %max3A_589, %slice3A_593 : vector<8x2048xf32>
    %min3A_602 = arith.minimumf %max3A_591, %min3A_600 : vector<8x2048xf32>
    %max3A_603 = arith.maximumf %max3A_591, %min3A_600 : vector<8x2048xf32>
    %max3A_604 = arith.maximumf %max3A_592, %min3A_602 : vector<8x2048xf32>
    %slice3A_605 = vector.extract_strided_slice %get3A_1 {offsets = [408, 0], sizes = [8, 2048], strides = [1, 1]} : vector<1000x2048xf32> to vector<8x2048xf32>
    %sub3A_606 = arith.constant 408 : i32
    %sub3A_607 = vector.broadcast %sub3A_606 : i32 to vector<1x2048xi32>
    %sub3A_608 = arith.subi %broadcast_in_dim3A, %sub3A_607 : vector<1x2048xi32>
    %eq3A_609 = vector.broadcast %sub3A_608 : vector<1x2048xi32> to vector<8x2048xi32>
    %eq3A_610 = arith.cmpi eq, %iota3A, %eq3A_609 : vector<8x2048xi32>
    %select_n3A_611 = arith.select %eq3A_610, %slice3A_605, %select_n3A_599 : vector<8x2048xi1>, vector<8x2048xf32>
    %min3A_612 = arith.minimumf %max3A_601, %slice3A_605 : vector<8x2048xf32>
    %max3A_613 = arith.maximumf %max3A_601, %slice3A_605 : vector<8x2048xf32>
    %min3A_614 = arith.minimumf %max3A_603, %min3A_612 : vector<8x2048xf32>
    %max3A_615 = arith.maximumf %max3A_603, %min3A_612 : vector<8x2048xf32>
    %max3A_616 = arith.maximumf %max3A_604, %min3A_614 : vector<8x2048xf32>
    %slice3A_617 = vector.extract_strided_slice %get3A_1 {offsets = [416, 0], sizes = [8, 2048], strides = [1, 1]} : vector<1000x2048xf32> to vector<8x2048xf32>
    %sub3A_618 = arith.constant 416 : i32
    %sub3A_619 = vector.broadcast %sub3A_618 : i32 to vector<1x2048xi32>
    %sub3A_620 = arith.subi %broadcast_in_dim3A, %sub3A_619 : vector<1x2048xi32>
    %eq3A_621 = vector.broadcast %sub3A_620 : vector<1x2048xi32> to vector<8x2048xi32>
    %eq3A_622 = arith.cmpi eq, %iota3A, %eq3A_621 : vector<8x2048xi32>
    %select_n3A_623 = arith.select %eq3A_622, %slice3A_617, %select_n3A_611 : vector<8x2048xi1>, vector<8x2048xf32>
    %min3A_624 = arith.minimumf %max3A_613, %slice3A_617 : vector<8x2048xf32>
    %max3A_625 = arith.maximumf %max3A_613, %slice3A_617 : vector<8x2048xf32>
    %min3A_626 = arith.minimumf %max3A_615, %min3A_624 : vector<8x2048xf32>
    %max3A_627 = arith.maximumf %max3A_615, %min3A_624 : vector<8x2048xf32>
    %max3A_628 = arith.maximumf %max3A_616, %min3A_626 : vector<8x2048xf32>
    %slice3A_629 = vector.extract_strided_slice %get3A_1 {offsets = [424, 0], sizes = [8, 2048], strides = [1, 1]} : vector<1000x2048xf32> to vector<8x2048xf32>
    %sub3A_630 = arith.constant 424 : i32
    %sub3A_631 = vector.broadcast %sub3A_630 : i32 to vector<1x2048xi32>
    %sub3A_632 = arith.subi %broadcast_in_dim3A, %sub3A_631 : vector<1x2048xi32>
    %eq3A_633 = vector.broadcast %sub3A_632 : vector<1x2048xi32> to vector<8x2048xi32>
    %eq3A_634 = arith.cmpi eq, %iota3A, %eq3A_633 : vector<8x2048xi32>
    %select_n3A_635 = arith.select %eq3A_634, %slice3A_629, %select_n3A_623 : vector<8x2048xi1>, vector<8x2048xf32>
    %min3A_636 = arith.minimumf %max3A_625, %slice3A_629 : vector<8x2048xf32>
    %max3A_637 = arith.maximumf %max3A_625, %slice3A_629 : vector<8x2048xf32>
    %min3A_638 = arith.minimumf %max3A_627, %min3A_636 : vector<8x2048xf32>
    %max3A_639 = arith.maximumf %max3A_627, %min3A_636 : vector<8x2048xf32>
    %max3A_640 = arith.maximumf %max3A_628, %min3A_638 : vector<8x2048xf32>
    %slice3A_641 = vector.extract_strided_slice %get3A_1 {offsets = [432, 0], sizes = [8, 2048], strides = [1, 1]} : vector<1000x2048xf32> to vector<8x2048xf32>
    %sub3A_642 = arith.constant 432 : i32
    %sub3A_643 = vector.broadcast %sub3A_642 : i32 to vector<1x2048xi32>
    %sub3A_644 = arith.subi %broadcast_in_dim3A, %sub3A_643 : vector<1x2048xi32>
    %eq3A_645 = vector.broadcast %sub3A_644 : vector<1x2048xi32> to vector<8x2048xi32>
    %eq3A_646 = arith.cmpi eq, %iota3A, %eq3A_645 : vector<8x2048xi32>
    %select_n3A_647 = arith.select %eq3A_646, %slice3A_641, %select_n3A_635 : vector<8x2048xi1>, vector<8x2048xf32>
    %min3A_648 = arith.minimumf %max3A_637, %slice3A_641 : vector<8x2048xf32>
    %max3A_649 = arith.maximumf %max3A_637, %slice3A_641 : vector<8x2048xf32>
    %min3A_650 = arith.minimumf %max3A_639, %min3A_648 : vector<8x2048xf32>
    %max3A_651 = arith.maximumf %max3A_639, %min3A_648 : vector<8x2048xf32>
    %max3A_652 = arith.maximumf %max3A_640, %min3A_650 : vector<8x2048xf32>
    %slice3A_653 = vector.extract_strided_slice %get3A_1 {offsets = [440, 0], sizes = [8, 2048], strides = [1, 1]} : vector<1000x2048xf32> to vector<8x2048xf32>
    %sub3A_654 = arith.constant 440 : i32
    %sub3A_655 = vector.broadcast %sub3A_654 : i32 to vector<1x2048xi32>
    %sub3A_656 = arith.subi %broadcast_in_dim3A, %sub3A_655 : vector<1x2048xi32>
    %eq3A_657 = vector.broadcast %sub3A_656 : vector<1x2048xi32> to vector<8x2048xi32>
    %eq3A_658 = arith.cmpi eq, %iota3A, %eq3A_657 : vector<8x2048xi32>
    %select_n3A_659 = arith.select %eq3A_658, %slice3A_653, %select_n3A_647 : vector<8x2048xi1>, vector<8x2048xf32>
    %min3A_660 = arith.minimumf %max3A_649, %slice3A_653 : vector<8x2048xf32>
    %max3A_661 = arith.maximumf %max3A_649, %slice3A_653 : vector<8x2048xf32>
    %min3A_662 = arith.minimumf %max3A_651, %min3A_660 : vector<8x2048xf32>
    %max3A_663 = arith.maximumf %max3A_651, %min3A_660 : vector<8x2048xf32>
    %max3A_664 = arith.maximumf %max3A_652, %min3A_662 : vector<8x2048xf32>
    %slice3A_665 = vector.extract_strided_slice %get3A_1 {offsets = [448, 0], sizes = [8, 2048], strides = [1, 1]} : vector<1000x2048xf32> to vector<8x2048xf32>
    %sub3A_666 = arith.constant 448 : i32
    %sub3A_667 = vector.broadcast %sub3A_666 : i32 to vector<1x2048xi32>
    %sub3A_668 = arith.subi %broadcast_in_dim3A, %sub3A_667 : vector<1x2048xi32>
    %eq3A_669 = vector.broadcast %sub3A_668 : vector<1x2048xi32> to vector<8x2048xi32>
    %eq3A_670 = arith.cmpi eq, %iota3A, %eq3A_669 : vector<8x2048xi32>
    %select_n3A_671 = arith.select %eq3A_670, %slice3A_665, %select_n3A_659 : vector<8x2048xi1>, vector<8x2048xf32>
    %min3A_672 = arith.minimumf %max3A_661, %slice3A_665 : vector<8x2048xf32>
    %max3A_673 = arith.maximumf %max3A_661, %slice3A_665 : vector<8x2048xf32>
    %min3A_674 = arith.minimumf %max3A_663, %min3A_672 : vector<8x2048xf32>
    %max3A_675 = arith.maximumf %max3A_663, %min3A_672 : vector<8x2048xf32>
    %max3A_676 = arith.maximumf %max3A_664, %min3A_674 : vector<8x2048xf32>
    %slice3A_677 = vector.extract_strided_slice %get3A_1 {offsets = [456, 0], sizes = [8, 2048], strides = [1, 1]} : vector<1000x2048xf32> to vector<8x2048xf32>
    %sub3A_678 = arith.constant 456 : i32
    %sub3A_679 = vector.broadcast %sub3A_678 : i32 to vector<1x2048xi32>
    %sub3A_680 = arith.subi %broadcast_in_dim3A, %sub3A_679 : vector<1x2048xi32>
    %eq3A_681 = vector.broadcast %sub3A_680 : vector<1x2048xi32> to vector<8x2048xi32>
    %eq3A_682 = arith.cmpi eq, %iota3A, %eq3A_681 : vector<8x2048xi32>
    %select_n3A_683 = arith.select %eq3A_682, %slice3A_677, %select_n3A_671 : vector<8x2048xi1>, vector<8x2048xf32>
    %min3A_684 = arith.minimumf %max3A_673, %slice3A_677 : vector<8x2048xf32>
    %max3A_685 = arith.maximumf %max3A_673, %slice3A_677 : vector<8x2048xf32>
    %min3A_686 = arith.minimumf %max3A_675, %min3A_684 : vector<8x2048xf32>
    %max3A_687 = arith.maximumf %max3A_675, %min3A_684 : vector<8x2048xf32>
    %max3A_688 = arith.maximumf %max3A_676, %min3A_686 : vector<8x2048xf32>
    %slice3A_689 = vector.extract_strided_slice %get3A_1 {offsets = [464, 0], sizes = [8, 2048], strides = [1, 1]} : vector<1000x2048xf32> to vector<8x2048xf32>
    %sub3A_690 = arith.constant 464 : i32
    %sub3A_691 = vector.broadcast %sub3A_690 : i32 to vector<1x2048xi32>
    %sub3A_692 = arith.subi %broadcast_in_dim3A, %sub3A_691 : vector<1x2048xi32>
    %eq3A_693 = vector.broadcast %sub3A_692 : vector<1x2048xi32> to vector<8x2048xi32>
    %eq3A_694 = arith.cmpi eq, %iota3A, %eq3A_693 : vector<8x2048xi32>
    %select_n3A_695 = arith.select %eq3A_694, %slice3A_689, %select_n3A_683 : vector<8x2048xi1>, vector<8x2048xf32>
    %min3A_696 = arith.minimumf %max3A_685, %slice3A_689 : vector<8x2048xf32>
    %max3A_697 = arith.maximumf %max3A_685, %slice3A_689 : vector<8x2048xf32>
    %min3A_698 = arith.minimumf %max3A_687, %min3A_696 : vector<8x2048xf32>
    %max3A_699 = arith.maximumf %max3A_687, %min3A_696 : vector<8x2048xf32>
    %max3A_700 = arith.maximumf %max3A_688, %min3A_698 : vector<8x2048xf32>
    %slice3A_701 = vector.extract_strided_slice %get3A_1 {offsets = [472, 0], sizes = [8, 2048], strides = [1, 1]} : vector<1000x2048xf32> to vector<8x2048xf32>
    %sub3A_702 = arith.constant 472 : i32
    %sub3A_703 = vector.broadcast %sub3A_702 : i32 to vector<1x2048xi32>
    %sub3A_704 = arith.subi %broadcast_in_dim3A, %sub3A_703 : vector<1x2048xi32>
    %eq3A_705 = vector.broadcast %sub3A_704 : vector<1x2048xi32> to vector<8x2048xi32>
    %eq3A_706 = arith.cmpi eq, %iota3A, %eq3A_705 : vector<8x2048xi32>
    %select_n3A_707 = arith.select %eq3A_706, %slice3A_701, %select_n3A_695 : vector<8x2048xi1>, vector<8x2048xf32>
    %min3A_708 = arith.minimumf %max3A_697, %slice3A_701 : vector<8x2048xf32>
    %max3A_709 = arith.maximumf %max3A_697, %slice3A_701 : vector<8x2048xf32>
    %min3A_710 = arith.minimumf %max3A_699, %min3A_708 : vector<8x2048xf32>
    %max3A_711 = arith.maximumf %max3A_699, %min3A_708 : vector<8x2048xf32>
    %max3A_712 = arith.maximumf %max3A_700, %min3A_710 : vector<8x2048xf32>
    %slice3A_713 = vector.extract_strided_slice %get3A_1 {offsets = [480, 0], sizes = [8, 2048], strides = [1, 1]} : vector<1000x2048xf32> to vector<8x2048xf32>
    %sub3A_714 = arith.constant 480 : i32
    %sub3A_715 = vector.broadcast %sub3A_714 : i32 to vector<1x2048xi32>
    %sub3A_716 = arith.subi %broadcast_in_dim3A, %sub3A_715 : vector<1x2048xi32>
    %eq3A_717 = vector.broadcast %sub3A_716 : vector<1x2048xi32> to vector<8x2048xi32>
    %eq3A_718 = arith.cmpi eq, %iota3A, %eq3A_717 : vector<8x2048xi32>
    %select_n3A_719 = arith.select %eq3A_718, %slice3A_713, %select_n3A_707 : vector<8x2048xi1>, vector<8x2048xf32>
    %min3A_720 = arith.minimumf %max3A_709, %slice3A_713 : vector<8x2048xf32>
    %max3A_721 = arith.maximumf %max3A_709, %slice3A_713 : vector<8x2048xf32>
    %min3A_722 = arith.minimumf %max3A_711, %min3A_720 : vector<8x2048xf32>
    %max3A_723 = arith.maximumf %max3A_711, %min3A_720 : vector<8x2048xf32>
    %max3A_724 = arith.maximumf %max3A_712, %min3A_722 : vector<8x2048xf32>
    %slice3A_725 = vector.extract_strided_slice %get3A_1 {offsets = [488, 0], sizes = [8, 2048], strides = [1, 1]} : vector<1000x2048xf32> to vector<8x2048xf32>
    %sub3A_726 = arith.constant 488 : i32
    %sub3A_727 = vector.broadcast %sub3A_726 : i32 to vector<1x2048xi32>
    %sub3A_728 = arith.subi %broadcast_in_dim3A, %sub3A_727 : vector<1x2048xi32>
    %eq3A_729 = vector.broadcast %sub3A_728 : vector<1x2048xi32> to vector<8x2048xi32>
    %eq3A_730 = arith.cmpi eq, %iota3A, %eq3A_729 : vector<8x2048xi32>
    %select_n3A_731 = arith.select %eq3A_730, %slice3A_725, %select_n3A_719 : vector<8x2048xi1>, vector<8x2048xf32>
    %min3A_732 = arith.minimumf %max3A_721, %slice3A_725 : vector<8x2048xf32>
    %max3A_733 = arith.maximumf %max3A_721, %slice3A_725 : vector<8x2048xf32>
    %min3A_734 = arith.minimumf %max3A_723, %min3A_732 : vector<8x2048xf32>
    %max3A_735 = arith.maximumf %max3A_723, %min3A_732 : vector<8x2048xf32>
    %max3A_736 = arith.maximumf %max3A_724, %min3A_734 : vector<8x2048xf32>
    %slice3A_737 = vector.extract_strided_slice %get3A_1 {offsets = [496, 0], sizes = [8, 2048], strides = [1, 1]} : vector<1000x2048xf32> to vector<8x2048xf32>
    %sub3A_738 = arith.constant 496 : i32
    %sub3A_739 = vector.broadcast %sub3A_738 : i32 to vector<1x2048xi32>
    %sub3A_740 = arith.subi %broadcast_in_dim3A, %sub3A_739 : vector<1x2048xi32>
    %eq3A_741 = vector.broadcast %sub3A_740 : vector<1x2048xi32> to vector<8x2048xi32>
    %eq3A_742 = arith.cmpi eq, %iota3A, %eq3A_741 : vector<8x2048xi32>
    %select_n3A_743 = arith.select %eq3A_742, %slice3A_737, %select_n3A_731 : vector<8x2048xi1>, vector<8x2048xf32>
    %min3A_744 = arith.minimumf %max3A_733, %slice3A_737 : vector<8x2048xf32>
    %max3A_745 = arith.maximumf %max3A_733, %slice3A_737 : vector<8x2048xf32>
    %min3A_746 = arith.minimumf %max3A_735, %min3A_744 : vector<8x2048xf32>
    %max3A_747 = arith.maximumf %max3A_735, %min3A_744 : vector<8x2048xf32>
    %max3A_748 = arith.maximumf %max3A_736, %min3A_746 : vector<8x2048xf32>
    %slice3A_749 = vector.extract_strided_slice %get3A_1 {offsets = [504, 0], sizes = [8, 2048], strides = [1, 1]} : vector<1000x2048xf32> to vector<8x2048xf32>
    %sub3A_750 = arith.constant 504 : i32
    %sub3A_751 = vector.broadcast %sub3A_750 : i32 to vector<1x2048xi32>
    %sub3A_752 = arith.subi %broadcast_in_dim3A, %sub3A_751 : vector<1x2048xi32>
    %eq3A_753 = vector.broadcast %sub3A_752 : vector<1x2048xi32> to vector<8x2048xi32>
    %eq3A_754 = arith.cmpi eq, %iota3A, %eq3A_753 : vector<8x2048xi32>
    %select_n3A_755 = arith.select %eq3A_754, %slice3A_749, %select_n3A_743 : vector<8x2048xi1>, vector<8x2048xf32>
    %min3A_756 = arith.minimumf %max3A_745, %slice3A_749 : vector<8x2048xf32>
    %max3A_757 = arith.maximumf %max3A_745, %slice3A_749 : vector<8x2048xf32>
    %min3A_758 = arith.minimumf %max3A_747, %min3A_756 : vector<8x2048xf32>
    %max3A_759 = arith.maximumf %max3A_747, %min3A_756 : vector<8x2048xf32>
    %max3A_760 = arith.maximumf %max3A_748, %min3A_758 : vector<8x2048xf32>
    %slice3A_761 = vector.extract_strided_slice %get3A_1 {offsets = [512, 0], sizes = [8, 2048], strides = [1, 1]} : vector<1000x2048xf32> to vector<8x2048xf32>
    %sub3A_762 = arith.constant 512 : i32
    %sub3A_763 = vector.broadcast %sub3A_762 : i32 to vector<1x2048xi32>
    %sub3A_764 = arith.subi %broadcast_in_dim3A, %sub3A_763 : vector<1x2048xi32>
    %eq3A_765 = vector.broadcast %sub3A_764 : vector<1x2048xi32> to vector<8x2048xi32>
    %eq3A_766 = arith.cmpi eq, %iota3A, %eq3A_765 : vector<8x2048xi32>
    %select_n3A_767 = arith.select %eq3A_766, %slice3A_761, %select_n3A_755 : vector<8x2048xi1>, vector<8x2048xf32>
    %min3A_768 = arith.minimumf %max3A_757, %slice3A_761 : vector<8x2048xf32>
    %max3A_769 = arith.maximumf %max3A_757, %slice3A_761 : vector<8x2048xf32>
    %min3A_770 = arith.minimumf %max3A_759, %min3A_768 : vector<8x2048xf32>
    %max3A_771 = arith.maximumf %max3A_759, %min3A_768 : vector<8x2048xf32>
    %max3A_772 = arith.maximumf %max3A_760, %min3A_770 : vector<8x2048xf32>
    %slice3A_773 = vector.extract_strided_slice %get3A_1 {offsets = [520, 0], sizes = [8, 2048], strides = [1, 1]} : vector<1000x2048xf32> to vector<8x2048xf32>
    %sub3A_774 = arith.constant 520 : i32
    %sub3A_775 = vector.broadcast %sub3A_774 : i32 to vector<1x2048xi32>
    %sub3A_776 = arith.subi %broadcast_in_dim3A, %sub3A_775 : vector<1x2048xi32>
    %eq3A_777 = vector.broadcast %sub3A_776 : vector<1x2048xi32> to vector<8x2048xi32>
    %eq3A_778 = arith.cmpi eq, %iota3A, %eq3A_777 : vector<8x2048xi32>
    %select_n3A_779 = arith.select %eq3A_778, %slice3A_773, %select_n3A_767 : vector<8x2048xi1>, vector<8x2048xf32>
    %min3A_780 = arith.minimumf %max3A_769, %slice3A_773 : vector<8x2048xf32>
    %max3A_781 = arith.maximumf %max3A_769, %slice3A_773 : vector<8x2048xf32>
    %min3A_782 = arith.minimumf %max3A_771, %min3A_780 : vector<8x2048xf32>
    %max3A_783 = arith.maximumf %max3A_771, %min3A_780 : vector<8x2048xf32>
    %max3A_784 = arith.maximumf %max3A_772, %min3A_782 : vector<8x2048xf32>
    %slice3A_785 = vector.extract_strided_slice %get3A_1 {offsets = [528, 0], sizes = [8, 2048], strides = [1, 1]} : vector<1000x2048xf32> to vector<8x2048xf32>
    %sub3A_786 = arith.constant 528 : i32
    %sub3A_787 = vector.broadcast %sub3A_786 : i32 to vector<1x2048xi32>
    %sub3A_788 = arith.subi %broadcast_in_dim3A, %sub3A_787 : vector<1x2048xi32>
    %eq3A_789 = vector.broadcast %sub3A_788 : vector<1x2048xi32> to vector<8x2048xi32>
    %eq3A_790 = arith.cmpi eq, %iota3A, %eq3A_789 : vector<8x2048xi32>
    %select_n3A_791 = arith.select %eq3A_790, %slice3A_785, %select_n3A_779 : vector<8x2048xi1>, vector<8x2048xf32>
    %min3A_792 = arith.minimumf %max3A_781, %slice3A_785 : vector<8x2048xf32>
    %max3A_793 = arith.maximumf %max3A_781, %slice3A_785 : vector<8x2048xf32>
    %min3A_794 = arith.minimumf %max3A_783, %min3A_792 : vector<8x2048xf32>
    %max3A_795 = arith.maximumf %max3A_783, %min3A_792 : vector<8x2048xf32>
    %max3A_796 = arith.maximumf %max3A_784, %min3A_794 : vector<8x2048xf32>
    %slice3A_797 = vector.extract_strided_slice %get3A_1 {offsets = [536, 0], sizes = [8, 2048], strides = [1, 1]} : vector<1000x2048xf32> to vector<8x2048xf32>
    %sub3A_798 = arith.constant 536 : i32
    %sub3A_799 = vector.broadcast %sub3A_798 : i32 to vector<1x2048xi32>
    %sub3A_800 = arith.subi %broadcast_in_dim3A, %sub3A_799 : vector<1x2048xi32>
    %eq3A_801 = vector.broadcast %sub3A_800 : vector<1x2048xi32> to vector<8x2048xi32>
    %eq3A_802 = arith.cmpi eq, %iota3A, %eq3A_801 : vector<8x2048xi32>
    %select_n3A_803 = arith.select %eq3A_802, %slice3A_797, %select_n3A_791 : vector<8x2048xi1>, vector<8x2048xf32>
    %min3A_804 = arith.minimumf %max3A_793, %slice3A_797 : vector<8x2048xf32>
    %max3A_805 = arith.maximumf %max3A_793, %slice3A_797 : vector<8x2048xf32>
    %min3A_806 = arith.minimumf %max3A_795, %min3A_804 : vector<8x2048xf32>
    %max3A_807 = arith.maximumf %max3A_795, %min3A_804 : vector<8x2048xf32>
    %max3A_808 = arith.maximumf %max3A_796, %min3A_806 : vector<8x2048xf32>
    %slice3A_809 = vector.extract_strided_slice %get3A_1 {offsets = [544, 0], sizes = [8, 2048], strides = [1, 1]} : vector<1000x2048xf32> to vector<8x2048xf32>
    %sub3A_810 = arith.constant 544 : i32
    %sub3A_811 = vector.broadcast %sub3A_810 : i32 to vector<1x2048xi32>
    %sub3A_812 = arith.subi %broadcast_in_dim3A, %sub3A_811 : vector<1x2048xi32>
    %eq3A_813 = vector.broadcast %sub3A_812 : vector<1x2048xi32> to vector<8x2048xi32>
    %eq3A_814 = arith.cmpi eq, %iota3A, %eq3A_813 : vector<8x2048xi32>
    %select_n3A_815 = arith.select %eq3A_814, %slice3A_809, %select_n3A_803 : vector<8x2048xi1>, vector<8x2048xf32>
    %min3A_816 = arith.minimumf %max3A_805, %slice3A_809 : vector<8x2048xf32>
    %max3A_817 = arith.maximumf %max3A_805, %slice3A_809 : vector<8x2048xf32>
    %min3A_818 = arith.minimumf %max3A_807, %min3A_816 : vector<8x2048xf32>
    %max3A_819 = arith.maximumf %max3A_807, %min3A_816 : vector<8x2048xf32>
    %max3A_820 = arith.maximumf %max3A_808, %min3A_818 : vector<8x2048xf32>
    %slice3A_821 = vector.extract_strided_slice %get3A_1 {offsets = [552, 0], sizes = [8, 2048], strides = [1, 1]} : vector<1000x2048xf32> to vector<8x2048xf32>
    %sub3A_822 = arith.constant 552 : i32
    %sub3A_823 = vector.broadcast %sub3A_822 : i32 to vector<1x2048xi32>
    %sub3A_824 = arith.subi %broadcast_in_dim3A, %sub3A_823 : vector<1x2048xi32>
    %eq3A_825 = vector.broadcast %sub3A_824 : vector<1x2048xi32> to vector<8x2048xi32>
    %eq3A_826 = arith.cmpi eq, %iota3A, %eq3A_825 : vector<8x2048xi32>
    %select_n3A_827 = arith.select %eq3A_826, %slice3A_821, %select_n3A_815 : vector<8x2048xi1>, vector<8x2048xf32>
    %min3A_828 = arith.minimumf %max3A_817, %slice3A_821 : vector<8x2048xf32>
    %max3A_829 = arith.maximumf %max3A_817, %slice3A_821 : vector<8x2048xf32>
    %min3A_830 = arith.minimumf %max3A_819, %min3A_828 : vector<8x2048xf32>
    %max3A_831 = arith.maximumf %max3A_819, %min3A_828 : vector<8x2048xf32>
    %max3A_832 = arith.maximumf %max3A_820, %min3A_830 : vector<8x2048xf32>
    %slice3A_833 = vector.extract_strided_slice %get3A_1 {offsets = [560, 0], sizes = [8, 2048], strides = [1, 1]} : vector<1000x2048xf32> to vector<8x2048xf32>
    %sub3A_834 = arith.constant 560 : i32
    %sub3A_835 = vector.broadcast %sub3A_834 : i32 to vector<1x2048xi32>
    %sub3A_836 = arith.subi %broadcast_in_dim3A, %sub3A_835 : vector<1x2048xi32>
    %eq3A_837 = vector.broadcast %sub3A_836 : vector<1x2048xi32> to vector<8x2048xi32>
    %eq3A_838 = arith.cmpi eq, %iota3A, %eq3A_837 : vector<8x2048xi32>
    %select_n3A_839 = arith.select %eq3A_838, %slice3A_833, %select_n3A_827 : vector<8x2048xi1>, vector<8x2048xf32>
    %min3A_840 = arith.minimumf %max3A_829, %slice3A_833 : vector<8x2048xf32>
    %max3A_841 = arith.maximumf %max3A_829, %slice3A_833 : vector<8x2048xf32>
    %min3A_842 = arith.minimumf %max3A_831, %min3A_840 : vector<8x2048xf32>
    %max3A_843 = arith.maximumf %max3A_831, %min3A_840 : vector<8x2048xf32>
    %max3A_844 = arith.maximumf %max3A_832, %min3A_842 : vector<8x2048xf32>
    %slice3A_845 = vector.extract_strided_slice %get3A_1 {offsets = [568, 0], sizes = [8, 2048], strides = [1, 1]} : vector<1000x2048xf32> to vector<8x2048xf32>
    %sub3A_846 = arith.constant 568 : i32
    %sub3A_847 = vector.broadcast %sub3A_846 : i32 to vector<1x2048xi32>
    %sub3A_848 = arith.subi %broadcast_in_dim3A, %sub3A_847 : vector<1x2048xi32>
    %eq3A_849 = vector.broadcast %sub3A_848 : vector<1x2048xi32> to vector<8x2048xi32>
    %eq3A_850 = arith.cmpi eq, %iota3A, %eq3A_849 : vector<8x2048xi32>
    %select_n3A_851 = arith.select %eq3A_850, %slice3A_845, %select_n3A_839 : vector<8x2048xi1>, vector<8x2048xf32>
    %min3A_852 = arith.minimumf %max3A_841, %slice3A_845 : vector<8x2048xf32>
    %max3A_853 = arith.maximumf %max3A_841, %slice3A_845 : vector<8x2048xf32>
    %min3A_854 = arith.minimumf %max3A_843, %min3A_852 : vector<8x2048xf32>
    %max3A_855 = arith.maximumf %max3A_843, %min3A_852 : vector<8x2048xf32>
    %max3A_856 = arith.maximumf %max3A_844, %min3A_854 : vector<8x2048xf32>
    %slice3A_857 = vector.extract_strided_slice %get3A_1 {offsets = [576, 0], sizes = [8, 2048], strides = [1, 1]} : vector<1000x2048xf32> to vector<8x2048xf32>
    %sub3A_858 = arith.constant 576 : i32
    %sub3A_859 = vector.broadcast %sub3A_858 : i32 to vector<1x2048xi32>
    %sub3A_860 = arith.subi %broadcast_in_dim3A, %sub3A_859 : vector<1x2048xi32>
    %eq3A_861 = vector.broadcast %sub3A_860 : vector<1x2048xi32> to vector<8x2048xi32>
    %eq3A_862 = arith.cmpi eq, %iota3A, %eq3A_861 : vector<8x2048xi32>
    %select_n3A_863 = arith.select %eq3A_862, %slice3A_857, %select_n3A_851 : vector<8x2048xi1>, vector<8x2048xf32>
    %min3A_864 = arith.minimumf %max3A_853, %slice3A_857 : vector<8x2048xf32>
    %max3A_865 = arith.maximumf %max3A_853, %slice3A_857 : vector<8x2048xf32>
    %min3A_866 = arith.minimumf %max3A_855, %min3A_864 : vector<8x2048xf32>
    %max3A_867 = arith.maximumf %max3A_855, %min3A_864 : vector<8x2048xf32>
    %max3A_868 = arith.maximumf %max3A_856, %min3A_866 : vector<8x2048xf32>
    %slice3A_869 = vector.extract_strided_slice %get3A_1 {offsets = [584, 0], sizes = [8, 2048], strides = [1, 1]} : vector<1000x2048xf32> to vector<8x2048xf32>
    %sub3A_870 = arith.constant 584 : i32
    %sub3A_871 = vector.broadcast %sub3A_870 : i32 to vector<1x2048xi32>
    %sub3A_872 = arith.subi %broadcast_in_dim3A, %sub3A_871 : vector<1x2048xi32>
    %eq3A_873 = vector.broadcast %sub3A_872 : vector<1x2048xi32> to vector<8x2048xi32>
    %eq3A_874 = arith.cmpi eq, %iota3A, %eq3A_873 : vector<8x2048xi32>
    %select_n3A_875 = arith.select %eq3A_874, %slice3A_869, %select_n3A_863 : vector<8x2048xi1>, vector<8x2048xf32>
    %min3A_876 = arith.minimumf %max3A_865, %slice3A_869 : vector<8x2048xf32>
    %max3A_877 = arith.maximumf %max3A_865, %slice3A_869 : vector<8x2048xf32>
    %min3A_878 = arith.minimumf %max3A_867, %min3A_876 : vector<8x2048xf32>
    %max3A_879 = arith.maximumf %max3A_867, %min3A_876 : vector<8x2048xf32>
    %max3A_880 = arith.maximumf %max3A_868, %min3A_878 : vector<8x2048xf32>
    %slice3A_881 = vector.extract_strided_slice %get3A_1 {offsets = [592, 0], sizes = [8, 2048], strides = [1, 1]} : vector<1000x2048xf32> to vector<8x2048xf32>
    %sub3A_882 = arith.constant 592 : i32
    %sub3A_883 = vector.broadcast %sub3A_882 : i32 to vector<1x2048xi32>
    %sub3A_884 = arith.subi %broadcast_in_dim3A, %sub3A_883 : vector<1x2048xi32>
    %eq3A_885 = vector.broadcast %sub3A_884 : vector<1x2048xi32> to vector<8x2048xi32>
    %eq3A_886 = arith.cmpi eq, %iota3A, %eq3A_885 : vector<8x2048xi32>
    %select_n3A_887 = arith.select %eq3A_886, %slice3A_881, %select_n3A_875 : vector<8x2048xi1>, vector<8x2048xf32>
    %min3A_888 = arith.minimumf %max3A_877, %slice3A_881 : vector<8x2048xf32>
    %max3A_889 = arith.maximumf %max3A_877, %slice3A_881 : vector<8x2048xf32>
    %min3A_890 = arith.minimumf %max3A_879, %min3A_888 : vector<8x2048xf32>
    %max3A_891 = arith.maximumf %max3A_879, %min3A_888 : vector<8x2048xf32>
    %max3A_892 = arith.maximumf %max3A_880, %min3A_890 : vector<8x2048xf32>
    %slice3A_893 = vector.extract_strided_slice %get3A_1 {offsets = [600, 0], sizes = [8, 2048], strides = [1, 1]} : vector<1000x2048xf32> to vector<8x2048xf32>
    %sub3A_894 = arith.constant 600 : i32
    %sub3A_895 = vector.broadcast %sub3A_894 : i32 to vector<1x2048xi32>
    %sub3A_896 = arith.subi %broadcast_in_dim3A, %sub3A_895 : vector<1x2048xi32>
    %eq3A_897 = vector.broadcast %sub3A_896 : vector<1x2048xi32> to vector<8x2048xi32>
    %eq3A_898 = arith.cmpi eq, %iota3A, %eq3A_897 : vector<8x2048xi32>
    %select_n3A_899 = arith.select %eq3A_898, %slice3A_893, %select_n3A_887 : vector<8x2048xi1>, vector<8x2048xf32>
    %min3A_900 = arith.minimumf %max3A_889, %slice3A_893 : vector<8x2048xf32>
    %max3A_901 = arith.maximumf %max3A_889, %slice3A_893 : vector<8x2048xf32>
    %min3A_902 = arith.minimumf %max3A_891, %min3A_900 : vector<8x2048xf32>
    %max3A_903 = arith.maximumf %max3A_891, %min3A_900 : vector<8x2048xf32>
    %max3A_904 = arith.maximumf %max3A_892, %min3A_902 : vector<8x2048xf32>
    %slice3A_905 = vector.extract_strided_slice %get3A_1 {offsets = [608, 0], sizes = [8, 2048], strides = [1, 1]} : vector<1000x2048xf32> to vector<8x2048xf32>
    %sub3A_906 = arith.constant 608 : i32
    %sub3A_907 = vector.broadcast %sub3A_906 : i32 to vector<1x2048xi32>
    %sub3A_908 = arith.subi %broadcast_in_dim3A, %sub3A_907 : vector<1x2048xi32>
    %eq3A_909 = vector.broadcast %sub3A_908 : vector<1x2048xi32> to vector<8x2048xi32>
    %eq3A_910 = arith.cmpi eq, %iota3A, %eq3A_909 : vector<8x2048xi32>
    %select_n3A_911 = arith.select %eq3A_910, %slice3A_905, %select_n3A_899 : vector<8x2048xi1>, vector<8x2048xf32>
    %min3A_912 = arith.minimumf %max3A_901, %slice3A_905 : vector<8x2048xf32>
    %max3A_913 = arith.maximumf %max3A_901, %slice3A_905 : vector<8x2048xf32>
    %min3A_914 = arith.minimumf %max3A_903, %min3A_912 : vector<8x2048xf32>
    %max3A_915 = arith.maximumf %max3A_903, %min3A_912 : vector<8x2048xf32>
    %max3A_916 = arith.maximumf %max3A_904, %min3A_914 : vector<8x2048xf32>
    %slice3A_917 = vector.extract_strided_slice %get3A_1 {offsets = [616, 0], sizes = [8, 2048], strides = [1, 1]} : vector<1000x2048xf32> to vector<8x2048xf32>
    %sub3A_918 = arith.constant 616 : i32
    %sub3A_919 = vector.broadcast %sub3A_918 : i32 to vector<1x2048xi32>
    %sub3A_920 = arith.subi %broadcast_in_dim3A, %sub3A_919 : vector<1x2048xi32>
    %eq3A_921 = vector.broadcast %sub3A_920 : vector<1x2048xi32> to vector<8x2048xi32>
    %eq3A_922 = arith.cmpi eq, %iota3A, %eq3A_921 : vector<8x2048xi32>
    %select_n3A_923 = arith.select %eq3A_922, %slice3A_917, %select_n3A_911 : vector<8x2048xi1>, vector<8x2048xf32>
    %min3A_924 = arith.minimumf %max3A_913, %slice3A_917 : vector<8x2048xf32>
    %max3A_925 = arith.maximumf %max3A_913, %slice3A_917 : vector<8x2048xf32>
    %min3A_926 = arith.minimumf %max3A_915, %min3A_924 : vector<8x2048xf32>
    %max3A_927 = arith.maximumf %max3A_915, %min3A_924 : vector<8x2048xf32>
    %max3A_928 = arith.maximumf %max3A_916, %min3A_926 : vector<8x2048xf32>
    %slice3A_929 = vector.extract_strided_slice %get3A_1 {offsets = [624, 0], sizes = [8, 2048], strides = [1, 1]} : vector<1000x2048xf32> to vector<8x2048xf32>
    %sub3A_930 = arith.constant 624 : i32
    %sub3A_931 = vector.broadcast %sub3A_930 : i32 to vector<1x2048xi32>
    %sub3A_932 = arith.subi %broadcast_in_dim3A, %sub3A_931 : vector<1x2048xi32>
    %eq3A_933 = vector.broadcast %sub3A_932 : vector<1x2048xi32> to vector<8x2048xi32>
    %eq3A_934 = arith.cmpi eq, %iota3A, %eq3A_933 : vector<8x2048xi32>
    %select_n3A_935 = arith.select %eq3A_934, %slice3A_929, %select_n3A_923 : vector<8x2048xi1>, vector<8x2048xf32>
    %min3A_936 = arith.minimumf %max3A_925, %slice3A_929 : vector<8x2048xf32>
    %max3A_937 = arith.maximumf %max3A_925, %slice3A_929 : vector<8x2048xf32>
    %min3A_938 = arith.minimumf %max3A_927, %min3A_936 : vector<8x2048xf32>
    %max3A_939 = arith.maximumf %max3A_927, %min3A_936 : vector<8x2048xf32>
    %max3A_940 = arith.maximumf %max3A_928, %min3A_938 : vector<8x2048xf32>
    %slice3A_941 = vector.extract_strided_slice %get3A_1 {offsets = [632, 0], sizes = [8, 2048], strides = [1, 1]} : vector<1000x2048xf32> to vector<8x2048xf32>
    %sub3A_942 = arith.constant 632 : i32
    %sub3A_943 = vector.broadcast %sub3A_942 : i32 to vector<1x2048xi32>
    %sub3A_944 = arith.subi %broadcast_in_dim3A, %sub3A_943 : vector<1x2048xi32>
    %eq3A_945 = vector.broadcast %sub3A_944 : vector<1x2048xi32> to vector<8x2048xi32>
    %eq3A_946 = arith.cmpi eq, %iota3A, %eq3A_945 : vector<8x2048xi32>
    %select_n3A_947 = arith.select %eq3A_946, %slice3A_941, %select_n3A_935 : vector<8x2048xi1>, vector<8x2048xf32>
    %min3A_948 = arith.minimumf %max3A_937, %slice3A_941 : vector<8x2048xf32>
    %max3A_949 = arith.maximumf %max3A_937, %slice3A_941 : vector<8x2048xf32>
    %min3A_950 = arith.minimumf %max3A_939, %min3A_948 : vector<8x2048xf32>
    %max3A_951 = arith.maximumf %max3A_939, %min3A_948 : vector<8x2048xf32>
    %max3A_952 = arith.maximumf %max3A_940, %min3A_950 : vector<8x2048xf32>
    %slice3A_953 = vector.extract_strided_slice %get3A_1 {offsets = [640, 0], sizes = [8, 2048], strides = [1, 1]} : vector<1000x2048xf32> to vector<8x2048xf32>
    %sub3A_954 = arith.constant 640 : i32
    %sub3A_955 = vector.broadcast %sub3A_954 : i32 to vector<1x2048xi32>
    %sub3A_956 = arith.subi %broadcast_in_dim3A, %sub3A_955 : vector<1x2048xi32>
    %eq3A_957 = vector.broadcast %sub3A_956 : vector<1x2048xi32> to vector<8x2048xi32>
    %eq3A_958 = arith.cmpi eq, %iota3A, %eq3A_957 : vector<8x2048xi32>
    %select_n3A_959 = arith.select %eq3A_958, %slice3A_953, %select_n3A_947 : vector<8x2048xi1>, vector<8x2048xf32>
    %min3A_960 = arith.minimumf %max3A_949, %slice3A_953 : vector<8x2048xf32>
    %max3A_961 = arith.maximumf %max3A_949, %slice3A_953 : vector<8x2048xf32>
    %min3A_962 = arith.minimumf %max3A_951, %min3A_960 : vector<8x2048xf32>
    %max3A_963 = arith.maximumf %max3A_951, %min3A_960 : vector<8x2048xf32>
    %max3A_964 = arith.maximumf %max3A_952, %min3A_962 : vector<8x2048xf32>
    %slice3A_965 = vector.extract_strided_slice %get3A_1 {offsets = [648, 0], sizes = [8, 2048], strides = [1, 1]} : vector<1000x2048xf32> to vector<8x2048xf32>
    %sub3A_966 = arith.constant 648 : i32
    %sub3A_967 = vector.broadcast %sub3A_966 : i32 to vector<1x2048xi32>
    %sub3A_968 = arith.subi %broadcast_in_dim3A, %sub3A_967 : vector<1x2048xi32>
    %eq3A_969 = vector.broadcast %sub3A_968 : vector<1x2048xi32> to vector<8x2048xi32>
    %eq3A_970 = arith.cmpi eq, %iota3A, %eq3A_969 : vector<8x2048xi32>
    %select_n3A_971 = arith.select %eq3A_970, %slice3A_965, %select_n3A_959 : vector<8x2048xi1>, vector<8x2048xf32>
    %min3A_972 = arith.minimumf %max3A_961, %slice3A_965 : vector<8x2048xf32>
    %max3A_973 = arith.maximumf %max3A_961, %slice3A_965 : vector<8x2048xf32>
    %min3A_974 = arith.minimumf %max3A_963, %min3A_972 : vector<8x2048xf32>
    %max3A_975 = arith.maximumf %max3A_963, %min3A_972 : vector<8x2048xf32>
    %max3A_976 = arith.maximumf %max3A_964, %min3A_974 : vector<8x2048xf32>
    %slice3A_977 = vector.extract_strided_slice %get3A_1 {offsets = [656, 0], sizes = [8, 2048], strides = [1, 1]} : vector<1000x2048xf32> to vector<8x2048xf32>
    %sub3A_978 = arith.constant 656 : i32
    %sub3A_979 = vector.broadcast %sub3A_978 : i32 to vector<1x2048xi32>
    %sub3A_980 = arith.subi %broadcast_in_dim3A, %sub3A_979 : vector<1x2048xi32>
    %eq3A_981 = vector.broadcast %sub3A_980 : vector<1x2048xi32> to vector<8x2048xi32>
    %eq3A_982 = arith.cmpi eq, %iota3A, %eq3A_981 : vector<8x2048xi32>
    %select_n3A_983 = arith.select %eq3A_982, %slice3A_977, %select_n3A_971 : vector<8x2048xi1>, vector<8x2048xf32>
    %min3A_984 = arith.minimumf %max3A_973, %slice3A_977 : vector<8x2048xf32>
    %max3A_985 = arith.maximumf %max3A_973, %slice3A_977 : vector<8x2048xf32>
    %min3A_986 = arith.minimumf %max3A_975, %min3A_984 : vector<8x2048xf32>
    %max3A_987 = arith.maximumf %max3A_975, %min3A_984 : vector<8x2048xf32>
    %max3A_988 = arith.maximumf %max3A_976, %min3A_986 : vector<8x2048xf32>
    %slice3A_989 = vector.extract_strided_slice %get3A_1 {offsets = [664, 0], sizes = [8, 2048], strides = [1, 1]} : vector<1000x2048xf32> to vector<8x2048xf32>
    %sub3A_990 = arith.constant 664 : i32
    %sub3A_991 = vector.broadcast %sub3A_990 : i32 to vector<1x2048xi32>
    %sub3A_992 = arith.subi %broadcast_in_dim3A, %sub3A_991 : vector<1x2048xi32>
    %eq3A_993 = vector.broadcast %sub3A_992 : vector<1x2048xi32> to vector<8x2048xi32>
    %eq3A_994 = arith.cmpi eq, %iota3A, %eq3A_993 : vector<8x2048xi32>
    %select_n3A_995 = arith.select %eq3A_994, %slice3A_989, %select_n3A_983 : vector<8x2048xi1>, vector<8x2048xf32>
    %min3A_996 = arith.minimumf %max3A_985, %slice3A_989 : vector<8x2048xf32>
    %max3A_997 = arith.maximumf %max3A_985, %slice3A_989 : vector<8x2048xf32>
    %min3A_998 = arith.minimumf %max3A_987, %min3A_996 : vector<8x2048xf32>
    %max3A_999 = arith.maximumf %max3A_987, %min3A_996 : vector<8x2048xf32>
    %max3A_1000 = arith.maximumf %max3A_988, %min3A_998 : vector<8x2048xf32>
    %slice3A_1001 = vector.extract_strided_slice %get3A_1 {offsets = [672, 0], sizes = [8, 2048], strides = [1, 1]} : vector<1000x2048xf32> to vector<8x2048xf32>
    %sub3A_1002 = arith.constant 672 : i32
    %sub3A_1003 = vector.broadcast %sub3A_1002 : i32 to vector<1x2048xi32>
    %sub3A_1004 = arith.subi %broadcast_in_dim3A, %sub3A_1003 : vector<1x2048xi32>
    %eq3A_1005 = vector.broadcast %sub3A_1004 : vector<1x2048xi32> to vector<8x2048xi32>
    %eq3A_1006 = arith.cmpi eq, %iota3A, %eq3A_1005 : vector<8x2048xi32>
    %select_n3A_1007 = arith.select %eq3A_1006, %slice3A_1001, %select_n3A_995 : vector<8x2048xi1>, vector<8x2048xf32>
    %min3A_1008 = arith.minimumf %max3A_997, %slice3A_1001 : vector<8x2048xf32>
    %max3A_1009 = arith.maximumf %max3A_997, %slice3A_1001 : vector<8x2048xf32>
    %min3A_1010 = arith.minimumf %max3A_999, %min3A_1008 : vector<8x2048xf32>
    %max3A_1011 = arith.maximumf %max3A_999, %min3A_1008 : vector<8x2048xf32>
    %max3A_1012 = arith.maximumf %max3A_1000, %min3A_1010 : vector<8x2048xf32>
    %slice3A_1013 = vector.extract_strided_slice %get3A_1 {offsets = [680, 0], sizes = [8, 2048], strides = [1, 1]} : vector<1000x2048xf32> to vector<8x2048xf32>
    %sub3A_1014 = arith.constant 680 : i32
    %sub3A_1015 = vector.broadcast %sub3A_1014 : i32 to vector<1x2048xi32>
    %sub3A_1016 = arith.subi %broadcast_in_dim3A, %sub3A_1015 : vector<1x2048xi32>
    %eq3A_1017 = vector.broadcast %sub3A_1016 : vector<1x2048xi32> to vector<8x2048xi32>
    %eq3A_1018 = arith.cmpi eq, %iota3A, %eq3A_1017 : vector<8x2048xi32>
    %select_n3A_1019 = arith.select %eq3A_1018, %slice3A_1013, %select_n3A_1007 : vector<8x2048xi1>, vector<8x2048xf32>
    %min3A_1020 = arith.minimumf %max3A_1009, %slice3A_1013 : vector<8x2048xf32>
    %max3A_1021 = arith.maximumf %max3A_1009, %slice3A_1013 : vector<8x2048xf32>
    %min3A_1022 = arith.minimumf %max3A_1011, %min3A_1020 : vector<8x2048xf32>
    %max3A_1023 = arith.maximumf %max3A_1011, %min3A_1020 : vector<8x2048xf32>
    %max3A_1024 = arith.maximumf %max3A_1012, %min3A_1022 : vector<8x2048xf32>
    %slice3A_1025 = vector.extract_strided_slice %get3A_1 {offsets = [688, 0], sizes = [8, 2048], strides = [1, 1]} : vector<1000x2048xf32> to vector<8x2048xf32>
    %sub3A_1026 = arith.constant 688 : i32
    %sub3A_1027 = vector.broadcast %sub3A_1026 : i32 to vector<1x2048xi32>
    %sub3A_1028 = arith.subi %broadcast_in_dim3A, %sub3A_1027 : vector<1x2048xi32>
    %eq3A_1029 = vector.broadcast %sub3A_1028 : vector<1x2048xi32> to vector<8x2048xi32>
    %eq3A_1030 = arith.cmpi eq, %iota3A, %eq3A_1029 : vector<8x2048xi32>
    %select_n3A_1031 = arith.select %eq3A_1030, %slice3A_1025, %select_n3A_1019 : vector<8x2048xi1>, vector<8x2048xf32>
    %min3A_1032 = arith.minimumf %max3A_1021, %slice3A_1025 : vector<8x2048xf32>
    %max3A_1033 = arith.maximumf %max3A_1021, %slice3A_1025 : vector<8x2048xf32>
    %min3A_1034 = arith.minimumf %max3A_1023, %min3A_1032 : vector<8x2048xf32>
    %max3A_1035 = arith.maximumf %max3A_1023, %min3A_1032 : vector<8x2048xf32>
    %max3A_1036 = arith.maximumf %max3A_1024, %min3A_1034 : vector<8x2048xf32>
    %slice3A_1037 = vector.extract_strided_slice %get3A_1 {offsets = [696, 0], sizes = [8, 2048], strides = [1, 1]} : vector<1000x2048xf32> to vector<8x2048xf32>
    %sub3A_1038 = arith.constant 696 : i32
    %sub3A_1039 = vector.broadcast %sub3A_1038 : i32 to vector<1x2048xi32>
    %sub3A_1040 = arith.subi %broadcast_in_dim3A, %sub3A_1039 : vector<1x2048xi32>
    %eq3A_1041 = vector.broadcast %sub3A_1040 : vector<1x2048xi32> to vector<8x2048xi32>
    %eq3A_1042 = arith.cmpi eq, %iota3A, %eq3A_1041 : vector<8x2048xi32>
    %select_n3A_1043 = arith.select %eq3A_1042, %slice3A_1037, %select_n3A_1031 : vector<8x2048xi1>, vector<8x2048xf32>
    %min3A_1044 = arith.minimumf %max3A_1033, %slice3A_1037 : vector<8x2048xf32>
    %max3A_1045 = arith.maximumf %max3A_1033, %slice3A_1037 : vector<8x2048xf32>
    %min3A_1046 = arith.minimumf %max3A_1035, %min3A_1044 : vector<8x2048xf32>
    %max3A_1047 = arith.maximumf %max3A_1035, %min3A_1044 : vector<8x2048xf32>
    %max3A_1048 = arith.maximumf %max3A_1036, %min3A_1046 : vector<8x2048xf32>
    %slice3A_1049 = vector.extract_strided_slice %get3A_1 {offsets = [704, 0], sizes = [8, 2048], strides = [1, 1]} : vector<1000x2048xf32> to vector<8x2048xf32>
    %sub3A_1050 = arith.constant 704 : i32
    %sub3A_1051 = vector.broadcast %sub3A_1050 : i32 to vector<1x2048xi32>
    %sub3A_1052 = arith.subi %broadcast_in_dim3A, %sub3A_1051 : vector<1x2048xi32>
    %eq3A_1053 = vector.broadcast %sub3A_1052 : vector<1x2048xi32> to vector<8x2048xi32>
    %eq3A_1054 = arith.cmpi eq, %iota3A, %eq3A_1053 : vector<8x2048xi32>
    %select_n3A_1055 = arith.select %eq3A_1054, %slice3A_1049, %select_n3A_1043 : vector<8x2048xi1>, vector<8x2048xf32>
    %min3A_1056 = arith.minimumf %max3A_1045, %slice3A_1049 : vector<8x2048xf32>
    %max3A_1057 = arith.maximumf %max3A_1045, %slice3A_1049 : vector<8x2048xf32>
    %min3A_1058 = arith.minimumf %max3A_1047, %min3A_1056 : vector<8x2048xf32>
    %max3A_1059 = arith.maximumf %max3A_1047, %min3A_1056 : vector<8x2048xf32>
    %max3A_1060 = arith.maximumf %max3A_1048, %min3A_1058 : vector<8x2048xf32>
    %slice3A_1061 = vector.extract_strided_slice %get3A_1 {offsets = [712, 0], sizes = [8, 2048], strides = [1, 1]} : vector<1000x2048xf32> to vector<8x2048xf32>
    %sub3A_1062 = arith.constant 712 : i32
    %sub3A_1063 = vector.broadcast %sub3A_1062 : i32 to vector<1x2048xi32>
    %sub3A_1064 = arith.subi %broadcast_in_dim3A, %sub3A_1063 : vector<1x2048xi32>
    %eq3A_1065 = vector.broadcast %sub3A_1064 : vector<1x2048xi32> to vector<8x2048xi32>
    %eq3A_1066 = arith.cmpi eq, %iota3A, %eq3A_1065 : vector<8x2048xi32>
    %select_n3A_1067 = arith.select %eq3A_1066, %slice3A_1061, %select_n3A_1055 : vector<8x2048xi1>, vector<8x2048xf32>
    %min3A_1068 = arith.minimumf %max3A_1057, %slice3A_1061 : vector<8x2048xf32>
    %max3A_1069 = arith.maximumf %max3A_1057, %slice3A_1061 : vector<8x2048xf32>
    %min3A_1070 = arith.minimumf %max3A_1059, %min3A_1068 : vector<8x2048xf32>
    %max3A_1071 = arith.maximumf %max3A_1059, %min3A_1068 : vector<8x2048xf32>
    %max3A_1072 = arith.maximumf %max3A_1060, %min3A_1070 : vector<8x2048xf32>
    %slice3A_1073 = vector.extract_strided_slice %get3A_1 {offsets = [720, 0], sizes = [8, 2048], strides = [1, 1]} : vector<1000x2048xf32> to vector<8x2048xf32>
    %sub3A_1074 = arith.constant 720 : i32
    %sub3A_1075 = vector.broadcast %sub3A_1074 : i32 to vector<1x2048xi32>
    %sub3A_1076 = arith.subi %broadcast_in_dim3A, %sub3A_1075 : vector<1x2048xi32>
    %eq3A_1077 = vector.broadcast %sub3A_1076 : vector<1x2048xi32> to vector<8x2048xi32>
    %eq3A_1078 = arith.cmpi eq, %iota3A, %eq3A_1077 : vector<8x2048xi32>
    %select_n3A_1079 = arith.select %eq3A_1078, %slice3A_1073, %select_n3A_1067 : vector<8x2048xi1>, vector<8x2048xf32>
    %min3A_1080 = arith.minimumf %max3A_1069, %slice3A_1073 : vector<8x2048xf32>
    %max3A_1081 = arith.maximumf %max3A_1069, %slice3A_1073 : vector<8x2048xf32>
    %min3A_1082 = arith.minimumf %max3A_1071, %min3A_1080 : vector<8x2048xf32>
    %max3A_1083 = arith.maximumf %max3A_1071, %min3A_1080 : vector<8x2048xf32>
    %max3A_1084 = arith.maximumf %max3A_1072, %min3A_1082 : vector<8x2048xf32>
    %slice3A_1085 = vector.extract_strided_slice %get3A_1 {offsets = [728, 0], sizes = [8, 2048], strides = [1, 1]} : vector<1000x2048xf32> to vector<8x2048xf32>
    %sub3A_1086 = arith.constant 728 : i32
    %sub3A_1087 = vector.broadcast %sub3A_1086 : i32 to vector<1x2048xi32>
    %sub3A_1088 = arith.subi %broadcast_in_dim3A, %sub3A_1087 : vector<1x2048xi32>
    %eq3A_1089 = vector.broadcast %sub3A_1088 : vector<1x2048xi32> to vector<8x2048xi32>
    %eq3A_1090 = arith.cmpi eq, %iota3A, %eq3A_1089 : vector<8x2048xi32>
    %select_n3A_1091 = arith.select %eq3A_1090, %slice3A_1085, %select_n3A_1079 : vector<8x2048xi1>, vector<8x2048xf32>
    %min3A_1092 = arith.minimumf %max3A_1081, %slice3A_1085 : vector<8x2048xf32>
    %max3A_1093 = arith.maximumf %max3A_1081, %slice3A_1085 : vector<8x2048xf32>
    %min3A_1094 = arith.minimumf %max3A_1083, %min3A_1092 : vector<8x2048xf32>
    %max3A_1095 = arith.maximumf %max3A_1083, %min3A_1092 : vector<8x2048xf32>
    %max3A_1096 = arith.maximumf %max3A_1084, %min3A_1094 : vector<8x2048xf32>
    %slice3A_1097 = vector.extract_strided_slice %get3A_1 {offsets = [736, 0], sizes = [8, 2048], strides = [1, 1]} : vector<1000x2048xf32> to vector<8x2048xf32>
    %sub3A_1098 = arith.constant 736 : i32
    %sub3A_1099 = vector.broadcast %sub3A_1098 : i32 to vector<1x2048xi32>
    %sub3A_1100 = arith.subi %broadcast_in_dim3A, %sub3A_1099 : vector<1x2048xi32>
    %eq3A_1101 = vector.broadcast %sub3A_1100 : vector<1x2048xi32> to vector<8x2048xi32>
    %eq3A_1102 = arith.cmpi eq, %iota3A, %eq3A_1101 : vector<8x2048xi32>
    %select_n3A_1103 = arith.select %eq3A_1102, %slice3A_1097, %select_n3A_1091 : vector<8x2048xi1>, vector<8x2048xf32>
    %min3A_1104 = arith.minimumf %max3A_1093, %slice3A_1097 : vector<8x2048xf32>
    %max3A_1105 = arith.maximumf %max3A_1093, %slice3A_1097 : vector<8x2048xf32>
    %min3A_1106 = arith.minimumf %max3A_1095, %min3A_1104 : vector<8x2048xf32>
    %max3A_1107 = arith.maximumf %max3A_1095, %min3A_1104 : vector<8x2048xf32>
    %max3A_1108 = arith.maximumf %max3A_1096, %min3A_1106 : vector<8x2048xf32>
    %slice3A_1109 = vector.extract_strided_slice %get3A_1 {offsets = [744, 0], sizes = [8, 2048], strides = [1, 1]} : vector<1000x2048xf32> to vector<8x2048xf32>
    %sub3A_1110 = arith.constant 744 : i32
    %sub3A_1111 = vector.broadcast %sub3A_1110 : i32 to vector<1x2048xi32>
    %sub3A_1112 = arith.subi %broadcast_in_dim3A, %sub3A_1111 : vector<1x2048xi32>
    %eq3A_1113 = vector.broadcast %sub3A_1112 : vector<1x2048xi32> to vector<8x2048xi32>
    %eq3A_1114 = arith.cmpi eq, %iota3A, %eq3A_1113 : vector<8x2048xi32>
    %select_n3A_1115 = arith.select %eq3A_1114, %slice3A_1109, %select_n3A_1103 : vector<8x2048xi1>, vector<8x2048xf32>
    %min3A_1116 = arith.minimumf %max3A_1105, %slice3A_1109 : vector<8x2048xf32>
    %max3A_1117 = arith.maximumf %max3A_1105, %slice3A_1109 : vector<8x2048xf32>
    %min3A_1118 = arith.minimumf %max3A_1107, %min3A_1116 : vector<8x2048xf32>
    %max3A_1119 = arith.maximumf %max3A_1107, %min3A_1116 : vector<8x2048xf32>
    %max3A_1120 = arith.maximumf %max3A_1108, %min3A_1118 : vector<8x2048xf32>
    %slice3A_1121 = vector.extract_strided_slice %get3A_1 {offsets = [752, 0], sizes = [8, 2048], strides = [1, 1]} : vector<1000x2048xf32> to vector<8x2048xf32>
    %sub3A_1122 = arith.constant 752 : i32
    %sub3A_1123 = vector.broadcast %sub3A_1122 : i32 to vector<1x2048xi32>
    %sub3A_1124 = arith.subi %broadcast_in_dim3A, %sub3A_1123 : vector<1x2048xi32>
    %eq3A_1125 = vector.broadcast %sub3A_1124 : vector<1x2048xi32> to vector<8x2048xi32>
    %eq3A_1126 = arith.cmpi eq, %iota3A, %eq3A_1125 : vector<8x2048xi32>
    %select_n3A_1127 = arith.select %eq3A_1126, %slice3A_1121, %select_n3A_1115 : vector<8x2048xi1>, vector<8x2048xf32>
    %min3A_1128 = arith.minimumf %max3A_1117, %slice3A_1121 : vector<8x2048xf32>
    %max3A_1129 = arith.maximumf %max3A_1117, %slice3A_1121 : vector<8x2048xf32>
    %min3A_1130 = arith.minimumf %max3A_1119, %min3A_1128 : vector<8x2048xf32>
    %max3A_1131 = arith.maximumf %max3A_1119, %min3A_1128 : vector<8x2048xf32>
    %max3A_1132 = arith.maximumf %max3A_1120, %min3A_1130 : vector<8x2048xf32>
    %slice3A_1133 = vector.extract_strided_slice %get3A_1 {offsets = [760, 0], sizes = [8, 2048], strides = [1, 1]} : vector<1000x2048xf32> to vector<8x2048xf32>
    %sub3A_1134 = arith.constant 760 : i32
    %sub3A_1135 = vector.broadcast %sub3A_1134 : i32 to vector<1x2048xi32>
    %sub3A_1136 = arith.subi %broadcast_in_dim3A, %sub3A_1135 : vector<1x2048xi32>
    %eq3A_1137 = vector.broadcast %sub3A_1136 : vector<1x2048xi32> to vector<8x2048xi32>
    %eq3A_1138 = arith.cmpi eq, %iota3A, %eq3A_1137 : vector<8x2048xi32>
    %select_n3A_1139 = arith.select %eq3A_1138, %slice3A_1133, %select_n3A_1127 : vector<8x2048xi1>, vector<8x2048xf32>
    %min3A_1140 = arith.minimumf %max3A_1129, %slice3A_1133 : vector<8x2048xf32>
    %max3A_1141 = arith.maximumf %max3A_1129, %slice3A_1133 : vector<8x2048xf32>
    %min3A_1142 = arith.minimumf %max3A_1131, %min3A_1140 : vector<8x2048xf32>
    %max3A_1143 = arith.maximumf %max3A_1131, %min3A_1140 : vector<8x2048xf32>
    %max3A_1144 = arith.maximumf %max3A_1132, %min3A_1142 : vector<8x2048xf32>
    %slice3A_1145 = vector.extract_strided_slice %get3A_1 {offsets = [768, 0], sizes = [8, 2048], strides = [1, 1]} : vector<1000x2048xf32> to vector<8x2048xf32>
    %sub3A_1146 = arith.constant 768 : i32
    %sub3A_1147 = vector.broadcast %sub3A_1146 : i32 to vector<1x2048xi32>
    %sub3A_1148 = arith.subi %broadcast_in_dim3A, %sub3A_1147 : vector<1x2048xi32>
    %eq3A_1149 = vector.broadcast %sub3A_1148 : vector<1x2048xi32> to vector<8x2048xi32>
    %eq3A_1150 = arith.cmpi eq, %iota3A, %eq3A_1149 : vector<8x2048xi32>
    %select_n3A_1151 = arith.select %eq3A_1150, %slice3A_1145, %select_n3A_1139 : vector<8x2048xi1>, vector<8x2048xf32>
    %min3A_1152 = arith.minimumf %max3A_1141, %slice3A_1145 : vector<8x2048xf32>
    %max3A_1153 = arith.maximumf %max3A_1141, %slice3A_1145 : vector<8x2048xf32>
    %min3A_1154 = arith.minimumf %max3A_1143, %min3A_1152 : vector<8x2048xf32>
    %max3A_1155 = arith.maximumf %max3A_1143, %min3A_1152 : vector<8x2048xf32>
    %max3A_1156 = arith.maximumf %max3A_1144, %min3A_1154 : vector<8x2048xf32>
    %slice3A_1157 = vector.extract_strided_slice %get3A_1 {offsets = [776, 0], sizes = [8, 2048], strides = [1, 1]} : vector<1000x2048xf32> to vector<8x2048xf32>
    %sub3A_1158 = arith.constant 776 : i32
    %sub3A_1159 = vector.broadcast %sub3A_1158 : i32 to vector<1x2048xi32>
    %sub3A_1160 = arith.subi %broadcast_in_dim3A, %sub3A_1159 : vector<1x2048xi32>
    %eq3A_1161 = vector.broadcast %sub3A_1160 : vector<1x2048xi32> to vector<8x2048xi32>
    %eq3A_1162 = arith.cmpi eq, %iota3A, %eq3A_1161 : vector<8x2048xi32>
    %select_n3A_1163 = arith.select %eq3A_1162, %slice3A_1157, %select_n3A_1151 : vector<8x2048xi1>, vector<8x2048xf32>
    %min3A_1164 = arith.minimumf %max3A_1153, %slice3A_1157 : vector<8x2048xf32>
    %max3A_1165 = arith.maximumf %max3A_1153, %slice3A_1157 : vector<8x2048xf32>
    %min3A_1166 = arith.minimumf %max3A_1155, %min3A_1164 : vector<8x2048xf32>
    %max3A_1167 = arith.maximumf %max3A_1155, %min3A_1164 : vector<8x2048xf32>
    %max3A_1168 = arith.maximumf %max3A_1156, %min3A_1166 : vector<8x2048xf32>
    %slice3A_1169 = vector.extract_strided_slice %get3A_1 {offsets = [784, 0], sizes = [8, 2048], strides = [1, 1]} : vector<1000x2048xf32> to vector<8x2048xf32>
    %sub3A_1170 = arith.constant 784 : i32
    %sub3A_1171 = vector.broadcast %sub3A_1170 : i32 to vector<1x2048xi32>
    %sub3A_1172 = arith.subi %broadcast_in_dim3A, %sub3A_1171 : vector<1x2048xi32>
    %eq3A_1173 = vector.broadcast %sub3A_1172 : vector<1x2048xi32> to vector<8x2048xi32>
    %eq3A_1174 = arith.cmpi eq, %iota3A, %eq3A_1173 : vector<8x2048xi32>
    %select_n3A_1175 = arith.select %eq3A_1174, %slice3A_1169, %select_n3A_1163 : vector<8x2048xi1>, vector<8x2048xf32>
    %min3A_1176 = arith.minimumf %max3A_1165, %slice3A_1169 : vector<8x2048xf32>
    %max3A_1177 = arith.maximumf %max3A_1165, %slice3A_1169 : vector<8x2048xf32>
    %min3A_1178 = arith.minimumf %max3A_1167, %min3A_1176 : vector<8x2048xf32>
    %max3A_1179 = arith.maximumf %max3A_1167, %min3A_1176 : vector<8x2048xf32>
    %max3A_1180 = arith.maximumf %max3A_1168, %min3A_1178 : vector<8x2048xf32>
    %slice3A_1181 = vector.extract_strided_slice %get3A_1 {offsets = [792, 0], sizes = [8, 2048], strides = [1, 1]} : vector<1000x2048xf32> to vector<8x2048xf32>
    %sub3A_1182 = arith.constant 792 : i32
    %sub3A_1183 = vector.broadcast %sub3A_1182 : i32 to vector<1x2048xi32>
    %sub3A_1184 = arith.subi %broadcast_in_dim3A, %sub3A_1183 : vector<1x2048xi32>
    %eq3A_1185 = vector.broadcast %sub3A_1184 : vector<1x2048xi32> to vector<8x2048xi32>
    %eq3A_1186 = arith.cmpi eq, %iota3A, %eq3A_1185 : vector<8x2048xi32>
    %select_n3A_1187 = arith.select %eq3A_1186, %slice3A_1181, %select_n3A_1175 : vector<8x2048xi1>, vector<8x2048xf32>
    %min3A_1188 = arith.minimumf %max3A_1177, %slice3A_1181 : vector<8x2048xf32>
    %max3A_1189 = arith.maximumf %max3A_1177, %slice3A_1181 : vector<8x2048xf32>
    %min3A_1190 = arith.minimumf %max3A_1179, %min3A_1188 : vector<8x2048xf32>
    %max3A_1191 = arith.maximumf %max3A_1179, %min3A_1188 : vector<8x2048xf32>
    %max3A_1192 = arith.maximumf %max3A_1180, %min3A_1190 : vector<8x2048xf32>
    %slice3A_1193 = vector.extract_strided_slice %get3A_1 {offsets = [800, 0], sizes = [8, 2048], strides = [1, 1]} : vector<1000x2048xf32> to vector<8x2048xf32>
    %sub3A_1194 = arith.constant 800 : i32
    %sub3A_1195 = vector.broadcast %sub3A_1194 : i32 to vector<1x2048xi32>
    %sub3A_1196 = arith.subi %broadcast_in_dim3A, %sub3A_1195 : vector<1x2048xi32>
    %eq3A_1197 = vector.broadcast %sub3A_1196 : vector<1x2048xi32> to vector<8x2048xi32>
    %eq3A_1198 = arith.cmpi eq, %iota3A, %eq3A_1197 : vector<8x2048xi32>
    %select_n3A_1199 = arith.select %eq3A_1198, %slice3A_1193, %select_n3A_1187 : vector<8x2048xi1>, vector<8x2048xf32>
    %min3A_1200 = arith.minimumf %max3A_1189, %slice3A_1193 : vector<8x2048xf32>
    %max3A_1201 = arith.maximumf %max3A_1189, %slice3A_1193 : vector<8x2048xf32>
    %min3A_1202 = arith.minimumf %max3A_1191, %min3A_1200 : vector<8x2048xf32>
    %max3A_1203 = arith.maximumf %max3A_1191, %min3A_1200 : vector<8x2048xf32>
    %max3A_1204 = arith.maximumf %max3A_1192, %min3A_1202 : vector<8x2048xf32>
    %slice3A_1205 = vector.extract_strided_slice %get3A_1 {offsets = [808, 0], sizes = [8, 2048], strides = [1, 1]} : vector<1000x2048xf32> to vector<8x2048xf32>
    %sub3A_1206 = arith.constant 808 : i32
    %sub3A_1207 = vector.broadcast %sub3A_1206 : i32 to vector<1x2048xi32>
    %sub3A_1208 = arith.subi %broadcast_in_dim3A, %sub3A_1207 : vector<1x2048xi32>
    %eq3A_1209 = vector.broadcast %sub3A_1208 : vector<1x2048xi32> to vector<8x2048xi32>
    %eq3A_1210 = arith.cmpi eq, %iota3A, %eq3A_1209 : vector<8x2048xi32>
    %select_n3A_1211 = arith.select %eq3A_1210, %slice3A_1205, %select_n3A_1199 : vector<8x2048xi1>, vector<8x2048xf32>
    %min3A_1212 = arith.minimumf %max3A_1201, %slice3A_1205 : vector<8x2048xf32>
    %max3A_1213 = arith.maximumf %max3A_1201, %slice3A_1205 : vector<8x2048xf32>
    %min3A_1214 = arith.minimumf %max3A_1203, %min3A_1212 : vector<8x2048xf32>
    %max3A_1215 = arith.maximumf %max3A_1203, %min3A_1212 : vector<8x2048xf32>
    %max3A_1216 = arith.maximumf %max3A_1204, %min3A_1214 : vector<8x2048xf32>
    %slice3A_1217 = vector.extract_strided_slice %get3A_1 {offsets = [816, 0], sizes = [8, 2048], strides = [1, 1]} : vector<1000x2048xf32> to vector<8x2048xf32>
    %sub3A_1218 = arith.constant 816 : i32
    %sub3A_1219 = vector.broadcast %sub3A_1218 : i32 to vector<1x2048xi32>
    %sub3A_1220 = arith.subi %broadcast_in_dim3A, %sub3A_1219 : vector<1x2048xi32>
    %eq3A_1221 = vector.broadcast %sub3A_1220 : vector<1x2048xi32> to vector<8x2048xi32>
    %eq3A_1222 = arith.cmpi eq, %iota3A, %eq3A_1221 : vector<8x2048xi32>
    %select_n3A_1223 = arith.select %eq3A_1222, %slice3A_1217, %select_n3A_1211 : vector<8x2048xi1>, vector<8x2048xf32>
    %min3A_1224 = arith.minimumf %max3A_1213, %slice3A_1217 : vector<8x2048xf32>
    %max3A_1225 = arith.maximumf %max3A_1213, %slice3A_1217 : vector<8x2048xf32>
    %min3A_1226 = arith.minimumf %max3A_1215, %min3A_1224 : vector<8x2048xf32>
    %max3A_1227 = arith.maximumf %max3A_1215, %min3A_1224 : vector<8x2048xf32>
    %max3A_1228 = arith.maximumf %max3A_1216, %min3A_1226 : vector<8x2048xf32>
    %slice3A_1229 = vector.extract_strided_slice %get3A_1 {offsets = [824, 0], sizes = [8, 2048], strides = [1, 1]} : vector<1000x2048xf32> to vector<8x2048xf32>
    %sub3A_1230 = arith.constant 824 : i32
    %sub3A_1231 = vector.broadcast %sub3A_1230 : i32 to vector<1x2048xi32>
    %sub3A_1232 = arith.subi %broadcast_in_dim3A, %sub3A_1231 : vector<1x2048xi32>
    %eq3A_1233 = vector.broadcast %sub3A_1232 : vector<1x2048xi32> to vector<8x2048xi32>
    %eq3A_1234 = arith.cmpi eq, %iota3A, %eq3A_1233 : vector<8x2048xi32>
    %select_n3A_1235 = arith.select %eq3A_1234, %slice3A_1229, %select_n3A_1223 : vector<8x2048xi1>, vector<8x2048xf32>
    %min3A_1236 = arith.minimumf %max3A_1225, %slice3A_1229 : vector<8x2048xf32>
    %max3A_1237 = arith.maximumf %max3A_1225, %slice3A_1229 : vector<8x2048xf32>
    %min3A_1238 = arith.minimumf %max3A_1227, %min3A_1236 : vector<8x2048xf32>
    %max3A_1239 = arith.maximumf %max3A_1227, %min3A_1236 : vector<8x2048xf32>
    %max3A_1240 = arith.maximumf %max3A_1228, %min3A_1238 : vector<8x2048xf32>
    %slice3A_1241 = vector.extract_strided_slice %get3A_1 {offsets = [832, 0], sizes = [8, 2048], strides = [1, 1]} : vector<1000x2048xf32> to vector<8x2048xf32>
    %sub3A_1242 = arith.constant 832 : i32
    %sub3A_1243 = vector.broadcast %sub3A_1242 : i32 to vector<1x2048xi32>
    %sub3A_1244 = arith.subi %broadcast_in_dim3A, %sub3A_1243 : vector<1x2048xi32>
    %eq3A_1245 = vector.broadcast %sub3A_1244 : vector<1x2048xi32> to vector<8x2048xi32>
    %eq3A_1246 = arith.cmpi eq, %iota3A, %eq3A_1245 : vector<8x2048xi32>
    %select_n3A_1247 = arith.select %eq3A_1246, %slice3A_1241, %select_n3A_1235 : vector<8x2048xi1>, vector<8x2048xf32>
    %min3A_1248 = arith.minimumf %max3A_1237, %slice3A_1241 : vector<8x2048xf32>
    %max3A_1249 = arith.maximumf %max3A_1237, %slice3A_1241 : vector<8x2048xf32>
    %min3A_1250 = arith.minimumf %max3A_1239, %min3A_1248 : vector<8x2048xf32>
    %max3A_1251 = arith.maximumf %max3A_1239, %min3A_1248 : vector<8x2048xf32>
    %max3A_1252 = arith.maximumf %max3A_1240, %min3A_1250 : vector<8x2048xf32>
    %slice3A_1253 = vector.extract_strided_slice %get3A_1 {offsets = [840, 0], sizes = [8, 2048], strides = [1, 1]} : vector<1000x2048xf32> to vector<8x2048xf32>
    %sub3A_1254 = arith.constant 840 : i32
    %sub3A_1255 = vector.broadcast %sub3A_1254 : i32 to vector<1x2048xi32>
    %sub3A_1256 = arith.subi %broadcast_in_dim3A, %sub3A_1255 : vector<1x2048xi32>
    %eq3A_1257 = vector.broadcast %sub3A_1256 : vector<1x2048xi32> to vector<8x2048xi32>
    %eq3A_1258 = arith.cmpi eq, %iota3A, %eq3A_1257 : vector<8x2048xi32>
    %select_n3A_1259 = arith.select %eq3A_1258, %slice3A_1253, %select_n3A_1247 : vector<8x2048xi1>, vector<8x2048xf32>
    %min3A_1260 = arith.minimumf %max3A_1249, %slice3A_1253 : vector<8x2048xf32>
    %max3A_1261 = arith.maximumf %max3A_1249, %slice3A_1253 : vector<8x2048xf32>
    %min3A_1262 = arith.minimumf %max3A_1251, %min3A_1260 : vector<8x2048xf32>
    %max3A_1263 = arith.maximumf %max3A_1251, %min3A_1260 : vector<8x2048xf32>
    %max3A_1264 = arith.maximumf %max3A_1252, %min3A_1262 : vector<8x2048xf32>
    %slice3A_1265 = vector.extract_strided_slice %get3A_1 {offsets = [848, 0], sizes = [8, 2048], strides = [1, 1]} : vector<1000x2048xf32> to vector<8x2048xf32>
    %sub3A_1266 = arith.constant 848 : i32
    %sub3A_1267 = vector.broadcast %sub3A_1266 : i32 to vector<1x2048xi32>
    %sub3A_1268 = arith.subi %broadcast_in_dim3A, %sub3A_1267 : vector<1x2048xi32>
    %eq3A_1269 = vector.broadcast %sub3A_1268 : vector<1x2048xi32> to vector<8x2048xi32>
    %eq3A_1270 = arith.cmpi eq, %iota3A, %eq3A_1269 : vector<8x2048xi32>
    %select_n3A_1271 = arith.select %eq3A_1270, %slice3A_1265, %select_n3A_1259 : vector<8x2048xi1>, vector<8x2048xf32>
    %min3A_1272 = arith.minimumf %max3A_1261, %slice3A_1265 : vector<8x2048xf32>
    %max3A_1273 = arith.maximumf %max3A_1261, %slice3A_1265 : vector<8x2048xf32>
    %min3A_1274 = arith.minimumf %max3A_1263, %min3A_1272 : vector<8x2048xf32>
    %max3A_1275 = arith.maximumf %max3A_1263, %min3A_1272 : vector<8x2048xf32>
    %max3A_1276 = arith.maximumf %max3A_1264, %min3A_1274 : vector<8x2048xf32>
    %slice3A_1277 = vector.extract_strided_slice %get3A_1 {offsets = [856, 0], sizes = [8, 2048], strides = [1, 1]} : vector<1000x2048xf32> to vector<8x2048xf32>
    %sub3A_1278 = arith.constant 856 : i32
    %sub3A_1279 = vector.broadcast %sub3A_1278 : i32 to vector<1x2048xi32>
    %sub3A_1280 = arith.subi %broadcast_in_dim3A, %sub3A_1279 : vector<1x2048xi32>
    %eq3A_1281 = vector.broadcast %sub3A_1280 : vector<1x2048xi32> to vector<8x2048xi32>
    %eq3A_1282 = arith.cmpi eq, %iota3A, %eq3A_1281 : vector<8x2048xi32>
    %select_n3A_1283 = arith.select %eq3A_1282, %slice3A_1277, %select_n3A_1271 : vector<8x2048xi1>, vector<8x2048xf32>
    %min3A_1284 = arith.minimumf %max3A_1273, %slice3A_1277 : vector<8x2048xf32>
    %max3A_1285 = arith.maximumf %max3A_1273, %slice3A_1277 : vector<8x2048xf32>
    %min3A_1286 = arith.minimumf %max3A_1275, %min3A_1284 : vector<8x2048xf32>
    %max3A_1287 = arith.maximumf %max3A_1275, %min3A_1284 : vector<8x2048xf32>
    %max3A_1288 = arith.maximumf %max3A_1276, %min3A_1286 : vector<8x2048xf32>
    %slice3A_1289 = vector.extract_strided_slice %get3A_1 {offsets = [864, 0], sizes = [8, 2048], strides = [1, 1]} : vector<1000x2048xf32> to vector<8x2048xf32>
    %sub3A_1290 = arith.constant 864 : i32
    %sub3A_1291 = vector.broadcast %sub3A_1290 : i32 to vector<1x2048xi32>
    %sub3A_1292 = arith.subi %broadcast_in_dim3A, %sub3A_1291 : vector<1x2048xi32>
    %eq3A_1293 = vector.broadcast %sub3A_1292 : vector<1x2048xi32> to vector<8x2048xi32>
    %eq3A_1294 = arith.cmpi eq, %iota3A, %eq3A_1293 : vector<8x2048xi32>
    %select_n3A_1295 = arith.select %eq3A_1294, %slice3A_1289, %select_n3A_1283 : vector<8x2048xi1>, vector<8x2048xf32>
    %min3A_1296 = arith.minimumf %max3A_1285, %slice3A_1289 : vector<8x2048xf32>
    %max3A_1297 = arith.maximumf %max3A_1285, %slice3A_1289 : vector<8x2048xf32>
    %min3A_1298 = arith.minimumf %max3A_1287, %min3A_1296 : vector<8x2048xf32>
    %max3A_1299 = arith.maximumf %max3A_1287, %min3A_1296 : vector<8x2048xf32>
    %max3A_1300 = arith.maximumf %max3A_1288, %min3A_1298 : vector<8x2048xf32>
    %slice3A_1301 = vector.extract_strided_slice %get3A_1 {offsets = [872, 0], sizes = [8, 2048], strides = [1, 1]} : vector<1000x2048xf32> to vector<8x2048xf32>
    %sub3A_1302 = arith.constant 872 : i32
    %sub3A_1303 = vector.broadcast %sub3A_1302 : i32 to vector<1x2048xi32>
    %sub3A_1304 = arith.subi %broadcast_in_dim3A, %sub3A_1303 : vector<1x2048xi32>
    %eq3A_1305 = vector.broadcast %sub3A_1304 : vector<1x2048xi32> to vector<8x2048xi32>
    %eq3A_1306 = arith.cmpi eq, %iota3A, %eq3A_1305 : vector<8x2048xi32>
    %select_n3A_1307 = arith.select %eq3A_1306, %slice3A_1301, %select_n3A_1295 : vector<8x2048xi1>, vector<8x2048xf32>
    %min3A_1308 = arith.minimumf %max3A_1297, %slice3A_1301 : vector<8x2048xf32>
    %max3A_1309 = arith.maximumf %max3A_1297, %slice3A_1301 : vector<8x2048xf32>
    %min3A_1310 = arith.minimumf %max3A_1299, %min3A_1308 : vector<8x2048xf32>
    %max3A_1311 = arith.maximumf %max3A_1299, %min3A_1308 : vector<8x2048xf32>
    %max3A_1312 = arith.maximumf %max3A_1300, %min3A_1310 : vector<8x2048xf32>
    %slice3A_1313 = vector.extract_strided_slice %get3A_1 {offsets = [880, 0], sizes = [8, 2048], strides = [1, 1]} : vector<1000x2048xf32> to vector<8x2048xf32>
    %sub3A_1314 = arith.constant 880 : i32
    %sub3A_1315 = vector.broadcast %sub3A_1314 : i32 to vector<1x2048xi32>
    %sub3A_1316 = arith.subi %broadcast_in_dim3A, %sub3A_1315 : vector<1x2048xi32>
    %eq3A_1317 = vector.broadcast %sub3A_1316 : vector<1x2048xi32> to vector<8x2048xi32>
    %eq3A_1318 = arith.cmpi eq, %iota3A, %eq3A_1317 : vector<8x2048xi32>
    %select_n3A_1319 = arith.select %eq3A_1318, %slice3A_1313, %select_n3A_1307 : vector<8x2048xi1>, vector<8x2048xf32>
    %min3A_1320 = arith.minimumf %max3A_1309, %slice3A_1313 : vector<8x2048xf32>
    %max3A_1321 = arith.maximumf %max3A_1309, %slice3A_1313 : vector<8x2048xf32>
    %min3A_1322 = arith.minimumf %max3A_1311, %min3A_1320 : vector<8x2048xf32>
    %max3A_1323 = arith.maximumf %max3A_1311, %min3A_1320 : vector<8x2048xf32>
    %max3A_1324 = arith.maximumf %max3A_1312, %min3A_1322 : vector<8x2048xf32>
    %slice3A_1325 = vector.extract_strided_slice %get3A_1 {offsets = [888, 0], sizes = [8, 2048], strides = [1, 1]} : vector<1000x2048xf32> to vector<8x2048xf32>
    %sub3A_1326 = arith.constant 888 : i32
    %sub3A_1327 = vector.broadcast %sub3A_1326 : i32 to vector<1x2048xi32>
    %sub3A_1328 = arith.subi %broadcast_in_dim3A, %sub3A_1327 : vector<1x2048xi32>
    %eq3A_1329 = vector.broadcast %sub3A_1328 : vector<1x2048xi32> to vector<8x2048xi32>
    %eq3A_1330 = arith.cmpi eq, %iota3A, %eq3A_1329 : vector<8x2048xi32>
    %select_n3A_1331 = arith.select %eq3A_1330, %slice3A_1325, %select_n3A_1319 : vector<8x2048xi1>, vector<8x2048xf32>
    %min3A_1332 = arith.minimumf %max3A_1321, %slice3A_1325 : vector<8x2048xf32>
    %max3A_1333 = arith.maximumf %max3A_1321, %slice3A_1325 : vector<8x2048xf32>
    %min3A_1334 = arith.minimumf %max3A_1323, %min3A_1332 : vector<8x2048xf32>
    %max3A_1335 = arith.maximumf %max3A_1323, %min3A_1332 : vector<8x2048xf32>
    %max3A_1336 = arith.maximumf %max3A_1324, %min3A_1334 : vector<8x2048xf32>
    %slice3A_1337 = vector.extract_strided_slice %get3A_1 {offsets = [896, 0], sizes = [8, 2048], strides = [1, 1]} : vector<1000x2048xf32> to vector<8x2048xf32>
    %sub3A_1338 = arith.constant 896 : i32
    %sub3A_1339 = vector.broadcast %sub3A_1338 : i32 to vector<1x2048xi32>
    %sub3A_1340 = arith.subi %broadcast_in_dim3A, %sub3A_1339 : vector<1x2048xi32>
    %eq3A_1341 = vector.broadcast %sub3A_1340 : vector<1x2048xi32> to vector<8x2048xi32>
    %eq3A_1342 = arith.cmpi eq, %iota3A, %eq3A_1341 : vector<8x2048xi32>
    %select_n3A_1343 = arith.select %eq3A_1342, %slice3A_1337, %select_n3A_1331 : vector<8x2048xi1>, vector<8x2048xf32>
    %min3A_1344 = arith.minimumf %max3A_1333, %slice3A_1337 : vector<8x2048xf32>
    %max3A_1345 = arith.maximumf %max3A_1333, %slice3A_1337 : vector<8x2048xf32>
    %min3A_1346 = arith.minimumf %max3A_1335, %min3A_1344 : vector<8x2048xf32>
    %max3A_1347 = arith.maximumf %max3A_1335, %min3A_1344 : vector<8x2048xf32>
    %max3A_1348 = arith.maximumf %max3A_1336, %min3A_1346 : vector<8x2048xf32>
    %slice3A_1349 = vector.extract_strided_slice %get3A_1 {offsets = [904, 0], sizes = [8, 2048], strides = [1, 1]} : vector<1000x2048xf32> to vector<8x2048xf32>
    %sub3A_1350 = arith.constant 904 : i32
    %sub3A_1351 = vector.broadcast %sub3A_1350 : i32 to vector<1x2048xi32>
    %sub3A_1352 = arith.subi %broadcast_in_dim3A, %sub3A_1351 : vector<1x2048xi32>
    %eq3A_1353 = vector.broadcast %sub3A_1352 : vector<1x2048xi32> to vector<8x2048xi32>
    %eq3A_1354 = arith.cmpi eq, %iota3A, %eq3A_1353 : vector<8x2048xi32>
    %select_n3A_1355 = arith.select %eq3A_1354, %slice3A_1349, %select_n3A_1343 : vector<8x2048xi1>, vector<8x2048xf32>
    %min3A_1356 = arith.minimumf %max3A_1345, %slice3A_1349 : vector<8x2048xf32>
    %max3A_1357 = arith.maximumf %max3A_1345, %slice3A_1349 : vector<8x2048xf32>
    %min3A_1358 = arith.minimumf %max3A_1347, %min3A_1356 : vector<8x2048xf32>
    %max3A_1359 = arith.maximumf %max3A_1347, %min3A_1356 : vector<8x2048xf32>
    %max3A_1360 = arith.maximumf %max3A_1348, %min3A_1358 : vector<8x2048xf32>
    %slice3A_1361 = vector.extract_strided_slice %get3A_1 {offsets = [912, 0], sizes = [8, 2048], strides = [1, 1]} : vector<1000x2048xf32> to vector<8x2048xf32>
    %sub3A_1362 = arith.constant 912 : i32
    %sub3A_1363 = vector.broadcast %sub3A_1362 : i32 to vector<1x2048xi32>
    %sub3A_1364 = arith.subi %broadcast_in_dim3A, %sub3A_1363 : vector<1x2048xi32>
    %eq3A_1365 = vector.broadcast %sub3A_1364 : vector<1x2048xi32> to vector<8x2048xi32>
    %eq3A_1366 = arith.cmpi eq, %iota3A, %eq3A_1365 : vector<8x2048xi32>
    %select_n3A_1367 = arith.select %eq3A_1366, %slice3A_1361, %select_n3A_1355 : vector<8x2048xi1>, vector<8x2048xf32>
    %min3A_1368 = arith.minimumf %max3A_1357, %slice3A_1361 : vector<8x2048xf32>
    %max3A_1369 = arith.maximumf %max3A_1357, %slice3A_1361 : vector<8x2048xf32>
    %min3A_1370 = arith.minimumf %max3A_1359, %min3A_1368 : vector<8x2048xf32>
    %max3A_1371 = arith.maximumf %max3A_1359, %min3A_1368 : vector<8x2048xf32>
    %max3A_1372 = arith.maximumf %max3A_1360, %min3A_1370 : vector<8x2048xf32>
    %slice3A_1373 = vector.extract_strided_slice %get3A_1 {offsets = [920, 0], sizes = [8, 2048], strides = [1, 1]} : vector<1000x2048xf32> to vector<8x2048xf32>
    %sub3A_1374 = arith.constant 920 : i32
    %sub3A_1375 = vector.broadcast %sub3A_1374 : i32 to vector<1x2048xi32>
    %sub3A_1376 = arith.subi %broadcast_in_dim3A, %sub3A_1375 : vector<1x2048xi32>
    %eq3A_1377 = vector.broadcast %sub3A_1376 : vector<1x2048xi32> to vector<8x2048xi32>
    %eq3A_1378 = arith.cmpi eq, %iota3A, %eq3A_1377 : vector<8x2048xi32>
    %select_n3A_1379 = arith.select %eq3A_1378, %slice3A_1373, %select_n3A_1367 : vector<8x2048xi1>, vector<8x2048xf32>
    %min3A_1380 = arith.minimumf %max3A_1369, %slice3A_1373 : vector<8x2048xf32>
    %max3A_1381 = arith.maximumf %max3A_1369, %slice3A_1373 : vector<8x2048xf32>
    %min3A_1382 = arith.minimumf %max3A_1371, %min3A_1380 : vector<8x2048xf32>
    %max3A_1383 = arith.maximumf %max3A_1371, %min3A_1380 : vector<8x2048xf32>
    %max3A_1384 = arith.maximumf %max3A_1372, %min3A_1382 : vector<8x2048xf32>
    %slice3A_1385 = vector.extract_strided_slice %get3A_1 {offsets = [928, 0], sizes = [8, 2048], strides = [1, 1]} : vector<1000x2048xf32> to vector<8x2048xf32>
    %sub3A_1386 = arith.constant 928 : i32
    %sub3A_1387 = vector.broadcast %sub3A_1386 : i32 to vector<1x2048xi32>
    %sub3A_1388 = arith.subi %broadcast_in_dim3A, %sub3A_1387 : vector<1x2048xi32>
    %eq3A_1389 = vector.broadcast %sub3A_1388 : vector<1x2048xi32> to vector<8x2048xi32>
    %eq3A_1390 = arith.cmpi eq, %iota3A, %eq3A_1389 : vector<8x2048xi32>
    %select_n3A_1391 = arith.select %eq3A_1390, %slice3A_1385, %select_n3A_1379 : vector<8x2048xi1>, vector<8x2048xf32>
    %min3A_1392 = arith.minimumf %max3A_1381, %slice3A_1385 : vector<8x2048xf32>
    %max3A_1393 = arith.maximumf %max3A_1381, %slice3A_1385 : vector<8x2048xf32>
    %min3A_1394 = arith.minimumf %max3A_1383, %min3A_1392 : vector<8x2048xf32>
    %max3A_1395 = arith.maximumf %max3A_1383, %min3A_1392 : vector<8x2048xf32>
    %max3A_1396 = arith.maximumf %max3A_1384, %min3A_1394 : vector<8x2048xf32>
    %slice3A_1397 = vector.extract_strided_slice %get3A_1 {offsets = [936, 0], sizes = [8, 2048], strides = [1, 1]} : vector<1000x2048xf32> to vector<8x2048xf32>
    %sub3A_1398 = arith.constant 936 : i32
    %sub3A_1399 = vector.broadcast %sub3A_1398 : i32 to vector<1x2048xi32>
    %sub3A_1400 = arith.subi %broadcast_in_dim3A, %sub3A_1399 : vector<1x2048xi32>
    %eq3A_1401 = vector.broadcast %sub3A_1400 : vector<1x2048xi32> to vector<8x2048xi32>
    %eq3A_1402 = arith.cmpi eq, %iota3A, %eq3A_1401 : vector<8x2048xi32>
    %select_n3A_1403 = arith.select %eq3A_1402, %slice3A_1397, %select_n3A_1391 : vector<8x2048xi1>, vector<8x2048xf32>
    %min3A_1404 = arith.minimumf %max3A_1393, %slice3A_1397 : vector<8x2048xf32>
    %max3A_1405 = arith.maximumf %max3A_1393, %slice3A_1397 : vector<8x2048xf32>
    %min3A_1406 = arith.minimumf %max3A_1395, %min3A_1404 : vector<8x2048xf32>
    %max3A_1407 = arith.maximumf %max3A_1395, %min3A_1404 : vector<8x2048xf32>
    %max3A_1408 = arith.maximumf %max3A_1396, %min3A_1406 : vector<8x2048xf32>
    %slice3A_1409 = vector.extract_strided_slice %get3A_1 {offsets = [944, 0], sizes = [8, 2048], strides = [1, 1]} : vector<1000x2048xf32> to vector<8x2048xf32>
    %sub3A_1410 = arith.constant 944 : i32
    %sub3A_1411 = vector.broadcast %sub3A_1410 : i32 to vector<1x2048xi32>
    %sub3A_1412 = arith.subi %broadcast_in_dim3A, %sub3A_1411 : vector<1x2048xi32>
    %eq3A_1413 = vector.broadcast %sub3A_1412 : vector<1x2048xi32> to vector<8x2048xi32>
    %eq3A_1414 = arith.cmpi eq, %iota3A, %eq3A_1413 : vector<8x2048xi32>
    %select_n3A_1415 = arith.select %eq3A_1414, %slice3A_1409, %select_n3A_1403 : vector<8x2048xi1>, vector<8x2048xf32>
    %min3A_1416 = arith.minimumf %max3A_1405, %slice3A_1409 : vector<8x2048xf32>
    %max3A_1417 = arith.maximumf %max3A_1405, %slice3A_1409 : vector<8x2048xf32>
    %min3A_1418 = arith.minimumf %max3A_1407, %min3A_1416 : vector<8x2048xf32>
    %max3A_1419 = arith.maximumf %max3A_1407, %min3A_1416 : vector<8x2048xf32>
    %max3A_1420 = arith.maximumf %max3A_1408, %min3A_1418 : vector<8x2048xf32>
    %slice3A_1421 = vector.extract_strided_slice %get3A_1 {offsets = [952, 0], sizes = [8, 2048], strides = [1, 1]} : vector<1000x2048xf32> to vector<8x2048xf32>
    %sub3A_1422 = arith.constant 952 : i32
    %sub3A_1423 = vector.broadcast %sub3A_1422 : i32 to vector<1x2048xi32>
    %sub3A_1424 = arith.subi %broadcast_in_dim3A, %sub3A_1423 : vector<1x2048xi32>
    %eq3A_1425 = vector.broadcast %sub3A_1424 : vector<1x2048xi32> to vector<8x2048xi32>
    %eq3A_1426 = arith.cmpi eq, %iota3A, %eq3A_1425 : vector<8x2048xi32>
    %select_n3A_1427 = arith.select %eq3A_1426, %slice3A_1421, %select_n3A_1415 : vector<8x2048xi1>, vector<8x2048xf32>
    %min3A_1428 = arith.minimumf %max3A_1417, %slice3A_1421 : vector<8x2048xf32>
    %max3A_1429 = arith.maximumf %max3A_1417, %slice3A_1421 : vector<8x2048xf32>
    %min3A_1430 = arith.minimumf %max3A_1419, %min3A_1428 : vector<8x2048xf32>
    %max3A_1431 = arith.maximumf %max3A_1419, %min3A_1428 : vector<8x2048xf32>
    %max3A_1432 = arith.maximumf %max3A_1420, %min3A_1430 : vector<8x2048xf32>
    %slice3A_1433 = vector.extract_strided_slice %get3A_1 {offsets = [960, 0], sizes = [8, 2048], strides = [1, 1]} : vector<1000x2048xf32> to vector<8x2048xf32>
    %sub3A_1434 = arith.constant 960 : i32
    %sub3A_1435 = vector.broadcast %sub3A_1434 : i32 to vector<1x2048xi32>
    %sub3A_1436 = arith.subi %broadcast_in_dim3A, %sub3A_1435 : vector<1x2048xi32>
    %eq3A_1437 = vector.broadcast %sub3A_1436 : vector<1x2048xi32> to vector<8x2048xi32>
    %eq3A_1438 = arith.cmpi eq, %iota3A, %eq3A_1437 : vector<8x2048xi32>
    %select_n3A_1439 = arith.select %eq3A_1438, %slice3A_1433, %select_n3A_1427 : vector<8x2048xi1>, vector<8x2048xf32>
    %min3A_1440 = arith.minimumf %max3A_1429, %slice3A_1433 : vector<8x2048xf32>
    %max3A_1441 = arith.maximumf %max3A_1429, %slice3A_1433 : vector<8x2048xf32>
    %min3A_1442 = arith.minimumf %max3A_1431, %min3A_1440 : vector<8x2048xf32>
    %max3A_1443 = arith.maximumf %max3A_1431, %min3A_1440 : vector<8x2048xf32>
    %max3A_1444 = arith.maximumf %max3A_1432, %min3A_1442 : vector<8x2048xf32>
    %slice3A_1445 = vector.extract_strided_slice %get3A_1 {offsets = [968, 0], sizes = [8, 2048], strides = [1, 1]} : vector<1000x2048xf32> to vector<8x2048xf32>
    %sub3A_1446 = arith.constant 968 : i32
    %sub3A_1447 = vector.broadcast %sub3A_1446 : i32 to vector<1x2048xi32>
    %sub3A_1448 = arith.subi %broadcast_in_dim3A, %sub3A_1447 : vector<1x2048xi32>
    %eq3A_1449 = vector.broadcast %sub3A_1448 : vector<1x2048xi32> to vector<8x2048xi32>
    %eq3A_1450 = arith.cmpi eq, %iota3A, %eq3A_1449 : vector<8x2048xi32>
    %select_n3A_1451 = arith.select %eq3A_1450, %slice3A_1445, %select_n3A_1439 : vector<8x2048xi1>, vector<8x2048xf32>
    %min3A_1452 = arith.minimumf %max3A_1441, %slice3A_1445 : vector<8x2048xf32>
    %max3A_1453 = arith.maximumf %max3A_1441, %slice3A_1445 : vector<8x2048xf32>
    %min3A_1454 = arith.minimumf %max3A_1443, %min3A_1452 : vector<8x2048xf32>
    %max3A_1455 = arith.maximumf %max3A_1443, %min3A_1452 : vector<8x2048xf32>
    %max3A_1456 = arith.maximumf %max3A_1444, %min3A_1454 : vector<8x2048xf32>
    %slice3A_1457 = vector.extract_strided_slice %get3A_1 {offsets = [976, 0], sizes = [8, 2048], strides = [1, 1]} : vector<1000x2048xf32> to vector<8x2048xf32>
    %sub3A_1458 = arith.constant 976 : i32
    %sub3A_1459 = vector.broadcast %sub3A_1458 : i32 to vector<1x2048xi32>
    %sub3A_1460 = arith.subi %broadcast_in_dim3A, %sub3A_1459 : vector<1x2048xi32>
    %eq3A_1461 = vector.broadcast %sub3A_1460 : vector<1x2048xi32> to vector<8x2048xi32>
    %eq3A_1462 = arith.cmpi eq, %iota3A, %eq3A_1461 : vector<8x2048xi32>
    %select_n3A_1463 = arith.select %eq3A_1462, %slice3A_1457, %select_n3A_1451 : vector<8x2048xi1>, vector<8x2048xf32>
    %min3A_1464 = arith.minimumf %max3A_1453, %slice3A_1457 : vector<8x2048xf32>
    %max3A_1465 = arith.maximumf %max3A_1453, %slice3A_1457 : vector<8x2048xf32>
    %min3A_1466 = arith.minimumf %max3A_1455, %min3A_1464 : vector<8x2048xf32>
    %max3A_1467 = arith.maximumf %max3A_1455, %min3A_1464 : vector<8x2048xf32>
    %max3A_1468 = arith.maximumf %max3A_1456, %min3A_1466 : vector<8x2048xf32>
    %slice3A_1469 = vector.extract_strided_slice %get3A_1 {offsets = [984, 0], sizes = [8, 2048], strides = [1, 1]} : vector<1000x2048xf32> to vector<8x2048xf32>
    %sub3A_1470 = arith.constant 984 : i32
    %sub3A_1471 = vector.broadcast %sub3A_1470 : i32 to vector<1x2048xi32>
    %sub3A_1472 = arith.subi %broadcast_in_dim3A, %sub3A_1471 : vector<1x2048xi32>
    %eq3A_1473 = vector.broadcast %sub3A_1472 : vector<1x2048xi32> to vector<8x2048xi32>
    %eq3A_1474 = arith.cmpi eq, %iota3A, %eq3A_1473 : vector<8x2048xi32>
    %select_n3A_1475 = arith.select %eq3A_1474, %slice3A_1469, %select_n3A_1463 : vector<8x2048xi1>, vector<8x2048xf32>
    %min3A_1476 = arith.minimumf %max3A_1465, %slice3A_1469 : vector<8x2048xf32>
    %max3A_1477 = arith.maximumf %max3A_1465, %slice3A_1469 : vector<8x2048xf32>
    %min3A_1478 = arith.minimumf %max3A_1467, %min3A_1476 : vector<8x2048xf32>
    %max3A_1479 = arith.maximumf %max3A_1467, %min3A_1476 : vector<8x2048xf32>
    %max3A_1480 = arith.maximumf %max3A_1468, %min3A_1478 : vector<8x2048xf32>
    %slice3A_1481 = vector.extract_strided_slice %get3A_1 {offsets = [992, 0], sizes = [8, 2048], strides = [1, 1]} : vector<1000x2048xf32> to vector<8x2048xf32>
    %sub3A_1482 = arith.constant 992 : i32
    %sub3A_1483 = vector.broadcast %sub3A_1482 : i32 to vector<1x2048xi32>
    %sub3A_1484 = arith.subi %broadcast_in_dim3A, %sub3A_1483 : vector<1x2048xi32>
    %eq3A_1485 = vector.broadcast %sub3A_1484 : vector<1x2048xi32> to vector<8x2048xi32>
    %eq3A_1486 = arith.cmpi eq, %iota3A, %eq3A_1485 : vector<8x2048xi32>
    %select_n3A_1487 = arith.select %eq3A_1486, %slice3A_1481, %select_n3A_1475 : vector<8x2048xi1>, vector<8x2048xf32>
    %min3A_1488 = arith.minimumf %max3A_1477, %slice3A_1481 : vector<8x2048xf32>
    %max3A_1489 = arith.maximumf %max3A_1477, %slice3A_1481 : vector<8x2048xf32>
    %min3A_1490 = arith.minimumf %max3A_1479, %min3A_1488 : vector<8x2048xf32>
    %max3A_1491 = arith.maximumf %max3A_1479, %min3A_1488 : vector<8x2048xf32>
    %max3A_1492 = arith.maximumf %max3A_1480, %min3A_1490 : vector<8x2048xf32>
    %reduce_max3A = arith.constant dense<0xFF800000> : vector<2048xf32>
    %reduce_max3A_1493 = vector.multi_reduction <maximumf>, %select_n3A_1487, %reduce_max3A [0] : vector<8x2048xf32> to vector<2048xf32>
    %broadcast_in_dim3A_1494 = vector.shape_cast %reduce_max3A_1493 : vector<2048xf32> to vector<1x2048xf32>
    %concatenate3A = tpu.concatenate %max3A_1489, %max3A_1491, %max3A_1492 in 0 : vector<8x2048xf32>, vector<8x2048xf32>, vector<8x2048xf32> -> vector<24x2048xf32>
    %iota3A_1495 = tpu.iota {dimensions = array<i32: 0>} : vector<24x2048xi32>
    %reduce_max3A_1496 = arith.constant dense<0xFF800000> : vector<2048xf32>
    %reduce_max3A_1497 = vector.multi_reduction <maximumf>, %concatenate3A, %reduce_max3A_1496 [0] : vector<24x2048xf32> to vector<2048xf32>
    %broadcast_in_dim3A_1498 = vector.shape_cast %reduce_max3A_1497 : vector<2048xf32> to vector<1x2048xf32>
    %eq3A_1499 = vector.broadcast %broadcast_in_dim3A_1498 : vector<1x2048xf32> to vector<24x2048xf32>
    %eq3A_1500 = arith.cmpf oeq, %concatenate3A, %eq3A_1499 : vector<24x2048xf32>
    %jit3A_1501 = arith.constant 1073741824 : i32
    %broadcast_in_dim3A_1502 = vector.broadcast %jit3A_1501 : i32 to vector<24x2048xi32>
    %select_n3A_1503 = arith.select %eq3A_1500, %iota3A_1495, %broadcast_in_dim3A_1502 : vector<24x2048xi1>, vector<24x2048xi32>
    %reduce_min3A = arith.constant dense<2147483647> : vector<2048xi32>
    %reduce_min3A_1504 = vector.multi_reduction <minsi>, %select_n3A_1503, %reduce_min3A [0] : vector<24x2048xi32> to vector<2048xi32>
    %broadcast_in_dim3A_1505 = vector.shape_cast %reduce_min3A_1504 : vector<2048xi32> to vector<1x2048xi32>
    %eq3A_1506 = vector.broadcast %broadcast_in_dim3A_1505 : vector<1x2048xi32> to vector<24x2048xi32>
    %eq3A_1507 = arith.cmpi eq, %iota3A_1495, %eq3A_1506 : vector<24x2048xi32>
    %jit3A_1508 = arith.constant 0xFF800000 : f32
    %broadcast_in_dim3A_1509 = vector.broadcast %jit3A_1508 : f32 to vector<24x2048xf32>
    %select_n3A_1510 = arith.select %eq3A_1507, %broadcast_in_dim3A_1509, %concatenate3A : vector<24x2048xi1>, vector<24x2048xf32>
    %reduce_max3A_1511 = arith.constant dense<0xFF800000> : vector<2048xf32>
    %reduce_max3A_1512 = vector.multi_reduction <maximumf>, %select_n3A_1510, %reduce_max3A_1511 [0] : vector<24x2048xf32> to vector<2048xf32>
    %broadcast_in_dim3A_1513 = vector.shape_cast %reduce_max3A_1512 : vector<2048xf32> to vector<1x2048xf32>
    %eq3A_1514 = vector.broadcast %broadcast_in_dim3A_1513 : vector<1x2048xf32> to vector<24x2048xf32>
    %eq3A_1515 = arith.cmpf oeq, %select_n3A_1510, %eq3A_1514 : vector<24x2048xf32>
    %jit3A_1516 = arith.constant 1073741824 : i32
    %broadcast_in_dim3A_1517 = vector.broadcast %jit3A_1516 : i32 to vector<24x2048xi32>
    %select_n3A_1518 = arith.select %eq3A_1515, %iota3A_1495, %broadcast_in_dim3A_1517 : vector<24x2048xi1>, vector<24x2048xi32>
    %reduce_min3A_1519 = arith.constant dense<2147483647> : vector<2048xi32>
    %reduce_min3A_1520 = vector.multi_reduction <minsi>, %select_n3A_1518, %reduce_min3A_1519 [0] : vector<24x2048xi32> to vector<2048xi32>
    %broadcast_in_dim3A_1521 = vector.shape_cast %reduce_min3A_1520 : vector<2048xi32> to vector<1x2048xi32>
    %eq3A_1522 = vector.broadcast %broadcast_in_dim3A_1521 : vector<1x2048xi32> to vector<24x2048xi32>
    %eq3A_1523 = arith.cmpi eq, %iota3A_1495, %eq3A_1522 : vector<24x2048xi32>
    %jit3A_1524 = arith.constant 0xFF800000 : f32
    %broadcast_in_dim3A_1525 = vector.broadcast %jit3A_1524 : f32 to vector<24x2048xf32>
    %select_n3A_1526 = arith.select %eq3A_1523, %broadcast_in_dim3A_1525, %select_n3A_1510 : vector<24x2048xi1>, vector<24x2048xf32>
    %reduce_max3A_1527 = arith.constant dense<0xFF800000> : vector<2048xf32>
    %reduce_max3A_1528 = vector.multi_reduction <maximumf>, %select_n3A_1526, %reduce_max3A_1527 [0] : vector<24x2048xf32> to vector<2048xf32>
    %broadcast_in_dim3A_1529 = vector.shape_cast %reduce_max3A_1528 : vector<2048xf32> to vector<1x2048xf32>
    %eq3A_1530 = arith.cmpf oeq, %broadcast_in_dim3A_1494, %broadcast_in_dim3A_1498 : vector<1x2048xf32>
    %select_n3A_1531 = arith.select %eq3A_1530, %broadcast_in_dim3A_1513, %broadcast_in_dim3A_1498 : vector<1x2048xi1>, vector<1x2048xf32>
    %sub3A_1532 = arith.subf %select_n3A_1531, %broadcast_in_dim3A_1494 : vector<1x2048xf32>
    %sub3A_1533 = arith.subf %broadcast_in_dim3A_1498, %broadcast_in_dim3A_1529 : vector<1x2048xf32>
    %div3A = arith.divf %sub3A_1532, %sub3A_1533 : vector<1x2048xf32>
    %squeeze3A = vector.shape_cast %div3A : vector<1x2048xf32> to vector<2048xf32>
    %swap3A = arith.constant 0 : index
    %swap3A_1534 = vector.load %arg3[%swap3A] : memref<2048xf32, #tpu.memory_space<vmem>>, vector<2048xf32>
    tpu.vector_store %arg3[%swap3A], %squeeze3A {strides = array<i32>} : memref<2048xf32, #tpu.memory_space<vmem>>, vector<2048xf32>,
    return
  }
  func.func @transform_0(%arg0: i32) -> (i32, i32) {
    %c0_i32 = arith.constant 0 : i32
    %c0_i32_0 = arith.constant 0 : i32
    return %c0_i32, %arg0 : i32, i32
  }
  func.func @transform_1(%arg0: i32) -> i32 {
    %c0_i32 = arith.constant 0 : i32
    return %arg0 : i32
  }
  func.func @transform_2(%arg0: i32) -> i32 {
    %c0_i32 = arith.constant 0 : i32
    return %arg0 : i32
  }
}

</mosaic_0001>

<sc_bundles>
// kernel: _dlr_hybrid.4.cloned.1.call-start
scs
__scs_entry_jumppad:
0x0: {  	(pc) =	sbr.rel $0x88, $3  }
0x1: {  	(tag) =	ssettag $0x0;
	lr =	simm.s32 $0x1  }
0x2: {  	[smem:$0x3F9F] =	sst lr;
	_ =	strace $0xD0000000  }
0x3: {  	_ = 	snop  }
0x4: {  	_ = 	snop  }
0x5: {  	_ = 	snop  }
0x6: {  	_ = 	snop  }
0x7: {  	_ = 	snop  }
__scs_overlays_trampoline_lowered:
0x8: {  	[smem:$0x3FAE] =	sst s0  }
0x9: {  	[smem:$0x3FAF] =	sst s1  }
0xa: {  	[smem:$0x3FB0] =	sst s2  }
0xb: {  	[smem:$0x3FB1] =	sst s3  }
0xc: {  	[smem:$0x3FB2] =	sst s4  }
0xd: {  	[smem:$0x3FB3] =	sst s5  }
0xe: {  	[smem:$0x3FB4] =	sst s6  }
0xf: {  	[smem:$0x3FB5] =	sst s7  }
0x10: {  	[smem:$0x3FB6] =	sst s8  }
0x11: {  	[smem:$0x3FB7] =	sst s9;
	s0 =	simm.s32 @!p0 $0x0  }
0x12: {  	s1 =	sld [smem:$0x3F9D];
	s0 =	simm.s32 @p0 $0x1  }
0x13: {  	[smem:$0x3FB8] =	sst s0;
	s0 =	simm.s32 @!p1 $0x0  }
0x14: {  	s2 =	sld [smem:$0x3F9C];
	s0 =	simm.s32 @p1 $0x1  }
0x15: {  	[smem:$0x3FB9] =	sst s0;
	s0 =	simm.s32 @!p2 $0x0  }
0x16: {  	s3 =	sld [smem:$0x3FDB];
	s0 =	simm.s32 @p2 $0x1  }
0x17: {  	s4 =	simm.s32 $0x1BF5;
	[smem:$0x3FBB] =	sst s0  }
0x18: {  	s0 =	sld [smem:$0x3F9E];
	_ =	swait.ge [sflag:s4], $0x0  }
0x19: {  	s7 =	sld [smem:$0x3F9F]  }
0x1a: {  	s8 =	sadd.s32 $0xFFFFE003, lr  }
0x1b: {  	s9 =	sadd.s32 $0xFFFFFEF7, lr;
	s5 =	simm.s32 $0xFFFFFFFF;
	p2 =	slt.u32 s8, $0xFFFFF086  }
0x1c: {  	p1 =	slt.u32 s9, $0xF7A;
	s5 =	simm.s32 @!p2 $0x0  }
0x1d: {  	s5 =	simm.s32 @p1 $0x1;
	p0 =	seq.s32 s7, s2  }
0x1e: {  	s7 =	smul.u32 @!p0 $0xF7A, s2;
	p2 =	seq.s32 @!p0 s5, $0x0  }
0x1f: {  	s9 =	smul.u32 $0xF7A, s1;
	s8 =	simm.s32 @!p0 $0x1BF5;
	p2 =	por !p2, p0  }
0x20: {  	[sflag:s8] =	ssyncset.s32 @!p0 $0xFFFFF086;
	s6 =	sadd.s32 @!p0 s3, s7;
	s7 =	simm.s32 @!p0 $0x108  }
0x21: {  	s3 =	sadd.s32 s3, s9;
	s6 =	sadd.s32 @!p0 $0x88, s6;
	s7 =	simm.s32 @p2 $0x1082  }
0x22: {  	[simem:s7], [sflag:s8] =	dma.local @!p0 [hbm:s6], $0xF7A  }
0x23: {  	s9 =	sor.u32 $0xD0000000, s2;
	s6 =	simm.s32 $0x108;
	_ =	swait.ge @!p0 [sflag:s8], $0x0  }
0x24: {  	s3 =	sadd.s32 $0x88, s3;
	s6 =	simm.s32 @!p1 $0x1082;
	[sflag:s4] =	ssyncset.s32 $0xFFFFF086  }
0x25: {  	[simem:s6], [sflag:s4] =	dma.local [hbm:s3], $0xF7A  }
0x26: {  	[smem:$0x3F9F] =	sst s1;
	(tag) =	ssettag s2;
	_ =	strace s9  }
0x27: {  	s1 =	sld [smem:$0x3FAF]  }
0x28: {  	s2 =	sld [smem:$0x3FB0]  }
0x29: {  	s4 =	sld [smem:$0x3FB2]  }
0x2a: {  	p0 =	seq.s32 s5, $0x0;
	s5 =	sld [smem:$0x3FB3]  }
0x2b: {  	s6 =	sld [smem:$0x3FB4]  }
0x2c: {  	s7 =	sld [smem:$0x3FB5]  }
0x2d: {  	s3 =	simm.s32 $0x108;
	s8 =	sld [smem:$0x3FB6]  }
0x2e: {  	s3 =	simm.s32 @!p0 $0x1082;
	s9 =	sld [smem:$0x3FB7]  }
0x2f: {  	lr =	sadd.s32 s0, s3;
	s0 =	sld [smem:$0x3FAE]  }
0x30: {  	s3 =	sld [smem:$0x3FB1]  }
0x31: {  	[smem:$0x3FBA] =	sst s10  }
0x32: {  	s10 =	sld [smem:$0x3FB8];
	_ =	sdelay $0x3  }
0x33: {  	p0 =	seq.s32 s10, $0x1;
	s10 =	sld [smem:$0x3FBA];
	_ =	sdelay $0x3  }
0x34: {  	[smem:$0x3FBA] =	sst s10  }
0x35: {  	s10 =	sld [smem:$0x3FB9];
	_ =	sdelay $0x3  }
0x36: {  	p1 =	seq.s32 s10, $0x1;
	s10 =	sld [smem:$0x3FBA];
	_ =	sdelay $0x3  }
0x37: {  	[smem:$0x3FBA] =	sst s10  }
0x38: {  	s10 =	sld [smem:$0x3FBB]  }
0x39: {  	_ = 	snop;
	(pc) =	sbr.ind lr, $3  }
0x3a: {  	_ = 	snop  }
0x3b: {  	_ = 	snop  }
0x3c: {  	p2 =	seq.s32 s10, $0x1;
	s10 =	sld [smem:$0x3FBA]  }
0x3d: {  	_ =	shalt  }
0x3e: {  	_ =	shalt  }
0x3f: {  	_ =	shalt  }
0x40: {  	_ =	shalt  }
0x41: {  	_ =	shalt  }
0x42: {  	_ =	shalt  }
0x43: {  	_ =	shalt  }
0x44: {  	_ =	shalt  }
0x45: {  	_ =	shalt  }
0x46: {  	_ =	shalt  }
0x47: {  	_ =	shalt  }
0x48: {  	_ =	shalt  }
0x49: {  	_ =	shalt  }
0x4a: {  	_ =	shalt  }
0x4b: {  	_ =	shalt  }
0x4c: {  	_ =	shalt  }
0x4d: {  	_ =	shalt  }
0x4e: {  	_ =	shalt  }
0x4f: {  	_ =	shalt  }
0x50: {  	_ =	shalt  }
0x51: {  	_ =	shalt  }
0x52: {  	_ =	shalt  }
0x53: {  	_ =	shalt  }
0x54: {  	_ =	shalt  }
0x55: {  	_ =	shalt  }
0x56: {  	_ =	shalt  }
0x57: {  	_ =	shalt  }
0x58: {  	_ =	shalt  }
0x59: {  	_ =	shalt  }
0x5a: {  	_ =	shalt  }
0x5b: {  	_ =	shalt  }
0x5c: {  	_ =	shalt  }
0x5d: {  	_ =	shalt  }
0x5e: {  	_ =	shalt  }
0x5f: {  	_ =	shalt  }
0x60: {  	_ =	shalt  }
0x61: {  	_ =	shalt  }
0x62: {  	_ =	shalt  }
0x63: {  	_ =	shalt  }
0x64: {  	_ =	shalt  }
0x65: {  	_ =	shalt  }
0x66: {  	_ =	shalt  }
0x67: {  	_ =	shalt  }
0x68: {  	_ =	shalt  }
0x69: {  	_ =	shalt  }
0x6a: {  	_ =	shalt  }
0x6b: {  	_ =	shalt  }
0x6c: {  	_ =	shalt  }
0x6d: {  	_ =	shalt  }
0x6e: {  	_ =	shalt  }
0x6f: {  	_ =	shalt  }
0x70: {  	_ =	shalt  }
0x71: {  	_ =	shalt  }
0x72: {  	_ =	shalt  }
0x73: {  	_ =	shalt  }
0x74: {  	_ =	shalt  }
0x75: {  	_ =	shalt  }
0x76: {  	_ =	shalt  }
0x77: {  	_ =	shalt  }
0x78: {  	_ =	shalt  }
0x79: {  	_ =	shalt  }
0x7a: {  	_ =	shalt  }
0x7b: {  	_ =	shalt  }
0x7c: {  	_ =	shalt  }
0x7d: {  	_ =	shalt  }
0x7e: {  	_ =	shalt  }
0x7f: {  	_ =	shalt  }
0x80: {  	_ =	shalt  }
0x81: {  	_ =	shalt  }
0x82: {  	_ =	shalt  }
0x83: {  	_ =	shalt  }
0x84: {  	_ =	shalt  }
0x85: {  	_ =	shalt  }
0x86: {  	_ =	shalt  }
0x87: {  	_ =	shalt  }
.Lfunc_end0:
.L_simem_size_0:
called_computation_lowered:
.L_overlay_start_0:
0x88: {  	s2 =	sld [smem:$0x3FD9]  }
0x89: {  	s3 =	sld [smem:$0x3FFE];
	_ =	sdelay $0x1  }
0x8a: {  	s1 =	srdreg.scid  }
0x8b: {  	s0 =	sand.u32 $0x1, s1  }
0x8c: {  	s17 =	sshll.u32 s0, $0xA;
	s2 =	sadd.s32 s3, s2  }
0x8d: {  	s2 =	sadd.s32 s2, s17  }
0x8e: {  	[smem:$0x3FC6] =	sst s2  }
0x8f: {  	_ = 	snop  }
0x90: {  	s2 =	sld [smem:$0x3FC9]  }
0x91: {  	s18 =	sld [smem:$0x3FC8];
	(tm) =	ssettm $0x1  }
0x92: {  	s4 =	sld [smem:$0x3FFB];
	_ =	sdelay $0x3  }
0x93: {  	_ =	strace s4  }
0x94: {  	s4 =	sld [smem:$0x3FFC];
	_ =	sdelay $0x3  }
0x95: {  	_ =	strace s4  }
0x96: {  	s4 =	sld [smem:$0x3FFD];
	_ =	sdelay $0x3  }
0x97: {  	_ =	strace s4  }
0x98: {  	_ =	strace $0x8FFFFFFF  }
0x99: {  	s19 =	sld [smem:$0x3FDB];
	_ =	sdelay $0x1  }
0x9a: {  	s5 =	simm.s32 $_scs_section_size  }
0x9b: {  	s6 =	simm.s32 $_size__tile_overlayer_lowered;
	s7 =	simm.s32 $_tile_overlayer_lowered  }
0x9c: {  	s22 =	simm.s32 $0x1BFF;
	s21 =	sshll.u32 s7, $0x1;
	s4 =	sadd.s32 s5, s19  }
0x9d: {  	s8 =	simm.s32 $0x0;
	s20 =	sshll.u32 s6, $0x1;
	s6 =	sadd.s32 s21, s4  }
0x9e: {  	[timem:s8], [sflag:s22] =	dma.local [hbm:s6], s20  }
0x9f: {  	_ =	swait.ge [sflag:s22], s20  }
0xa0: {  	s5 =	ssub.s32 $0x0, s20;
	[sflag:s22] =	ssyncset.done $0x0  }
0xa1: {  	[sflag:s22] =	ssyncadd.s32 s5;
	_ =	sdelay $0x1  }
0xa2: {  	s23 =	simm.s32 $0x1B8B  }
0xa3: {  	_ =	swait.ge [sflag:s23], $0x1  }
0xa4: {  	[sflag:s23] =	ssyncset.done $0x0  }
0xa5: {  	s25 =	simm.s32 $0x1B8E;
	s24 =	sld [smem:$0x3FFE];
	[sflag:s23] =	ssyncadd.s32 $0xFFFFFFFF  }
0xa6: {  	s26 =	simm.s32 $execute0_lowered;
	[smem:$0x3FD2] =	sst s25  }
0xa7: {  	s6 =	sshll.u32 s26, $0x1;
	_ =	strace $0x80000046;
	[dreg:$0x1] =	wrdreg $0xFFFFFFFF  }
0xa8: {  	s28 =	simm.s32 $_size_execute0_lowered;
	s4 =	sadd.s32 s4, s6;
	[dreg:$0x0] =	wrdreg $0x0  }
0xa9: {  	s6 =	sshll.u32 s28, $0x1;
	[dreg:$0x2] =	wrdreg s4  }
0xaa: {  	[dreg:$0x3] =	wrdreg s6  }
0xab: {  	[dreg:$0x4] =	wrdreg $0xC0  }
0xac: {  	_ =	task [dreg:s8], $0x5FFFF  }
0xad: {  	[dreg:$0x1] =	wrdreg $0xFFFFFFFF  }
0xae: {  	[dreg:$0x0] =	wrdreg $0x60  }
0xaf: {  	[dreg:$0x2] =	wrdreg s2  }
0xb0: {  	[dreg:$0x3] =	wrdreg s18  }
0xb1: {  	[dreg:$0x4] =	wrdreg s24  }
0xb2: {  	[dreg:$0x5] =	wrdreg $0x9  }
0xb3: {  	_ =	task.clear_ibuf [dreg:s8], $0x6FFFF;
	_ =	strace $0x90000046  }
0xb4: {  	s29 =	simm.s32 $0x9;
	_ =	strace $0x80000048  }
0xb5: {  	_ =	swait.ge [sflag:s29], $0x1  }
0xb6: {  	[sflag:s29] =	ssyncadd.s32 $0xFFFFFFFF  }
0xb7: {  	_ =	strace $0x90000048  }
0xb8: {  	_ =	sfence  }
0xb9: {  	s30 =	sld [smem:$0x0];
	_ =	sdelay $0x2  }
0xba: {  	s31 =	sshll.u32 s1, $0xD;
	s1 =	sshrl.u32 s1, $0x2  }
0xbb: {  	s3 =	sand.u32 $0x4000, s31;
	s1 =	sadd.s32 s1, s30  }
0xbc: {  	s0 =	sor.u32 s3, s0;
	s1 =	sshll.u32 s1, $0x11  }
0xbd: {  	s0 =	sor.u32 s1, s0  }
0xbe: {  	s0 =	sadd.s32 $0x8F2B, s0  }
0xbf: {  	[sflag:s0] =	ssyncadd.remote.s32 $0x1  }
0xc0: {  	_ =	sfence.sel $0xFFFF  }
0xc1: {  	[dreg:$0x0] =	wrdreg $0xFFFFFFFF;
	(pc) =	sbr.abs _section_cstart, $3  }
0xc2: {  	[dreg:$0x1] =	wrdreg $0xFFFFFFFF  }
0xc3: {  	_ =	task.clear_ibuf [dreg:s8], $0x2FFFF;
	_ =	strace $0x9FFFFFFF  }
0xc4: {  	(tm) =	ssettm $0x7FFFFFFF  }
0xc5: {  	_ =	shalt  }
tec
execute0_lowered:
.L_overlay_start_1:
0x0: {  	(tag) =	ssettag $0x1  }
0x1: {  	s3 =	rddreg [dreg:$0x0];
	s1 =	srdreg.scid  }
0x2: {  	s8 =	rddreg [dreg:$0x1];
	s0 =	stileid.u32  }
0x3: {  	s5 =	rddreg [dreg:$0x2];
	s2 =	simm.s32 $0x0;
	s12 =	simm.s32 $0x20000  }
0x4: {  	s13 =	simm.s32 $0x6400;
	s14 =	simm.s32 $0xC800;
	s15 =	simm.s32 $0x12C00  }
0x5: {  	s16 =	simm.s32 $0x19000;
	s17 =	simm.s32 $0x1F400;
	s18 =	simm.s32 $0x6  }
0x6: {  	s19 =	simm.s32 $0x1;
	s20 =	simm.s32 $0x2;
	s21 =	simm.s32 $0x3  }
0x7: {  	s22 =	simm.s32 $0x4;
	s23 =	simm.s32 $0x5;
	s24 =	simm.s32 $0x1F480  }
0x8: {  	s25 =	simm.s32 $0x0;
	s4 =	sand.u32 $0x1, s1;
	s6 =	sshll.u32 s0, $0x8  }
0x9: {  	[smem:$0x7FF] =	sst s2;
	s7 =	sshll.u32 s4, $0x7;
	s4 =	ssub.s32 $0x2, s4  }
0xa: {  	_ =	strace $0x80000047;
	s6 =	sor.u32 s7, s6;
	s30 =	sshrl.u32 s4, $0x1  }
0xb: {  	s7 =	sshrl.u32 s6, $0x3;
	s10 =	ssub.s32 s4, s30;
	s11 =	sor.u32 $0x3000, s6  }
0xc: {  	s31 =	sadd.s32 s6, s3;
	s9 =	sadd.s32 s7, s5;
	s3 =	sadd.s32 s3, s11  }
0xd: {  	s4 =	sadd.s32 $0x67000, s31;
	s5 =	sadd.s32 $0xCB000, s31;
	s6 =	sadd.s32 $0x12F000, s31  }
0xe: {  	s7 =	sadd.s32 $0x193000, s31;
	s11 =	sshrl.u32 s11, $0x3;
	s10 =	smax.u32 s10, $0x1  }
0xf: {  	s8 =	sadd.s32 s8, s11;
	s9 =	sadd.s32 $0x600, s9;
	s11 =	simm.s32 $0x400  }
.LBB2_1:
0x10: {  	[tilespmem:s2], [sflag:$0x1] =	stream.strided.gather [hbm4b:s3+s11], $0x6400, s12, s11, $0x38;
	[tilespmem:$0x1F500] =	vst v63  }
0x11: {  	_ = 	snop  }
0x12: {  	[tilespmem:s13], [sflag:$0x2] =	stream.strided.gather [hbm4b:s4+s11], $0x6400, s12, s11, $0x38;
	[tilespmem:$0x1F500] =	vst v63  }
0x13: {  	_ = 	snop  }
0x14: {  	[tilespmem:s14], [sflag:$0x3] =	stream.strided.gather [hbm4b:s5+s11], $0x6400, s12, s11, $0x38;
	[tilespmem:$0x1F500] =	vst v63  }
0x15: {  	_ = 	snop  }
0x16: {  	[tilespmem:s15], [sflag:$0x4] =	stream.strided.gather [hbm4b:s6+s11], $0x6400, s12, s11, $0x38;
	[tilespmem:$0x1F500] =	vst v63  }
0x17: {  	_ = 	snop  }
0x18: {  	[tilespmem:s16], [sflag:$0x5] =	stream.strided.gather [hbm4b:s7+s11], $0x6400, s12, s11, $0x38;
	[tilespmem:$0x1F500] =	vst v63  }
0x19: {  	_ = 	snop  }
0x1a: {  	[tilespmem:s17], [sflag:$0x6] =	stream.linear.gather [hbm4b:s8+s2], $0x80, $0x38;
	[tilespmem:$0x1F500] =	vst v63  }
0x1b: {  	_ =	swait.ge [sflag:s18], $0x80  }
0x1c: {  	[sflag:s18] =	ssyncset.done $0x0  }
0x1d: {  	[sflag:s18] =	ssyncadd.s32 $0xFFFFFF80  }
0x1e: {  	v4 =	vld [tilespmem:$0x1F400]  }
0x1f: {  	v5 =	vld [tilespmem:$0x1F410]  }
0x20: {  	v6 =	vld [tilespmem:$0x1F420]  }
0x21: {  	v7 =	vld [tilespmem:$0x1F430]  }
0x22: {  	v0 =	vld [tilespmem:$0x1F440]  }
0x23: {  	v1 =	vld [tilespmem:$0x1F450]  }
0x24: {  	v2 =	vld [tilespmem:$0x1F460]  }
0x25: {  	v3 =	vld [tilespmem:$0x1F470];
	_ =	swait.ge [sflag:s19], $0x6400  }
0x26: {  	[sflag:s19] =	ssyncset.done $0x0  }
0x27: {  	s26 =	simm.s32 $0x80;
	[sflag:s19] =	ssyncadd.s32 $0xFFFF9C00  }
0x28: {  	v8 =	vld [tilespmem:s26+$0xFFFFFF80]  }
0x29: {  	v21 =	vld [tilespmem:s26+$0xFFFFFFB0]  }
0x2a: {  	v24 =	vld [tilespmem:s26+$0xFFFFFFA0]  }
0x2b: {  	v11 =	vimm.f32 $-Inf;
	v13 =	vld [tilespmem:s26+$0xFFFFFF90]  }
0x2c: {  	s28 =	simm.s32 $0x1;
	vm0 =	veq.s32 v4, s2;
	vm5 =	veq.s32 v5, s2;
	vm3 =	veq.s32 v6, s2  }
0x2d: {  	vm4 =	veq.s32 v7, s2;
	vm1 =	veq.s32 v4, s28;
	vm2 =	veq.s32 v7, s28  }
0x2e: {  	v17 =	vld [tilespmem:s26+$0x0];
	v9 =	vsel vm0, v8, v11;
	v10 =	vmin.f32 v11, v8;
	v19 =	vmax.f32 v11, v8  }
0x2f: {  	vm0 =	veq.s32 v6, s28;
	v15 =	vmin.f32 v11, v21;
	v20 =	vmax.f32 v11, v21  }
0x30: {  	v25 =	vmin.f32 v11, v24;
	v16 =	vmax.f32 v11, v24;
	v23 =	vmin.f32 v11, v13  }
0x31: {  	v18 =	vld [tilespmem:s26+$0x10];
	v26 =	vsel vm5, v13, v11;
	v32 =	vmax.f32 v11, v13;
	v35 =	vsel vm4, v21, v11  }
0x32: {  	v21 =	vimm.f32 $-Inf;
	v8 =	vmin.f32 v11, v10;
	v14 =	vmax.f32 v11, v10  }
0x33: {  	v9 =	vsel vm1, v17, v9;
	v22 =	vmin.f32 v19, v17;
	v10 =	vmax.f32 v11, v8;
	v8 =	vld [tilespmem:s26+$0x30]  }
0x34: {  	v12 =	vld [tilespmem:s26+$0x20];
	vm1 =	veq.s32 v5, s28;
	v27 =	vmin.f32 v11, v25;
	v29 =	vmin.f32 v11, v15  }
0x35: {  	v28 =	vmax.f32 v11, v23;
	v15 =	vmax.f32 v11, v15;
	v30 =	vmin.f32 v11, v23  }
0x36: {  	v31 =	vmin.f32 v32, v18;
	v19 =	vmax.f32 v19, v17;
	v17 =	vmax.f32 v32, v18  }
0x37: {  	v32 =	vsel vm3, v24, v11;
	v24 =	vimm.f32 $-Inf;
	v13 =	vmax.f32 v11, v29  }
0x38: {  	v23 =	vmax.f32 v11, v27;
	v29 =	vmin.f32 v28, v31;
	v33 =	vmin.f32 v20, v8  }
0x39: {  	v27 =	vmin.f32 v16, v12;
	v20 =	vmax.f32 v20, v8;
	v34 =	vmin.f32 v15, v33  }
0x3a: {  	s29 =	simm.s32 $0x180;
	s28 =	simm.s32 $0x2;
	s26 =	simm.s32 $0xC0;
	v15 =	vmax.f32 v15, v33;
	v33 =	vmin.f32 v14, v22;
	v13 =	vmax.f32 v13, v34  }
.LBB2_2:
0x3b: {  	v34 =	vld [tilespmem:s29+$0xFFFFFF80];
	p0 =	slt.u32 s28, $0xC6;
	v24 =	vmax.f32 v24, v25;
	v14 =	vmax.f32 v14, v22;
	v31 =	vmax.f32 v28, v31;
	s30 =	smov.u32 s28;
	s28 =	sadd.s32 $0x2, s28  }
0x3c: {  	v21 =	vmax.f32 v21, v30;
	v26 =	vsel vm1, v18, v26;
	v35 =	vsel vm2, v8, v35;
	v22 =	vld [tilespmem:s29+$0x20]  }
0x3d: {  	v10 =	vmax.f32 v10, v33;
	v32 =	vsel vm0, v12, v32;
	v21 =	vmax.f32 v21, v29;
	v8 =	vld [tilespmem:s29+$0x30]  }
0x3e: {  	v16 =	vmax.f32 v16, v12;
	v12 =	vmin.f32 v24, v27;
	v24 =	vmax.f32 v24, v27;
	v33 =	vld [tilespmem:s29+$0x0]  }
0x3f: {  	vm0 =	veq.s32 v4, s30;
	vm5 =	veq.s32 v5, s30;
	v23 =	vmax.f32 v23, v12;
	v36 =	vld [tilespmem:s29+$0xFFFFFFB0]  }
0x40: {  	v9 =	vsel vm0, v34, v9;
	v18 =	vmin.f32 v19, v34;
	v19 =	vmax.f32 v19, v34;
	v34 =	vld [tilespmem:s29+$0xFFFFFFA0]  }
0x41: {  	vm3 =	veq.s32 v6, s30;
	vm4 =	veq.s32 v7, s30;
	s30 =	sadd.s32 $0x1, s30;
	v27 =	vld [tilespmem:s29+$0xFFFFFF90];
	v12 =	vmov v22  }
0x42: {  	vm1 =	veq.s32 v4, s30;
	vm0 =	veq.s32 v6, s30;
	v22 =	vmin.f32 v14, v18  }
0x43: {  	v14 =	vmax.f32 v14, v18;
	v10 =	vmax.f32 v10, v22;
	v9 =	vsel vm1, v33, v9  }
0x44: {  	v22 =	vmin.f32 v19, v33;
	v29 =	vmin.f32 v20, v36;
	v20 =	vmax.f32 v20, v36;
	v18 =	vld [tilespmem:s29+$0x10]  }
0x45: {  	vm1 =	veq.s32 v5, s30;
	v25 =	vmin.f32 v16, v34;
	v16 =	vmax.f32 v16, v34  }
0x46: {  	v38 =	vmin.f32 v15, v29;
	v30 =	vmin.f32 v17, v27;
	v37 =	vmin.f32 v24, v25  }
0x47: {  	vm2 =	veq.s32 v7, s30;
	v15 =	vmax.f32 v15, v29;
	v28 =	vmax.f32 v31, v30  }
0x48: {  	v26 =	vsel vm5, v27, v26;
	v17 =	vmax.f32 v17, v27;
	v13 =	vmax.f32 v13, v38  }
.Ltmp0:
0x49: {  	v38 =	vmin.f32 v20, v8;
	v30 =	vmin.f32 v31, v30;
	v31 =	vmin.f32 v17, v18;
	(pc) =	sbr.rel @p0 .LBB2_2-.Ltmp0, $4  }
0x4a: {  	v23 =	vmax.f32 v23, v37;
	v37 =	vmin.f32 v15, v38;
	v29 =	vmin.f32 v28, v31  }
0x4b: {  	v27 =	vmin.f32 v16, v12;
	v15 =	vmax.f32 v15, v38;
	v13 =	vmax.f32 v13, v37  }
0x4c: {  	v19 =	vmax.f32 v19, v33;
	v20 =	vmax.f32 v20, v8;
	v17 =	vmax.f32 v17, v18  }
0x4d: {  	v35 =	vsel vm4, v36, v35;
	v33 =	vmin.f32 v14, v22;
	s29 =	sadd.s32 $0x100, s29;
	v32 =	vsel vm3, v34, v32  }
0x4e: {  	v25 =	vmax.f32 v24, v25  }
0x4f: {  	v14 =	vmax.f32 v14, v22;
	v28 =	vmax.f32 v28, v31;
	v21 =	vmax.f32 v21, v30  }
0x50: {  	v31 =	vld [tilespmem:s26+$0xFFFFFF80];
	v34 =	vsel vm1, v18, v26;
	v24 =	vsel vm2, v8, v35;
	v10 =	vmax.f32 v10, v33  }
0x51: {  	v32 =	vsel vm0, v12, v32;
	v18 =	vld [tilespmem:s26+$0xFFFFFFB0];
	s28 =	simm.s32 $0x0;
	v26 =	vmax.f32 v16, v12;
	v30 =	vmax.f32 v21, v29  }
0x52: {  	v8 =	vmin.f32 v25, v27;
	v22 =	vmax.f32 v25, v27;
	vm0 =	veq.s32 v0, s28  }
0x53: {  	s29 =	simm.s32 $0x1;
	vm2 =	veq.s32 v1, s28;
	vm3 =	veq.s32 v2, s28;
	v25 =	vld [tilespmem:s26+$0xFFFFFF90];
	vm4 =	veq.s32 v3, s28  }
0x54: {  	vm1 =	veq.s32 v1, s29;
	vm5 =	veq.s32 v3, s29;
	v27 =	vmax.f32 v23, v8  }
0x55: {  	v8 =	vld [tilespmem:s26+$0x30];
	v29 =	vsel vm0, v31, v11;
	v12 =	vmin.f32 v11, v31;
	v41 =	vmax.f32 v11, v31  }
0x56: {  	v23 =	vld [tilespmem:s26+$0xFFFFFFA0];
	v31 =	vmin.f32 v11, v18;
	v39 =	vmax.f32 v11, v18;
	vm0 =	veq.s32 v0, s29  }
0x57: {  	v36 =	vld [tilespmem:s26+$0x0];
	v21 =	vmin.f32 v11, v12;
	v16 =	vmax.f32 v11, v12;
	v12 =	vsel vm4, v18, v11  }
0x58: {  	v40 =	vld [tilespmem:s26+$0x10];
	v18 =	vmin.f32 v11, v31;
	v35 =	vmax.f32 v11, v31;
	v31 =	vsel vm2, v25, v11  }
0x59: {  	v43 =	vld [tilespmem:s26+$0x20];
	vm2 =	veq.s32 v2, s29;
	v47 =	vmin.f32 v11, v25;
	v49 =	vmax.f32 v11, v25  }
0x5a: {  	v33 =	vmax.f32 v11, v21;
	v38 =	vmax.f32 v11, v18;
	v37 =	vmin.f32 v39, v8  }
0x5b: {  	v18 =	vmax.f32 v39, v8;
	v45 =	vsel vm3, v23, v11;
	v46 =	vmin.f32 v11, v23  }
0x5c: {  	v8 =	vsel vm5, v8, v12;
	v21 =	vmax.f32 v41, v36;
	v23 =	vmax.f32 v11, v23  }
0x5d: {  	v25 =	vmax.f32 v11, v47;
	v47 =	vmin.f32 v11, v47;
	v63 =	vmin.f32 v49, v40  }
0x5e: {  	v12 =	vmin.f32 v11, v46;
	v39 =	vmin.f32 v35, v37;
	v44 =	vmin.f32 v23, v43  }
0x5f: {  	v46 =	vmax.f32 v11, v46;
	v48 =	vmin.f32 v25, v63;
	v42 =	vmax.f32 v11, v12  }
0x60: {  	v12 =	vmax.f32 v23, v43;
	v23 =	vsel vm2, v43, v45;
	v45 =	vmin.f32 v41, v36  }
0x61: {  	s28 =	simm.s32 $0x1C0;
	s26 =	simm.s32 $0x2;
	v25 =	vmax.f32 v25, v63;
	v43 =	vmin.f32 v46, v44;
	v50 =	vmin.f32 v16, v45  }
.LBB2_4:
0x62: {  	v41 =	vld [tilespmem:s28+$0xFFFFFF80];
	p0 =	slt.u32 s26, $0xC6;
	v31 =	vsel vm1, v40, v31;
	v49 =	vmax.f32 v49, v40;
	v46 =	vmax.f32 v46, v44;
	s29 =	smov.u32 s26;
	s26 =	sadd.s32 $0x2, s26  }
0x63: {  	v11 =	vmax.f32 v11, v47;
	v33 =	vmax.f32 v33, v50;
	v35 =	vmax.f32 v35, v37;
	v40 =	vld [tilespmem:s28+$0x30]  }
0x64: {  	v16 =	vmax.f32 v16, v45;
	v38 =	vmax.f32 v38, v39;
	v11 =	vmax.f32 v11, v48;
	v37 =	vld [tilespmem:s28+$0xFFFFFFB0]  }
0x65: {  	v29 =	vsel vm0, v36, v29;
	v39 =	vmax.f32 v42, v43;
	v45 =	vld [tilespmem:s28+$0xFFFFFF90]  }
0x66: {  	vm0 =	veq.s32 v0, s29;
	vm2 =	veq.s32 v1, s29;
	vm3 =	veq.s32 v2, s29;
	v36 =	vld [tilespmem:s28+$0x0]  }
0x67: {  	s30 =	sadd.s32 $0x1, s29;
	v29 =	vsel vm0, v41, v29;
	v42 =	vmin.f32 v21, v41;
	v41 =	vmax.f32 v21, v41;
	v43 =	vld [tilespmem:s28+$0xFFFFFFA0]  }
0x68: {  	vm4 =	veq.s32 v3, s29;
	vm1 =	veq.s32 v1, s30;
	v21 =	vmin.f32 v16, v42  }
0x69: {  	vm0 =	veq.s32 v0, s30;
	v44 =	vmin.f32 v18, v37;
	v18 =	vmax.f32 v18, v37  }
0x6a: {  	vm5 =	veq.s32 v3, s30;
	v16 =	vmax.f32 v16, v42;
	v33 =	vmax.f32 v33, v21  }
0x6b: {  	v8 =	vsel vm4, v37, v8;
	v21 =	vmin.f32 v35, v44;
	v35 =	vmax.f32 v35, v44;
	v47 =	vld [tilespmem:s28+$0x20]  }
0x6c: {  	v37 =	vmin.f32 v18, v40;
	v18 =	vmax.f32 v18, v40;
	v38 =	vmax.f32 v38, v21  }
0x6d: {  	v8 =	vsel vm5, v40, v8;
	v23 =	vsel vm3, v43, v23;
	v48 =	vmin.f32 v12, v43  }
0x6e: {  	v31 =	vsel vm2, v45, v31;
	v21 =	vmax.f32 v41, v36;
	v42 =	vmin.f32 v46, v48;
	v40 =	vld [tilespmem:s28+$0x10]  }
0x6f: {  	v12 =	vmax.f32 v12, v43;
	v42 =	vmax.f32 v39, v42;
	v39 =	vmin.f32 v35, v37  }
.Ltmp1:
0x70: {  	vm2 =	veq.s32 v2, s30;
	v44 =	vmin.f32 v12, v47;
	v12 =	vmax.f32 v12, v47;
	(pc) =	sbr.rel @p0 .LBB2_4-.Ltmp1, $4  }
0x71: {  	v43 =	vmin.f32 v49, v45;
	v46 =	vmax.f32 v46, v48;
	v23 =	vsel vm2, v47, v23  }
0x72: {  	v49 =	vmax.f32 v49, v45;
	v45 =	vmin.f32 v41, v36;
	v51 =	vmax.f32 v25, v43  }
0x73: {  	v47 =	vmin.f32 v25, v43;
	v43 =	vmin.f32 v46, v44;
	v25 =	vmin.f32 v49, v40  }
0x74: {  	v50 =	vmin.f32 v16, v45;
	s28 =	sadd.s32 $0x100, s28;
	v48 =	vmin.f32 v51, v25;
	v25 =	vmax.f32 v51, v25  }
0x75: {  	_ =	swait.ge [sflag:s20], $0x6400  }
0x76: {  	[sflag:s20] =	ssyncset.done $0x0  }
0x77: {  	s29 =	simm.s32 $0x6480;
	[sflag:s20] =	ssyncadd.s32 $0xFFFF9C00  }
0x78: {  	v41 =	vsel vm1, v40, v31;
	v40 =	vmax.f32 v49, v40;
	v61 =	vld [tilespmem:s29+$0xFFFFFF90]  }
0x79: {  	v31 =	vmax.f32 v46, v44;
	v62 =	vmax.f32 v11, v47;
	v11 =	vmax.f32 v33, v50;
	v63 =	vld [tilespmem:s29+$0xFFFFFFB0]  }
0x7a: {  	v35 =	vmax.f32 v35, v37;
	v16 =	vmax.f32 v16, v45;
	v33 =	vmax.f32 v38, v39;
	v58 =	vld [tilespmem:s29+$0xFFFFFFA0]  }
0x7b: {  	v39 =	vsel vm0, v36, v29;
	v29 =	vmax.f32 v42, v43;
	s28 =	simm.s32 $0xC8;
	v37 =	vmax.f32 v62, v48;
	v59 =	vld [tilespmem:s29+$0xFFFFFF80]  }
0x7c: {  	s26 =	simm.s32 $0xC9;
	vm2 =	veq.s32 v4, s28;
	vm0 =	veq.s32 v5, s28;
	vm3 =	veq.s32 v6, s28  }
0x7d: {  	vm1 =	veq.s32 v7, s26;
	vm4 =	veq.s32 v7, s28;
	vm5 =	veq.s32 v4, s26;
	v57 =	vld [tilespmem:s29+$0x30]  }
0x7e: {  	vm6 =	veq.s32 v5, s26;
	v42 =	vld [tilespmem:s29+$0x10];
	v51 =	vsel vm0, v61, v34;
	v60 =	vmin.f32 v17, v61  }
0x7f: {  	v38 =	vmax.f32 v17, v61;
	vm0 =	veq.s32 v6, s26;
	v17 =	vmin.f32 v20, v63  }
0x80: {  	v61 =	vmax.f32 v20, v63;
	v53 =	vmin.f32 v26, v58;
	v45 =	vmax.f32 v19, v59  }
0x81: {  	v44 =	vsel vm3, v58, v32;
	v63 =	vsel vm4, v63, v24;
	v20 =	vmin.f32 v28, v60  }
0x82: {  	v52 =	vmin.f32 v15, v17;
	v28 =	vmax.f32 v28, v60;
	v54 =	vmin.f32 v61, v57  }
0x83: {  	v43 =	vld [tilespmem:s29+$0x20];
	v62 =	vmin.f32 v38, v42;
	v55 =	vmin.f32 v22, v53;
	v15 =	vmax.f32 v15, v17  }
0x84: {  	v34 =	vld [tilespmem:s29+$0x0];
	v32 =	vmax.f32 v22, v53;
	v36 =	vmax.f32 v30, v20;
	v20 =	vsel vm2, v59, v9  }
0x85: {  	v30 =	vmin.f32 v19, v59;
	v19 =	vmin.f32 v28, v62;
	v22 =	vmax.f32 v28, v62  }
0x86: {  	v28 =	vmax.f32 v26, v58;
	v13 =	vmax.f32 v13, v52;
	v26 =	vsel vm6, v42, v51  }
0x87: {  	v17 =	vmax.f32 v15, v54;
	v15 =	vmin.f32 v15, v54;
	v27 =	vmax.f32 v27, v55  }
0x88: {  	v46 =	vmax.f32 v14, v30;
	v47 =	vmin.f32 v28, v43;
	v15 =	vmax.f32 v13, v15  }
0x89: {  	v13 =	vsel vm1, v57, v63;
	v48 =	vmin.f32 v32, v47;
	v9 =	vmin.f32 v45, v34  }
0x8a: {  	s30 =	simm.s32 $0x0;
	s31 =	simm.s32 $0x6580;
	v24 =	vsel vm5, v34, v20;
	v20 =	vmax.f32 v28, v43;
	v28 =	vmax.f32 v61, v57  }
.LBB2_6:
0x8b: {  	v49 =	vld [tilespmem:s31+$0xFFFFFF90];
	v14 =	vmin.f32 v14, v30;
	v32 =	vmax.f32 v32, v47;
	v27 =	vmax.f32 v27, v48;
	s29 =	simm.s32 $0x64C0;
	s1 =	smov.u32 s30;
	s30 =	sadd.s32 $0x2, s30  }
0x8c: {  	v30 =	vmax.f32 v45, v34;
	v34 =	vmin.f32 v46, v9;
	v19 =	vmax.f32 v36, v19;
	v50 =	vld [tilespmem:s31+$0x30];
	p0 =	slt.u32 s30, $0xC6  }
0x8d: {  	v10 =	vmax.f32 v10, v14;
	v14 =	vmax.f32 v46, v9;
	v9 =	vmax.f32 v38, v42;
	v48 =	vld [tilespmem:s31+$0xFFFFFFB0]  }
0x8e: {  	v44 =	vsel vm0, v43, v44;
	s0 =	sadd.s32 $0xCA, s1;
	v10 =	vmax.f32 v10, v34;
	v47 =	vld [tilespmem:s31+$0xFFFFFFA0]  }
0x8f: {  	s1 =	sadd.s32 $0xCB, s1;
	vm4 =	veq.s32 v4, s0;
	vm0 =	veq.s32 v5, s0;
	vm5 =	veq.s32 v6, s0;
	v46 =	vld [tilespmem:s31+$0xFFFFFF80]  }
0x90: {  	vm1 =	veq.s32 v7, s1;
	v26 =	vsel vm0, v49, v26;
	v36 =	vmin.f32 v9, v49;
	v43 =	vld [tilespmem:s31+$0x20]  }
0x91: {  	vm2 =	veq.s32 v7, s0;
	v38 =	vmax.f32 v9, v49;
	vm0 =	veq.s32 v6, s1;
	v42 =	vld [tilespmem:s31+$0x10]  }
0x92: {  	vm3 =	veq.s32 v4, s1;
	v9 =	vmin.f32 v28, v48;
	v28 =	vmax.f32 v28, v48  }
0x93: {  	vm6 =	veq.s32 v5, s1;
	v49 =	vmin.f32 v22, v36;
	v51 =	vmin.f32 v17, v9;
	v34 =	vld [tilespmem:s31+$0x0]  }
0x94: {  	v22 =	vmax.f32 v22, v36;
	v52 =	vmin.f32 v20, v47;
	v53 =	vmin.f32 v28, v50  }
0x95: {  	v36 =	vmax.f32 v19, v49;
	v44 =	vsel vm5, v47, v44;
	v45 =	vmax.f32 v30, v46  }
0x96: {  	v24 =	vsel vm4, v46, v24;
	v30 =	vmin.f32 v30, v46;
	v46 =	vmin.f32 v38, v42  }
0x97: {  	v54 =	vmax.f32 v17, v9;
	v49 =	vmin.f32 v32, v52;
	v19 =	vmin.f32 v22, v46  }
0x98: {  	v32 =	vmax.f32 v32, v52;
	v22 =	vmax.f32 v22, v46;
	v9 =	vmin.f32 v45, v34  }
.Ltmp2:
0x99: {  	v20 =	vmax.f32 v20, v47;
	v15 =	vmax.f32 v15, v51;
	v46 =	vmax.f32 v14, v30;
	(pc) =	sbr.rel @p0 .LBB2_6-.Ltmp2, $4  }
0x9a: {  	v17 =	vmax.f32 v54, v53;
	v47 =	vmin.f32 v20, v43;
	v26 =	vsel vm6, v42, v26  }
0x9b: {  	v13 =	vsel vm2, v48, v13;
	v51 =	vmin.f32 v54, v53;
	v24 =	vsel vm3, v34, v24  }
0x9c: {  	v27 =	vmax.f32 v27, v49;
	v15 =	vmax.f32 v15, v51;
	v48 =	vmin.f32 v32, v47  }
0x9d: {  	v13 =	vsel vm1, v50, v13;
	v28 =	vmax.f32 v28, v50;
	s31 =	sadd.s32 $0x100, s31;
	v20 =	vmax.f32 v20, v43  }
0x9e: {  	v14 =	vmin.f32 v14, v30;
	v32 =	vmax.f32 v32, v47  }
0x9f: {  	v62 =	vld [tilespmem:s29+$0xFFFFFF90];
	v30 =	vmax.f32 v27, v48;
	v34 =	vmax.f32 v45, v34;
	v27 =	vmin.f32 v46, v9  }
0xa0: {  	v36 =	vmax.f32 v36, v19;
	v19 =	vmax.f32 v46, v9;
	v63 =	vld [tilespmem:s29+$0xFFFFFFB0];
	v42 =	vmax.f32 v38, v42  }
0xa1: {  	v38 =	vsel vm0, v43, v44;
	v49 =	vld [tilespmem:s29+$0x30];
	vm2 =	veq.s32 v0, s28;
	v10 =	vmax.f32 v10, v14  }
0xa2: {  	vm0 =	veq.s32 v1, s28;
	vm3 =	veq.s32 v2, s28;
	v9 =	vmax.f32 v10, v27;
	v10 =	vld [tilespmem:s29+$0xFFFFFFA0]  }
0xa3: {  	vm1 =	veq.s32 v3, s26;
	vm4 =	veq.s32 v3, s28;
	vm5 =	veq.s32 v0, s26;
	v27 =	vld [tilespmem:s29+$0xFFFFFF80]  }
0xa4: {  	vm6 =	veq.s32 v1, s26;
	v50 =	vsel vm0, v62, v41;
	v60 =	vmin.f32 v40, v62  }
0xa5: {  	v40 =	vmax.f32 v40, v62;
	vm0 =	veq.s32 v2, s26;
	v61 =	vmin.f32 v18, v63  }
0xa6: {  	v43 =	vld [tilespmem:s29+$0x20];
	v51 =	vmax.f32 v18, v63;
	v62 =	vsel vm4, v63, v8;
	v18 =	vmin.f32 v25, v60  }
0xa7: {  	v14 =	vld [tilespmem:s29+$0x0];
	v52 =	vmin.f32 v35, v61;
	v25 =	vmax.f32 v25, v60;
	v54 =	vmin.f32 v51, v49  }
0xa8: {  	v56 =	vmax.f32 v35, v61;
	v53 =	vmin.f32 v12, v10;
	v45 =	vmax.f32 v21, v27  }
0xa9: {  	v41 =	vld [tilespmem:s29+$0x10];
	v44 =	vmax.f32 v37, v18;
	v37 =	vsel vm3, v10, v23;
	v55 =	vsel vm2, v27, v39  }
0xaa: {  	v47 =	vmin.f32 v21, v27;
	v10 =	vmax.f32 v12, v10;
	v12 =	vmax.f32 v33, v52  }
0xab: {  	v63 =	vmin.f32 v56, v54;
	v21 =	vmin.f32 v31, v53;
	v31 =	vmax.f32 v31, v53  }
0xac: {  	v39 =	vmin.f32 v45, v14;
	v46 =	vmax.f32 v16, v47;
	v33 =	vmin.f32 v10, v43  }
0xad: {  	v12 =	vmax.f32 v12, v63;
	v8 =	vmax.f32 v29, v21;
	v48 =	vmin.f32 v31, v33  }
0xae: {  	v21 =	vmax.f32 v10, v43;
	v10 =	vsel vm1, v49, v62;
	v18 =	vmin.f32 v40, v41  }
0xaf: {  	v29 =	vmax.f32 v51, v49;
	v27 =	vsel vm6, v41, v50;
	v35 =	vmin.f32 v25, v18  }
0xb0: {  	s28 =	simm.s32 $0x65C0;
	s26 =	simm.s32 $0x0;
	v23 =	vmax.f32 v25, v18;
	v18 =	vmax.f32 v56, v54;
	v25 =	vsel vm5, v14, v55  }
.LBB2_8:
0xb1: {  	v49 =	vld [tilespmem:s28+$0xFFFFFF90];
	v16 =	vmin.f32 v16, v47;
	v31 =	vmax.f32 v31, v33;
	v8 =	vmax.f32 v8, v48;
	s0 =	smov.u32 s26;
	s26 =	sadd.s32 $0x2, s26  }
0xb2: {  	v33 =	vmax.f32 v45, v14;
	v14 =	vmin.f32 v46, v39;
	v35 =	vmax.f32 v44, v35;
	v50 =	vld [tilespmem:s28+$0x30];
	p0 =	slt.u32 s26, $0xC6  }
0xb3: {  	v11 =	vmax.f32 v11, v16;
	v16 =	vmax.f32 v46, v39;
	v39 =	vmax.f32 v40, v41;
	v48 =	vld [tilespmem:s28+$0xFFFFFFB0]  }
0xb4: {  	v37 =	vsel vm0, v43, v37;
	s1 =	sadd.s32 $0xCA, s0;
	v11 =	vmax.f32 v11, v14;
	v51 =	vld [tilespmem:s28+$0xFFFFFFA0]  }
0xb5: {  	s0 =	sadd.s32 $0xCB, s0;
	vm4 =	veq.s32 v0, s1;
	vm0 =	veq.s32 v1, s1;
	vm5 =	veq.s32 v2, s1;
	v46 =	vld [tilespmem:s28+$0xFFFFFF80]  }
0xb6: {  	vm1 =	veq.s32 v3, s0;
	v27 =	vsel vm0, v49, v27;
	v44 =	vmin.f32 v39, v49;
	v43 =	vld [tilespmem:s28+$0x20]  }
0xb7: {  	vm2 =	veq.s32 v3, s1;
	v40 =	vmax.f32 v39, v49;
	vm0 =	veq.s32 v2, s0;
	v41 =	vld [tilespmem:s28+$0x10]  }
0xb8: {  	vm3 =	veq.s32 v0, s0;
	v39 =	vmin.f32 v29, v48;
	v29 =	vmax.f32 v29, v48  }
0xb9: {  	vm6 =	veq.s32 v1, s0;
	v47 =	vmin.f32 v23, v44;
	v49 =	vmin.f32 v18, v39;
	v14 =	vld [tilespmem:s28+$0x0]  }
0xba: {  	v23 =	vmax.f32 v23, v44;
	v52 =	vmin.f32 v21, v51;
	v53 =	vmin.f32 v29, v50  }
0xbb: {  	v44 =	vmax.f32 v35, v47;
	v37 =	vsel vm5, v51, v37;
	v45 =	vmax.f32 v33, v46  }
0xbc: {  	v25 =	vsel vm4, v46, v25;
	v47 =	vmin.f32 v33, v46;
	v33 =	vmin.f32 v40, v41  }
0xbd: {  	v55 =	vmax.f32 v18, v39;
	v54 =	vmin.f32 v31, v52;
	v35 =	vmin.f32 v23, v33  }
0xbe: {  	v31 =	vmax.f32 v31, v52;
	v23 =	vmax.f32 v23, v33;
	v39 =	vmin.f32 v45, v14  }
.Ltmp3:
0xbf: {  	v21 =	vmax.f32 v21, v51;
	v12 =	vmax.f32 v12, v49;
	v46 =	vmax.f32 v16, v47;
	(pc) =	sbr.rel @p0 .LBB2_8-.Ltmp3, $4  }
0xc0: {  	v18 =	vmax.f32 v55, v53;
	v27 =	vsel vm6, v41, v27;
	v33 =	vmin.f32 v21, v43  }
0xc1: {  	v10 =	vsel vm2, v48, v10;
	v49 =	vmin.f32 v55, v53;
	v25 =	vsel vm3, v14, v25  }
0xc2: {  	v8 =	vmax.f32 v8, v54;
	v12 =	vmax.f32 v12, v49;
	v48 =	vmin.f32 v31, v33  }
0xc3: {  	v10 =	vsel vm1, v50, v10;
	v29 =	vmax.f32 v29, v50;
	s28 =	sadd.s32 $0x100, s28;
	v21 =	vmax.f32 v21, v43  }
0xc4: {  	_ =	swait.ge [sflag:s21], $0x6400  }
0xc5: {  	[sflag:s21] =	ssyncset.done $0x0  }
0xc6: {  	s0 =	simm.s32 $0xC880;
	[sflag:s21] =	ssyncadd.s32 $0xFFFF9C00  }
0xc7: {  	v47 =	vmin.f32 v16, v47;
	v16 =	vmax.f32 v31, v33;
	v49 =	vld [tilespmem:s0+$0xFFFFFF90]  }
0xc8: {  	v31 =	vmax.f32 v8, v48;
	v8 =	vmin.f32 v46, v39;
	v11 =	vmax.f32 v11, v47;
	v63 =	vld [tilespmem:s0+$0xFFFFFFB0]  }
0xc9: {  	v33 =	vmax.f32 v45, v14;
	v35 =	vmax.f32 v44, v35;
	v8 =	vmax.f32 v11, v8;
	v11 =	vld [tilespmem:s0+$0xFFFFFFA0]  }
0xca: {  	v14 =	vmax.f32 v46, v39;
	v39 =	vmax.f32 v40, v41;
	v37 =	vsel vm0, v43, v37;
	s28 =	simm.s32 $0x190;
	v57 =	vld [tilespmem:s0+$0xFFFFFF80]  }
0xcb: {  	s26 =	simm.s32 $0x191;
	vm2 =	veq.s32 v4, s28;
	vm0 =	veq.s32 v5, s28;
	vm3 =	veq.s32 v6, s28  }
0xcc: {  	vm1 =	veq.s32 v7, s26;
	vm4 =	veq.s32 v7, s28;
	vm5 =	veq.s32 v4, s26  }
0xcd: {  	vm6 =	veq.s32 v5, s26;
	v50 =	vld [tilespmem:s0+$0x30];
	v26 =	vsel vm0, v49, v26;
	v58 =	vmin.f32 v42, v49  }
0xce: {  	v41 =	vld [tilespmem:s0+$0x10];
	v40 =	vmax.f32 v42, v49;
	vm0 =	veq.s32 v6, s26;
	v59 =	vmin.f32 v28, v63  }
0xcf: {  	v43 =	vld [tilespmem:s0+$0x0];
	v28 =	vmax.f32 v28, v63;
	v51 =	vmin.f32 v20, v11;
	v44 =	vmax.f32 v34, v57  }
0xd0: {  	v38 =	vsel vm3, v11, v38;
	v24 =	vsel vm2, v57, v24;
	v34 =	vmin.f32 v34, v57  }
0xd1: {  	v11 =	vmax.f32 v20, v11;
	v63 =	vsel vm4, v63, v13;
	v60 =	vmin.f32 v22, v58  }
0xd2: {  	v61 =	vmin.f32 v17, v59;
	v22 =	vmax.f32 v22, v58;
	v52 =	vmin.f32 v28, v50  }
0xd3: {  	v42 =	vld [tilespmem:s0+$0x20];
	v62 =	vmin.f32 v40, v41;
	v53 =	vmin.f32 v32, v51;
	v54 =	vmax.f32 v17, v59  }
0xd4: {  	v32 =	vmax.f32 v32, v51;
	v17 =	vmin.f32 v44, v43;
	v46 =	vmax.f32 v19, v34  }
0xd5: {  	v26 =	vsel vm6, v41, v26;
	v24 =	vsel vm5, v43, v24;
	v28 =	vmax.f32 v28, v50  }
0xd6: {  	v36 =	vmax.f32 v36, v60;
	v45 =	vmin.f32 v22, v62;
	v22 =	vmax.f32 v22, v62  }
0xd7: {  	v20 =	vmax.f32 v15, v61;
	v15 =	vmax.f32 v54, v52;
	v13 =	vmin.f32 v54, v52  }
0xd8: {  	v30 =	vmax.f32 v30, v53;
	v13 =	vmax.f32 v20, v13;
	v47 =	vmin.f32 v11, v42  }
0xd9: {  	s30 =	simm.s32 $0x0;
	s31 =	simm.s32 $0xC980;
	v20 =	vmax.f32 v11, v42;
	v11 =	vsel vm1, v50, v63;
	v48 =	vmin.f32 v32, v47  }
.LBB2_10:
0xda: {  	v49 =	vld [tilespmem:s31+$0xFFFFFF90];
	v19 =	vmin.f32 v19, v34;
	v32 =	vmax.f32 v32, v47;
	v30 =	vmax.f32 v30, v48;
	s29 =	simm.s32 $0xC8C0;
	s0 =	smov.u32 s30;
	s30 =	sadd.s32 $0x2, s30  }
0xdb: {  	v34 =	vmax.f32 v44, v43;
	v43 =	vmin.f32 v46, v17;
	v36 =	vmax.f32 v36, v45;
	v50 =	vld [tilespmem:s31+$0x30];
	p0 =	slt.u32 s30, $0xC6  }
0xdc: {  	v9 =	vmax.f32 v9, v19;
	v19 =	vmax.f32 v46, v17;
	v17 =	vmax.f32 v40, v41;
	v48 =	vld [tilespmem:s31+$0xFFFFFFB0]  }
0xdd: {  	v38 =	vsel vm0, v42, v38;
	s1 =	sadd.s32 $0x192, s0;
	v9 =	vmax.f32 v9, v43;
	v47 =	vld [tilespmem:s31+$0xFFFFFFA0]  }
0xde: {  	s0 =	sadd.s32 $0x193, s0;
	vm4 =	veq.s32 v4, s1;
	vm0 =	veq.s32 v5, s1;
	vm5 =	veq.s32 v6, s1;
	v45 =	vld [tilespmem:s31+$0xFFFFFF80]  }
0xdf: {  	vm1 =	veq.s32 v7, s0;
	v26 =	vsel vm0, v49, v26;
	v44 =	vmin.f32 v17, v49;
	v42 =	vld [tilespmem:s31+$0x20]  }
0xe0: {  	vm2 =	veq.s32 v7, s1;
	v40 =	vmax.f32 v17, v49;
	vm0 =	veq.s32 v6, s0;
	v41 =	vld [tilespmem:s31+$0x10]  }
0xe1: {  	vm3 =	veq.s32 v4, s0;
	v17 =	vmin.f32 v28, v48;
	v28 =	vmax.f32 v28, v48  }
0xe2: {  	vm6 =	veq.s32 v5, s0;
	v46 =	vmin.f32 v22, v44;
	v49 =	vmin.f32 v15, v17;
	v43 =	vld [tilespmem:s31+$0x0]  }
0xe3: {  	v22 =	vmax.f32 v22, v44;
	v51 =	vmin.f32 v20, v47;
	v52 =	vmin.f32 v28, v50  }
0xe4: {  	v36 =	vmax.f32 v36, v46;
	v38 =	vsel vm5, v47, v38;
	v44 =	vmax.f32 v34, v45  }
0xe5: {  	v24 =	vsel vm4, v45, v24;
	v34 =	vmin.f32 v34, v45;
	v46 =	vmin.f32 v40, v41  }
0xe6: {  	v54 =	vmax.f32 v15, v17;
	v53 =	vmin.f32 v32, v51;
	v45 =	vmin.f32 v22, v46  }
0xe7: {  	v32 =	vmax.f32 v32, v51;
	v22 =	vmax.f32 v22, v46;
	v17 =	vmin.f32 v44, v43  }
.Ltmp4:
0xe8: {  	v20 =	vmax.f32 v20, v47;
	v13 =	vmax.f32 v13, v49;
	v46 =	vmax.f32 v19, v34;
	(pc) =	sbr.rel @p0 .LBB2_10-.Ltmp4, $4  }
0xe9: {  	v15 =	vmax.f32 v54, v52;
	v47 =	vmin.f32 v20, v42;
	v26 =	vsel vm6, v41, v26  }
0xea: {  	v11 =	vsel vm2, v48, v11;
	v49 =	vmin.f32 v54, v52;
	v24 =	vsel vm3, v43, v24  }
0xeb: {  	v30 =	vmax.f32 v30, v53;
	v13 =	vmax.f32 v13, v49;
	v48 =	vmin.f32 v32, v47  }
0xec: {  	v11 =	vsel vm1, v50, v11;
	v28 =	vmax.f32 v28, v50;
	s31 =	sadd.s32 $0x100, s31;
	v20 =	vmax.f32 v20, v42  }
0xed: {  	v49 =	vmin.f32 v19, v34;
	v32 =	vmax.f32 v32, v47  }
0xee: {  	v57 =	vld [tilespmem:s29+$0xFFFFFF90];
	v19 =	vmax.f32 v30, v48;
	v34 =	vmax.f32 v44, v43;
	v30 =	vmin.f32 v46, v17  }
0xef: {  	v36 =	vmax.f32 v36, v45;
	v17 =	vmax.f32 v46, v17;
	v58 =	vld [tilespmem:s29+$0xFFFFFFB0];
	v40 =	vmax.f32 v40, v41  }
0xf0: {  	v38 =	vsel vm0, v42, v38;
	v51 =	vld [tilespmem:s29+$0xFFFFFFA0];
	vm2 =	veq.s32 v0, s28;
	vm0 =	veq.s32 v1, s28  }
0xf1: {  	vm3 =	veq.s32 v2, s28;
	vm1 =	veq.s32 v3, s26;
	vm4 =	veq.s32 v3, s28  }
0xf2: {  	v50 =	vld [tilespmem:s29+$0x30];
	vm5 =	veq.s32 v0, s26;
	vm6 =	veq.s32 v1, s26;
	v9 =	vmax.f32 v9, v49  }
0xf3: {  	v41 =	vld [tilespmem:s29+$0x10];
	v9 =	vmax.f32 v9, v30;
	v27 =	vsel vm0, v57, v27;
	v59 =	vmin.f32 v39, v57  }
0xf4: {  	v42 =	vld [tilespmem:s29+$0x20];
	v39 =	vmax.f32 v39, v57;
	vm0 =	veq.s32 v2, s26;
	v60 =	vmin.f32 v29, v58  }
0xf5: {  	v30 =	vld [tilespmem:s29+$0xFFFFFF80];
	v29 =	vmax.f32 v29, v58;
	v62 =	vmin.f32 v21, v51;
	v43 =	vsel vm3, v51, v37  }
0xf6: {  	v51 =	vmax.f32 v21, v51;
	v10 =	vsel vm4, v58, v10;
	v61 =	vmin.f32 v23, v59  }
0xf7: {  	v52 =	vmin.f32 v18, v60;
	v23 =	vmax.f32 v23, v59;
	v53 =	vmin.f32 v29, v50  }
0xf8: {  	v63 =	vmin.f32 v39, v41;
	v54 =	vmin.f32 v16, v62;
	v18 =	vmax.f32 v18, v60  }
0xf9: {  	v44 =	vld [tilespmem:s29+$0x0];
	v27 =	vsel vm6, v41, v27;
	v21 =	vmin.f32 v51, v42;
	v10 =	vsel vm1, v50, v10  }
0xfa: {  	v29 =	vmax.f32 v29, v50;
	v46 =	vmax.f32 v33, v30;
	v45 =	vmax.f32 v35, v61  }
0xfb: {  	v25 =	vsel vm2, v30, v25;
	v30 =	vmin.f32 v33, v30;
	v37 =	vmin.f32 v23, v63  }
0xfc: {  	v33 =	vmax.f32 v16, v62;
	v23 =	vmax.f32 v23, v63;
	v12 =	vmax.f32 v12, v52  }
0xfd: {  	v16 =	vmax.f32 v18, v53;
	v18 =	vmin.f32 v18, v53;
	v31 =	vmax.f32 v31, v54  }
0xfe: {  	v47 =	vmin.f32 v46, v44;
	v48 =	vmax.f32 v14, v30;
	v25 =	vsel vm5, v44, v25  }
0xff: {  	s28 =	simm.s32 $0xC9C0;
	s26 =	simm.s32 $0x0;
	v35 =	vmin.f32 v33, v21;
	v12 =	vmax.f32 v12, v18;
	v18 =	vmax.f32 v51, v42  }
.LBB2_12:
0x100: {  	v49 =	vld [tilespmem:s28+$0xFFFFFF90];
	v14 =	vmin.f32 v14, v30;
	v21 =	vmax.f32 v33, v21;
	v31 =	vmax.f32 v31, v35;
	s0 =	smov.u32 s26;
	s26 =	sadd.s32 $0x2, s26  }
0x101: {  	v30 =	vmax.f32 v46, v44;
	v33 =	vmin.f32 v48, v47;
	v35 =	vmax.f32 v45, v37;
	v50 =	vld [tilespmem:s28+$0x30];
	p0 =	slt.u32 s26, $0xC6  }
0x102: {  	v37 =	vmax.f32 v39, v41;
	v8 =	vmax.f32 v8, v14;
	v14 =	vmax.f32 v48, v47;
	v51 =	vld [tilespmem:s28+$0xFFFFFFB0]  }
0x103: {  	s1 =	sadd.s32 $0x192, s0;
	v8 =	vmax.f32 v8, v33;
	v33 =	vsel vm0, v42, v43;
	v52 =	vld [tilespmem:s28+$0xFFFFFFA0]  }
0x104: {  	s0 =	sadd.s32 $0x193, s0;
	vm4 =	veq.s32 v0, s1;
	vm0 =	veq.s32 v1, s1;
	vm5 =	veq.s32 v2, s1;
	v47 =	vld [tilespmem:s28+$0xFFFFFF80]  }
0x105: {  	vm1 =	veq.s32 v3, s0;
	v27 =	vsel vm0, v49, v27;
	v43 =	vmin.f32 v37, v49;
	v42 =	vld [tilespmem:s28+$0x20]  }
0x106: {  	vm2 =	veq.s32 v3, s1;
	v39 =	vmax.f32 v37, v49;
	vm0 =	veq.s32 v2, s0;
	v41 =	vld [tilespmem:s28+$0x10]  }
0x107: {  	vm3 =	veq.s32 v0, s0;
	v37 =	vmin.f32 v29, v51;
	v29 =	vmax.f32 v29, v51  }
0x108: {  	vm6 =	veq.s32 v1, s0;
	v45 =	vmin.f32 v23, v43;
	v49 =	vmin.f32 v16, v37;
	v44 =	vld [tilespmem:s28+$0x0]  }
0x109: {  	v23 =	vmax.f32 v23, v43;
	v48 =	vmin.f32 v18, v52;
	v53 =	vmin.f32 v29, v50  }
0x10a: {  	v45 =	vmax.f32 v35, v45;
	v43 =	vsel vm5, v52, v33;
	v46 =	vmax.f32 v30, v47  }
0x10b: {  	v25 =	vsel vm4, v47, v25;
	v30 =	vmin.f32 v30, v47;
	v35 =	vmin.f32 v39, v41  }
0x10c: {  	v55 =	vmax.f32 v16, v37;
	v54 =	vmin.f32 v21, v48;
	v37 =	vmin.f32 v23, v35  }
0x10d: {  	v33 =	vmax.f32 v21, v48;
	v23 =	vmax.f32 v23, v35;
	v47 =	vmin.f32 v46, v44  }
.Ltmp5:
0x10e: {  	v18 =	vmax.f32 v18, v52;
	v12 =	vmax.f32 v12, v49;
	v48 =	vmax.f32 v14, v30;
	(pc) =	sbr.rel @p0 .LBB2_12-.Ltmp5, $4  }
0x10f: {  	v16 =	vmax.f32 v55, v53;
	v21 =	vmin.f32 v18, v42;
	v27 =	vsel vm6, v41, v27  }
0x110: {  	v10 =	vsel vm2, v51, v10;
	v49 =	vmin.f32 v55, v53;
	v25 =	vsel vm3, v44, v25  }
0x111: {  	v31 =	vmax.f32 v31, v54;
	v12 =	vmax.f32 v12, v49;
	v35 =	vmin.f32 v33, v21  }
0x112: {  	v10 =	vsel vm1, v50, v10;
	v29 =	vmax.f32 v29, v50;
	s28 =	sadd.s32 $0x100, s28;
	v18 =	vmax.f32 v18, v42  }
0x113: {  	_ =	swait.ge [sflag:s22], $0x6400  }
0x114: {  	[sflag:s22] =	ssyncset.done $0x0  }
0x115: {  	s0 =	simm.s32 $0x12C80;
	[sflag:s22] =	ssyncadd.s32 $0xFFFF9C00  }
0x116: {  	v14 =	vmin.f32 v14, v30;
	v33 =	vmax.f32 v33, v21;
	v21 =	vld [tilespmem:s0+$0xFFFFFF90]  }
0x117: {  	v30 =	vmax.f32 v31, v35;
	v35 =	vmax.f32 v46, v44;
	v31 =	vmin.f32 v48, v47;
	v61 =	vld [tilespmem:s0+$0xFFFFFFB0]  }
0x118: {  	v37 =	vmax.f32 v45, v37;
	v41 =	vmax.f32 v39, v41;
	v8 =	vmax.f32 v8, v14;
	v50 =	vld [tilespmem:s0+$0xFFFFFFA0]  }
0x119: {  	v39 =	vsel vm0, v42, v43;
	s28 =	simm.s32 $0x258;
	v14 =	vmax.f32 v48, v47;
	v8 =	vmax.f32 v8, v31;
	v31 =	vld [tilespmem:s0+$0xFFFFFF80]  }
0x11a: {  	s26 =	simm.s32 $0x259;
	vm2 =	veq.s32 v4, s28;
	vm0 =	veq.s32 v5, s28;
	vm3 =	veq.s32 v6, s28  }
0x11b: {  	vm1 =	veq.s32 v7, s26;
	vm4 =	veq.s32 v7, s28;
	vm5 =	veq.s32 v4, s26;
	v49 =	vld [tilespmem:s0+$0x30]  }
0x11c: {  	vm6 =	veq.s32 v5, s26;
	v42 =	vld [tilespmem:s0+$0x10];
	v26 =	vsel vm0, v21, v26;
	v62 =	vmin.f32 v40, v21  }
0x11d: {  	v40 =	vmax.f32 v40, v21;
	vm0 =	veq.s32 v6, s26;
	v21 =	vmin.f32 v28, v61  }
0x11e: {  	v51 =	vmax.f32 v28, v61;
	v63 =	vmin.f32 v20, v50;
	v46 =	vmax.f32 v34, v31  }
0x11f: {  	v44 =	vld [tilespmem:s0+$0x0];
	v54 =	vsel vm2, v31, v24;
	v11 =	vsel vm4, v61, v11;
	v28 =	vmin.f32 v22, v62  }
0x120: {  	v52 =	vmin.f32 v15, v21;
	v22 =	vmax.f32 v22, v62;
	v53 =	vmin.f32 v51, v49  }
0x121: {  	v24 =	vmin.f32 v40, v42;
	v55 =	vmin.f32 v32, v63;
	v56 =	vmax.f32 v15, v21  }
0x122: {  	v43 =	vld [tilespmem:s0+$0x20];
	v11 =	vsel vm1, v49, v11;
	v45 =	vmax.f32 v36, v28;
	v36 =	vsel vm3, v50, v38  }
0x123: {  	v28 =	vmin.f32 v34, v31;
	v34 =	vmin.f32 v22, v24;
	v31 =	vmax.f32 v32, v63  }
0x124: {  	v38 =	vmin.f32 v46, v44;
	v21 =	vmax.f32 v22, v24;
	v50 =	vmax.f32 v20, v50  }
0x125: {  	v13 =	vmax.f32 v13, v52;
	v24 =	vsel vm6, v42, v26;
	v15 =	vmax.f32 v56, v53  }
0x126: {  	v22 =	vsel vm5, v44, v54;
	v26 =	vmin.f32 v56, v53;
	v32 =	vmax.f32 v19, v55  }
0x127: {  	v47 =	vmax.f32 v17, v28;
	v20 =	vmin.f32 v50, v43;
	v13 =	vmax.f32 v13, v26  }
0x128: {  	s30 =	simm.s32 $0x0;
	s31 =	simm.s32 $0x12D80;
	v19 =	vmax.f32 v50, v43;
	v26 =	vmax.f32 v51, v49;
	v48 =	vmin.f32 v31, v20  }
.LBB2_14:
0x129: {  	v49 =	vld [tilespmem:s31+$0xFFFFFF90];
	v17 =	vmin.f32 v17, v28;
	v20 =	vmax.f32 v31, v20;
	v32 =	vmax.f32 v32, v48;
	s29 =	simm.s32 $0x12CC0;
	s0 =	smov.u32 s30;
	s30 =	sadd.s32 $0x2, s30  }
0x12a: {  	v28 =	vmax.f32 v46, v44;
	v31 =	vmin.f32 v47, v38;
	v34 =	vmax.f32 v45, v34;
	v50 =	vld [tilespmem:s31+$0x30];
	p0 =	slt.u32 s30, $0xC6  }
0x12b: {  	v9 =	vmax.f32 v9, v17;
	v17 =	vmax.f32 v47, v38;
	v38 =	vmax.f32 v40, v42;
	v48 =	vld [tilespmem:s31+$0xFFFFFFB0]  }
0x12c: {  	s1 =	sadd.s32 $0x25A, s0;
	v9 =	vmax.f32 v9, v31;
	v31 =	vsel vm0, v43, v36;
	v51 =	vld [tilespmem:s31+$0xFFFFFFA0]  }
0x12d: {  	s0 =	sadd.s32 $0x25B, s0;
	vm4 =	veq.s32 v4, s1;
	vm0 =	veq.s32 v5, s1;
	vm5 =	veq.s32 v6, s1;
	v47 =	vld [tilespmem:s31+$0xFFFFFF80]  }
0x12e: {  	vm1 =	veq.s32 v7, s0;
	v24 =	vsel vm0, v49, v24;
	v36 =	vmin.f32 v38, v49;
	v43 =	vld [tilespmem:s31+$0x20]  }
0x12f: {  	vm2 =	veq.s32 v7, s1;
	v40 =	vmax.f32 v38, v49;
	vm0 =	veq.s32 v6, s0;
	v42 =	vld [tilespmem:s31+$0x10]  }
0x130: {  	vm3 =	veq.s32 v4, s0;
	v38 =	vmin.f32 v26, v48;
	v26 =	vmax.f32 v26, v48  }
0x131: {  	vm6 =	veq.s32 v5, s0;
	v45 =	vmin.f32 v21, v36;
	v49 =	vmin.f32 v15, v38;
	v44 =	vld [tilespmem:s31+$0x0]  }
0x132: {  	v21 =	vmax.f32 v21, v36;
	v52 =	vmin.f32 v19, v51;
	v53 =	vmin.f32 v26, v50  }
0x133: {  	v45 =	vmax.f32 v34, v45;
	v36 =	vsel vm5, v51, v31;
	v46 =	vmax.f32 v28, v47  }
0x134: {  	v22 =	vsel vm4, v47, v22;
	v28 =	vmin.f32 v28, v47;
	v47 =	vmin.f32 v40, v42  }
0x135: {  	v55 =	vmax.f32 v15, v38;
	v54 =	vmin.f32 v20, v52;
	v34 =	vmin.f32 v21, v47  }
0x136: {  	v31 =	vmax.f32 v20, v52;
	v21 =	vmax.f32 v21, v47;
	v38 =	vmin.f32 v46, v44  }
.Ltmp6:
0x137: {  	v19 =	vmax.f32 v19, v51;
	v13 =	vmax.f32 v13, v49;
	v47 =	vmax.f32 v17, v28;
	(pc) =	sbr.rel @p0 .LBB2_14-.Ltmp6, $4  }
0x138: {  	v15 =	vmax.f32 v55, v53;
	v20 =	vmin.f32 v19, v43;
	v24 =	vsel vm6, v42, v24  }
0x139: {  	v11 =	vsel vm2, v48, v11;
	v49 =	vmin.f32 v55, v53;
	v22 =	vsel vm3, v44, v22  }
0x13a: {  	v32 =	vmax.f32 v32, v54;
	v13 =	vmax.f32 v13, v49;
	v48 =	vmin.f32 v31, v20  }
0x13b: {  	v11 =	vsel vm1, v50, v11;
	v26 =	vmax.f32 v26, v50;
	s31 =	sadd.s32 $0x100, s31;
	v19 =	vmax.f32 v19, v43  }
0x13c: {  	v17 =	vmin.f32 v17, v28;
	v31 =	vmax.f32 v31, v20;
	v20 =	vld [tilespmem:s29+$0xFFFFFF90]  }
0x13d: {  	v28 =	vmax.f32 v32, v48;
	v32 =	vmax.f32 v46, v44;
	v59 =	vmin.f32 v47, v38;
	v60 =	vld [tilespmem:s29+$0xFFFFFFB0]  }
0x13e: {  	v34 =	vmax.f32 v45, v34;
	v36 =	vsel vm0, v43, v36;
	v61 =	vld [tilespmem:s29+$0xFFFFFFA0];
	vm2 =	veq.s32 v0, s28  }
0x13f: {  	vm0 =	veq.s32 v1, s28;
	vm3 =	veq.s32 v2, s28;
	v62 =	vld [tilespmem:s29+$0xFFFFFF80];
	vm1 =	veq.s32 v3, s26  }
0x140: {  	vm4 =	veq.s32 v3, s28;
	vm5 =	veq.s32 v0, s26;
	vm6 =	veq.s32 v1, s26  }
0x141: {  	v9 =	vmax.f32 v9, v17;
	v17 =	vmax.f32 v47, v38;
	v38 =	vmax.f32 v40, v42  }
0x142: {  	v50 =	vld [tilespmem:s29+$0x30];
	v9 =	vmax.f32 v9, v59;
	v27 =	vsel vm0, v20, v27;
	v63 =	vmin.f32 v41, v20  }
0x143: {  	v42 =	vld [tilespmem:s29+$0x20];
	v40 =	vmax.f32 v41, v20;
	vm0 =	veq.s32 v2, s26;
	v20 =	vmin.f32 v29, v60  }
0x144: {  	v51 =	vmax.f32 v29, v60;
	v52 =	vmin.f32 v18, v61;
	v45 =	vmax.f32 v35, v62  }
0x145: {  	v43 =	vld [tilespmem:s29+$0x0];
	v54 =	vsel vm2, v62, v25;
	v18 =	vmax.f32 v18, v61;
	v10 =	vsel vm4, v60, v10  }
0x146: {  	v41 =	vld [tilespmem:s29+$0x10];
	v29 =	vmin.f32 v23, v63;
	v49 =	vmin.f32 v16, v20;
	v23 =	vmax.f32 v23, v63  }
0x147: {  	v53 =	vmin.f32 v51, v50;
	v55 =	vmin.f32 v33, v52;
	v56 =	vmax.f32 v16, v20  }
0x148: {  	v33 =	vmax.f32 v33, v52;
	v47 =	vmin.f32 v18, v42;
	v18 =	vmax.f32 v18, v42  }
0x149: {  	v10 =	vsel vm1, v50, v10;
	v44 =	vmax.f32 v37, v29;
	v37 =	vsel vm3, v61, v39  }
0x14a: {  	v29 =	vmin.f32 v35, v62;
	v39 =	vmin.f32 v45, v43;
	v12 =	vmax.f32 v12, v49  }
0x14b: {  	v16 =	vmax.f32 v56, v53;
	v48 =	vmax.f32 v30, v55;
	v25 =	vmin.f32 v40, v41  }
0x14c: {  	v49 =	vmin.f32 v33, v47;
	v46 =	vmax.f32 v14, v29;
	v35 =	vmin.f32 v23, v25  }
0x14d: {  	v20 =	vmax.f32 v23, v25;
	v25 =	vsel vm6, v41, v27;
	v27 =	vmin.f32 v56, v53  }
0x14e: {  	s28 =	simm.s32 $0x12DC0;
	s26 =	simm.s32 $0x0;
	v23 =	vsel vm5, v43, v54;
	v12 =	vmax.f32 v12, v27;
	v27 =	vmax.f32 v51, v50  }
.LBB2_16:
0x14f: {  	v30 =	vld [tilespmem:s28+$0xFFFFFF90];
	v14 =	vmin.f32 v14, v29;
	v33 =	vmax.f32 v33, v47;
	v48 =	vmax.f32 v48, v49;
	s0 =	smov.u32 s26;
	s26 =	sadd.s32 $0x2, s26  }
0x150: {  	v29 =	vmax.f32 v45, v43;
	v43 =	vmin.f32 v46, v39;
	v35 =	vmax.f32 v44, v35;
	v50 =	vld [tilespmem:s28+$0x30];
	p0 =	slt.u32 s26, $0xC6  }
0x151: {  	v8 =	vmax.f32 v8, v14;
	v14 =	vmax.f32 v46, v39;
	v39 =	vmax.f32 v40, v41;
	v49 =	vld [tilespmem:s28+$0xFFFFFFB0]  }
0x152: {  	v37 =	vsel vm0, v42, v37;
	s1 =	sadd.s32 $0x25A, s0;
	v8 =	vmax.f32 v8, v43;
	v47 =	vld [tilespmem:s28+$0xFFFFFFA0]  }
0x153: {  	s0 =	sadd.s32 $0x25B, s0;
	vm4 =	veq.s32 v0, s1;
	vm0 =	veq.s32 v1, s1;
	vm5 =	veq.s32 v2, s1;
	v46 =	vld [tilespmem:s28+$0xFFFFFF80]  }
0x154: {  	vm1 =	veq.s32 v3, s0;
	v25 =	vsel vm0, v30, v25;
	v44 =	vmin.f32 v39, v30;
	v42 =	vld [tilespmem:s28+$0x20]  }
0x155: {  	vm2 =	veq.s32 v3, s1;
	v40 =	vmax.f32 v39, v30;
	vm0 =	veq.s32 v2, s0;
	v41 =	vld [tilespmem:s28+$0x10]  }
0x156: {  	vm3 =	veq.s32 v0, s0;
	v30 =	vmin.f32 v27, v49;
	v27 =	vmax.f32 v27, v49  }
0x157: {  	vm6 =	veq.s32 v1, s0;
	v39 =	vmin.f32 v20, v44;
	v51 =	vmin.f32 v16, v30;
	v43 =	vld [tilespmem:s28+$0x0]  }
0x158: {  	v20 =	vmax.f32 v20, v44;
	v52 =	vmin.f32 v18, v47;
	v53 =	vmin.f32 v27, v50  }
0x159: {  	v44 =	vmax.f32 v35, v39;
	v37 =	vsel vm5, v47, v37;
	v45 =	vmax.f32 v29, v46  }
0x15a: {  	v23 =	vsel vm4, v46, v23;
	v29 =	vmin.f32 v29, v46;
	v46 =	vmin.f32 v40, v41  }
0x15b: {  	v30 =	vmax.f32 v16, v30;
	v54 =	vmin.f32 v33, v52;
	v35 =	vmin.f32 v20, v46  }
0x15c: {  	v33 =	vmax.f32 v33, v52;
	v20 =	vmax.f32 v20, v46;
	v39 =	vmin.f32 v45, v43  }
.Ltmp7:
0x15d: {  	v18 =	vmax.f32 v18, v47;
	v12 =	vmax.f32 v12, v51;
	v46 =	vmax.f32 v14, v29;
	(pc) =	sbr.rel @p0 .LBB2_16-.Ltmp7, $4  }
0x15e: {  	v16 =	vmax.f32 v30, v53;
	v47 =	vmin.f32 v18, v42;
	v25 =	vsel vm6, v41, v25  }
0x15f: {  	v10 =	vsel vm2, v49, v10;
	v30 =	vmin.f32 v30, v53;
	v23 =	vsel vm3, v43, v23  }
0x160: {  	v48 =	vmax.f32 v48, v54;
	v12 =	vmax.f32 v12, v30;
	v49 =	vmin.f32 v33, v47  }
0x161: {  	v10 =	vsel vm1, v50, v10;
	v27 =	vmax.f32 v27, v50;
	s28 =	sadd.s32 $0x100, s28;
	v18 =	vmax.f32 v18, v42  }
0x162: {  	_ =	swait.ge [sflag:s23], $0x6400  }
0x163: {  	[sflag:s23] =	ssyncset.done $0x0  }
0x164: {  	s0 =	simm.s32 $0x19080;
	[sflag:s23] =	ssyncadd.s32 $0xFFFF9C00  }
0x165: {  	v14 =	vmin.f32 v14, v29;
	v30 =	vmax.f32 v33, v47;
	v55 =	vld [tilespmem:s0+$0xFFFFFF90]  }
0x166: {  	v29 =	vmax.f32 v48, v49;
	v33 =	vmax.f32 v45, v43;
	v56 =	vmin.f32 v46, v39;
	v48 =	vld [tilespmem:s0+$0xFFFFFFB0]  }
0x167: {  	v35 =	vmax.f32 v44, v35;
	v37 =	vsel vm0, v42, v37;
	s28 =	simm.s32 $0x320;
	v8 =	vmax.f32 v8, v14;
	v50 =	vld [tilespmem:s0+$0xFFFFFFA0]  }
0x168: {  	s26 =	simm.s32 $0x321;
	v14 =	vmax.f32 v46, v39;
	v39 =	vmax.f32 v40, v41;
	vm2 =	veq.s32 v4, s28;
	v58 =	vld [tilespmem:s0+$0xFFFFFF80]  }
0x169: {  	vm0 =	veq.s32 v5, s28;
	vm3 =	veq.s32 v6, s28;
	vm1 =	veq.s32 v7, s26  }
0x16a: {  	vm4 =	veq.s32 v7, s28;
	vm5 =	veq.s32 v4, s26;
	vm6 =	veq.s32 v5, s26;
	v57 =	vld [tilespmem:s0+$0x30]  }
0x16b: {  	v8 =	vmax.f32 v8, v56;
	v40 =	vld [tilespmem:s0+$0x10];
	v24 =	vsel vm0, v55, v24;
	v59 =	vmin.f32 v38, v55  }
0x16c: {  	v42 =	vld [tilespmem:s0+$0x0];
	v38 =	vmax.f32 v38, v55;
	vm0 =	veq.s32 v6, s26;
	v60 =	vmin.f32 v26, v48  }
0x16d: {  	v41 =	vld [tilespmem:s0+$0x20];
	v26 =	vmax.f32 v26, v48;
	v51 =	vmin.f32 v19, v50;
	v44 =	vmax.f32 v32, v58  }
0x16e: {  	v53 =	vsel vm2, v58, v22;
	v45 =	vmin.f32 v32, v58;
	v19 =	vmax.f32 v19, v50  }
0x16f: {  	v11 =	vsel vm4, v48, v11;
	v61 =	vmin.f32 v21, v59;
	v62 =	vmin.f32 v15, v60  }
0x170: {  	v21 =	vmax.f32 v21, v59;
	v52 =	vmin.f32 v26, v57;
	v22 =	vmin.f32 v38, v40  }
0x171: {  	v54 =	vmin.f32 v31, v51;
	v55 =	vmax.f32 v15, v60;
	v46 =	vmax.f32 v31, v51  }
0x172: {  	v31 =	vmin.f32 v44, v42;
	v47 =	vmin.f32 v19, v41;
	v15 =	vsel vm5, v42, v53  }
0x173: {  	v19 =	vmax.f32 v19, v41;
	v11 =	vsel vm1, v57, v11;
	v26 =	vmax.f32 v26, v57  }
0x174: {  	v43 =	vmax.f32 v34, v61;
	v34 =	vsel vm3, v50, v36;
	v32 =	vmin.f32 v21, v22  }
0x175: {  	v21 =	vmax.f32 v21, v22;
	v36 =	vmax.f32 v17, v45;
	v63 =	vmax.f32 v13, v62  }
0x176: {  	v22 =	vsel vm6, v40, v24;
	v13 =	vmax.f32 v55, v52;
	v24 =	vmin.f32 v55, v52  }
0x177: {  	s30 =	simm.s32 $0x0;
	s31 =	simm.s32 $0x19180;
	v28 =	vmax.f32 v28, v54;
	v48 =	vmin.f32 v46, v47;
	v24 =	vmax.f32 v63, v24  }
.LBB2_18:
0x178: {  	v49 =	vld [tilespmem:s31+$0xFFFFFF90];
	v17 =	vmin.f32 v17, v45;
	v46 =	vmax.f32 v46, v47;
	v28 =	vmax.f32 v28, v48;
	s29 =	simm.s32 $0x190C0;
	s0 =	smov.u32 s30;
	s30 =	sadd.s32 $0x2, s30  }
0x179: {  	v45 =	vmax.f32 v44, v42;
	v42 =	vmin.f32 v36, v31;
	v32 =	vmax.f32 v43, v32;
	v50 =	vld [tilespmem:s31+$0x30];
	p0 =	slt.u32 s30, $0xC6  }
0x17a: {  	v9 =	vmax.f32 v9, v17;
	v17 =	vmax.f32 v36, v31;
	v31 =	vmax.f32 v38, v40;
	v48 =	vld [tilespmem:s31+$0xFFFFFFB0]  }
0x17b: {  	v34 =	vsel vm0, v41, v34;
	s1 =	sadd.s32 $0x322, s0;
	v9 =	vmax.f32 v9, v42;
	v47 =	vld [tilespmem:s31+$0xFFFFFFA0]  }
0x17c: {  	s0 =	sadd.s32 $0x323, s0;
	vm4 =	veq.s32 v4, s1;
	vm0 =	veq.s32 v5, s1;
	vm5 =	veq.s32 v6, s1;
	v36 =	vld [tilespmem:s31+$0xFFFFFF80]  }
0x17d: {  	vm1 =	veq.s32 v7, s0;
	v22 =	vsel vm0, v49, v22;
	v43 =	vmin.f32 v31, v49;
	v41 =	vld [tilespmem:s31+$0x20]  }
0x17e: {  	vm2 =	veq.s32 v7, s1;
	v38 =	vmax.f32 v31, v49;
	vm0 =	veq.s32 v6, s0;
	v40 =	vld [tilespmem:s31+$0x10]  }
0x17f: {  	vm3 =	veq.s32 v4, s0;
	v31 =	vmin.f32 v26, v48;
	v26 =	vmax.f32 v26, v48  }
0x180: {  	vm6 =	veq.s32 v5, s0;
	v49 =	vmin.f32 v21, v43;
	v51 =	vmin.f32 v13, v31;
	v42 =	vld [tilespmem:s31+$0x0]  }
0x181: {  	v21 =	vmax.f32 v21, v43;
	v52 =	vmin.f32 v19, v47;
	v53 =	vmin.f32 v26, v50  }
0x182: {  	v43 =	vmax.f32 v32, v49;
	v34 =	vsel vm5, v47, v34;
	v44 =	vmax.f32 v45, v36  }
0x183: {  	v15 =	vsel vm4, v36, v15;
	v45 =	vmin.f32 v45, v36;
	v36 =	vmin.f32 v38, v40  }
0x184: {  	v54 =	vmax.f32 v13, v31;
	v49 =	vmin.f32 v46, v52;
	v32 =	vmin.f32 v21, v36  }
0x185: {  	v46 =	vmax.f32 v46, v52;
	v21 =	vmax.f32 v21, v36;
	v31 =	vmin.f32 v44, v42  }
.Ltmp8:
0x186: {  	v19 =	vmax.f32 v19, v47;
	v24 =	vmax.f32 v24, v51;
	v36 =	vmax.f32 v17, v45;
	(pc) =	sbr.rel @p0 .LBB2_18-.Ltmp8, $4  }
0x187: {  	v13 =	vmax.f32 v54, v53;
	v47 =	vmin.f32 v19, v41;
	v22 =	vsel vm6, v40, v22  }
0x188: {  	v11 =	vsel vm2, v48, v11;
	v51 =	vmin.f32 v54, v53;
	v15 =	vsel vm3, v42, v15  }
0x189: {  	v28 =	vmax.f32 v28, v49;
	v24 =	vmax.f32 v24, v51;
	v48 =	vmin.f32 v46, v47  }
0x18a: {  	v11 =	vsel vm1, v50, v11;
	v26 =	vmax.f32 v26, v50;
	s31 =	sadd.s32 $0x100, s31;
	v19 =	vmax.f32 v19, v41  }
0x18b: {  	v5 =	vmin.f32 v17, v45;
	v4 =	vmax.f32 v46, v47  }
0x18c: {  	v60 =	vld [tilespmem:s29+$0xFFFFFF90];
	v17 =	vmax.f32 v28, v48;
	v6 =	vmax.f32 v44, v42;
	v61 =	vmin.f32 v36, v31  }
0x18d: {  	v28 =	vmax.f32 v43, v32;
	v7 =	vmax.f32 v36, v31;
	v43 =	vld [tilespmem:s29+$0xFFFFFFB0];
	vm2 =	veq.s32 v0, s28  }
0x18e: {  	vm3 =	veq.s32 v2, s28;
	v62 =	vld [tilespmem:s29+$0xFFFFFF80];
	vm1 =	veq.s32 v3, s26;
	vm4 =	veq.s32 v3, s28  }
0x18f: {  	v46 =	vld [tilespmem:s29+$0x30];
	vm5 =	veq.s32 v0, s26;
	vm6 =	veq.s32 v1, s26;
	v5 =	vmax.f32 v9, v5  }
0x190: {  	v32 =	vld [tilespmem:s29+$0x10];
	v31 =	vmax.f32 v5, v61;
	v5 =	vsel vm0, v41, v34;
	vm0 =	veq.s32 v1, s28  }
0x191: {  	v36 =	vld [tilespmem:s29+$0x0];
	v9 =	vmax.f32 v38, v40;
	v63 =	vsel vm0, v60, v25;
	v56 =	vmin.f32 v39, v60  }
0x192: {  	v25 =	vmax.f32 v39, v60;
	vm0 =	veq.s32 v2, s26;
	v57 =	vmin.f32 v27, v43  }
0x193: {  	v41 =	vld [tilespmem:s29+$0xFFFFFFA0];
	v58 =	vmax.f32 v27, v43;
	v39 =	vmax.f32 v33, v62;
	v23 =	vsel vm2, v62, v23  }
0x194: {  	v42 =	vmin.f32 v33, v62;
	v10 =	vsel vm4, v43, v10;
	v27 =	vmin.f32 v20, v56  }
0x195: {  	v59 =	vmin.f32 v16, v57;
	v60 =	vmax.f32 v20, v56;
	v50 =	vmin.f32 v58, v46  }
0x196: {  	v61 =	vmin.f32 v25, v32;
	v52 =	vmax.f32 v16, v57;
	v34 =	vmin.f32 v39, v36  }
0x197: {  	v20 =	vld [tilespmem:s29+$0x20];
	v23 =	vsel vm5, v36, v23;
	v10 =	vsel vm1, v46, v10;
	v33 =	vmax.f32 v58, v46  }
0x198: {  	v49 =	vmin.f32 v18, v41;
	v38 =	vmax.f32 v35, v27;
	v27 =	vsel vm3, v41, v37  }
0x199: {  	v40 =	vmin.f32 v60, v61;
	v16 =	vmax.f32 v60, v61;
	v35 =	vmax.f32 v14, v42  }
0x19a: {  	v18 =	vmax.f32 v18, v41;
	v62 =	vmax.f32 v12, v59;
	v12 =	vmax.f32 v52, v50  }
0x19b: {  	v51 =	vmin.f32 v30, v49;
	v37 =	vmax.f32 v30, v49;
	v30 =	vsel vm6, v32, v63  }
0x19c: {  	v63 =	vmin.f32 v52, v50;
	v43 =	vmax.f32 v29, v51;
	v41 =	vmin.f32 v18, v20  }
0x19d: {  	s28 =	simm.s32 $0x191C0;
	s26 =	simm.s32 $0x0;
	v29 =	vmax.f32 v62, v63;
	v18 =	vmax.f32 v18, v20;
	v44 =	vmin.f32 v37, v41  }
.LBB2_20:
0x19e: {  	v45 =	vld [tilespmem:s28+$0xFFFFFF90];
	v14 =	vmin.f32 v14, v42;
	v37 =	vmax.f32 v37, v41;
	v43 =	vmax.f32 v43, v44;
	s0 =	smov.u32 s26;
	s26 =	sadd.s32 $0x2, s26  }
0x19f: {  	v41 =	vmax.f32 v39, v36;
	v36 =	vmin.f32 v35, v34;
	v38 =	vmax.f32 v38, v40;
	v46 =	vld [tilespmem:s28+$0x30];
	p0 =	slt.u32 s26, $0xC6  }
0x1a0: {  	v25 =	vmax.f32 v25, v32;
	v8 =	vmax.f32 v8, v14;
	v14 =	vmax.f32 v35, v34;
	v44 =	vld [tilespmem:s28+$0xFFFFFFB0]  }
0x1a1: {  	v27 =	vsel vm0, v20, v27;
	s1 =	sadd.s32 $0x322, s0;
	v8 =	vmax.f32 v8, v36;
	v47 =	vld [tilespmem:s28+$0xFFFFFFA0]  }
0x1a2: {  	s0 =	sadd.s32 $0x323, s0;
	vm4 =	veq.s32 v0, s1;
	vm0 =	veq.s32 v1, s1;
	vm5 =	veq.s32 v2, s1;
	v34 =	vld [tilespmem:s28+$0xFFFFFF80]  }
0x1a3: {  	vm1 =	veq.s32 v3, s0;
	v30 =	vsel vm0, v45, v30;
	v35 =	vmin.f32 v25, v45;
	v20 =	vld [tilespmem:s28+$0x20]  }
0x1a4: {  	vm2 =	veq.s32 v3, s1;
	v25 =	vmax.f32 v25, v45;
	vm0 =	veq.s32 v2, s0;
	v32 =	vld [tilespmem:s28+$0x10]  }
0x1a5: {  	vm3 =	veq.s32 v0, s0;
	v40 =	vmin.f32 v33, v44;
	v33 =	vmax.f32 v33, v44  }
0x1a6: {  	vm6 =	veq.s32 v1, s0;
	v42 =	vmin.f32 v16, v35;
	v45 =	vmin.f32 v12, v40;
	v36 =	vld [tilespmem:s28+$0x0]  }
0x1a7: {  	v16 =	vmax.f32 v16, v35;
	v35 =	vmin.f32 v18, v47;
	v48 =	vmin.f32 v33, v46  }
0x1a8: {  	v38 =	vmax.f32 v38, v42;
	v27 =	vsel vm5, v47, v27;
	v39 =	vmax.f32 v41, v34  }
0x1a9: {  	v23 =	vsel vm4, v34, v23;
	v42 =	vmin.f32 v41, v34;
	v41 =	vmin.f32 v25, v32  }
0x1aa: {  	v50 =	vmax.f32 v12, v40;
	v49 =	vmin.f32 v37, v35;
	v40 =	vmin.f32 v16, v41  }
0x1ab: {  	v37 =	vmax.f32 v37, v35;
	v16 =	vmax.f32 v16, v41;
	v34 =	vmin.f32 v39, v36  }
.Ltmp9:
0x1ac: {  	v18 =	vmax.f32 v18, v47;
	v29 =	vmax.f32 v29, v45;
	v35 =	vmax.f32 v14, v42;
	(pc) =	sbr.rel @p0 .LBB2_20-.Ltmp9, $4  }
0x1ad: {  	v12 =	vmax.f32 v50, v48;
	v30 =	vsel vm6, v32, v30;
	v41 =	vmin.f32 v18, v20  }
0x1ae: {  	v10 =	vsel vm2, v44, v10;
	v45 =	vmin.f32 v50, v48;
	v23 =	vsel vm3, v36, v23  }
0x1af: {  	v43 =	vmax.f32 v43, v49;
	v29 =	vmax.f32 v29, v45;
	v44 =	vmin.f32 v37, v41  }
0x1b0: {  	v10 =	vsel vm1, v46, v10;
	v33 =	vmax.f32 v33, v46;
	s28 =	sadd.s32 $0x100, s28;
	v18 =	vmax.f32 v18, v20  }
0x1b1: {  	v0 =	vsub.f32 v6, v31  }
0x1b2: {  	v1 =	vmin.f32 v14, v42;
	v2 =	vmax.f32 v43, v44;
	v3 =	vsub.f32 v9, v28  }
0x1b3: {  	v63 =	vmax.f32 v39, v36;
	v28 =	vsub.f32 v19, v17;
	(erf) = vrcp.f32 v0  }
0x1b4: {  	v31 =	vmin.f32 v35, v34;
	v36 =	vsub.f32 v26, v24;
	v38 =	vmax.f32 v38, v40  }
0x1b5: {  	v39 =	vmax.f32 v25, v32;
	vm1 =	veq.f32 v15, v6;
	v1 =	vmax.f32 v8, v1  }
0x1b6: {  	vm2 =	veq.f32 v22, v9;
	v1 =	vmax.f32 v1, v31;
	(erf) = vrcp.f32 v3  }
0x1b7: {  	vm10 =	veq.f32 v5, v19;
	v1 =	vsub.f32 v63, v1;
	(erf) = vrcp.f32 v28  }
0x1b8: {  	vm11 =	veq.f32 v11, v26;
	v43 =	vsub.f32 v39, v38;
	(erf) = vrcp.f32 v36  }
0x1b9: {  	v45 =	vsub.f32 v33, v29;
	v44 =	vsub.f32 v18, v2;
	(erf) = vrcp.f32 v1  }
0x1ba: {  	v47 =	vmax.f32 v37, v41;
	v50 =	vmax.f32 v35, v34;
	(erf) = vrcp.f32 v43  }
0x1bb: {  	v52 =	vsel vm0, v20, v27;
	vm15 =	veq.f32 v10, v33;
	(erf) = vrcp.f32 v44  }
0x1bc: {  	v40 =	vsel vm1, v7, v6;
	v42 =	vsel vm2, v21, v9;
	v48 =	vpop (erf);
	(erf) = vrcp.f32 v45  }
0x1bd: {  	v4 =	vsel vm10, v4, v19;
	v46 =	vsel vm11, v13, v26;
	v3 =	vsub.f32 v40, v15  }
0x1be: {  	vm12 =	veq.f32 v23, v63;
	vm13 =	veq.f32 v30, v39;
	v6 =	vsub.f32 v42, v22  }
0x1bf: {  	vm14 =	veq.f32 v52, v18;
	v4 =	vsub.f32 v4, v5;
	v49 =	vpop (erf);
	v3 =	vmul.f32 v3, v48  }
0x1c0: {  	v7 =	vsub.f32 v46, v11;
	v55 =	vsel vm12, v50, v63;
	v51 =	vpop (erf);
	v2 =	vmul.f32 v6, v49  }
0x1c1: {  	v0 =	vsel vm13, v16, v39;
	v56 =	vsub.f32 v55, v23;
	v53 =	vpop (erf);
	v4 =	vmul.f32 v4, v51;
	[tilespmem:$0x1F480] =	vst v3  }
0x1c2: {  	v0 =	vsub.f32 v0, v30;
	v1 =	vsel vm14, v47, v18;
	v54 =	vmul.f32 v7, v53;
	v57 =	vpop (erf);
	[tilespmem:$0x1F490] =	vst v2  }
0x1c3: {  	v59 =	vsel vm15, v12, v33;
	v1 =	vsub.f32 v1, v52;
	v58 =	vpop (erf);
	[tilespmem:$0x1F4A0] =	vst v4;
	v3 =	vmul.f32 v56, v57  }
0x1c4: {  	v61 =	vsub.f32 v59, v10;
	v60 =	vpop (erf);
	[tilespmem:$0x1F4B0] =	vst v54;
	v0 =	vmul.f32 v0, v58  }
0x1c5: {  	[tilespmem:$0x1F4C0] =	vst v3;
	v1 =	vmul.f32 v1, v60;
	v62 =	vpop (erf)  }
0x1c6: {  	s25 =	sadd.s32 $0x1, s25;
	[tilespmem:$0x1F4D0] =	vst v0;
	v63 =	vmul.f32 v61, v62  }
0x1c7: {  	p0 =	sne.s32 s25, s10;
	[tilespmem:$0x1F4E0] =	vst v1  }
.Ltmp10:
0x1c8: {  	[tilespmem:$0x1F4F0] =	vst v63;
	(pc) =	sbr.rel @p0 .LBB2_1-.Ltmp10, $4  }
0x1c9: {  	[hbm4b:s9+s2] =	stream.linear.scatter [tilespmem:s24], [sflag:$0x6], $0x80, $0x38;
	[tilespmem:$0x1F500] =	vst v63  }
0x1ca: {  	_ =	swait.ge [sflag:s18], $0x80  }
0x1cb: {  	[sflag:s18] =	ssyncset.done $0x0  }
0x1cc: {  	[sflag:s18] =	ssyncadd.s32 $0xFFFFFF80  }
0x1cd: {  	_ =	sfence.sel $0x180000  }
0x1ce: {  	[bflag:$0x0] =	sbarrier.arrive $0xFFFF  }
0x1cf: {  	_ =	strace $0x90000047  }
0x1d0: {  	s0 =	stileid.u32;
	[bflag:$0x2] =	sbarrier.arrive $0xFFFF  }
0x1d1: {  	p0 =	sne.s32 s0, $0x0;
	s0 =	rddreg [dreg:$0x3]  }
0x1d2: {  	s0 =	sadd.s32 @!p0 $0x100000, s0  }
0x1d3: {  	[sflag:s0] =	ssyncadd.tile.s32 @!p0 $0x1;
	_ =	shalt  }
.Lfunc_end2:
_tile_overlayer_lowered:
.L_overlay_start_2:
0x1d4: {  	(tag) =	ssettag $0x2  }
0x1d5: {  	s0 =	rddreg [dreg:$0x0];
	s2 =	stileid.u32  }
0x1d6: {  	s1 =	rddreg [dreg:$0x1];
	p0 =	sne.s32 s2, $0x0  }
0x1d7: {  	s3 =	rddreg [dreg:$0x2];
	[bflag:$0x3] =	sbarrier.arrive $0xFFFF;
	s2 =	simm.s32 @!p0 $0x1C06  }
0x1d8: {  	[timem:s3], [sflag:s2] =	dma.local @!p0 [hbm:s0], s1  }
0x1d9: {  	s0 =	simm.s32 @!p0 $0x6  }
0x1da: {  	_ =	swait.ge @!p0 [sflag:s0], s1  }
0x1db: {  	s1 =	ssub.s32 @!p0 $0x0, s1;
	[sflag:s0] =	ssyncset.done @!p0 $0x0  }
0x1dc: {  	[sflag:s0] =	ssyncadd.s32 @!p0 s1  }
0x1dd: {  	[bflag:$0x3] =	sbarrier.arrive $0xFFFF  }
0x1de: {  	_ =	shalt  }

</sc_bundles>
